<compile_context>
chip_gen: v7x
topology: tpu7x:2x2x1
jax: 0.10.2.dev20260603
libtpu: 0.0.44.dev20260713+nightly
codegen_flags: <defaults>
</compile_context>

<pallas_src>
import functools

import jax
import jax.numpy as jnp
from jax import lax
from jax.experimental import pallas as pl
from jax.experimental.pallas import tpu as pltpu
from jax.experimental.pallas import tpu_sc as plsc

N = 10000
NP = 10400
E = 160000
EP = 163840
IN_DIM = 256
HID_DIM = 512
CW = 64
NC1 = IN_DIM // CW
NC2 = HID_DIM // CW
NC, NS = 2, 16
BATCH = 128
NBATCH = EP // (NS * BATCH)
ROWS_PT = 648
BN = 400
NBLK = N // BN
NPBLK = NP // BN


def _zero_vmem_2d(ref, nrows, ncols, value=0.0):
    v16 = jnp.full((16,), value, jnp.float32)
    @pl.loop(0, nrows)
    def _(r):
        for i in range(ncols // 16):
            ref[r, pl.ds(i * 16, 16)] = v16


def _idx_shift(sidx, delta):
    @pl.loop(0, NBATCH)
    def _(b):
        for i in range(BATCH // 16):
            sidx[b, pl.ds(i * 16, 16)] = sidx[b, pl.ds(i * 16, 16)] + delta


def _tile_slab_copy(src_at, dst_at, s):
    off = s * ROWS_PT
    for j in range(5):
        pltpu.sync_copy(src_at(off + j * 128, 128), dst_at(off + j * 128, 128))
    pltpu.sync_copy(src_at(off + 640, 8), dst_at(off + 640, 8))
    @pl.when(s == NS - 1)
    def _():
        pltpu.sync_copy(src_at(NP - 32, 32), dst_at(NP - 32, 32))


def _agg_pass(table_hbm, out_hbm, sidx, didx, rows, Zsp, sem, s, chunk):
    _zero_vmem_2d(rows, BATCH, CW)
    _tile_slab_copy(lambda o, n: rows.at[pl.ds(0, n)],
                    lambda o, n: Zsp.at[pl.ds(o, n)], s)
    plsc.subcore_barrier()

    @pl.loop(0, NBATCH)
    def _(b):
        pltpu.async_copy(table_hbm.at[sidx.at[b]], rows, sem).wait()
        pltpu.sync_copy(rows, Zsp.at[didx.at[b]], add=True)

    plsc.subcore_barrier()
    _tile_slab_copy(lambda o, n: Zsp.at[pl.ds(o, n)],
                    lambda o, n: out_hbm.at[pl.ds(chunk * NP + o, n)], s)


def _sc_agg1_body(xc_hbm, src_hbm, dst_hbm, z1_hbm, degs_hbm,
                  sidx, didx, rows, ones16, z16, Zsp, degsp, sem):
    c = lax.axis_index("c")
    s = lax.axis_index("s")

    pltpu.sync_copy(src_hbm.at[pl.ds(s * NBATCH, NBATCH)], sidx)
    pltpu.sync_copy(dst_hbm.at[pl.ds(s * NBATCH, NBATCH)], didx)

    _zero_vmem_2d(z16, BATCH, 16)
    _zero_vmem_2d(ones16, BATCH, 16, value=1.0)
    _tile_slab_copy(lambda o, n: z16.at[pl.ds(0, n)],
                    lambda o, n: degsp.at[pl.ds(o, n)], s)
    plsc.subcore_barrier()

    @pl.loop(0, NBATCH)
    def _(b):
        @pl.when(c == 0)
        def _():
            pltpu.sync_copy(ones16, degsp.at[didx.at[b]], add=True)
        @pl.when(c == 1)
        def _():
            pltpu.sync_copy(ones16, degsp.at[sidx.at[b]], add=True)

    plsc.subcore_barrier()
    _tile_slab_copy(lambda o, n: degsp.at[pl.ds(o, n)],
                    lambda o, n: degs_hbm.at[pl.ds(c * NP + o, n)], s)

    _idx_shift(sidx, (2 * c) * NP)
    _agg_pass(xc_hbm, z1_hbm, sidx, didx, rows, Zsp, sem, s, 2 * c)
    _idx_shift(sidx, NP)
    _agg_pass(xc_hbm, z1_hbm, sidx, didx, rows, Zsp, sem, s, 2 * c + 1)


def _sc_agg2_body(t1_hbm, src_hbm, dst_hbm, z2_hbm,
                  sidx, didx, rows, Zsp, sem):
    c = lax.axis_index("c")
    s = lax.axis_index("s")

    pltpu.sync_copy(src_hbm.at[pl.ds(s * NBATCH, NBATCH)], sidx)
    pltpu.sync_copy(dst_hbm.at[pl.ds(s * NBATCH, NBATCH)], didx)

    _idx_shift(sidx, (4 * c) * NP)
    _agg_pass(t1_hbm, z2_hbm, sidx, didx, rows, Zsp, sem, s, 4 * c)
    for p in range(1, 4):
        _idx_shift(sidx, NP)
        _agg_pass(t1_hbm, z2_hbm, sidx, didx, rows, Zsp, sem, s, 4 * c + p)


@functools.lru_cache(maxsize=1)
def _get_sc_kernels():
    mesh = plsc.VectorSubcoreMesh(
        core_axis_name="c", subcore_axis_name="s",
        num_cores=NC, num_subcores=NS)
    agg1 = functools.partial(
        pl.kernel,
        out_type=(
            jax.ShapeDtypeStruct((NC1 * NP, CW), jnp.float32),
            jax.ShapeDtypeStruct((2 * NP, 16), jnp.float32),
        ),
        mesh=mesh,
        compiler_params=pltpu.CompilerParams(use_tc_tiling_on_sc=False),
        scratch_types=(
            pltpu.VMEM((NBATCH, BATCH), jnp.int32),
            pltpu.VMEM((NBATCH, BATCH), jnp.int32),
            pltpu.VMEM((BATCH, CW), jnp.float32),
            pltpu.VMEM((BATCH, 16), jnp.float32),
            pltpu.VMEM((BATCH, 16), jnp.float32),
            pltpu.VMEM_SHARED((NP, CW), jnp.float32),
            pltpu.VMEM_SHARED((NP, 16), jnp.float32),
            pltpu.SemaphoreType.DMA,
        ),
    )(_sc_agg1_body)
    agg2 = functools.partial(
        pl.kernel,
        out_type=jax.ShapeDtypeStruct((NC2 * NP, CW), jnp.float32),
        mesh=mesh,
        compiler_params=pltpu.CompilerParams(use_tc_tiling_on_sc=False),
        scratch_types=(
            pltpu.VMEM((NBATCH, BATCH), jnp.int32),
            pltpu.VMEM((NBATCH, BATCH), jnp.int32),
            pltpu.VMEM((BATCH, CW), jnp.float32),
            pltpu.VMEM_SHARED((NP, CW), jnp.float32),
            pltpu.SemaphoreType.DMA,
        ),
    )(_sc_agg2_body)
    return agg1, agg2


def _tc1_body(z0_ref, z1_ref, z2_ref, z3_ref, w1t_ref, b1_ref, deg_ref,
              out_ref):
    w = w1t_ref[...]
    h = jnp.dot(z0_ref[...], w[0:64, :], preferred_element_type=jnp.float32)
    h += jnp.dot(z1_ref[...], w[64:128, :], preferred_element_type=jnp.float32)
    h += jnp.dot(z2_ref[...], w[128:192, :], preferred_element_type=jnp.float32)
    h += jnp.dot(z3_ref[...], w[192:256, :], preferred_element_type=jnp.float32)
    h += deg_ref[:, 0:1] * b1_ref[...]
    t = jnp.tanh(h)
    out_ref[0] = t[:, 0:CW]
    out_ref[1] = t[:, CW:2 * CW]


def _tc2_body(z0_ref, z1_ref, z2_ref, z3_ref, z4_ref, z5_ref, z6_ref, z7_ref,
              w2t_ref, b2_ref, degin_ref, degout_ref, w3_ref, b3_ref,
              out_ref):
    i = pl.program_id(0)
    w = w2t_ref[...]
    zrefs = [z0_ref, z1_ref, z2_ref, z3_ref, z4_ref, z5_ref, z6_ref, z7_ref]
    h = jnp.dot(zrefs[0][...], w[0:CW, :], preferred_element_type=jnp.float32)
    for k in range(1, NC2):
        h += jnp.dot(zrefs[k][...], w[k * CW:(k + 1) * CW, :],
                     preferred_element_type=jnp.float32)
    h += degin_ref[:, 0:1] * b2_ref[...]
    t2 = jnp.tanh(h)
    v3 = jnp.sum(w3_ref[...], axis=0, keepdims=True)
    srow = jnp.sum(t2 * v3, axis=1)
    part = jnp.sum(degout_ref[:, 0] * srow)
    part += jnp.where(i == 0, float(E) * jnp.sum(b3_ref[...]), 0.0)

    @pl.when(i == 0)
    def _():
        out_ref[...] = jnp.zeros((8, 128), jnp.float32)
    r = lax.broadcasted_iota(jnp.int32, (8, 128), 0)
    col = lax.broadcasted_iota(jnp.int32, (8, 128), 1)
    mask = jnp.logical_and(r == 0, col == 0).astype(jnp.float32)
    out_ref[...] += part * mask


def kernel(x, edge_index, W1, b1, W2, b2, W3, b3):
    src = edge_index[0].astype(jnp.int32)
    dst = edge_index[1].astype(jnp.int32)
    padi = jnp.full((EP - E,), N, jnp.int32)
    src2 = jnp.concatenate([src, padi]).reshape(EP // BATCH, BATCH)
    dst2 = jnp.concatenate([dst, padi]).reshape(EP // BATCH, BATCH)

    xc = x.astype(jnp.float32).reshape(N, NC1, CW).transpose(1, 0, 2)
    xc = jnp.pad(xc, ((0, 0), (0, NP - N), (0, 0))).reshape(NC1 * NP, CW)

    sc_agg1, sc_agg2 = _get_sc_kernels()
    z1c, degs = sc_agg1(xc, src2, dst2)

    w1t = W1.T.astype(jnp.float32)
    b1r = b1.astype(jnp.float32).reshape(1, HID_DIM)
    t1c = pl.pallas_call(
        _tc1_body,
        grid=(NPBLK, NC2 // 2),
        in_specs=[
            pl.BlockSpec((BN, CW), lambda i, j: (i, 0)),
            pl.BlockSpec((BN, CW), lambda i, j: (NPBLK + i, 0)),
            pl.BlockSpec((BN, CW), lambda i, j: (2 * NPBLK + i, 0)),
            pl.BlockSpec((BN, CW), lambda i, j: (3 * NPBLK + i, 0)),
            pl.BlockSpec((IN_DIM, 128), lambda i, j: (0, j)),
            pl.BlockSpec((1, 128), lambda i, j: (0, j)),
            pl.BlockSpec((BN, 16), lambda i, j: (i, 0)),
        ],
        out_specs=pl.BlockSpec((2, BN, CW), lambda i, j: (j, i, 0)),
        out_shape=jax.ShapeDtypeStruct((NC2, NP, CW), jnp.float32),
    )(z1c, z1c, z1c, z1c, w1t, b1r, degs)
    t1c = t1c.reshape(NC2 * NP, CW)

    z2c = sc_agg2(t1c, src2, dst2)

    w2t = W2.T.astype(jnp.float32)
    b2r = b2.astype(jnp.float32).reshape(1, HID_DIM)
    b3r = b3.astype(jnp.float32).reshape(1, HID_DIM)
    zspecs = [
        pl.BlockSpec((BN, CW), (lambda k: (lambda i, _k=k: (_k * NPBLK + i, 0)))(k))
        for k in range(NC2)
    ]
    o8 = pl.pallas_call(
        _tc2_body,
        grid=(NBLK,),
        in_specs=zspecs + [
            pl.BlockSpec((HID_DIM, HID_DIM), lambda i: (0, 0)),
            pl.BlockSpec((1, HID_DIM), lambda i: (0, 0)),
            pl.BlockSpec((BN, 16), lambda i: (i, 0)),
            pl.BlockSpec((BN, 16), lambda i: (NPBLK + i, 0)),
            pl.BlockSpec((HID_DIM, HID_DIM), lambda i: (0, 0)),
            pl.BlockSpec((1, HID_DIM), lambda i: (0, 0)),
        ],
        out_specs=pl.BlockSpec((8, 128), lambda i: (0, 0)),
        out_shape=jax.ShapeDtypeStruct((8, 128), jnp.float32),
    )(*([z2c] * NC2), w2t, b2r, degs, degs, W3.astype(jnp.float32), b3r)

    return o8[0:1, 0:1]

# --- scband reference (transcript-rebuilt; emitter-appended) ---
"""Pipeline reference for scband-gnn-maker-hnn-43379169689786 (READ-ONLY COPY).

The authoritative reference and input builder live on the scoring server;
editing this copy changes nothing except your own understanding.
"""

import jax, jax.numpy as jnp
import numpy as np

N_NODES = 10000
N_EDGES = 160000
IN_DIM = 256
HID_DIM = 512
OUT_DIM = 512


def setup_inputs(seed: int = 0) -> dict:
    key = jax.random.key(seed)
    ks = jax.random.split(key, 8)
    x = jax.random.normal(ks[0], (N_NODES, IN_DIM), dtype=jnp.float32)
    edge_index = jax.random.randint(ks[1], (2, N_EDGES), 0, N_NODES, dtype=jnp.int64)
    # GNNlayer params: nn.Linear weight init normal(0, 0.1), bias zeros
    W1 = 0.1 * jax.random.normal(ks[2], (HID_DIM, IN_DIM), dtype=jnp.float32)
    b1 = jnp.zeros((HID_DIM,), dtype=jnp.float32)
    W2 = 0.1 * jax.random.normal(ks[3], (HID_DIM, HID_DIM), dtype=jnp.float32)
    b2 = jnp.zeros((HID_DIM,), dtype=jnp.float32)
    W3 = 0.1 * jax.random.normal(ks[4], (OUT_DIM, HID_DIM), dtype=jnp.float32)
    b3 = jnp.zeros((OUT_DIM,), dtype=jnp.float32)
    return {"x": x, "edge_index": edge_index, "W1": W1, "b1": b1,
            "W2": W2, "b2": b2, "W3": W3, "b3": b3}


def _gnn_layer(h, W, b, src, dst):
    # GNNlayer.forward: h = Linear(feat); update_all(copy_u('h','m'), sum('m','h'))
    h = h @ W.T + b
    msgs = jnp.take(h, src, axis=0)          # gather messages from source nodes
    return jax.ops.segment_sum(msgs, dst, num_segments=N_NODES)  # scatter-add to dst


def reference(x, edge_index, W1, b1, W2, b2, W3, b3):
    src = edge_index[0]
    dst = edge_index[1]
    h = x.astype(jnp.float32)
    # net: GNNlayer -> tanh -> GNNlayer -> tanh -> GNNlayer (acts = ['tanh','tanh',''])
    h = _gnn_layer(h, W1, b1, src, dst)
    h = jnp.tanh(h)
    h = _gnn_layer(h, W2, b2, src, dst)
    h = jnp.tanh(h)
    h = _gnn_layer(h, W3, b3, src, dst)
    # forward tail: single (non-batched) graph -> dgl.unbatch yields one graph;
    # per-graph scalar sum, cat, unsqueeze(0) -> shape [1, 1]
    out = jnp.sum(h).reshape(1, 1)
    return out

if __name__ == "__main__":
    import jax
    _d = setup_inputs()
    print(jax.jit(kernel)(*tuple(_d.values())))

</pallas_src>

<mosaic_0001>
#map = affine_map<(d0, d1) -> (0, 0)>
module attributes {stable_mosaic.version = 14 : i64} {
  func.func @_sc_agg1_body(%arg0: i32, %arg1: i32, %arg2: memref<41600x64xf32, #tpu.memory_space<hbm>>, %arg3: memref<1280x128xi32, #tpu.memory_space<hbm>>, %arg4: memref<1280x128xi32, #tpu.memory_space<hbm>>, %arg5: memref<41600x64xf32, #tpu.memory_space<hbm>>, %arg6: memref<20800x16xf32, #tpu.memory_space<hbm>>, %arg7: memref<80x128xi32, #tpu.memory_space<vmem>>, %arg8: memref<80x128xi32, #tpu.memory_space<vmem>>, %arg9: memref<128x64xf32, #tpu.memory_space<vmem>>, %arg10: memref<128x16xf32, #tpu.memory_space<vmem>>, %arg11: memref<128x16xf32, #tpu.memory_space<vmem>>, %arg12: memref<10400x64xf32, #tpu.memory_space<vmem_shared>>, %arg13: memref<10400x16xf32, #tpu.memory_space<vmem_shared>>, %arg14: memref<!tpu.dma_semaphore, #tpu.memory_space<semaphore_mem>>) attributes {dimension_semantics = [#tpu.dimension_semantics<core_parallel>, #tpu.dimension_semantics<subcore_parallel>], iteration_bounds = array<i64: 2, 16>, scalar_prefetch = 0 : i64, scratch_operands = 8 : i64, tpu.core_type = #tpu.core_type<sc_vector_subcore>, window_params = [{transform_indices = #map}, {transform_indices = #map}, {transform_indices = #map}, {transform_indices = #map}, {transform_indices = #map}]} {
    %mul3A = arith.constant 80 : i32
    %mul3A_0 = arith.muli %arg1, %mul3A : i32
    "tpu.region"() ({
      %run_scoped3A = tpu.sem_alloc : memref<!tpu.dma_semaphore, #tpu.memory_space<semaphore_mem>>
      %dma_start3A = arith.constant 0 : i32
      %dma_start3A_305 = tpu.memref_slice %arg3[%mul3A_0, %dma_start3A] : memref<1280x128xi32, #tpu.memory_space<hbm>> -> memref<80x128xi32, #tpu.memory_space<hbm>>
      %dma_start3A_306 = arith.constant 0 : i32
      %dma_start3A_307 = tpu.memref_slice %arg3[%mul3A_0, %dma_start3A_306] : memref<1280x128xi32, #tpu.memory_space<hbm>> -> memref<80x128xi32, #tpu.memory_space<hbm>>
      tpu.enqueue_dma source(%dma_start3A_307 : memref<80x128xi32, #tpu.memory_space<hbm>>) target(%arg7 : memref<80x128xi32, #tpu.memory_space<vmem>>) target_semaphore(%run_scoped3A : memref<!tpu.dma_semaphore, #tpu.memory_space<semaphore_mem>>)
      %dma_wait3A = arith.constant 0 : i32
      %dma_wait3A_308 = tpu.memref_slice %arg3[%mul3A_0, %dma_wait3A] : memref<1280x128xi32, #tpu.memory_space<hbm>> -> memref<80x128xi32, #tpu.memory_space<hbm>>
      %dma_wait3A_309 = arith.constant 0 : i32
      %dma_wait3A_310 = tpu.memref_slice %arg3[%mul3A_0, %dma_wait3A_309] : memref<1280x128xi32, #tpu.memory_space<hbm>> -> memref<80x128xi32, #tpu.memory_space<hbm>>
      tpu.wait_dma2 semaphore(%run_scoped3A : memref<!tpu.dma_semaphore, #tpu.memory_space<semaphore_mem>>) src(%dma_wait3A_310 : memref<80x128xi32, #tpu.memory_space<hbm>>) dst(%arg7 : memref<80x128xi32, #tpu.memory_space<vmem>>)
      tpu.yield
    }) : () -> ()
    %mul3A_1 = arith.constant 80 : i32
    %mul3A_2 = arith.muli %arg1, %mul3A_1 : i32
    "tpu.region"() ({
      %run_scoped3A = tpu.sem_alloc : memref<!tpu.dma_semaphore, #tpu.memory_space<semaphore_mem>>
      %dma_start3A = arith.constant 0 : i32
      %dma_start3A_305 = tpu.memref_slice %arg4[%mul3A_2, %dma_start3A] : memref<1280x128xi32, #tpu.memory_space<hbm>> -> memref<80x128xi32, #tpu.memory_space<hbm>>
      %dma_start3A_306 = arith.constant 0 : i32
      %dma_start3A_307 = tpu.memref_slice %arg4[%mul3A_2, %dma_start3A_306] : memref<1280x128xi32, #tpu.memory_space<hbm>> -> memref<80x128xi32, #tpu.memory_space<hbm>>
      tpu.enqueue_dma source(%dma_start3A_307 : memref<80x128xi32, #tpu.memory_space<hbm>>) target(%arg8 : memref<80x128xi32, #tpu.memory_space<vmem>>) target_semaphore(%run_scoped3A : memref<!tpu.dma_semaphore, #tpu.memory_space<semaphore_mem>>)
      %dma_wait3A = arith.constant 0 : i32
      %dma_wait3A_308 = tpu.memref_slice %arg4[%mul3A_2, %dma_wait3A] : memref<1280x128xi32, #tpu.memory_space<hbm>> -> memref<80x128xi32, #tpu.memory_space<hbm>>
      %dma_wait3A_309 = arith.constant 0 : i32
      %dma_wait3A_310 = tpu.memref_slice %arg4[%mul3A_2, %dma_wait3A_309] : memref<1280x128xi32, #tpu.memory_space<hbm>> -> memref<80x128xi32, #tpu.memory_space<hbm>>
      tpu.wait_dma2 semaphore(%run_scoped3A : memref<!tpu.dma_semaphore, #tpu.memory_space<semaphore_mem>>) src(%dma_wait3A_310 : memref<80x128xi32, #tpu.memory_space<hbm>>) dst(%arg8 : memref<80x128xi32, #tpu.memory_space<vmem>>)
      tpu.yield
    }) : () -> ()
    %broadcast_in_dim3A = arith.constant 0.000000e+00 : f32
    %broadcast_in_dim3A_3 = vector.broadcast %broadcast_in_dim3A : f32 to vector<16xf32>
    %scan3A = arith.constant 0 : i32
    %scan3A_4 = arith.constant 128 : i32
    %scan3A_5 = arith.addi %scan3A, %scan3A_4 : i32
    %scan3A_6 = arith.constant 1 : i32
    scf.for %scan3A_305 = %scan3A to %scan3A_5 step %scan3A_6  : i32 {
      %mul3A_306 = arith.constant 1 : i32
      %mul3A_307 = arith.muli %scan3A_305, %mul3A_306 : i32
      %add3A_308 = arith.constant 0 : i32
      %add3A_309 = arith.addi %add3A_308, %mul3A_307 : i32
      %swap3A = arith.index_cast %add3A_309 : i32 to index
      %swap3A_310 = arith.constant 0 : index
      %swap3A_311 = tpu.vector_load %arg11[%swap3A, %swap3A_310] {strides = array<i32>} : memref<128x16xf32, #tpu.memory_space<vmem>>, vector<1x16xf32>,
      %swap3A_312 = vector.shape_cast %swap3A_311 : vector<1x16xf32> to vector<16xf32>
      %swap3A_313 = vector.shape_cast %broadcast_in_dim3A_3 : vector<16xf32> to vector<1x16xf32>
      tpu.vector_store %arg11[%swap3A, %swap3A_310], %swap3A_313 {strides = array<i32>} : memref<128x16xf32, #tpu.memory_space<vmem>>, vector<1x16xf32>,
    }
    %scan3A_7 = arith.constant 128 : i32
    %broadcast_in_dim3A_8 = arith.constant 1.000000e+00 : f32
    %broadcast_in_dim3A_9 = vector.broadcast %broadcast_in_dim3A_8 : f32 to vector<16xf32>
    %scan3A_10 = arith.constant 0 : i32
    %scan3A_11 = arith.constant 128 : i32
    %scan3A_12 = arith.addi %scan3A_10, %scan3A_11 : i32
    %scan3A_13 = arith.constant 1 : i32
    scf.for %scan3A_305 = %scan3A_10 to %scan3A_12 step %scan3A_13  : i32 {
      %mul3A_306 = arith.constant 1 : i32
      %mul3A_307 = arith.muli %scan3A_305, %mul3A_306 : i32
      %add3A_308 = arith.constant 0 : i32
      %add3A_309 = arith.addi %add3A_308, %mul3A_307 : i32
      %swap3A = arith.index_cast %add3A_309 : i32 to index
      %swap3A_310 = arith.constant 0 : index
      %swap3A_311 = tpu.vector_load %arg10[%swap3A, %swap3A_310] {strides = array<i32>} : memref<128x16xf32, #tpu.memory_space<vmem>>, vector<1x16xf32>,
      %swap3A_312 = vector.shape_cast %swap3A_311 : vector<1x16xf32> to vector<16xf32>
      %swap3A_313 = vector.shape_cast %broadcast_in_dim3A_9 : vector<16xf32> to vector<1x16xf32>
      tpu.vector_store %arg10[%swap3A, %swap3A_310], %swap3A_313 {strides = array<i32>} : memref<128x16xf32, #tpu.memory_space<vmem>>, vector<1x16xf32>,
    }
    %scan3A_14 = arith.constant 128 : i32
    %mul3A_15 = arith.constant 648 : i32
    %mul3A_16 = arith.muli %arg1, %mul3A_15 : i32
    %add3A = arith.constant 0 : i32
    %add3A_17 = arith.addi %mul3A_16, %add3A : i32
    %add3A_18 = arith.constant 0 : i32
    %add3A_19 = arith.addi %mul3A_16, %add3A_18 : i32
    "tpu.region"() ({
      %run_scoped3A = tpu.sem_alloc : memref<!tpu.dma_semaphore, #tpu.memory_space<semaphore_mem>>
      %dma_start3A = arith.constant 0 : i32
      %dma_start3A_305 = arith.constant 0 : i32
      %dma_start3A_306 = tpu.memref_slice %arg11[%dma_start3A, %dma_start3A_305] : memref<128x16xf32, #tpu.memory_space<vmem>> -> memref<128x16xf32, #tpu.memory_space<vmem>>
      %dma_start3A_307 = arith.constant 0 : i32
      %dma_start3A_308 = tpu.memref_slice %arg13[%add3A_19, %dma_start3A_307] : memref<10400x16xf32, #tpu.memory_space<vmem_shared>> -> memref<128x16xf32, #tpu.memory_space<vmem_shared>>
      %dma_start3A_309 = arith.constant 0 : i32
      %dma_start3A_310 = tpu.memref_slice %arg13[%add3A_19, %dma_start3A_309] : memref<10400x16xf32, #tpu.memory_space<vmem_shared>> -> memref<128x16xf32, #tpu.memory_space<vmem_shared>>
      %dma_start3A_311 = arith.constant 0 : i32
      %dma_start3A_312 = arith.constant 0 : i32
      %dma_start3A_313 = tpu.memref_slice %arg11[%dma_start3A_311, %dma_start3A_312] : memref<128x16xf32, #tpu.memory_space<vmem>> -> memref<128x16xf32, #tpu.memory_space<vmem>>
      tpu.enqueue_dma source(%dma_start3A_313 : memref<128x16xf32, #tpu.memory_space<vmem>>) target(%dma_start3A_310 : memref<128x16xf32, #tpu.memory_space<vmem_shared>>) target_semaphore(%run_scoped3A : memref<!tpu.dma_semaphore, #tpu.memory_space<semaphore_mem>>)
      %dma_wait3A = arith.constant 0 : i32
      %dma_wait3A_314 = arith.constant 0 : i32
      %dma_wait3A_315 = tpu.memref_slice %arg11[%dma_wait3A, %dma_wait3A_314] : memref<128x16xf32, #tpu.memory_space<vmem>> -> memref<128x16xf32, #tpu.memory_space<vmem>>
      %dma_wait3A_316 = arith.constant 0 : i32
      %dma_wait3A_317 = tpu.memref_slice %arg13[%add3A_19, %dma_wait3A_316] : memref<10400x16xf32, #tpu.memory_space<vmem_shared>> -> memref<128x16xf32, #tpu.memory_space<vmem_shared>>
      %dma_wait3A_318 = arith.constant 0 : i32
      %dma_wait3A_319 = tpu.memref_slice %arg13[%add3A_19, %dma_wait3A_318] : memref<10400x16xf32, #tpu.memory_space<vmem_shared>> -> memref<128x16xf32, #tpu.memory_space<vmem_shared>>
      %dma_wait3A_320 = arith.constant 0 : i32
      %dma_wait3A_321 = arith.constant 0 : i32
      %dma_wait3A_322 = tpu.memref_slice %arg11[%dma_wait3A_320, %dma_wait3A_321] : memref<128x16xf32, #tpu.memory_space<vmem>> -> memref<128x16xf32, #tpu.memory_space<vmem>>
      tpu.wait_dma2 semaphore(%run_scoped3A : memref<!tpu.dma_semaphore, #tpu.memory_space<semaphore_mem>>) src(%dma_wait3A_322 : memref<128x16xf32, #tpu.memory_space<vmem>>) dst(%dma_wait3A_319 : memref<128x16xf32, #tpu.memory_space<vmem_shared>>)
      tpu.yield
    }) : () -> ()
    %add3A_20 = arith.constant 128 : i32
    %add3A_21 = arith.addi %mul3A_16, %add3A_20 : i32
    %add3A_22 = arith.constant 128 : i32
    %add3A_23 = arith.addi %mul3A_16, %add3A_22 : i32
    "tpu.region"() ({
      %run_scoped3A = tpu.sem_alloc : memref<!tpu.dma_semaphore, #tpu.memory_space<semaphore_mem>>
      %dma_start3A = arith.constant 0 : i32
      %dma_start3A_305 = arith.constant 0 : i32
      %dma_start3A_306 = tpu.memref_slice %arg11[%dma_start3A, %dma_start3A_305] : memref<128x16xf32, #tpu.memory_space<vmem>> -> memref<128x16xf32, #tpu.memory_space<vmem>>
      %dma_start3A_307 = arith.constant 0 : i32
      %dma_start3A_308 = tpu.memref_slice %arg13[%add3A_23, %dma_start3A_307] : memref<10400x16xf32, #tpu.memory_space<vmem_shared>> -> memref<128x16xf32, #tpu.memory_space<vmem_shared>>
      %dma_start3A_309 = arith.constant 0 : i32
      %dma_start3A_310 = tpu.memref_slice %arg13[%add3A_23, %dma_start3A_309] : memref<10400x16xf32, #tpu.memory_space<vmem_shared>> -> memref<128x16xf32, #tpu.memory_space<vmem_shared>>
      %dma_start3A_311 = arith.constant 0 : i32
      %dma_start3A_312 = arith.constant 0 : i32
      %dma_start3A_313 = tpu.memref_slice %arg11[%dma_start3A_311, %dma_start3A_312] : memref<128x16xf32, #tpu.memory_space<vmem>> -> memref<128x16xf32, #tpu.memory_space<vmem>>
      tpu.enqueue_dma source(%dma_start3A_313 : memref<128x16xf32, #tpu.memory_space<vmem>>) target(%dma_start3A_310 : memref<128x16xf32, #tpu.memory_space<vmem_shared>>) target_semaphore(%run_scoped3A : memref<!tpu.dma_semaphore, #tpu.memory_space<semaphore_mem>>)
      %dma_wait3A = arith.constant 0 : i32
      %dma_wait3A_314 = arith.constant 0 : i32
      %dma_wait3A_315 = tpu.memref_slice %arg11[%dma_wait3A, %dma_wait3A_314] : memref<128x16xf32, #tpu.memory_space<vmem>> -> memref<128x16xf32, #tpu.memory_space<vmem>>
      %dma_wait3A_316 = arith.constant 0 : i32
      %dma_wait3A_317 = tpu.memref_slice %arg13[%add3A_23, %dma_wait3A_316] : memref<10400x16xf32, #tpu.memory_space<vmem_shared>> -> memref<128x16xf32, #tpu.memory_space<vmem_shared>>
      %dma_wait3A_318 = arith.constant 0 : i32
      %dma_wait3A_319 = tpu.memref_slice %arg13[%add3A_23, %dma_wait3A_318] : memref<10400x16xf32, #tpu.memory_space<vmem_shared>> -> memref<128x16xf32, #tpu.memory_space<vmem_shared>>
      %dma_wait3A_320 = arith.constant 0 : i32
      %dma_wait3A_321 = arith.constant 0 : i32
      %dma_wait3A_322 = tpu.memref_slice %arg11[%dma_wait3A_320, %dma_wait3A_321] : memref<128x16xf32, #tpu.memory_space<vmem>> -> memref<128x16xf32, #tpu.memory_space<vmem>>
      tpu.wait_dma2 semaphore(%run_scoped3A : memref<!tpu.dma_semaphore, #tpu.memory_space<semaphore_mem>>) src(%dma_wait3A_322 : memref<128x16xf32, #tpu.memory_space<vmem>>) dst(%dma_wait3A_319 : memref<128x16xf32, #tpu.memory_space<vmem_shared>>)
      tpu.yield
    }) : () -> ()
    %add3A_24 = arith.constant 256 : i32
    %add3A_25 = arith.addi %mul3A_16, %add3A_24 : i32
    %add3A_26 = arith.constant 256 : i32
    %add3A_27 = arith.addi %mul3A_16, %add3A_26 : i32
    "tpu.region"() ({
      %run_scoped3A = tpu.sem_alloc : memref<!tpu.dma_semaphore, #tpu.memory_space<semaphore_mem>>
      %dma_start3A = arith.constant 0 : i32
      %dma_start3A_305 = arith.constant 0 : i32
      %dma_start3A_306 = tpu.memref_slice %arg11[%dma_start3A, %dma_start3A_305] : memref<128x16xf32, #tpu.memory_space<vmem>> -> memref<128x16xf32, #tpu.memory_space<vmem>>
      %dma_start3A_307 = arith.constant 0 : i32
      %dma_start3A_308 = tpu.memref_slice %arg13[%add3A_27, %dma_start3A_307] : memref<10400x16xf32, #tpu.memory_space<vmem_shared>> -> memref<128x16xf32, #tpu.memory_space<vmem_shared>>
      %dma_start3A_309 = arith.constant 0 : i32
      %dma_start3A_310 = tpu.memref_slice %arg13[%add3A_27, %dma_start3A_309] : memref<10400x16xf32, #tpu.memory_space<vmem_shared>> -> memref<128x16xf32, #tpu.memory_space<vmem_shared>>
      %dma_start3A_311 = arith.constant 0 : i32
      %dma_start3A_312 = arith.constant 0 : i32
      %dma_start3A_313 = tpu.memref_slice %arg11[%dma_start3A_311, %dma_start3A_312] : memref<128x16xf32, #tpu.memory_space<vmem>> -> memref<128x16xf32, #tpu.memory_space<vmem>>
      tpu.enqueue_dma source(%dma_start3A_313 : memref<128x16xf32, #tpu.memory_space<vmem>>) target(%dma_start3A_310 : memref<128x16xf32, #tpu.memory_space<vmem_shared>>) target_semaphore(%run_scoped3A : memref<!tpu.dma_semaphore, #tpu.memory_space<semaphore_mem>>)
      %dma_wait3A = arith.constant 0 : i32
      %dma_wait3A_314 = arith.constant 0 : i32
      %dma_wait3A_315 = tpu.memref_slice %arg11[%dma_wait3A, %dma_wait3A_314] : memref<128x16xf32, #tpu.memory_space<vmem>> -> memref<128x16xf32, #tpu.memory_space<vmem>>
      %dma_wait3A_316 = arith.constant 0 : i32
      %dma_wait3A_317 = tpu.memref_slice %arg13[%add3A_27, %dma_wait3A_316] : memref<10400x16xf32, #tpu.memory_space<vmem_shared>> -> memref<128x16xf32, #tpu.memory_space<vmem_shared>>
      %dma_wait3A_318 = arith.constant 0 : i32
      %dma_wait3A_319 = tpu.memref_slice %arg13[%add3A_27, %dma_wait3A_318] : memref<10400x16xf32, #tpu.memory_space<vmem_shared>> -> memref<128x16xf32, #tpu.memory_space<vmem_shared>>
      %dma_wait3A_320 = arith.constant 0 : i32
      %dma_wait3A_321 = arith.constant 0 : i32
      %dma_wait3A_322 = tpu.memref_slice %arg11[%dma_wait3A_320, %dma_wait3A_321] : memref<128x16xf32, #tpu.memory_space<vmem>> -> memref<128x16xf32, #tpu.memory_space<vmem>>
      tpu.wait_dma2 semaphore(%run_scoped3A : memref<!tpu.dma_semaphore, #tpu.memory_space<semaphore_mem>>) src(%dma_wait3A_322 : memref<128x16xf32, #tpu.memory_space<vmem>>) dst(%dma_wait3A_319 : memref<128x16xf32, #tpu.memory_space<vmem_shared>>)
      tpu.yield
    }) : () -> ()
    %add3A_28 = arith.constant 384 : i32
    %add3A_29 = arith.addi %mul3A_16, %add3A_28 : i32
    %add3A_30 = arith.constant 384 : i32
    %add3A_31 = arith.addi %mul3A_16, %add3A_30 : i32
    "tpu.region"() ({
      %run_scoped3A = tpu.sem_alloc : memref<!tpu.dma_semaphore, #tpu.memory_space<semaphore_mem>>
      %dma_start3A = arith.constant 0 : i32
      %dma_start3A_305 = arith.constant 0 : i32
      %dma_start3A_306 = tpu.memref_slice %arg11[%dma_start3A, %dma_start3A_305] : memref<128x16xf32, #tpu.memory_space<vmem>> -> memref<128x16xf32, #tpu.memory_space<vmem>>
      %dma_start3A_307 = arith.constant 0 : i32
      %dma_start3A_308 = tpu.memref_slice %arg13[%add3A_31, %dma_start3A_307] : memref<10400x16xf32, #tpu.memory_space<vmem_shared>> -> memref<128x16xf32, #tpu.memory_space<vmem_shared>>
      %dma_start3A_309 = arith.constant 0 : i32
      %dma_start3A_310 = tpu.memref_slice %arg13[%add3A_31, %dma_start3A_309] : memref<10400x16xf32, #tpu.memory_space<vmem_shared>> -> memref<128x16xf32, #tpu.memory_space<vmem_shared>>
      %dma_start3A_311 = arith.constant 0 : i32
      %dma_start3A_312 = arith.constant 0 : i32
      %dma_start3A_313 = tpu.memref_slice %arg11[%dma_start3A_311, %dma_start3A_312] : memref<128x16xf32, #tpu.memory_space<vmem>> -> memref<128x16xf32, #tpu.memory_space<vmem>>
      tpu.enqueue_dma source(%dma_start3A_313 : memref<128x16xf32, #tpu.memory_space<vmem>>) target(%dma_start3A_310 : memref<128x16xf32, #tpu.memory_space<vmem_shared>>) target_semaphore(%run_scoped3A : memref<!tpu.dma_semaphore, #tpu.memory_space<semaphore_mem>>)
      %dma_wait3A = arith.constant 0 : i32
      %dma_wait3A_314 = arith.constant 0 : i32
      %dma_wait3A_315 = tpu.memref_slice %arg11[%dma_wait3A, %dma_wait3A_314] : memref<128x16xf32, #tpu.memory_space<vmem>> -> memref<128x16xf32, #tpu.memory_space<vmem>>
      %dma_wait3A_316 = arith.constant 0 : i32
      %dma_wait3A_317 = tpu.memref_slice %arg13[%add3A_31, %dma_wait3A_316] : memref<10400x16xf32, #tpu.memory_space<vmem_shared>> -> memref<128x16xf32, #tpu.memory_space<vmem_shared>>
      %dma_wait3A_318 = arith.constant 0 : i32
      %dma_wait3A_319 = tpu.memref_slice %arg13[%add3A_31, %dma_wait3A_318] : memref<10400x16xf32, #tpu.memory_space<vmem_shared>> -> memref<128x16xf32, #tpu.memory_space<vmem_shared>>
      %dma_wait3A_320 = arith.constant 0 : i32
      %dma_wait3A_321 = arith.constant 0 : i32
      %dma_wait3A_322 = tpu.memref_slice %arg11[%dma_wait3A_320, %dma_wait3A_321] : memref<128x16xf32, #tpu.memory_space<vmem>> -> memref<128x16xf32, #tpu.memory_space<vmem>>
      tpu.wait_dma2 semaphore(%run_scoped3A : memref<!tpu.dma_semaphore, #tpu.memory_space<semaphore_mem>>) src(%dma_wait3A_322 : memref<128x16xf32, #tpu.memory_space<vmem>>) dst(%dma_wait3A_319 : memref<128x16xf32, #tpu.memory_space<vmem_shared>>)
      tpu.yield
    }) : () -> ()
    %add3A_32 = arith.constant 512 : i32
    %add3A_33 = arith.addi %mul3A_16, %add3A_32 : i32
    %add3A_34 = arith.constant 512 : i32
    %add3A_35 = arith.addi %mul3A_16, %add3A_34 : i32
    "tpu.region"() ({
      %run_scoped3A = tpu.sem_alloc : memref<!tpu.dma_semaphore, #tpu.memory_space<semaphore_mem>>
      %dma_start3A = arith.constant 0 : i32
      %dma_start3A_305 = arith.constant 0 : i32
      %dma_start3A_306 = tpu.memref_slice %arg11[%dma_start3A, %dma_start3A_305] : memref<128x16xf32, #tpu.memory_space<vmem>> -> memref<128x16xf32, #tpu.memory_space<vmem>>
      %dma_start3A_307 = arith.constant 0 : i32
      %dma_start3A_308 = tpu.memref_slice %arg13[%add3A_35, %dma_start3A_307] : memref<10400x16xf32, #tpu.memory_space<vmem_shared>> -> memref<128x16xf32, #tpu.memory_space<vmem_shared>>
      %dma_start3A_309 = arith.constant 0 : i32
      %dma_start3A_310 = tpu.memref_slice %arg13[%add3A_35, %dma_start3A_309] : memref<10400x16xf32, #tpu.memory_space<vmem_shared>> -> memref<128x16xf32, #tpu.memory_space<vmem_shared>>
      %dma_start3A_311 = arith.constant 0 : i32
      %dma_start3A_312 = arith.constant 0 : i32
      %dma_start3A_313 = tpu.memref_slice %arg11[%dma_start3A_311, %dma_start3A_312] : memref<128x16xf32, #tpu.memory_space<vmem>> -> memref<128x16xf32, #tpu.memory_space<vmem>>
      tpu.enqueue_dma source(%dma_start3A_313 : memref<128x16xf32, #tpu.memory_space<vmem>>) target(%dma_start3A_310 : memref<128x16xf32, #tpu.memory_space<vmem_shared>>) target_semaphore(%run_scoped3A : memref<!tpu.dma_semaphore, #tpu.memory_space<semaphore_mem>>)
      %dma_wait3A = arith.constant 0 : i32
      %dma_wait3A_314 = arith.constant 0 : i32
      %dma_wait3A_315 = tpu.memref_slice %arg11[%dma_wait3A, %dma_wait3A_314] : memref<128x16xf32, #tpu.memory_space<vmem>> -> memref<128x16xf32, #tpu.memory_space<vmem>>
      %dma_wait3A_316 = arith.constant 0 : i32
      %dma_wait3A_317 = tpu.memref_slice %arg13[%add3A_35, %dma_wait3A_316] : memref<10400x16xf32, #tpu.memory_space<vmem_shared>> -> memref<128x16xf32, #tpu.memory_space<vmem_shared>>
      %dma_wait3A_318 = arith.constant 0 : i32
      %dma_wait3A_319 = tpu.memref_slice %arg13[%add3A_35, %dma_wait3A_318] : memref<10400x16xf32, #tpu.memory_space<vmem_shared>> -> memref<128x16xf32, #tpu.memory_space<vmem_shared>>
      %dma_wait3A_320 = arith.constant 0 : i32
      %dma_wait3A_321 = arith.constant 0 : i32
      %dma_wait3A_322 = tpu.memref_slice %arg11[%dma_wait3A_320, %dma_wait3A_321] : memref<128x16xf32, #tpu.memory_space<vmem>> -> memref<128x16xf32, #tpu.memory_space<vmem>>
      tpu.wait_dma2 semaphore(%run_scoped3A : memref<!tpu.dma_semaphore, #tpu.memory_space<semaphore_mem>>) src(%dma_wait3A_322 : memref<128x16xf32, #tpu.memory_space<vmem>>) dst(%dma_wait3A_319 : memref<128x16xf32, #tpu.memory_space<vmem_shared>>)
      tpu.yield
    }) : () -> ()
    %add3A_36 = arith.constant 640 : i32
    %add3A_37 = arith.addi %mul3A_16, %add3A_36 : i32
    %add3A_38 = arith.constant 640 : i32
    %add3A_39 = arith.addi %mul3A_16, %add3A_38 : i32
    "tpu.region"() ({
      %run_scoped3A = tpu.sem_alloc : memref<!tpu.dma_semaphore, #tpu.memory_space<semaphore_mem>>
      %dma_start3A = arith.constant 0 : i32
      %dma_start3A_305 = arith.constant 0 : i32
      %dma_start3A_306 = tpu.memref_slice %arg11[%dma_start3A, %dma_start3A_305] : memref<128x16xf32, #tpu.memory_space<vmem>> -> memref<8x16xf32, #tpu.memory_space<vmem>>
      %dma_start3A_307 = arith.constant 0 : i32
      %dma_start3A_308 = tpu.memref_slice %arg13[%add3A_39, %dma_start3A_307] : memref<10400x16xf32, #tpu.memory_space<vmem_shared>> -> memref<8x16xf32, #tpu.memory_space<vmem_shared>>
      %dma_start3A_309 = arith.constant 0 : i32
      %dma_start3A_310 = tpu.memref_slice %arg13[%add3A_39, %dma_start3A_309] : memref<10400x16xf32, #tpu.memory_space<vmem_shared>> -> memref<8x16xf32, #tpu.memory_space<vmem_shared>>
      %dma_start3A_311 = arith.constant 0 : i32
      %dma_start3A_312 = arith.constant 0 : i32
      %dma_start3A_313 = tpu.memref_slice %arg11[%dma_start3A_311, %dma_start3A_312] : memref<128x16xf32, #tpu.memory_space<vmem>> -> memref<8x16xf32, #tpu.memory_space<vmem>>
      tpu.enqueue_dma source(%dma_start3A_313 : memref<8x16xf32, #tpu.memory_space<vmem>>) target(%dma_start3A_310 : memref<8x16xf32, #tpu.memory_space<vmem_shared>>) target_semaphore(%run_scoped3A : memref<!tpu.dma_semaphore, #tpu.memory_space<semaphore_mem>>)
      %dma_wait3A = arith.constant 0 : i32
      %dma_wait3A_314 = arith.constant 0 : i32
      %dma_wait3A_315 = tpu.memref_slice %arg11[%dma_wait3A, %dma_wait3A_314] : memref<128x16xf32, #tpu.memory_space<vmem>> -> memref<8x16xf32, #tpu.memory_space<vmem>>
      %dma_wait3A_316 = arith.constant 0 : i32
      %dma_wait3A_317 = tpu.memref_slice %arg13[%add3A_39, %dma_wait3A_316] : memref<10400x16xf32, #tpu.memory_space<vmem_shared>> -> memref<8x16xf32, #tpu.memory_space<vmem_shared>>
      %dma_wait3A_318 = arith.constant 0 : i32
      %dma_wait3A_319 = tpu.memref_slice %arg13[%add3A_39, %dma_wait3A_318] : memref<10400x16xf32, #tpu.memory_space<vmem_shared>> -> memref<8x16xf32, #tpu.memory_space<vmem_shared>>
      %dma_wait3A_320 = arith.constant 0 : i32
      %dma_wait3A_321 = arith.constant 0 : i32
      %dma_wait3A_322 = tpu.memref_slice %arg11[%dma_wait3A_320, %dma_wait3A_321] : memref<128x16xf32, #tpu.memory_space<vmem>> -> memref<8x16xf32, #tpu.memory_space<vmem>>
      tpu.wait_dma2 semaphore(%run_scoped3A : memref<!tpu.dma_semaphore, #tpu.memory_space<semaphore_mem>>) src(%dma_wait3A_322 : memref<8x16xf32, #tpu.memory_space<vmem>>) dst(%dma_wait3A_319 : memref<8x16xf32, #tpu.memory_space<vmem_shared>>)
      tpu.yield
    }) : () -> ()
    %eq3A = arith.constant 15 : i32
    %eq3A_40 = arith.cmpi eq, %arg1, %eq3A : i32
    %convert_element_type3A = arith.extui %eq3A_40 : i1 to i32
    %cond3A = arith.constant 0 : i32
    %cond3A_41 = arith.cmpi ne, %convert_element_type3A, %cond3A : i32
    scf.if %cond3A_41 {
      "tpu.region"() ({
        %run_scoped3A = tpu.sem_alloc : memref<!tpu.dma_semaphore, #tpu.memory_space<semaphore_mem>>
        %dma_start3A = arith.constant 0 : i32
        %dma_start3A_305 = arith.constant 0 : i32
        %dma_start3A_306 = tpu.memref_slice %arg11[%dma_start3A, %dma_start3A_305] : memref<128x16xf32, #tpu.memory_space<vmem>> -> memref<32x16xf32, #tpu.memory_space<vmem>>
        %dma_start3A_307 = arith.constant 10368 : i32
        %dma_start3A_308 = arith.constant 0 : i32
        %dma_start3A_309 = tpu.memref_slice %arg13[%dma_start3A_307, %dma_start3A_308] : memref<10400x16xf32, #tpu.memory_space<vmem_shared>> -> memref<32x16xf32, #tpu.memory_space<vmem_shared>>
        %dma_start3A_310 = arith.constant 10368 : i32
        %dma_start3A_311 = arith.constant 0 : i32
        %dma_start3A_312 = tpu.memref_slice %arg13[%dma_start3A_310, %dma_start3A_311] : memref<10400x16xf32, #tpu.memory_space<vmem_shared>> -> memref<32x16xf32, #tpu.memory_space<vmem_shared>>
        %dma_start3A_313 = arith.constant 0 : i32
        %dma_start3A_314 = arith.constant 0 : i32
        %dma_start3A_315 = tpu.memref_slice %arg11[%dma_start3A_313, %dma_start3A_314] : memref<128x16xf32, #tpu.memory_space<vmem>> -> memref<32x16xf32, #tpu.memory_space<vmem>>
        tpu.enqueue_dma source(%dma_start3A_315 : memref<32x16xf32, #tpu.memory_space<vmem>>) target(%dma_start3A_312 : memref<32x16xf32, #tpu.memory_space<vmem_shared>>) target_semaphore(%run_scoped3A : memref<!tpu.dma_semaphore, #tpu.memory_space<semaphore_mem>>)
        %dma_wait3A = arith.constant 0 : i32
        %dma_wait3A_316 = arith.constant 0 : i32
        %dma_wait3A_317 = tpu.memref_slice %arg11[%dma_wait3A, %dma_wait3A_316] : memref<128x16xf32, #tpu.memory_space<vmem>> -> memref<32x16xf32, #tpu.memory_space<vmem>>
        %dma_wait3A_318 = arith.constant 10368 : i32
        %dma_wait3A_319 = arith.constant 0 : i32
        %dma_wait3A_320 = tpu.memref_slice %arg13[%dma_wait3A_318, %dma_wait3A_319] : memref<10400x16xf32, #tpu.memory_space<vmem_shared>> -> memref<32x16xf32, #tpu.memory_space<vmem_shared>>
        %dma_wait3A_321 = arith.constant 10368 : i32
        %dma_wait3A_322 = arith.constant 0 : i32
        %dma_wait3A_323 = tpu.memref_slice %arg13[%dma_wait3A_321, %dma_wait3A_322] : memref<10400x16xf32, #tpu.memory_space<vmem_shared>> -> memref<32x16xf32, #tpu.memory_space<vmem_shared>>
        %dma_wait3A_324 = arith.constant 0 : i32
        %dma_wait3A_325 = arith.constant 0 : i32
        %dma_wait3A_326 = tpu.memref_slice %arg11[%dma_wait3A_324, %dma_wait3A_325] : memref<128x16xf32, #tpu.memory_space<vmem>> -> memref<32x16xf32, #tpu.memory_space<vmem>>
        tpu.wait_dma2 semaphore(%run_scoped3A : memref<!tpu.dma_semaphore, #tpu.memory_space<semaphore_mem>>) src(%dma_wait3A_326 : memref<32x16xf32, #tpu.memory_space<vmem>>) dst(%dma_wait3A_323 : memref<32x16xf32, #tpu.memory_space<vmem_shared>>)
        tpu.yield
      }) : () -> ()
    } else {
    }
    %barrier3A = arith.constant 0 : index
    tpu.barrier barrier_id(%barrier3A)
    %scan3A_42 = arith.constant 0 : i32
    %scan3A_43 = arith.constant 80 : i32
    %scan3A_44 = arith.addi %scan3A_42, %scan3A_43 : i32
    %scan3A_45 = arith.constant 1 : i32
    scf.for %scan3A_305 = %scan3A_42 to %scan3A_44 step %scan3A_45  : i32 {
      %mul3A_306 = arith.constant 1 : i32
      %mul3A_307 = arith.muli %scan3A_305, %mul3A_306 : i32
      %add3A_308 = arith.constant 0 : i32
      %add3A_309 = arith.addi %add3A_308, %mul3A_307 : i32
      %eq3A_310 = arith.constant 0 : i32
      %eq3A_311 = arith.cmpi eq, %arg0, %eq3A_310 : i32
      %convert_element_type3A_312 = arith.extui %eq3A_311 : i1 to i32
      %cond3A_313 = arith.constant 0 : i32
      %cond3A_314 = arith.cmpi ne, %convert_element_type3A_312, %cond3A_313 : i32
      scf.if %cond3A_314 {
        "tpu.region"() ({
          %run_scoped3A = tpu.sem_alloc : memref<!tpu.dma_semaphore, #tpu.memory_space<semaphore_mem>>
          %dma_start3A = arith.constant 0 : i32
          %dma_start3A_320 = tpu.memref_slice %arg8[%add3A_309, %dma_start3A] : memref<80x128xi32, #tpu.memory_space<vmem>> -> memref<1x128xi32, #tpu.memory_space<vmem>>
          %dma_start3A_321 = tpu.memref_squeeze %dma_start3A_320 : memref<1x128xi32, #tpu.memory_space<vmem>> -> memref<128xi32, #tpu.memory_space<vmem>>
          %dma_start3A_322 = arith.constant 0 : i32
          %dma_start3A_323 = arith.constant 0 : i32
          %dma_start3A_324 = tpu.memref_slice %arg13[%dma_start3A_322, %dma_start3A_323] : memref<10400x16xf32, #tpu.memory_space<vmem_shared>> -> memref<10400x16xf32, #tpu.memory_space<vmem_shared>>
          tpu.enqueue_indirect_dma source(%arg10 : memref<128x16xf32, #tpu.memory_space<vmem>>) target(%dma_start3A_324 : memref<10400x16xf32, #tpu.memory_space<vmem_shared>>) offsets(%dma_start3A_321 : memref<128xi32, #tpu.memory_space<vmem>>) semaphore(%run_scoped3A : memref<!tpu.dma_semaphore, #tpu.memory_space<semaphore_mem>>) {add = true}
          %dma_wait3A = arith.constant 0 : i32
          %dma_wait3A_325 = tpu.memref_slice %arg8[%add3A_309, %dma_wait3A] : memref<80x128xi32, #tpu.memory_space<vmem>> -> memref<1x128xi32, #tpu.memory_space<vmem>>
          %dma_wait3A_326 = tpu.memref_squeeze %dma_wait3A_325 : memref<1x128xi32, #tpu.memory_space<vmem>> -> memref<128xi32, #tpu.memory_space<vmem>>
          %dma_wait3A_327 = arith.constant 0 : i32
          %dma_wait3A_328 = arith.constant 0 : i32
          %dma_wait3A_329 = tpu.memref_slice %arg13[%dma_wait3A_327, %dma_wait3A_328] : memref<10400x16xf32, #tpu.memory_space<vmem_shared>> -> memref<10400x16xf32, #tpu.memory_space<vmem_shared>>
          tpu.wait_indirect_dma semaphore(%run_scoped3A : memref<!tpu.dma_semaphore, #tpu.memory_space<semaphore_mem>>) src(%arg10 : memref<128x16xf32, #tpu.memory_space<vmem>>) dst(%dma_wait3A_329 : memref<10400x16xf32, #tpu.memory_space<vmem_shared>>)
          tpu.yield
        }) : () -> ()
      } else {
      }
      %eq3A_315 = arith.constant 1 : i32
      %eq3A_316 = arith.cmpi eq, %arg0, %eq3A_315 : i32
      %convert_element_type3A_317 = arith.extui %eq3A_316 : i1 to i32
      %cond3A_318 = arith.constant 0 : i32
      %cond3A_319 = arith.cmpi ne, %convert_element_type3A_317, %cond3A_318 : i32
      scf.if %cond3A_319 {
        "tpu.region"() ({
          %run_scoped3A = tpu.sem_alloc : memref<!tpu.dma_semaphore, #tpu.memory_space<semaphore_mem>>
          %dma_start3A = arith.constant 0 : i32
          %dma_start3A_320 = tpu.memref_slice %arg7[%add3A_309, %dma_start3A] : memref<80x128xi32, #tpu.memory_space<vmem>> -> memref<1x128xi32, #tpu.memory_space<vmem>>
          %dma_start3A_321 = tpu.memref_squeeze %dma_start3A_320 : memref<1x128xi32, #tpu.memory_space<vmem>> -> memref<128xi32, #tpu.memory_space<vmem>>
          %dma_start3A_322 = arith.constant 0 : i32
          %dma_start3A_323 = arith.constant 0 : i32
          %dma_start3A_324 = tpu.memref_slice %arg13[%dma_start3A_322, %dma_start3A_323] : memref<10400x16xf32, #tpu.memory_space<vmem_shared>> -> memref<10400x16xf32, #tpu.memory_space<vmem_shared>>
          tpu.enqueue_indirect_dma source(%arg10 : memref<128x16xf32, #tpu.memory_space<vmem>>) target(%dma_start3A_324 : memref<10400x16xf32, #tpu.memory_space<vmem_shared>>) offsets(%dma_start3A_321 : memref<128xi32, #tpu.memory_space<vmem>>) semaphore(%run_scoped3A : memref<!tpu.dma_semaphore, #tpu.memory_space<semaphore_mem>>) {add = true}
          %dma_wait3A = arith.constant 0 : i32
          %dma_wait3A_325 = tpu.memref_slice %arg7[%add3A_309, %dma_wait3A] : memref<80x128xi32, #tpu.memory_space<vmem>> -> memref<1x128xi32, #tpu.memory_space<vmem>>
          %dma_wait3A_326 = tpu.memref_squeeze %dma_wait3A_325 : memref<1x128xi32, #tpu.memory_space<vmem>> -> memref<128xi32, #tpu.memory_space<vmem>>
          %dma_wait3A_327 = arith.constant 0 : i32
          %dma_wait3A_328 = arith.constant 0 : i32
          %dma_wait3A_329 = tpu.memref_slice %arg13[%dma_wait3A_327, %dma_wait3A_328] : memref<10400x16xf32, #tpu.memory_space<vmem_shared>> -> memref<10400x16xf32, #tpu.memory_space<vmem_shared>>
          tpu.wait_indirect_dma semaphore(%run_scoped3A : memref<!tpu.dma_semaphore, #tpu.memory_space<semaphore_mem>>) src(%arg10 : memref<128x16xf32, #tpu.memory_space<vmem>>) dst(%dma_wait3A_329 : memref<10400x16xf32, #tpu.memory_space<vmem_shared>>)
          tpu.yield
        }) : () -> ()
      } else {
      }
    }
    %scan3A_46 = arith.constant 80 : i32
    %barrier3A_47 = arith.constant 0 : index
    tpu.barrier barrier_id(%barrier3A_47)
    %mul3A_48 = arith.constant 648 : i32
    %mul3A_49 = arith.muli %arg1, %mul3A_48 : i32
    %add3A_50 = arith.constant 0 : i32
    %add3A_51 = arith.addi %mul3A_49, %add3A_50 : i32
    %add3A_52 = arith.constant 0 : i32
    %add3A_53 = arith.addi %mul3A_49, %add3A_52 : i32
    %mul3A_54 = arith.constant 10400 : i32
    %mul3A_55 = arith.muli %arg0, %mul3A_54 : i32
    %add3A_56 = arith.addi %mul3A_55, %add3A_53 : i32
    "tpu.region"() ({
      %run_scoped3A = tpu.sem_alloc : memref<!tpu.dma_semaphore, #tpu.memory_space<semaphore_mem>>
      %dma_start3A = arith.constant 0 : i32
      %dma_start3A_305 = tpu.memref_slice %arg6[%add3A_56, %dma_start3A] : memref<20800x16xf32, #tpu.memory_space<hbm>> -> memref<128x16xf32, #tpu.memory_space<hbm>>
      %dma_start3A_306 = arith.constant 0 : i32
      %dma_start3A_307 = tpu.memref_slice %arg13[%add3A_51, %dma_start3A_306] : memref<10400x16xf32, #tpu.memory_space<vmem_shared>> -> memref<128x16xf32, #tpu.memory_space<vmem_shared>>
      tpu.enqueue_dma source(%dma_start3A_307 : memref<128x16xf32, #tpu.memory_space<vmem_shared>>) target(%dma_start3A_305 : memref<128x16xf32, #tpu.memory_space<hbm>>) target_semaphore(%run_scoped3A : memref<!tpu.dma_semaphore, #tpu.memory_space<semaphore_mem>>)
      %dma_wait3A = arith.constant 0 : i32
      %dma_wait3A_308 = tpu.memref_slice %arg6[%add3A_56, %dma_wait3A] : memref<20800x16xf32, #tpu.memory_space<hbm>> -> memref<128x16xf32, #tpu.memory_space<hbm>>
      %dma_wait3A_309 = arith.constant 0 : i32
      %dma_wait3A_310 = tpu.memref_slice %arg13[%add3A_51, %dma_wait3A_309] : memref<10400x16xf32, #tpu.memory_space<vmem_shared>> -> memref<128x16xf32, #tpu.memory_space<vmem_shared>>
      tpu.wait_dma2 semaphore(%run_scoped3A : memref<!tpu.dma_semaphore, #tpu.memory_space<semaphore_mem>>) src(%dma_wait3A_310 : memref<128x16xf32, #tpu.memory_space<vmem_shared>>) dst(%dma_wait3A_308 : memref<128x16xf32, #tpu.memory_space<hbm>>)
      tpu.yield
    }) : () -> ()
    %add3A_57 = arith.constant 128 : i32
    %add3A_58 = arith.addi %mul3A_49, %add3A_57 : i32
    %add3A_59 = arith.constant 128 : i32
    %add3A_60 = arith.addi %mul3A_49, %add3A_59 : i32
    %mul3A_61 = arith.constant 10400 : i32
    %mul3A_62 = arith.muli %arg0, %mul3A_61 : i32
    %add3A_63 = arith.addi %mul3A_62, %add3A_60 : i32
    "tpu.region"() ({
      %run_scoped3A = tpu.sem_alloc : memref<!tpu.dma_semaphore, #tpu.memory_space<semaphore_mem>>
      %dma_start3A = arith.constant 0 : i32
      %dma_start3A_305 = tpu.memref_slice %arg6[%add3A_63, %dma_start3A] : memref<20800x16xf32, #tpu.memory_space<hbm>> -> memref<128x16xf32, #tpu.memory_space<hbm>>
      %dma_start3A_306 = arith.constant 0 : i32
      %dma_start3A_307 = tpu.memref_slice %arg13[%add3A_58, %dma_start3A_306] : memref<10400x16xf32, #tpu.memory_space<vmem_shared>> -> memref<128x16xf32, #tpu.memory_space<vmem_shared>>
      tpu.enqueue_dma source(%dma_start3A_307 : memref<128x16xf32, #tpu.memory_space<vmem_shared>>) target(%dma_start3A_305 : memref<128x16xf32, #tpu.memory_space<hbm>>) target_semaphore(%run_scoped3A : memref<!tpu.dma_semaphore, #tpu.memory_space<semaphore_mem>>)
      %dma_wait3A = arith.constant 0 : i32
      %dma_wait3A_308 = tpu.memref_slice %arg6[%add3A_63, %dma_wait3A] : memref<20800x16xf32, #tpu.memory_space<hbm>> -> memref<128x16xf32, #tpu.memory_space<hbm>>
      %dma_wait3A_309 = arith.constant 0 : i32
      %dma_wait3A_310 = tpu.memref_slice %arg13[%add3A_58, %dma_wait3A_309] : memref<10400x16xf32, #tpu.memory_space<vmem_shared>> -> memref<128x16xf32, #tpu.memory_space<vmem_shared>>
      tpu.wait_dma2 semaphore(%run_scoped3A : memref<!tpu.dma_semaphore, #tpu.memory_space<semaphore_mem>>) src(%dma_wait3A_310 : memref<128x16xf32, #tpu.memory_space<vmem_shared>>) dst(%dma_wait3A_308 : memref<128x16xf32, #tpu.memory_space<hbm>>)
      tpu.yield
    }) : () -> ()
    %add3A_64 = arith.constant 256 : i32
    %add3A_65 = arith.addi %mul3A_49, %add3A_64 : i32
    %add3A_66 = arith.constant 256 : i32
    %add3A_67 = arith.addi %mul3A_49, %add3A_66 : i32
    %mul3A_68 = arith.constant 10400 : i32
    %mul3A_69 = arith.muli %arg0, %mul3A_68 : i32
    %add3A_70 = arith.addi %mul3A_69, %add3A_67 : i32
    "tpu.region"() ({
      %run_scoped3A = tpu.sem_alloc : memref<!tpu.dma_semaphore, #tpu.memory_space<semaphore_mem>>
      %dma_start3A = arith.constant 0 : i32
      %dma_start3A_305 = tpu.memref_slice %arg6[%add3A_70, %dma_start3A] : memref<20800x16xf32, #tpu.memory_space<hbm>> -> memref<128x16xf32, #tpu.memory_space<hbm>>
      %dma_start3A_306 = arith.constant 0 : i32
      %dma_start3A_307 = tpu.memref_slice %arg13[%add3A_65, %dma_start3A_306] : memref<10400x16xf32, #tpu.memory_space<vmem_shared>> -> memref<128x16xf32, #tpu.memory_space<vmem_shared>>
      tpu.enqueue_dma source(%dma_start3A_307 : memref<128x16xf32, #tpu.memory_space<vmem_shared>>) target(%dma_start3A_305 : memref<128x16xf32, #tpu.memory_space<hbm>>) target_semaphore(%run_scoped3A : memref<!tpu.dma_semaphore, #tpu.memory_space<semaphore_mem>>)
      %dma_wait3A = arith.constant 0 : i32
      %dma_wait3A_308 = tpu.memref_slice %arg6[%add3A_70, %dma_wait3A] : memref<20800x16xf32, #tpu.memory_space<hbm>> -> memref<128x16xf32, #tpu.memory_space<hbm>>
      %dma_wait3A_309 = arith.constant 0 : i32
      %dma_wait3A_310 = tpu.memref_slice %arg13[%add3A_65, %dma_wait3A_309] : memref<10400x16xf32, #tpu.memory_space<vmem_shared>> -> memref<128x16xf32, #tpu.memory_space<vmem_shared>>
      tpu.wait_dma2 semaphore(%run_scoped3A : memref<!tpu.dma_semaphore, #tpu.memory_space<semaphore_mem>>) src(%dma_wait3A_310 : memref<128x16xf32, #tpu.memory_space<vmem_shared>>) dst(%dma_wait3A_308 : memref<128x16xf32, #tpu.memory_space<hbm>>)
      tpu.yield
    }) : () -> ()
    %add3A_71 = arith.constant 384 : i32
    %add3A_72 = arith.addi %mul3A_49, %add3A_71 : i32
    %add3A_73 = arith.constant 384 : i32
    %add3A_74 = arith.addi %mul3A_49, %add3A_73 : i32
    %mul3A_75 = arith.constant 10400 : i32
    %mul3A_76 = arith.muli %arg0, %mul3A_75 : i32
    %add3A_77 = arith.addi %mul3A_76, %add3A_74 : i32
    "tpu.region"() ({
      %run_scoped3A = tpu.sem_alloc : memref<!tpu.dma_semaphore, #tpu.memory_space<semaphore_mem>>
      %dma_start3A = arith.constant 0 : i32
      %dma_start3A_305 = tpu.memref_slice %arg6[%add3A_77, %dma_start3A] : memref<20800x16xf32, #tpu.memory_space<hbm>> -> memref<128x16xf32, #tpu.memory_space<hbm>>
      %dma_start3A_306 = arith.constant 0 : i32
      %dma_start3A_307 = tpu.memref_slice %arg13[%add3A_72, %dma_start3A_306] : memref<10400x16xf32, #tpu.memory_space<vmem_shared>> -> memref<128x16xf32, #tpu.memory_space<vmem_shared>>
      tpu.enqueue_dma source(%dma_start3A_307 : memref<128x16xf32, #tpu.memory_space<vmem_shared>>) target(%dma_start3A_305 : memref<128x16xf32, #tpu.memory_space<hbm>>) target_semaphore(%run_scoped3A : memref<!tpu.dma_semaphore, #tpu.memory_space<semaphore_mem>>)
      %dma_wait3A = arith.constant 0 : i32
      %dma_wait3A_308 = tpu.memref_slice %arg6[%add3A_77, %dma_wait3A] : memref<20800x16xf32, #tpu.memory_space<hbm>> -> memref<128x16xf32, #tpu.memory_space<hbm>>
      %dma_wait3A_309 = arith.constant 0 : i32
      %dma_wait3A_310 = tpu.memref_slice %arg13[%add3A_72, %dma_wait3A_309] : memref<10400x16xf32, #tpu.memory_space<vmem_shared>> -> memref<128x16xf32, #tpu.memory_space<vmem_shared>>
      tpu.wait_dma2 semaphore(%run_scoped3A : memref<!tpu.dma_semaphore, #tpu.memory_space<semaphore_mem>>) src(%dma_wait3A_310 : memref<128x16xf32, #tpu.memory_space<vmem_shared>>) dst(%dma_wait3A_308 : memref<128x16xf32, #tpu.memory_space<hbm>>)
      tpu.yield
    }) : () -> ()
    %add3A_78 = arith.constant 512 : i32
    %add3A_79 = arith.addi %mul3A_49, %add3A_78 : i32
    %add3A_80 = arith.constant 512 : i32
    %add3A_81 = arith.addi %mul3A_49, %add3A_80 : i32
    %mul3A_82 = arith.constant 10400 : i32
    %mul3A_83 = arith.muli %arg0, %mul3A_82 : i32
    %add3A_84 = arith.addi %mul3A_83, %add3A_81 : i32
    "tpu.region"() ({
      %run_scoped3A = tpu.sem_alloc : memref<!tpu.dma_semaphore, #tpu.memory_space<semaphore_mem>>
      %dma_start3A = arith.constant 0 : i32
      %dma_start3A_305 = tpu.memref_slice %arg6[%add3A_84, %dma_start3A] : memref<20800x16xf32, #tpu.memory_space<hbm>> -> memref<128x16xf32, #tpu.memory_space<hbm>>
      %dma_start3A_306 = arith.constant 0 : i32
      %dma_start3A_307 = tpu.memref_slice %arg13[%add3A_79, %dma_start3A_306] : memref<10400x16xf32, #tpu.memory_space<vmem_shared>> -> memref<128x16xf32, #tpu.memory_space<vmem_shared>>
      tpu.enqueue_dma source(%dma_start3A_307 : memref<128x16xf32, #tpu.memory_space<vmem_shared>>) target(%dma_start3A_305 : memref<128x16xf32, #tpu.memory_space<hbm>>) target_semaphore(%run_scoped3A : memref<!tpu.dma_semaphore, #tpu.memory_space<semaphore_mem>>)
      %dma_wait3A = arith.constant 0 : i32
      %dma_wait3A_308 = tpu.memref_slice %arg6[%add3A_84, %dma_wait3A] : memref<20800x16xf32, #tpu.memory_space<hbm>> -> memref<128x16xf32, #tpu.memory_space<hbm>>
      %dma_wait3A_309 = arith.constant 0 : i32
      %dma_wait3A_310 = tpu.memref_slice %arg13[%add3A_79, %dma_wait3A_309] : memref<10400x16xf32, #tpu.memory_space<vmem_shared>> -> memref<128x16xf32, #tpu.memory_space<vmem_shared>>
      tpu.wait_dma2 semaphore(%run_scoped3A : memref<!tpu.dma_semaphore, #tpu.memory_space<semaphore_mem>>) src(%dma_wait3A_310 : memref<128x16xf32, #tpu.memory_space<vmem_shared>>) dst(%dma_wait3A_308 : memref<128x16xf32, #tpu.memory_space<hbm>>)
      tpu.yield
    }) : () -> ()
    %add3A_85 = arith.constant 640 : i32
    %add3A_86 = arith.addi %mul3A_49, %add3A_85 : i32
    %add3A_87 = arith.constant 640 : i32
    %add3A_88 = arith.addi %mul3A_49, %add3A_87 : i32
    %mul3A_89 = arith.constant 10400 : i32
    %mul3A_90 = arith.muli %arg0, %mul3A_89 : i32
    %add3A_91 = arith.addi %mul3A_90, %add3A_88 : i32
    "tpu.region"() ({
      %run_scoped3A = tpu.sem_alloc : memref<!tpu.dma_semaphore, #tpu.memory_space<semaphore_mem>>
      %dma_start3A = arith.constant 0 : i32
      %dma_start3A_305 = tpu.memref_slice %arg6[%add3A_91, %dma_start3A] : memref<20800x16xf32, #tpu.memory_space<hbm>> -> memref<8x16xf32, #tpu.memory_space<hbm>>
      %dma_start3A_306 = arith.constant 0 : i32
      %dma_start3A_307 = tpu.memref_slice %arg13[%add3A_86, %dma_start3A_306] : memref<10400x16xf32, #tpu.memory_space<vmem_shared>> -> memref<8x16xf32, #tpu.memory_space<vmem_shared>>
      tpu.enqueue_dma source(%dma_start3A_307 : memref<8x16xf32, #tpu.memory_space<vmem_shared>>) target(%dma_start3A_305 : memref<8x16xf32, #tpu.memory_space<hbm>>) target_semaphore(%run_scoped3A : memref<!tpu.dma_semaphore, #tpu.memory_space<semaphore_mem>>)
      %dma_wait3A = arith.constant 0 : i32
      %dma_wait3A_308 = tpu.memref_slice %arg6[%add3A_91, %dma_wait3A] : memref<20800x16xf32, #tpu.memory_space<hbm>> -> memref<8x16xf32, #tpu.memory_space<hbm>>
      %dma_wait3A_309 = arith.constant 0 : i32
      %dma_wait3A_310 = tpu.memref_slice %arg13[%add3A_86, %dma_wait3A_309] : memref<10400x16xf32, #tpu.memory_space<vmem_shared>> -> memref<8x16xf32, #tpu.memory_space<vmem_shared>>
      tpu.wait_dma2 semaphore(%run_scoped3A : memref<!tpu.dma_semaphore, #tpu.memory_space<semaphore_mem>>) src(%dma_wait3A_310 : memref<8x16xf32, #tpu.memory_space<vmem_shared>>) dst(%dma_wait3A_308 : memref<8x16xf32, #tpu.memory_space<hbm>>)
      tpu.yield
    }) : () -> ()
    %eq3A_92 = arith.constant 15 : i32
    %eq3A_93 = arith.cmpi eq, %arg1, %eq3A_92 : i32
    %convert_element_type3A_94 = arith.extui %eq3A_93 : i1 to i32
    %cond3A_95 = arith.constant 0 : i32
    %cond3A_96 = arith.cmpi ne, %convert_element_type3A_94, %cond3A_95 : i32
    scf.if %cond3A_96 {
      %mul3A_305 = arith.constant 10400 : i32
      %mul3A_306 = arith.muli %arg0, %mul3A_305 : i32
      %add3A_307 = arith.constant 10368 : i32
      %add3A_308 = arith.addi %mul3A_306, %add3A_307 : i32
      "tpu.region"() ({
        %run_scoped3A = tpu.sem_alloc : memref<!tpu.dma_semaphore, #tpu.memory_space<semaphore_mem>>
        %dma_start3A = arith.constant 0 : i32
        %dma_start3A_309 = tpu.memref_slice %arg6[%add3A_308, %dma_start3A] : memref<20800x16xf32, #tpu.memory_space<hbm>> -> memref<32x16xf32, #tpu.memory_space<hbm>>
        %dma_start3A_310 = arith.constant 10368 : i32
        %dma_start3A_311 = arith.constant 0 : i32
        %dma_start3A_312 = tpu.memref_slice %arg13[%dma_start3A_310, %dma_start3A_311] : memref<10400x16xf32, #tpu.memory_space<vmem_shared>> -> memref<32x16xf32, #tpu.memory_space<vmem_shared>>
        tpu.enqueue_dma source(%dma_start3A_312 : memref<32x16xf32, #tpu.memory_space<vmem_shared>>) target(%dma_start3A_309 : memref<32x16xf32, #tpu.memory_space<hbm>>) target_semaphore(%run_scoped3A : memref<!tpu.dma_semaphore, #tpu.memory_space<semaphore_mem>>)
        %dma_wait3A = arith.constant 0 : i32
        %dma_wait3A_313 = tpu.memref_slice %arg6[%add3A_308, %dma_wait3A] : memref<20800x16xf32, #tpu.memory_space<hbm>> -> memref<32x16xf32, #tpu.memory_space<hbm>>
        %dma_wait3A_314 = arith.constant 10368 : i32
        %dma_wait3A_315 = arith.constant 0 : i32
        %dma_wait3A_316 = tpu.memref_slice %arg13[%dma_wait3A_314, %dma_wait3A_315] : memref<10400x16xf32, #tpu.memory_space<vmem_shared>> -> memref<32x16xf32, #tpu.memory_space<vmem_shared>>
        tpu.wait_dma2 semaphore(%run_scoped3A : memref<!tpu.dma_semaphore, #tpu.memory_space<semaphore_mem>>) src(%dma_wait3A_316 : memref<32x16xf32, #tpu.memory_space<vmem_shared>>) dst(%dma_wait3A_313 : memref<32x16xf32, #tpu.memory_space<hbm>>)
        tpu.yield
      }) : () -> ()
    } else {
    }
    %mul3A_97 = arith.constant 2 : i32
    %mul3A_98 = arith.muli %mul3A_97, %arg0 : i32
    %mul3A_99 = arith.constant 10400 : i32
    %mul3A_100 = arith.muli %mul3A_98, %mul3A_99 : i32
    %scan3A_101 = arith.constant 0 : i32
    %scan3A_102 = arith.constant 80 : i32
    %scan3A_103 = arith.addi %scan3A_101, %scan3A_102 : i32
    %scan3A_104 = arith.constant 1 : i32
    scf.for %scan3A_305 = %scan3A_101 to %scan3A_103 step %scan3A_104  : i32 {
      %mul3A_306 = arith.constant 1 : i32
      %mul3A_307 = arith.muli %scan3A_305, %mul3A_306 : i32
      %add3A_308 = arith.constant 0 : i32
      %add3A_309 = arith.addi %add3A_308, %mul3A_307 : i32
      %get3A = arith.index_cast %add3A_309 : i32 to index
      %get3A_310 = arith.constant 0 : index
      %get3A_311 = tpu.vector_load %arg7[%get3A, %get3A_310] {strides = array<i32>} : memref<80x128xi32, #tpu.memory_space<vmem>>, vector<1x16xi32>,
      %get3A_312 = vector.shape_cast %get3A_311 : vector<1x16xi32> to vector<16xi32>
      %add3A_313 = vector.broadcast %mul3A_100 : i32 to vector<16xi32>
      %add3A_314 = arith.addi %get3A_312, %add3A_313 : vector<16xi32>
      %swap3A = arith.index_cast %add3A_309 : i32 to index
      %swap3A_315 = arith.constant 0 : index
      %swap3A_316 = tpu.vector_load %arg7[%swap3A, %swap3A_315] {strides = array<i32>} : memref<80x128xi32, #tpu.memory_space<vmem>>, vector<1x16xi32>,
      %swap3A_317 = vector.shape_cast %swap3A_316 : vector<1x16xi32> to vector<16xi32>
      %swap3A_318 = vector.shape_cast %add3A_314 : vector<16xi32> to vector<1x16xi32>
      tpu.vector_store %arg7[%swap3A, %swap3A_315], %swap3A_318 {strides = array<i32>} : memref<80x128xi32, #tpu.memory_space<vmem>>, vector<1x16xi32>,
      %get3A_319 = arith.index_cast %add3A_309 : i32 to index
      %get3A_320 = arith.constant 16 : index
      %get3A_321 = tpu.vector_load %arg7[%get3A_319, %get3A_320] {strides = array<i32>} : memref<80x128xi32, #tpu.memory_space<vmem>>, vector<1x16xi32>,
      %get3A_322 = vector.shape_cast %get3A_321 : vector<1x16xi32> to vector<16xi32>
      %add3A_323 = vector.broadcast %mul3A_100 : i32 to vector<16xi32>
      %add3A_324 = arith.addi %get3A_322, %add3A_323 : vector<16xi32>
      %swap3A_325 = arith.index_cast %add3A_309 : i32 to index
      %swap3A_326 = arith.constant 16 : index
      %swap3A_327 = tpu.vector_load %arg7[%swap3A_325, %swap3A_326] {strides = array<i32>} : memref<80x128xi32, #tpu.memory_space<vmem>>, vector<1x16xi32>,
      %swap3A_328 = vector.shape_cast %swap3A_327 : vector<1x16xi32> to vector<16xi32>
      %swap3A_329 = vector.shape_cast %add3A_324 : vector<16xi32> to vector<1x16xi32>
      tpu.vector_store %arg7[%swap3A_325, %swap3A_326], %swap3A_329 {strides = array<i32>} : memref<80x128xi32, #tpu.memory_space<vmem>>, vector<1x16xi32>,
      %get3A_330 = arith.index_cast %add3A_309 : i32 to index
      %get3A_331 = arith.constant 32 : index
      %get3A_332 = tpu.vector_load %arg7[%get3A_330, %get3A_331] {strides = array<i32>} : memref<80x128xi32, #tpu.memory_space<vmem>>, vector<1x16xi32>,
      %get3A_333 = vector.shape_cast %get3A_332 : vector<1x16xi32> to vector<16xi32>
      %add3A_334 = vector.broadcast %mul3A_100 : i32 to vector<16xi32>
      %add3A_335 = arith.addi %get3A_333, %add3A_334 : vector<16xi32>
      %swap3A_336 = arith.index_cast %add3A_309 : i32 to index
      %swap3A_337 = arith.constant 32 : index
      %swap3A_338 = tpu.vector_load %arg7[%swap3A_336, %swap3A_337] {strides = array<i32>} : memref<80x128xi32, #tpu.memory_space<vmem>>, vector<1x16xi32>,
      %swap3A_339 = vector.shape_cast %swap3A_338 : vector<1x16xi32> to vector<16xi32>
      %swap3A_340 = vector.shape_cast %add3A_335 : vector<16xi32> to vector<1x16xi32>
      tpu.vector_store %arg7[%swap3A_336, %swap3A_337], %swap3A_340 {strides = array<i32>} : memref<80x128xi32, #tpu.memory_space<vmem>>, vector<1x16xi32>,
      %get3A_341 = arith.index_cast %add3A_309 : i32 to index
      %get3A_342 = arith.constant 48 : index
      %get3A_343 = tpu.vector_load %arg7[%get3A_341, %get3A_342] {strides = array<i32>} : memref<80x128xi32, #tpu.memory_space<vmem>>, vector<1x16xi32>,
      %get3A_344 = vector.shape_cast %get3A_343 : vector<1x16xi32> to vector<16xi32>
      %add3A_345 = vector.broadcast %mul3A_100 : i32 to vector<16xi32>
      %add3A_346 = arith.addi %get3A_344, %add3A_345 : vector<16xi32>
      %swap3A_347 = arith.index_cast %add3A_309 : i32 to index
      %swap3A_348 = arith.constant 48 : index
      %swap3A_349 = tpu.vector_load %arg7[%swap3A_347, %swap3A_348] {strides = array<i32>} : memref<80x128xi32, #tpu.memory_space<vmem>>, vector<1x16xi32>,
      %swap3A_350 = vector.shape_cast %swap3A_349 : vector<1x16xi32> to vector<16xi32>
      %swap3A_351 = vector.shape_cast %add3A_346 : vector<16xi32> to vector<1x16xi32>
      tpu.vector_store %arg7[%swap3A_347, %swap3A_348], %swap3A_351 {strides = array<i32>} : memref<80x128xi32, #tpu.memory_space<vmem>>, vector<1x16xi32>,
      %get3A_352 = arith.index_cast %add3A_309 : i32 to index
      %get3A_353 = arith.constant 64 : index
      %get3A_354 = tpu.vector_load %arg7[%get3A_352, %get3A_353] {strides = array<i32>} : memref<80x128xi32, #tpu.memory_space<vmem>>, vector<1x16xi32>,
      %get3A_355 = vector.shape_cast %get3A_354 : vector<1x16xi32> to vector<16xi32>
      %add3A_356 = vector.broadcast %mul3A_100 : i32 to vector<16xi32>
      %add3A_357 = arith.addi %get3A_355, %add3A_356 : vector<16xi32>
      %swap3A_358 = arith.index_cast %add3A_309 : i32 to index
      %swap3A_359 = arith.constant 64 : index
      %swap3A_360 = tpu.vector_load %arg7[%swap3A_358, %swap3A_359] {strides = array<i32>} : memref<80x128xi32, #tpu.memory_space<vmem>>, vector<1x16xi32>,
      %swap3A_361 = vector.shape_cast %swap3A_360 : vector<1x16xi32> to vector<16xi32>
      %swap3A_362 = vector.shape_cast %add3A_357 : vector<16xi32> to vector<1x16xi32>
      tpu.vector_store %arg7[%swap3A_358, %swap3A_359], %swap3A_362 {strides = array<i32>} : memref<80x128xi32, #tpu.memory_space<vmem>>, vector<1x16xi32>,
      %get3A_363 = arith.index_cast %add3A_309 : i32 to index
      %get3A_364 = arith.constant 80 : index
      %get3A_365 = tpu.vector_load %arg7[%get3A_363, %get3A_364] {strides = array<i32>} : memref<80x128xi32, #tpu.memory_space<vmem>>, vector<1x16xi32>,
      %get3A_366 = vector.shape_cast %get3A_365 : vector<1x16xi32> to vector<16xi32>
      %add3A_367 = vector.broadcast %mul3A_100 : i32 to vector<16xi32>
      %add3A_368 = arith.addi %get3A_366, %add3A_367 : vector<16xi32>
      %swap3A_369 = arith.index_cast %add3A_309 : i32 to index
      %swap3A_370 = arith.constant 80 : index
      %swap3A_371 = tpu.vector_load %arg7[%swap3A_369, %swap3A_370] {strides = array<i32>} : memref<80x128xi32, #tpu.memory_space<vmem>>, vector<1x16xi32>,
      %swap3A_372 = vector.shape_cast %swap3A_371 : vector<1x16xi32> to vector<16xi32>
      %swap3A_373 = vector.shape_cast %add3A_368 : vector<16xi32> to vector<1x16xi32>
      tpu.vector_store %arg7[%swap3A_369, %swap3A_370], %swap3A_373 {strides = array<i32>} : memref<80x128xi32, #tpu.memory_space<vmem>>, vector<1x16xi32>,
      %get3A_374 = arith.index_cast %add3A_309 : i32 to index
      %get3A_375 = arith.constant 96 : index
      %get3A_376 = tpu.vector_load %arg7[%get3A_374, %get3A_375] {strides = array<i32>} : memref<80x128xi32, #tpu.memory_space<vmem>>, vector<1x16xi32>,
      %get3A_377 = vector.shape_cast %get3A_376 : vector<1x16xi32> to vector<16xi32>
      %add3A_378 = vector.broadcast %mul3A_100 : i32 to vector<16xi32>
      %add3A_379 = arith.addi %get3A_377, %add3A_378 : vector<16xi32>
      %swap3A_380 = arith.index_cast %add3A_309 : i32 to index
      %swap3A_381 = arith.constant 96 : index
      %swap3A_382 = tpu.vector_load %arg7[%swap3A_380, %swap3A_381] {strides = array<i32>} : memref<80x128xi32, #tpu.memory_space<vmem>>, vector<1x16xi32>,
      %swap3A_383 = vector.shape_cast %swap3A_382 : vector<1x16xi32> to vector<16xi32>
      %swap3A_384 = vector.shape_cast %add3A_379 : vector<16xi32> to vector<1x16xi32>
      tpu.vector_store %arg7[%swap3A_380, %swap3A_381], %swap3A_384 {strides = array<i32>} : memref<80x128xi32, #tpu.memory_space<vmem>>, vector<1x16xi32>,
      %get3A_385 = arith.index_cast %add3A_309 : i32 to index
      %get3A_386 = arith.constant 112 : index
      %get3A_387 = tpu.vector_load %arg7[%get3A_385, %get3A_386] {strides = array<i32>} : memref<80x128xi32, #tpu.memory_space<vmem>>, vector<1x16xi32>,
      %get3A_388 = vector.shape_cast %get3A_387 : vector<1x16xi32> to vector<16xi32>
      %add3A_389 = vector.broadcast %mul3A_100 : i32 to vector<16xi32>
      %add3A_390 = arith.addi %get3A_388, %add3A_389 : vector<16xi32>
      %swap3A_391 = arith.index_cast %add3A_309 : i32 to index
      %swap3A_392 = arith.constant 112 : index
      %swap3A_393 = tpu.vector_load %arg7[%swap3A_391, %swap3A_392] {strides = array<i32>} : memref<80x128xi32, #tpu.memory_space<vmem>>, vector<1x16xi32>,
      %swap3A_394 = vector.shape_cast %swap3A_393 : vector<1x16xi32> to vector<16xi32>
      %swap3A_395 = vector.shape_cast %add3A_390 : vector<16xi32> to vector<1x16xi32>
      tpu.vector_store %arg7[%swap3A_391, %swap3A_392], %swap3A_395 {strides = array<i32>} : memref<80x128xi32, #tpu.memory_space<vmem>>, vector<1x16xi32>,
    }
    %scan3A_105 = arith.constant 80 : i32
    %mul3A_106 = arith.constant 2 : i32
    %mul3A_107 = arith.muli %mul3A_106, %arg0 : i32
    %broadcast_in_dim3A_108 = arith.constant 0.000000e+00 : f32
    %broadcast_in_dim3A_109 = vector.broadcast %broadcast_in_dim3A_108 : f32 to vector<16xf32>
    %scan3A_110 = arith.constant 0 : i32
    %scan3A_111 = arith.constant 128 : i32
    %scan3A_112 = arith.addi %scan3A_110, %scan3A_111 : i32
    %scan3A_113 = arith.constant 1 : i32
    scf.for %scan3A_305 = %scan3A_110 to %scan3A_112 step %scan3A_113  : i32 {
      %mul3A_306 = arith.constant 1 : i32
      %mul3A_307 = arith.muli %scan3A_305, %mul3A_306 : i32
      %add3A_308 = arith.constant 0 : i32
      %add3A_309 = arith.addi %add3A_308, %mul3A_307 : i32
      %swap3A = arith.index_cast %add3A_309 : i32 to index
      %swap3A_310 = arith.constant 0 : index
      %swap3A_311 = tpu.vector_load %arg9[%swap3A, %swap3A_310] {strides = array<i32>} : memref<128x64xf32, #tpu.memory_space<vmem>>, vector<1x16xf32>,
      %swap3A_312 = vector.shape_cast %swap3A_311 : vector<1x16xf32> to vector<16xf32>
      %swap3A_313 = vector.shape_cast %broadcast_in_dim3A_109 : vector<16xf32> to vector<1x16xf32>
      tpu.vector_store %arg9[%swap3A, %swap3A_310], %swap3A_313 {strides = array<i32>} : memref<128x64xf32, #tpu.memory_space<vmem>>, vector<1x16xf32>,
      %swap3A_314 = arith.index_cast %add3A_309 : i32 to index
      %swap3A_315 = arith.constant 16 : index
      %swap3A_316 = tpu.vector_load %arg9[%swap3A_314, %swap3A_315] {strides = array<i32>} : memref<128x64xf32, #tpu.memory_space<vmem>>, vector<1x16xf32>,
      %swap3A_317 = vector.shape_cast %swap3A_316 : vector<1x16xf32> to vector<16xf32>
      %swap3A_318 = vector.shape_cast %broadcast_in_dim3A_109 : vector<16xf32> to vector<1x16xf32>
      tpu.vector_store %arg9[%swap3A_314, %swap3A_315], %swap3A_318 {strides = array<i32>} : memref<128x64xf32, #tpu.memory_space<vmem>>, vector<1x16xf32>,
      %swap3A_319 = arith.index_cast %add3A_309 : i32 to index
      %swap3A_320 = arith.constant 32 : index
      %swap3A_321 = tpu.vector_load %arg9[%swap3A_319, %swap3A_320] {strides = array<i32>} : memref<128x64xf32, #tpu.memory_space<vmem>>, vector<1x16xf32>,
      %swap3A_322 = vector.shape_cast %swap3A_321 : vector<1x16xf32> to vector<16xf32>
      %swap3A_323 = vector.shape_cast %broadcast_in_dim3A_109 : vector<16xf32> to vector<1x16xf32>
      tpu.vector_store %arg9[%swap3A_319, %swap3A_320], %swap3A_323 {strides = array<i32>} : memref<128x64xf32, #tpu.memory_space<vmem>>, vector<1x16xf32>,
      %swap3A_324 = arith.index_cast %add3A_309 : i32 to index
      %swap3A_325 = arith.constant 48 : index
      %swap3A_326 = tpu.vector_load %arg9[%swap3A_324, %swap3A_325] {strides = array<i32>} : memref<128x64xf32, #tpu.memory_space<vmem>>, vector<1x16xf32>,
      %swap3A_327 = vector.shape_cast %swap3A_326 : vector<1x16xf32> to vector<16xf32>
      %swap3A_328 = vector.shape_cast %broadcast_in_dim3A_109 : vector<16xf32> to vector<1x16xf32>
      tpu.vector_store %arg9[%swap3A_324, %swap3A_325], %swap3A_328 {strides = array<i32>} : memref<128x64xf32, #tpu.memory_space<vmem>>, vector<1x16xf32>,
    }
    %scan3A_114 = arith.constant 128 : i32
    %mul3A_115 = arith.constant 648 : i32
    %mul3A_116 = arith.muli %arg1, %mul3A_115 : i32
    %add3A_117 = arith.constant 0 : i32
    %add3A_118 = arith.addi %mul3A_116, %add3A_117 : i32
    %add3A_119 = arith.constant 0 : i32
    %add3A_120 = arith.addi %mul3A_116, %add3A_119 : i32
    "tpu.region"() ({
      %run_scoped3A = tpu.sem_alloc : memref<!tpu.dma_semaphore, #tpu.memory_space<semaphore_mem>>
      %dma_start3A = arith.constant 0 : i32
      %dma_start3A_305 = arith.constant 0 : i32
      %dma_start3A_306 = tpu.memref_slice %arg9[%dma_start3A, %dma_start3A_305] : memref<128x64xf32, #tpu.memory_space<vmem>> -> memref<128x64xf32, #tpu.memory_space<vmem>>
      %dma_start3A_307 = arith.constant 0 : i32
      %dma_start3A_308 = tpu.memref_slice %arg12[%add3A_120, %dma_start3A_307] : memref<10400x64xf32, #tpu.memory_space<vmem_shared>> -> memref<128x64xf32, #tpu.memory_space<vmem_shared>>
      %dma_start3A_309 = arith.constant 0 : i32
      %dma_start3A_310 = tpu.memref_slice %arg12[%add3A_120, %dma_start3A_309] : memref<10400x64xf32, #tpu.memory_space<vmem_shared>> -> memref<128x64xf32, #tpu.memory_space<vmem_shared>>
      %dma_start3A_311 = arith.constant 0 : i32
      %dma_start3A_312 = arith.constant 0 : i32
      %dma_start3A_313 = tpu.memref_slice %arg9[%dma_start3A_311, %dma_start3A_312] : memref<128x64xf32, #tpu.memory_space<vmem>> -> memref<128x64xf32, #tpu.memory_space<vmem>>
      tpu.enqueue_dma source(%dma_start3A_313 : memref<128x64xf32, #tpu.memory_space<vmem>>) target(%dma_start3A_310 : memref<128x64xf32, #tpu.memory_space<vmem_shared>>) target_semaphore(%run_scoped3A : memref<!tpu.dma_semaphore, #tpu.memory_space<semaphore_mem>>)
      %dma_wait3A = arith.constant 0 : i32
      %dma_wait3A_314 = arith.constant 0 : i32
      %dma_wait3A_315 = tpu.memref_slice %arg9[%dma_wait3A, %dma_wait3A_314] : memref<128x64xf32, #tpu.memory_space<vmem>> -> memref<128x64xf32, #tpu.memory_space<vmem>>
      %dma_wait3A_316 = arith.constant 0 : i32
      %dma_wait3A_317 = tpu.memref_slice %arg12[%add3A_120, %dma_wait3A_316] : memref<10400x64xf32, #tpu.memory_space<vmem_shared>> -> memref<128x64xf32, #tpu.memory_space<vmem_shared>>
      %dma_wait3A_318 = arith.constant 0 : i32
      %dma_wait3A_319 = tpu.memref_slice %arg12[%add3A_120, %dma_wait3A_318] : memref<10400x64xf32, #tpu.memory_space<vmem_shared>> -> memref<128x64xf32, #tpu.memory_space<vmem_shared>>
      %dma_wait3A_320 = arith.constant 0 : i32
      %dma_wait3A_321 = arith.constant 0 : i32
      %dma_wait3A_322 = tpu.memref_slice %arg9[%dma_wait3A_320, %dma_wait3A_321] : memref<128x64xf32, #tpu.memory_space<vmem>> -> memref<128x64xf32, #tpu.memory_space<vmem>>
      tpu.wait_dma2 semaphore(%run_scoped3A : memref<!tpu.dma_semaphore, #tpu.memory_space<semaphore_mem>>) src(%dma_wait3A_322 : memref<128x64xf32, #tpu.memory_space<vmem>>) dst(%dma_wait3A_319 : memref<128x64xf32, #tpu.memory_space<vmem_shared>>)
      tpu.yield
    }) : () -> ()
    %add3A_121 = arith.constant 128 : i32
    %add3A_122 = arith.addi %mul3A_116, %add3A_121 : i32
    %add3A_123 = arith.constant 128 : i32
    %add3A_124 = arith.addi %mul3A_116, %add3A_123 : i32
    "tpu.region"() ({
      %run_scoped3A = tpu.sem_alloc : memref<!tpu.dma_semaphore, #tpu.memory_space<semaphore_mem>>
      %dma_start3A = arith.constant 0 : i32
      %dma_start3A_305 = arith.constant 0 : i32
      %dma_start3A_306 = tpu.memref_slice %arg9[%dma_start3A, %dma_start3A_305] : memref<128x64xf32, #tpu.memory_space<vmem>> -> memref<128x64xf32, #tpu.memory_space<vmem>>
      %dma_start3A_307 = arith.constant 0 : i32
      %dma_start3A_308 = tpu.memref_slice %arg12[%add3A_124, %dma_start3A_307] : memref<10400x64xf32, #tpu.memory_space<vmem_shared>> -> memref<128x64xf32, #tpu.memory_space<vmem_shared>>
      %dma_start3A_309 = arith.constant 0 : i32
      %dma_start3A_310 = tpu.memref_slice %arg12[%add3A_124, %dma_start3A_309] : memref<10400x64xf32, #tpu.memory_space<vmem_shared>> -> memref<128x64xf32, #tpu.memory_space<vmem_shared>>
      %dma_start3A_311 = arith.constant 0 : i32
      %dma_start3A_312 = arith.constant 0 : i32
      %dma_start3A_313 = tpu.memref_slice %arg9[%dma_start3A_311, %dma_start3A_312] : memref<128x64xf32, #tpu.memory_space<vmem>> -> memref<128x64xf32, #tpu.memory_space<vmem>>
      tpu.enqueue_dma source(%dma_start3A_313 : memref<128x64xf32, #tpu.memory_space<vmem>>) target(%dma_start3A_310 : memref<128x64xf32, #tpu.memory_space<vmem_shared>>) target_semaphore(%run_scoped3A : memref<!tpu.dma_semaphore, #tpu.memory_space<semaphore_mem>>)
      %dma_wait3A = arith.constant 0 : i32
      %dma_wait3A_314 = arith.constant 0 : i32
      %dma_wait3A_315 = tpu.memref_slice %arg9[%dma_wait3A, %dma_wait3A_314] : memref<128x64xf32, #tpu.memory_space<vmem>> -> memref<128x64xf32, #tpu.memory_space<vmem>>
      %dma_wait3A_316 = arith.constant 0 : i32
      %dma_wait3A_317 = tpu.memref_slice %arg12[%add3A_124, %dma_wait3A_316] : memref<10400x64xf32, #tpu.memory_space<vmem_shared>> -> memref<128x64xf32, #tpu.memory_space<vmem_shared>>
      %dma_wait3A_318 = arith.constant 0 : i32
      %dma_wait3A_319 = tpu.memref_slice %arg12[%add3A_124, %dma_wait3A_318] : memref<10400x64xf32, #tpu.memory_space<vmem_shared>> -> memref<128x64xf32, #tpu.memory_space<vmem_shared>>
      %dma_wait3A_320 = arith.constant 0 : i32
      %dma_wait3A_321 = arith.constant 0 : i32
      %dma_wait3A_322 = tpu.memref_slice %arg9[%dma_wait3A_320, %dma_wait3A_321] : memref<128x64xf32, #tpu.memory_space<vmem>> -> memref<128x64xf32, #tpu.memory_space<vmem>>
      tpu.wait_dma2 semaphore(%run_scoped3A : memref<!tpu.dma_semaphore, #tpu.memory_space<semaphore_mem>>) src(%dma_wait3A_322 : memref<128x64xf32, #tpu.memory_space<vmem>>) dst(%dma_wait3A_319 : memref<128x64xf32, #tpu.memory_space<vmem_shared>>)
      tpu.yield
    }) : () -> ()
    %add3A_125 = arith.constant 256 : i32
    %add3A_126 = arith.addi %mul3A_116, %add3A_125 : i32
    %add3A_127 = arith.constant 256 : i32
    %add3A_128 = arith.addi %mul3A_116, %add3A_127 : i32
    "tpu.region"() ({
      %run_scoped3A = tpu.sem_alloc : memref<!tpu.dma_semaphore, #tpu.memory_space<semaphore_mem>>
      %dma_start3A = arith.constant 0 : i32
      %dma_start3A_305 = arith.constant 0 : i32
      %dma_start3A_306 = tpu.memref_slice %arg9[%dma_start3A, %dma_start3A_305] : memref<128x64xf32, #tpu.memory_space<vmem>> -> memref<128x64xf32, #tpu.memory_space<vmem>>
      %dma_start3A_307 = arith.constant 0 : i32
      %dma_start3A_308 = tpu.memref_slice %arg12[%add3A_128, %dma_start3A_307] : memref<10400x64xf32, #tpu.memory_space<vmem_shared>> -> memref<128x64xf32, #tpu.memory_space<vmem_shared>>
      %dma_start3A_309 = arith.constant 0 : i32
      %dma_start3A_310 = tpu.memref_slice %arg12[%add3A_128, %dma_start3A_309] : memref<10400x64xf32, #tpu.memory_space<vmem_shared>> -> memref<128x64xf32, #tpu.memory_space<vmem_shared>>
      %dma_start3A_311 = arith.constant 0 : i32
      %dma_start3A_312 = arith.constant 0 : i32
      %dma_start3A_313 = tpu.memref_slice %arg9[%dma_start3A_311, %dma_start3A_312] : memref<128x64xf32, #tpu.memory_space<vmem>> -> memref<128x64xf32, #tpu.memory_space<vmem>>
      tpu.enqueue_dma source(%dma_start3A_313 : memref<128x64xf32, #tpu.memory_space<vmem>>) target(%dma_start3A_310 : memref<128x64xf32, #tpu.memory_space<vmem_shared>>) target_semaphore(%run_scoped3A : memref<!tpu.dma_semaphore, #tpu.memory_space<semaphore_mem>>)
      %dma_wait3A = arith.constant 0 : i32
      %dma_wait3A_314 = arith.constant 0 : i32
      %dma_wait3A_315 = tpu.memref_slice %arg9[%dma_wait3A, %dma_wait3A_314] : memref<128x64xf32, #tpu.memory_space<vmem>> -> memref<128x64xf32, #tpu.memory_space<vmem>>
      %dma_wait3A_316 = arith.constant 0 : i32
      %dma_wait3A_317 = tpu.memref_slice %arg12[%add3A_128, %dma_wait3A_316] : memref<10400x64xf32, #tpu.memory_space<vmem_shared>> -> memref<128x64xf32, #tpu.memory_space<vmem_shared>>
      %dma_wait3A_318 = arith.constant 0 : i32
      %dma_wait3A_319 = tpu.memref_slice %arg12[%add3A_128, %dma_wait3A_318] : memref<10400x64xf32, #tpu.memory_space<vmem_shared>> -> memref<128x64xf32, #tpu.memory_space<vmem_shared>>
      %dma_wait3A_320 = arith.constant 0 : i32
      %dma_wait3A_321 = arith.constant 0 : i32
      %dma_wait3A_322 = tpu.memref_slice %arg9[%dma_wait3A_320, %dma_wait3A_321] : memref<128x64xf32, #tpu.memory_space<vmem>> -> memref<128x64xf32, #tpu.memory_space<vmem>>
      tpu.wait_dma2 semaphore(%run_scoped3A : memref<!tpu.dma_semaphore, #tpu.memory_space<semaphore_mem>>) src(%dma_wait3A_322 : memref<128x64xf32, #tpu.memory_space<vmem>>) dst(%dma_wait3A_319 : memref<128x64xf32, #tpu.memory_space<vmem_shared>>)
      tpu.yield
    }) : () -> ()
    %add3A_129 = arith.constant 384 : i32
    %add3A_130 = arith.addi %mul3A_116, %add3A_129 : i32
    %add3A_131 = arith.constant 384 : i32
    %add3A_132 = arith.addi %mul3A_116, %add3A_131 : i32
    "tpu.region"() ({
      %run_scoped3A = tpu.sem_alloc : memref<!tpu.dma_semaphore, #tpu.memory_space<semaphore_mem>>
      %dma_start3A = arith.constant 0 : i32
      %dma_start3A_305 = arith.constant 0 : i32
      %dma_start3A_306 = tpu.memref_slice %arg9[%dma_start3A, %dma_start3A_305] : memref<128x64xf32, #tpu.memory_space<vmem>> -> memref<128x64xf32, #tpu.memory_space<vmem>>
      %dma_start3A_307 = arith.constant 0 : i32
      %dma_start3A_308 = tpu.memref_slice %arg12[%add3A_132, %dma_start3A_307] : memref<10400x64xf32, #tpu.memory_space<vmem_shared>> -> memref<128x64xf32, #tpu.memory_space<vmem_shared>>
      %dma_start3A_309 = arith.constant 0 : i32
      %dma_start3A_310 = tpu.memref_slice %arg12[%add3A_132, %dma_start3A_309] : memref<10400x64xf32, #tpu.memory_space<vmem_shared>> -> memref<128x64xf32, #tpu.memory_space<vmem_shared>>
      %dma_start3A_311 = arith.constant 0 : i32
      %dma_start3A_312 = arith.constant 0 : i32
      %dma_start3A_313 = tpu.memref_slice %arg9[%dma_start3A_311, %dma_start3A_312] : memref<128x64xf32, #tpu.memory_space<vmem>> -> memref<128x64xf32, #tpu.memory_space<vmem>>
      tpu.enqueue_dma source(%dma_start3A_313 : memref<128x64xf32, #tpu.memory_space<vmem>>) target(%dma_start3A_310 : memref<128x64xf32, #tpu.memory_space<vmem_shared>>) target_semaphore(%run_scoped3A : memref<!tpu.dma_semaphore, #tpu.memory_space<semaphore_mem>>)
      %dma_wait3A = arith.constant 0 : i32
      %dma_wait3A_314 = arith.constant 0 : i32
      %dma_wait3A_315 = tpu.memref_slice %arg9[%dma_wait3A, %dma_wait3A_314] : memref<128x64xf32, #tpu.memory_space<vmem>> -> memref<128x64xf32, #tpu.memory_space<vmem>>
      %dma_wait3A_316 = arith.constant 0 : i32
      %dma_wait3A_317 = tpu.memref_slice %arg12[%add3A_132, %dma_wait3A_316] : memref<10400x64xf32, #tpu.memory_space<vmem_shared>> -> memref<128x64xf32, #tpu.memory_space<vmem_shared>>
      %dma_wait3A_318 = arith.constant 0 : i32
      %dma_wait3A_319 = tpu.memref_slice %arg12[%add3A_132, %dma_wait3A_318] : memref<10400x64xf32, #tpu.memory_space<vmem_shared>> -> memref<128x64xf32, #tpu.memory_space<vmem_shared>>
      %dma_wait3A_320 = arith.constant 0 : i32
      %dma_wait3A_321 = arith.constant 0 : i32
      %dma_wait3A_322 = tpu.memref_slice %arg9[%dma_wait3A_320, %dma_wait3A_321] : memref<128x64xf32, #tpu.memory_space<vmem>> -> memref<128x64xf32, #tpu.memory_space<vmem>>
      tpu.wait_dma2 semaphore(%run_scoped3A : memref<!tpu.dma_semaphore, #tpu.memory_space<semaphore_mem>>) src(%dma_wait3A_322 : memref<128x64xf32, #tpu.memory_space<vmem>>) dst(%dma_wait3A_319 : memref<128x64xf32, #tpu.memory_space<vmem_shared>>)
      tpu.yield
    }) : () -> ()
    %add3A_133 = arith.constant 512 : i32
    %add3A_134 = arith.addi %mul3A_116, %add3A_133 : i32
    %add3A_135 = arith.constant 512 : i32
    %add3A_136 = arith.addi %mul3A_116, %add3A_135 : i32
    "tpu.region"() ({
      %run_scoped3A = tpu.sem_alloc : memref<!tpu.dma_semaphore, #tpu.memory_space<semaphore_mem>>
      %dma_start3A = arith.constant 0 : i32
      %dma_start3A_305 = arith.constant 0 : i32
      %dma_start3A_306 = tpu.memref_slice %arg9[%dma_start3A, %dma_start3A_305] : memref<128x64xf32, #tpu.memory_space<vmem>> -> memref<128x64xf32, #tpu.memory_space<vmem>>
      %dma_start3A_307 = arith.constant 0 : i32
      %dma_start3A_308 = tpu.memref_slice %arg12[%add3A_136, %dma_start3A_307] : memref<10400x64xf32, #tpu.memory_space<vmem_shared>> -> memref<128x64xf32, #tpu.memory_space<vmem_shared>>
      %dma_start3A_309 = arith.constant 0 : i32
      %dma_start3A_310 = tpu.memref_slice %arg12[%add3A_136, %dma_start3A_309] : memref<10400x64xf32, #tpu.memory_space<vmem_shared>> -> memref<128x64xf32, #tpu.memory_space<vmem_shared>>
      %dma_start3A_311 = arith.constant 0 : i32
      %dma_start3A_312 = arith.constant 0 : i32
      %dma_start3A_313 = tpu.memref_slice %arg9[%dma_start3A_311, %dma_start3A_312] : memref<128x64xf32, #tpu.memory_space<vmem>> -> memref<128x64xf32, #tpu.memory_space<vmem>>
      tpu.enqueue_dma source(%dma_start3A_313 : memref<128x64xf32, #tpu.memory_space<vmem>>) target(%dma_start3A_310 : memref<128x64xf32, #tpu.memory_space<vmem_shared>>) target_semaphore(%run_scoped3A : memref<!tpu.dma_semaphore, #tpu.memory_space<semaphore_mem>>)
      %dma_wait3A = arith.constant 0 : i32
      %dma_wait3A_314 = arith.constant 0 : i32
      %dma_wait3A_315 = tpu.memref_slice %arg9[%dma_wait3A, %dma_wait3A_314] : memref<128x64xf32, #tpu.memory_space<vmem>> -> memref<128x64xf32, #tpu.memory_space<vmem>>
      %dma_wait3A_316 = arith.constant 0 : i32
      %dma_wait3A_317 = tpu.memref_slice %arg12[%add3A_136, %dma_wait3A_316] : memref<10400x64xf32, #tpu.memory_space<vmem_shared>> -> memref<128x64xf32, #tpu.memory_space<vmem_shared>>
      %dma_wait3A_318 = arith.constant 0 : i32
      %dma_wait3A_319 = tpu.memref_slice %arg12[%add3A_136, %dma_wait3A_318] : memref<10400x64xf32, #tpu.memory_space<vmem_shared>> -> memref<128x64xf32, #tpu.memory_space<vmem_shared>>
      %dma_wait3A_320 = arith.constant 0 : i32
      %dma_wait3A_321 = arith.constant 0 : i32
      %dma_wait3A_322 = tpu.memref_slice %arg9[%dma_wait3A_320, %dma_wait3A_321] : memref<128x64xf32, #tpu.memory_space<vmem>> -> memref<128x64xf32, #tpu.memory_space<vmem>>
      tpu.wait_dma2 semaphore(%run_scoped3A : memref<!tpu.dma_semaphore, #tpu.memory_space<semaphore_mem>>) src(%dma_wait3A_322 : memref<128x64xf32, #tpu.memory_space<vmem>>) dst(%dma_wait3A_319 : memref<128x64xf32, #tpu.memory_space<vmem_shared>>)
      tpu.yield
    }) : () -> ()
    %add3A_137 = arith.constant 640 : i32
    %add3A_138 = arith.addi %mul3A_116, %add3A_137 : i32
    %add3A_139 = arith.constant 640 : i32
    %add3A_140 = arith.addi %mul3A_116, %add3A_139 : i32
    "tpu.region"() ({
      %run_scoped3A = tpu.sem_alloc : memref<!tpu.dma_semaphore, #tpu.memory_space<semaphore_mem>>
      %dma_start3A = arith.constant 0 : i32
      %dma_start3A_305 = arith.constant 0 : i32
      %dma_start3A_306 = tpu.memref_slice %arg9[%dma_start3A, %dma_start3A_305] : memref<128x64xf32, #tpu.memory_space<vmem>> -> memref<8x64xf32, #tpu.memory_space<vmem>>
      %dma_start3A_307 = arith.constant 0 : i32
      %dma_start3A_308 = tpu.memref_slice %arg12[%add3A_140, %dma_start3A_307] : memref<10400x64xf32, #tpu.memory_space<vmem_shared>> -> memref<8x64xf32, #tpu.memory_space<vmem_shared>>
      %dma_start3A_309 = arith.constant 0 : i32
      %dma_start3A_310 = tpu.memref_slice %arg12[%add3A_140, %dma_start3A_309] : memref<10400x64xf32, #tpu.memory_space<vmem_shared>> -> memref<8x64xf32, #tpu.memory_space<vmem_shared>>
      %dma_start3A_311 = arith.constant 0 : i32
      %dma_start3A_312 = arith.constant 0 : i32
      %dma_start3A_313 = tpu.memref_slice %arg9[%dma_start3A_311, %dma_start3A_312] : memref<128x64xf32, #tpu.memory_space<vmem>> -> memref<8x64xf32, #tpu.memory_space<vmem>>
      tpu.enqueue_dma source(%dma_start3A_313 : memref<8x64xf32, #tpu.memory_space<vmem>>) target(%dma_start3A_310 : memref<8x64xf32, #tpu.memory_space<vmem_shared>>) target_semaphore(%run_scoped3A : memref<!tpu.dma_semaphore, #tpu.memory_space<semaphore_mem>>)
      %dma_wait3A = arith.constant 0 : i32
      %dma_wait3A_314 = arith.constant 0 : i32
      %dma_wait3A_315 = tpu.memref_slice %arg9[%dma_wait3A, %dma_wait3A_314] : memref<128x64xf32, #tpu.memory_space<vmem>> -> memref<8x64xf32, #tpu.memory_space<vmem>>
      %dma_wait3A_316 = arith.constant 0 : i32
      %dma_wait3A_317 = tpu.memref_slice %arg12[%add3A_140, %dma_wait3A_316] : memref<10400x64xf32, #tpu.memory_space<vmem_shared>> -> memref<8x64xf32, #tpu.memory_space<vmem_shared>>
      %dma_wait3A_318 = arith.constant 0 : i32
      %dma_wait3A_319 = tpu.memref_slice %arg12[%add3A_140, %dma_wait3A_318] : memref<10400x64xf32, #tpu.memory_space<vmem_shared>> -> memref<8x64xf32, #tpu.memory_space<vmem_shared>>
      %dma_wait3A_320 = arith.constant 0 : i32
      %dma_wait3A_321 = arith.constant 0 : i32
      %dma_wait3A_322 = tpu.memref_slice %arg9[%dma_wait3A_320, %dma_wait3A_321] : memref<128x64xf32, #tpu.memory_space<vmem>> -> memref<8x64xf32, #tpu.memory_space<vmem>>
      tpu.wait_dma2 semaphore(%run_scoped3A : memref<!tpu.dma_semaphore, #tpu.memory_space<semaphore_mem>>) src(%dma_wait3A_322 : memref<8x64xf32, #tpu.memory_space<vmem>>) dst(%dma_wait3A_319 : memref<8x64xf32, #tpu.memory_space<vmem_shared>>)
      tpu.yield
    }) : () -> ()
    %eq3A_141 = arith.constant 15 : i32
    %eq3A_142 = arith.cmpi eq, %arg1, %eq3A_141 : i32
    %convert_element_type3A_143 = arith.extui %eq3A_142 : i1 to i32
    %cond3A_144 = arith.constant 0 : i32
    %cond3A_145 = arith.cmpi ne, %convert_element_type3A_143, %cond3A_144 : i32
    scf.if %cond3A_145 {
      "tpu.region"() ({
        %run_scoped3A = tpu.sem_alloc : memref<!tpu.dma_semaphore, #tpu.memory_space<semaphore_mem>>
        %dma_start3A = arith.constant 0 : i32
        %dma_start3A_305 = arith.constant 0 : i32
        %dma_start3A_306 = tpu.memref_slice %arg9[%dma_start3A, %dma_start3A_305] : memref<128x64xf32, #tpu.memory_space<vmem>> -> memref<32x64xf32, #tpu.memory_space<vmem>>
        %dma_start3A_307 = arith.constant 10368 : i32
        %dma_start3A_308 = arith.constant 0 : i32
        %dma_start3A_309 = tpu.memref_slice %arg12[%dma_start3A_307, %dma_start3A_308] : memref<10400x64xf32, #tpu.memory_space<vmem_shared>> -> memref<32x64xf32, #tpu.memory_space<vmem_shared>>
        %dma_start3A_310 = arith.constant 10368 : i32
        %dma_start3A_311 = arith.constant 0 : i32
        %dma_start3A_312 = tpu.memref_slice %arg12[%dma_start3A_310, %dma_start3A_311] : memref<10400x64xf32, #tpu.memory_space<vmem_shared>> -> memref<32x64xf32, #tpu.memory_space<vmem_shared>>
        %dma_start3A_313 = arith.constant 0 : i32
        %dma_start3A_314 = arith.constant 0 : i32
        %dma_start3A_315 = tpu.memref_slice %arg9[%dma_start3A_313, %dma_start3A_314] : memref<128x64xf32, #tpu.memory_space<vmem>> -> memref<32x64xf32, #tpu.memory_space<vmem>>
        tpu.enqueue_dma source(%dma_start3A_315 : memref<32x64xf32, #tpu.memory_space<vmem>>) target(%dma_start3A_312 : memref<32x64xf32, #tpu.memory_space<vmem_shared>>) target_semaphore(%run_scoped3A : memref<!tpu.dma_semaphore, #tpu.memory_space<semaphore_mem>>)
        %dma_wait3A = arith.constant 0 : i32
        %dma_wait3A_316 = arith.constant 0 : i32
        %dma_wait3A_317 = tpu.memref_slice %arg9[%dma_wait3A, %dma_wait3A_316] : memref<128x64xf32, #tpu.memory_space<vmem>> -> memref<32x64xf32, #tpu.memory_space<vmem>>
        %dma_wait3A_318 = arith.constant 10368 : i32
        %dma_wait3A_319 = arith.constant 0 : i32
        %dma_wait3A_320 = tpu.memref_slice %arg12[%dma_wait3A_318, %dma_wait3A_319] : memref<10400x64xf32, #tpu.memory_space<vmem_shared>> -> memref<32x64xf32, #tpu.memory_space<vmem_shared>>
        %dma_wait3A_321 = arith.constant 10368 : i32
        %dma_wait3A_322 = arith.constant 0 : i32
        %dma_wait3A_323 = tpu.memref_slice %arg12[%dma_wait3A_321, %dma_wait3A_322] : memref<10400x64xf32, #tpu.memory_space<vmem_shared>> -> memref<32x64xf32, #tpu.memory_space<vmem_shared>>
        %dma_wait3A_324 = arith.constant 0 : i32
        %dma_wait3A_325 = arith.constant 0 : i32
        %dma_wait3A_326 = tpu.memref_slice %arg9[%dma_wait3A_324, %dma_wait3A_325] : memref<128x64xf32, #tpu.memory_space<vmem>> -> memref<32x64xf32, #tpu.memory_space<vmem>>
        tpu.wait_dma2 semaphore(%run_scoped3A : memref<!tpu.dma_semaphore, #tpu.memory_space<semaphore_mem>>) src(%dma_wait3A_326 : memref<32x64xf32, #tpu.memory_space<vmem>>) dst(%dma_wait3A_323 : memref<32x64xf32, #tpu.memory_space<vmem_shared>>)
        tpu.yield
      }) : () -> ()
    } else {
    }
    %barrier3A_146 = arith.constant 0 : index
    tpu.barrier barrier_id(%barrier3A_146)
    %scan3A_147 = arith.constant 0 : i32
    %scan3A_148 = arith.constant 80 : i32
    %scan3A_149 = arith.addi %scan3A_147, %scan3A_148 : i32
    %scan3A_150 = arith.constant 1 : i32
    scf.for %scan3A_305 = %scan3A_147 to %scan3A_149 step %scan3A_150  : i32 {
      %mul3A_306 = arith.constant 1 : i32
      %mul3A_307 = arith.muli %scan3A_305, %mul3A_306 : i32
      %add3A_308 = arith.constant 0 : i32
      %add3A_309 = arith.addi %add3A_308, %mul3A_307 : i32
      %dma_start3A = arith.constant 0 : i32
      %dma_start3A_310 = tpu.memref_slice %arg7[%add3A_309, %dma_start3A] : memref<80x128xi32, #tpu.memory_space<vmem>> -> memref<1x128xi32, #tpu.memory_space<vmem>>
      %dma_start3A_311 = tpu.memref_squeeze %dma_start3A_310 : memref<1x128xi32, #tpu.memory_space<vmem>> -> memref<128xi32, #tpu.memory_space<vmem>>
      %dma_start3A_312 = arith.constant 0 : i32
      %dma_start3A_313 = arith.constant 0 : i32
      %dma_start3A_314 = tpu.memref_slice %arg2[%dma_start3A_312, %dma_start3A_313] : memref<41600x64xf32, #tpu.memory_space<hbm>> -> memref<41600x64xf32, #tpu.memory_space<hbm>>
      tpu.enqueue_indirect_dma source(%dma_start3A_314 : memref<41600x64xf32, #tpu.memory_space<hbm>>) target(%arg9 : memref<128x64xf32, #tpu.memory_space<vmem>>) offsets(%dma_start3A_311 : memref<128xi32, #tpu.memory_space<vmem>>) semaphore(%arg14 : memref<!tpu.dma_semaphore, #tpu.memory_space<semaphore_mem>>)
      %dma_wait3A = arith.constant 0 : i32
      %dma_wait3A_315 = tpu.memref_slice %arg7[%add3A_309, %dma_wait3A] : memref<80x128xi32, #tpu.memory_space<vmem>> -> memref<1x128xi32, #tpu.memory_space<vmem>>
      %dma_wait3A_316 = tpu.memref_squeeze %dma_wait3A_315 : memref<1x128xi32, #tpu.memory_space<vmem>> -> memref<128xi32, #tpu.memory_space<vmem>>
      %dma_wait3A_317 = arith.constant 0 : i32
      %dma_wait3A_318 = arith.constant 0 : i32
      %dma_wait3A_319 = tpu.memref_slice %arg2[%dma_wait3A_317, %dma_wait3A_318] : memref<41600x64xf32, #tpu.memory_space<hbm>> -> memref<41600x64xf32, #tpu.memory_space<hbm>>
      tpu.wait_indirect_dma semaphore(%arg14 : memref<!tpu.dma_semaphore, #tpu.memory_space<semaphore_mem>>) src(%dma_wait3A_319 : memref<41600x64xf32, #tpu.memory_space<hbm>>) dst(%arg9 : memref<128x64xf32, #tpu.memory_space<vmem>>)
      "tpu.region"() ({
        %run_scoped3A = tpu.sem_alloc : memref<!tpu.dma_semaphore, #tpu.memory_space<semaphore_mem>>
        %dma_start3A_320 = arith.constant 0 : i32
        %dma_start3A_321 = tpu.memref_slice %arg8[%add3A_309, %dma_start3A_320] : memref<80x128xi32, #tpu.memory_space<vmem>> -> memref<1x128xi32, #tpu.memory_space<vmem>>
        %dma_start3A_322 = tpu.memref_squeeze %dma_start3A_321 : memref<1x128xi32, #tpu.memory_space<vmem>> -> memref<128xi32, #tpu.memory_space<vmem>>
        %dma_start3A_323 = arith.constant 0 : i32
        %dma_start3A_324 = arith.constant 0 : i32
        %dma_start3A_325 = tpu.memref_slice %arg12[%dma_start3A_323, %dma_start3A_324] : memref<10400x64xf32, #tpu.memory_space<vmem_shared>> -> memref<10400x64xf32, #tpu.memory_space<vmem_shared>>
        tpu.enqueue_indirect_dma source(%arg9 : memref<128x64xf32, #tpu.memory_space<vmem>>) target(%dma_start3A_325 : memref<10400x64xf32, #tpu.memory_space<vmem_shared>>) offsets(%dma_start3A_322 : memref<128xi32, #tpu.memory_space<vmem>>) semaphore(%run_scoped3A : memref<!tpu.dma_semaphore, #tpu.memory_space<semaphore_mem>>) {add = true}
        %dma_wait3A_326 = arith.constant 0 : i32
        %dma_wait3A_327 = tpu.memref_slice %arg8[%add3A_309, %dma_wait3A_326] : memref<80x128xi32, #tpu.memory_space<vmem>> -> memref<1x128xi32, #tpu.memory_space<vmem>>
        %dma_wait3A_328 = tpu.memref_squeeze %dma_wait3A_327 : memref<1x128xi32, #tpu.memory_space<vmem>> -> memref<128xi32, #tpu.memory_space<vmem>>
        %dma_wait3A_329 = arith.constant 0 : i32
        %dma_wait3A_330 = arith.constant 0 : i32
        %dma_wait3A_331 = tpu.memref_slice %arg12[%dma_wait3A_329, %dma_wait3A_330] : memref<10400x64xf32, #tpu.memory_space<vmem_shared>> -> memref<10400x64xf32, #tpu.memory_space<vmem_shared>>
        tpu.wait_indirect_dma semaphore(%run_scoped3A : memref<!tpu.dma_semaphore, #tpu.memory_space<semaphore_mem>>) src(%arg9 : memref<128x64xf32, #tpu.memory_space<vmem>>) dst(%dma_wait3A_331 : memref<10400x64xf32, #tpu.memory_space<vmem_shared>>)
        tpu.yield
      }) : () -> ()
    }
    %scan3A_151 = arith.constant 80 : i32
    %barrier3A_152 = arith.constant 0 : index
    tpu.barrier barrier_id(%barrier3A_152)
    %mul3A_153 = arith.constant 648 : i32
    %mul3A_154 = arith.muli %arg1, %mul3A_153 : i32
    %add3A_155 = arith.constant 0 : i32
    %add3A_156 = arith.addi %mul3A_154, %add3A_155 : i32
    %add3A_157 = arith.constant 0 : i32
    %add3A_158 = arith.addi %mul3A_154, %add3A_157 : i32
    %mul3A_159 = arith.constant 10400 : i32
    %mul3A_160 = arith.muli %mul3A_107, %mul3A_159 : i32
    %add3A_161 = arith.addi %mul3A_160, %add3A_158 : i32
    "tpu.region"() ({
      %run_scoped3A = tpu.sem_alloc : memref<!tpu.dma_semaphore, #tpu.memory_space<semaphore_mem>>
      %dma_start3A = arith.constant 0 : i32
      %dma_start3A_305 = tpu.memref_slice %arg5[%add3A_161, %dma_start3A] : memref<41600x64xf32, #tpu.memory_space<hbm>> -> memref<128x64xf32, #tpu.memory_space<hbm>>
      %dma_start3A_306 = arith.constant 0 : i32
      %dma_start3A_307 = tpu.memref_slice %arg12[%add3A_156, %dma_start3A_306] : memref<10400x64xf32, #tpu.memory_space<vmem_shared>> -> memref<128x64xf32, #tpu.memory_space<vmem_shared>>
      tpu.enqueue_dma source(%dma_start3A_307 : memref<128x64xf32, #tpu.memory_space<vmem_shared>>) target(%dma_start3A_305 : memref<128x64xf32, #tpu.memory_space<hbm>>) target_semaphore(%run_scoped3A : memref<!tpu.dma_semaphore, #tpu.memory_space<semaphore_mem>>)
      %dma_wait3A = arith.constant 0 : i32
      %dma_wait3A_308 = tpu.memref_slice %arg5[%add3A_161, %dma_wait3A] : memref<41600x64xf32, #tpu.memory_space<hbm>> -> memref<128x64xf32, #tpu.memory_space<hbm>>
      %dma_wait3A_309 = arith.constant 0 : i32
      %dma_wait3A_310 = tpu.memref_slice %arg12[%add3A_156, %dma_wait3A_309] : memref<10400x64xf32, #tpu.memory_space<vmem_shared>> -> memref<128x64xf32, #tpu.memory_space<vmem_shared>>
      tpu.wait_dma2 semaphore(%run_scoped3A : memref<!tpu.dma_semaphore, #tpu.memory_space<semaphore_mem>>) src(%dma_wait3A_310 : memref<128x64xf32, #tpu.memory_space<vmem_shared>>) dst(%dma_wait3A_308 : memref<128x64xf32, #tpu.memory_space<hbm>>)
      tpu.yield
    }) : () -> ()
    %add3A_162 = arith.constant 128 : i32
    %add3A_163 = arith.addi %mul3A_154, %add3A_162 : i32
    %add3A_164 = arith.constant 128 : i32
    %add3A_165 = arith.addi %mul3A_154, %add3A_164 : i32
    %mul3A_166 = arith.constant 10400 : i32
    %mul3A_167 = arith.muli %mul3A_107, %mul3A_166 : i32
    %add3A_168 = arith.addi %mul3A_167, %add3A_165 : i32
    "tpu.region"() ({
      %run_scoped3A = tpu.sem_alloc : memref<!tpu.dma_semaphore, #tpu.memory_space<semaphore_mem>>
      %dma_start3A = arith.constant 0 : i32
      %dma_start3A_305 = tpu.memref_slice %arg5[%add3A_168, %dma_start3A] : memref<41600x64xf32, #tpu.memory_space<hbm>> -> memref<128x64xf32, #tpu.memory_space<hbm>>
      %dma_start3A_306 = arith.constant 0 : i32
      %dma_start3A_307 = tpu.memref_slice %arg12[%add3A_163, %dma_start3A_306] : memref<10400x64xf32, #tpu.memory_space<vmem_shared>> -> memref<128x64xf32, #tpu.memory_space<vmem_shared>>
      tpu.enqueue_dma source(%dma_start3A_307 : memref<128x64xf32, #tpu.memory_space<vmem_shared>>) target(%dma_start3A_305 : memref<128x64xf32, #tpu.memory_space<hbm>>) target_semaphore(%run_scoped3A : memref<!tpu.dma_semaphore, #tpu.memory_space<semaphore_mem>>)
      %dma_wait3A = arith.constant 0 : i32
      %dma_wait3A_308 = tpu.memref_slice %arg5[%add3A_168, %dma_wait3A] : memref<41600x64xf32, #tpu.memory_space<hbm>> -> memref<128x64xf32, #tpu.memory_space<hbm>>
      %dma_wait3A_309 = arith.constant 0 : i32
      %dma_wait3A_310 = tpu.memref_slice %arg12[%add3A_163, %dma_wait3A_309] : memref<10400x64xf32, #tpu.memory_space<vmem_shared>> -> memref<128x64xf32, #tpu.memory_space<vmem_shared>>
      tpu.wait_dma2 semaphore(%run_scoped3A : memref<!tpu.dma_semaphore, #tpu.memory_space<semaphore_mem>>) src(%dma_wait3A_310 : memref<128x64xf32, #tpu.memory_space<vmem_shared>>) dst(%dma_wait3A_308 : memref<128x64xf32, #tpu.memory_space<hbm>>)
      tpu.yield
    }) : () -> ()
    %add3A_169 = arith.constant 256 : i32
    %add3A_170 = arith.addi %mul3A_154, %add3A_169 : i32
    %add3A_171 = arith.constant 256 : i32
    %add3A_172 = arith.addi %mul3A_154, %add3A_171 : i32
    %mul3A_173 = arith.constant 10400 : i32
    %mul3A_174 = arith.muli %mul3A_107, %mul3A_173 : i32
    %add3A_175 = arith.addi %mul3A_174, %add3A_172 : i32
    "tpu.region"() ({
      %run_scoped3A = tpu.sem_alloc : memref<!tpu.dma_semaphore, #tpu.memory_space<semaphore_mem>>
      %dma_start3A = arith.constant 0 : i32
      %dma_start3A_305 = tpu.memref_slice %arg5[%add3A_175, %dma_start3A] : memref<41600x64xf32, #tpu.memory_space<hbm>> -> memref<128x64xf32, #tpu.memory_space<hbm>>
      %dma_start3A_306 = arith.constant 0 : i32
      %dma_start3A_307 = tpu.memref_slice %arg12[%add3A_170, %dma_start3A_306] : memref<10400x64xf32, #tpu.memory_space<vmem_shared>> -> memref<128x64xf32, #tpu.memory_space<vmem_shared>>
      tpu.enqueue_dma source(%dma_start3A_307 : memref<128x64xf32, #tpu.memory_space<vmem_shared>>) target(%dma_start3A_305 : memref<128x64xf32, #tpu.memory_space<hbm>>) target_semaphore(%run_scoped3A : memref<!tpu.dma_semaphore, #tpu.memory_space<semaphore_mem>>)
      %dma_wait3A = arith.constant 0 : i32
      %dma_wait3A_308 = tpu.memref_slice %arg5[%add3A_175, %dma_wait3A] : memref<41600x64xf32, #tpu.memory_space<hbm>> -> memref<128x64xf32, #tpu.memory_space<hbm>>
      %dma_wait3A_309 = arith.constant 0 : i32
      %dma_wait3A_310 = tpu.memref_slice %arg12[%add3A_170, %dma_wait3A_309] : memref<10400x64xf32, #tpu.memory_space<vmem_shared>> -> memref<128x64xf32, #tpu.memory_space<vmem_shared>>
      tpu.wait_dma2 semaphore(%run_scoped3A : memref<!tpu.dma_semaphore, #tpu.memory_space<semaphore_mem>>) src(%dma_wait3A_310 : memref<128x64xf32, #tpu.memory_space<vmem_shared>>) dst(%dma_wait3A_308 : memref<128x64xf32, #tpu.memory_space<hbm>>)
      tpu.yield
    }) : () -> ()
    %add3A_176 = arith.constant 384 : i32
    %add3A_177 = arith.addi %mul3A_154, %add3A_176 : i32
    %add3A_178 = arith.constant 384 : i32
    %add3A_179 = arith.addi %mul3A_154, %add3A_178 : i32
    %mul3A_180 = arith.constant 10400 : i32
    %mul3A_181 = arith.muli %mul3A_107, %mul3A_180 : i32
    %add3A_182 = arith.addi %mul3A_181, %add3A_179 : i32
    "tpu.region"() ({
      %run_scoped3A = tpu.sem_alloc : memref<!tpu.dma_semaphore, #tpu.memory_space<semaphore_mem>>
      %dma_start3A = arith.constant 0 : i32
      %dma_start3A_305 = tpu.memref_slice %arg5[%add3A_182, %dma_start3A] : memref<41600x64xf32, #tpu.memory_space<hbm>> -> memref<128x64xf32, #tpu.memory_space<hbm>>
      %dma_start3A_306 = arith.constant 0 : i32
      %dma_start3A_307 = tpu.memref_slice %arg12[%add3A_177, %dma_start3A_306] : memref<10400x64xf32, #tpu.memory_space<vmem_shared>> -> memref<128x64xf32, #tpu.memory_space<vmem_shared>>
      tpu.enqueue_dma source(%dma_start3A_307 : memref<128x64xf32, #tpu.memory_space<vmem_shared>>) target(%dma_start3A_305 : memref<128x64xf32, #tpu.memory_space<hbm>>) target_semaphore(%run_scoped3A : memref<!tpu.dma_semaphore, #tpu.memory_space<semaphore_mem>>)
      %dma_wait3A = arith.constant 0 : i32
      %dma_wait3A_308 = tpu.memref_slice %arg5[%add3A_182, %dma_wait3A] : memref<41600x64xf32, #tpu.memory_space<hbm>> -> memref<128x64xf32, #tpu.memory_space<hbm>>
      %dma_wait3A_309 = arith.constant 0 : i32
      %dma_wait3A_310 = tpu.memref_slice %arg12[%add3A_177, %dma_wait3A_309] : memref<10400x64xf32, #tpu.memory_space<vmem_shared>> -> memref<128x64xf32, #tpu.memory_space<vmem_shared>>
      tpu.wait_dma2 semaphore(%run_scoped3A : memref<!tpu.dma_semaphore, #tpu.memory_space<semaphore_mem>>) src(%dma_wait3A_310 : memref<128x64xf32, #tpu.memory_space<vmem_shared>>) dst(%dma_wait3A_308 : memref<128x64xf32, #tpu.memory_space<hbm>>)
      tpu.yield
    }) : () -> ()
    %add3A_183 = arith.constant 512 : i32
    %add3A_184 = arith.addi %mul3A_154, %add3A_183 : i32
    %add3A_185 = arith.constant 512 : i32
    %add3A_186 = arith.addi %mul3A_154, %add3A_185 : i32
    %mul3A_187 = arith.constant 10400 : i32
    %mul3A_188 = arith.muli %mul3A_107, %mul3A_187 : i32
    %add3A_189 = arith.addi %mul3A_188, %add3A_186 : i32
    "tpu.region"() ({
      %run_scoped3A = tpu.sem_alloc : memref<!tpu.dma_semaphore, #tpu.memory_space<semaphore_mem>>
      %dma_start3A = arith.constant 0 : i32
      %dma_start3A_305 = tpu.memref_slice %arg5[%add3A_189, %dma_start3A] : memref<41600x64xf32, #tpu.memory_space<hbm>> -> memref<128x64xf32, #tpu.memory_space<hbm>>
      %dma_start3A_306 = arith.constant 0 : i32
      %dma_start3A_307 = tpu.memref_slice %arg12[%add3A_184, %dma_start3A_306] : memref<10400x64xf32, #tpu.memory_space<vmem_shared>> -> memref<128x64xf32, #tpu.memory_space<vmem_shared>>
      tpu.enqueue_dma source(%dma_start3A_307 : memref<128x64xf32, #tpu.memory_space<vmem_shared>>) target(%dma_start3A_305 : memref<128x64xf32, #tpu.memory_space<hbm>>) target_semaphore(%run_scoped3A : memref<!tpu.dma_semaphore, #tpu.memory_space<semaphore_mem>>)
      %dma_wait3A = arith.constant 0 : i32
      %dma_wait3A_308 = tpu.memref_slice %arg5[%add3A_189, %dma_wait3A] : memref<41600x64xf32, #tpu.memory_space<hbm>> -> memref<128x64xf32, #tpu.memory_space<hbm>>
      %dma_wait3A_309 = arith.constant 0 : i32
      %dma_wait3A_310 = tpu.memref_slice %arg12[%add3A_184, %dma_wait3A_309] : memref<10400x64xf32, #tpu.memory_space<vmem_shared>> -> memref<128x64xf32, #tpu.memory_space<vmem_shared>>
      tpu.wait_dma2 semaphore(%run_scoped3A : memref<!tpu.dma_semaphore, #tpu.memory_space<semaphore_mem>>) src(%dma_wait3A_310 : memref<128x64xf32, #tpu.memory_space<vmem_shared>>) dst(%dma_wait3A_308 : memref<128x64xf32, #tpu.memory_space<hbm>>)
      tpu.yield
    }) : () -> ()
    %add3A_190 = arith.constant 640 : i32
    %add3A_191 = arith.addi %mul3A_154, %add3A_190 : i32
    %add3A_192 = arith.constant 640 : i32
    %add3A_193 = arith.addi %mul3A_154, %add3A_192 : i32
    %mul3A_194 = arith.constant 10400 : i32
    %mul3A_195 = arith.muli %mul3A_107, %mul3A_194 : i32
    %add3A_196 = arith.addi %mul3A_195, %add3A_193 : i32
    "tpu.region"() ({
      %run_scoped3A = tpu.sem_alloc : memref<!tpu.dma_semaphore, #tpu.memory_space<semaphore_mem>>
      %dma_start3A = arith.constant 0 : i32
      %dma_start3A_305 = tpu.memref_slice %arg5[%add3A_196, %dma_start3A] : memref<41600x64xf32, #tpu.memory_space<hbm>> -> memref<8x64xf32, #tpu.memory_space<hbm>>
      %dma_start3A_306 = arith.constant 0 : i32
      %dma_start3A_307 = tpu.memref_slice %arg12[%add3A_191, %dma_start3A_306] : memref<10400x64xf32, #tpu.memory_space<vmem_shared>> -> memref<8x64xf32, #tpu.memory_space<vmem_shared>>
      tpu.enqueue_dma source(%dma_start3A_307 : memref<8x64xf32, #tpu.memory_space<vmem_shared>>) target(%dma_start3A_305 : memref<8x64xf32, #tpu.memory_space<hbm>>) target_semaphore(%run_scoped3A : memref<!tpu.dma_semaphore, #tpu.memory_space<semaphore_mem>>)
      %dma_wait3A = arith.constant 0 : i32
      %dma_wait3A_308 = tpu.memref_slice %arg5[%add3A_196, %dma_wait3A] : memref<41600x64xf32, #tpu.memory_space<hbm>> -> memref<8x64xf32, #tpu.memory_space<hbm>>
      %dma_wait3A_309 = arith.constant 0 : i32
      %dma_wait3A_310 = tpu.memref_slice %arg12[%add3A_191, %dma_wait3A_309] : memref<10400x64xf32, #tpu.memory_space<vmem_shared>> -> memref<8x64xf32, #tpu.memory_space<vmem_shared>>
      tpu.wait_dma2 semaphore(%run_scoped3A : memref<!tpu.dma_semaphore, #tpu.memory_space<semaphore_mem>>) src(%dma_wait3A_310 : memref<8x64xf32, #tpu.memory_space<vmem_shared>>) dst(%dma_wait3A_308 : memref<8x64xf32, #tpu.memory_space<hbm>>)
      tpu.yield
    }) : () -> ()
    %eq3A_197 = arith.constant 15 : i32
    %eq3A_198 = arith.cmpi eq, %arg1, %eq3A_197 : i32
    %convert_element_type3A_199 = arith.extui %eq3A_198 : i1 to i32
    %cond3A_200 = arith.constant 0 : i32
    %cond3A_201 = arith.cmpi ne, %convert_element_type3A_199, %cond3A_200 : i32
    scf.if %cond3A_201 {
      %mul3A_305 = arith.constant 10400 : i32
      %mul3A_306 = arith.muli %mul3A_107, %mul3A_305 : i32
      %add3A_307 = arith.constant 10368 : i32
      %add3A_308 = arith.addi %mul3A_306, %add3A_307 : i32
      "tpu.region"() ({
        %run_scoped3A = tpu.sem_alloc : memref<!tpu.dma_semaphore, #tpu.memory_space<semaphore_mem>>
        %dma_start3A = arith.constant 0 : i32
        %dma_start3A_309 = tpu.memref_slice %arg5[%add3A_308, %dma_start3A] : memref<41600x64xf32, #tpu.memory_space<hbm>> -> memref<32x64xf32, #tpu.memory_space<hbm>>
        %dma_start3A_310 = arith.constant 10368 : i32
        %dma_start3A_311 = arith.constant 0 : i32
        %dma_start3A_312 = tpu.memref_slice %arg12[%dma_start3A_310, %dma_start3A_311] : memref<10400x64xf32, #tpu.memory_space<vmem_shared>> -> memref<32x64xf32, #tpu.memory_space<vmem_shared>>
        tpu.enqueue_dma source(%dma_start3A_312 : memref<32x64xf32, #tpu.memory_space<vmem_shared>>) target(%dma_start3A_309 : memref<32x64xf32, #tpu.memory_space<hbm>>) target_semaphore(%run_scoped3A : memref<!tpu.dma_semaphore, #tpu.memory_space<semaphore_mem>>)
        %dma_wait3A = arith.constant 0 : i32
        %dma_wait3A_313 = tpu.memref_slice %arg5[%add3A_308, %dma_wait3A] : memref<41600x64xf32, #tpu.memory_space<hbm>> -> memref<32x64xf32, #tpu.memory_space<hbm>>
        %dma_wait3A_314 = arith.constant 10368 : i32
        %dma_wait3A_315 = arith.constant 0 : i32
        %dma_wait3A_316 = tpu.memref_slice %arg12[%dma_wait3A_314, %dma_wait3A_315] : memref<10400x64xf32, #tpu.memory_space<vmem_shared>> -> memref<32x64xf32, #tpu.memory_space<vmem_shared>>
        tpu.wait_dma2 semaphore(%run_scoped3A : memref<!tpu.dma_semaphore, #tpu.memory_space<semaphore_mem>>) src(%dma_wait3A_316 : memref<32x64xf32, #tpu.memory_space<vmem_shared>>) dst(%dma_wait3A_313 : memref<32x64xf32, #tpu.memory_space<hbm>>)
        tpu.yield
      }) : () -> ()
    } else {
    }
    %scan3A_202 = arith.constant 0 : i32
    %scan3A_203 = arith.constant 80 : i32
    %scan3A_204 = arith.addi %scan3A_202, %scan3A_203 : i32
    %scan3A_205 = arith.constant 1 : i32
    scf.for %scan3A_305 = %scan3A_202 to %scan3A_204 step %scan3A_205  : i32 {
      %mul3A_306 = arith.constant 1 : i32
      %mul3A_307 = arith.muli %scan3A_305, %mul3A_306 : i32
      %add3A_308 = arith.constant 0 : i32
      %add3A_309 = arith.addi %add3A_308, %mul3A_307 : i32
      %get3A = arith.index_cast %add3A_309 : i32 to index
      %get3A_310 = arith.constant 0 : index
      %get3A_311 = tpu.vector_load %arg7[%get3A, %get3A_310] {strides = array<i32>} : memref<80x128xi32, #tpu.memory_space<vmem>>, vector<1x16xi32>,
      %get3A_312 = vector.shape_cast %get3A_311 : vector<1x16xi32> to vector<16xi32>
      %add3A_313 = arith.constant 10400 : i32
      %add3A_314 = vector.broadcast %add3A_313 : i32 to vector<16xi32>
      %add3A_315 = arith.addi %get3A_312, %add3A_314 : vector<16xi32>
      %swap3A = arith.index_cast %add3A_309 : i32 to index
      %swap3A_316 = arith.constant 0 : index
      %swap3A_317 = tpu.vector_load %arg7[%swap3A, %swap3A_316] {strides = array<i32>} : memref<80x128xi32, #tpu.memory_space<vmem>>, vector<1x16xi32>,
      %swap3A_318 = vector.shape_cast %swap3A_317 : vector<1x16xi32> to vector<16xi32>
      %swap3A_319 = vector.shape_cast %add3A_315 : vector<16xi32> to vector<1x16xi32>
      tpu.vector_store %arg7[%swap3A, %swap3A_316], %swap3A_319 {strides = array<i32>} : memref<80x128xi32, #tpu.memory_space<vmem>>, vector<1x16xi32>,
      %get3A_320 = arith.index_cast %add3A_309 : i32 to index
      %get3A_321 = arith.constant 16 : index
      %get3A_322 = tpu.vector_load %arg7[%get3A_320, %get3A_321] {strides = array<i32>} : memref<80x128xi32, #tpu.memory_space<vmem>>, vector<1x16xi32>,
      %get3A_323 = vector.shape_cast %get3A_322 : vector<1x16xi32> to vector<16xi32>
      %add3A_324 = arith.constant 10400 : i32
      %add3A_325 = vector.broadcast %add3A_324 : i32 to vector<16xi32>
      %add3A_326 = arith.addi %get3A_323, %add3A_325 : vector<16xi32>
      %swap3A_327 = arith.index_cast %add3A_309 : i32 to index
      %swap3A_328 = arith.constant 16 : index
      %swap3A_329 = tpu.vector_load %arg7[%swap3A_327, %swap3A_328] {strides = array<i32>} : memref<80x128xi32, #tpu.memory_space<vmem>>, vector<1x16xi32>,
      %swap3A_330 = vector.shape_cast %swap3A_329 : vector<1x16xi32> to vector<16xi32>
      %swap3A_331 = vector.shape_cast %add3A_326 : vector<16xi32> to vector<1x16xi32>
      tpu.vector_store %arg7[%swap3A_327, %swap3A_328], %swap3A_331 {strides = array<i32>} : memref<80x128xi32, #tpu.memory_space<vmem>>, vector<1x16xi32>,
      %get3A_332 = arith.index_cast %add3A_309 : i32 to index
      %get3A_333 = arith.constant 32 : index
      %get3A_334 = tpu.vector_load %arg7[%get3A_332, %get3A_333] {strides = array<i32>} : memref<80x128xi32, #tpu.memory_space<vmem>>, vector<1x16xi32>,
      %get3A_335 = vector.shape_cast %get3A_334 : vector<1x16xi32> to vector<16xi32>
      %add3A_336 = arith.constant 10400 : i32
      %add3A_337 = vector.broadcast %add3A_336 : i32 to vector<16xi32>
      %add3A_338 = arith.addi %get3A_335, %add3A_337 : vector<16xi32>
      %swap3A_339 = arith.index_cast %add3A_309 : i32 to index
      %swap3A_340 = arith.constant 32 : index
      %swap3A_341 = tpu.vector_load %arg7[%swap3A_339, %swap3A_340] {strides = array<i32>} : memref<80x128xi32, #tpu.memory_space<vmem>>, vector<1x16xi32>,
      %swap3A_342 = vector.shape_cast %swap3A_341 : vector<1x16xi32> to vector<16xi32>
      %swap3A_343 = vector.shape_cast %add3A_338 : vector<16xi32> to vector<1x16xi32>
      tpu.vector_store %arg7[%swap3A_339, %swap3A_340], %swap3A_343 {strides = array<i32>} : memref<80x128xi32, #tpu.memory_space<vmem>>, vector<1x16xi32>,
      %get3A_344 = arith.index_cast %add3A_309 : i32 to index
      %get3A_345 = arith.constant 48 : index
      %get3A_346 = tpu.vector_load %arg7[%get3A_344, %get3A_345] {strides = array<i32>} : memref<80x128xi32, #tpu.memory_space<vmem>>, vector<1x16xi32>,
      %get3A_347 = vector.shape_cast %get3A_346 : vector<1x16xi32> to vector<16xi32>
      %add3A_348 = arith.constant 10400 : i32
      %add3A_349 = vector.broadcast %add3A_348 : i32 to vector<16xi32>
      %add3A_350 = arith.addi %get3A_347, %add3A_349 : vector<16xi32>
      %swap3A_351 = arith.index_cast %add3A_309 : i32 to index
      %swap3A_352 = arith.constant 48 : index
      %swap3A_353 = tpu.vector_load %arg7[%swap3A_351, %swap3A_352] {strides = array<i32>} : memref<80x128xi32, #tpu.memory_space<vmem>>, vector<1x16xi32>,
      %swap3A_354 = vector.shape_cast %swap3A_353 : vector<1x16xi32> to vector<16xi32>
      %swap3A_355 = vector.shape_cast %add3A_350 : vector<16xi32> to vector<1x16xi32>
      tpu.vector_store %arg7[%swap3A_351, %swap3A_352], %swap3A_355 {strides = array<i32>} : memref<80x128xi32, #tpu.memory_space<vmem>>, vector<1x16xi32>,
      %get3A_356 = arith.index_cast %add3A_309 : i32 to index
      %get3A_357 = arith.constant 64 : index
      %get3A_358 = tpu.vector_load %arg7[%get3A_356, %get3A_357] {strides = array<i32>} : memref<80x128xi32, #tpu.memory_space<vmem>>, vector<1x16xi32>,
      %get3A_359 = vector.shape_cast %get3A_358 : vector<1x16xi32> to vector<16xi32>
      %add3A_360 = arith.constant 10400 : i32
      %add3A_361 = vector.broadcast %add3A_360 : i32 to vector<16xi32>
      %add3A_362 = arith.addi %get3A_359, %add3A_361 : vector<16xi32>
      %swap3A_363 = arith.index_cast %add3A_309 : i32 to index
      %swap3A_364 = arith.constant 64 : index
      %swap3A_365 = tpu.vector_load %arg7[%swap3A_363, %swap3A_364] {strides = array<i32>} : memref<80x128xi32, #tpu.memory_space<vmem>>, vector<1x16xi32>,
      %swap3A_366 = vector.shape_cast %swap3A_365 : vector<1x16xi32> to vector<16xi32>
      %swap3A_367 = vector.shape_cast %add3A_362 : vector<16xi32> to vector<1x16xi32>
      tpu.vector_store %arg7[%swap3A_363, %swap3A_364], %swap3A_367 {strides = array<i32>} : memref<80x128xi32, #tpu.memory_space<vmem>>, vector<1x16xi32>,
      %get3A_368 = arith.index_cast %add3A_309 : i32 to index
      %get3A_369 = arith.constant 80 : index
      %get3A_370 = tpu.vector_load %arg7[%get3A_368, %get3A_369] {strides = array<i32>} : memref<80x128xi32, #tpu.memory_space<vmem>>, vector<1x16xi32>,
      %get3A_371 = vector.shape_cast %get3A_370 : vector<1x16xi32> to vector<16xi32>
      %add3A_372 = arith.constant 10400 : i32
      %add3A_373 = vector.broadcast %add3A_372 : i32 to vector<16xi32>
      %add3A_374 = arith.addi %get3A_371, %add3A_373 : vector<16xi32>
      %swap3A_375 = arith.index_cast %add3A_309 : i32 to index
      %swap3A_376 = arith.constant 80 : index
      %swap3A_377 = tpu.vector_load %arg7[%swap3A_375, %swap3A_376] {strides = array<i32>} : memref<80x128xi32, #tpu.memory_space<vmem>>, vector<1x16xi32>,
      %swap3A_378 = vector.shape_cast %swap3A_377 : vector<1x16xi32> to vector<16xi32>
      %swap3A_379 = vector.shape_cast %add3A_374 : vector<16xi32> to vector<1x16xi32>
      tpu.vector_store %arg7[%swap3A_375, %swap3A_376], %swap3A_379 {strides = array<i32>} : memref<80x128xi32, #tpu.memory_space<vmem>>, vector<1x16xi32>,
      %get3A_380 = arith.index_cast %add3A_309 : i32 to index
      %get3A_381 = arith.constant 96 : index
      %get3A_382 = tpu.vector_load %arg7[%get3A_380, %get3A_381] {strides = array<i32>} : memref<80x128xi32, #tpu.memory_space<vmem>>, vector<1x16xi32>,
      %get3A_383 = vector.shape_cast %get3A_382 : vector<1x16xi32> to vector<16xi32>
      %add3A_384 = arith.constant 10400 : i32
      %add3A_385 = vector.broadcast %add3A_384 : i32 to vector<16xi32>
      %add3A_386 = arith.addi %get3A_383, %add3A_385 : vector<16xi32>
      %swap3A_387 = arith.index_cast %add3A_309 : i32 to index
      %swap3A_388 = arith.constant 96 : index
      %swap3A_389 = tpu.vector_load %arg7[%swap3A_387, %swap3A_388] {strides = array<i32>} : memref<80x128xi32, #tpu.memory_space<vmem>>, vector<1x16xi32>,
      %swap3A_390 = vector.shape_cast %swap3A_389 : vector<1x16xi32> to vector<16xi32>
      %swap3A_391 = vector.shape_cast %add3A_386 : vector<16xi32> to vector<1x16xi32>
      tpu.vector_store %arg7[%swap3A_387, %swap3A_388], %swap3A_391 {strides = array<i32>} : memref<80x128xi32, #tpu.memory_space<vmem>>, vector<1x16xi32>,
      %get3A_392 = arith.index_cast %add3A_309 : i32 to index
      %get3A_393 = arith.constant 112 : index
      %get3A_394 = tpu.vector_load %arg7[%get3A_392, %get3A_393] {strides = array<i32>} : memref<80x128xi32, #tpu.memory_space<vmem>>, vector<1x16xi32>,
      %get3A_395 = vector.shape_cast %get3A_394 : vector<1x16xi32> to vector<16xi32>
      %add3A_396 = arith.constant 10400 : i32
      %add3A_397 = vector.broadcast %add3A_396 : i32 to vector<16xi32>
      %add3A_398 = arith.addi %get3A_395, %add3A_397 : vector<16xi32>
      %swap3A_399 = arith.index_cast %add3A_309 : i32 to index
      %swap3A_400 = arith.constant 112 : index
      %swap3A_401 = tpu.vector_load %arg7[%swap3A_399, %swap3A_400] {strides = array<i32>} : memref<80x128xi32, #tpu.memory_space<vmem>>, vector<1x16xi32>,
      %swap3A_402 = vector.shape_cast %swap3A_401 : vector<1x16xi32> to vector<16xi32>
      %swap3A_403 = vector.shape_cast %add3A_398 : vector<16xi32> to vector<1x16xi32>
      tpu.vector_store %arg7[%swap3A_399, %swap3A_400], %swap3A_403 {strides = array<i32>} : memref<80x128xi32, #tpu.memory_space<vmem>>, vector<1x16xi32>,
    }
    %scan3A_206 = arith.constant 80 : i32
    %mul3A_207 = arith.constant 2 : i32
    %mul3A_208 = arith.muli %mul3A_207, %arg0 : i32
    %add3A_209 = arith.constant 1 : i32
    %add3A_210 = arith.addi %mul3A_208, %add3A_209 : i32
    %broadcast_in_dim3A_211 = arith.constant 0.000000e+00 : f32
    %broadcast_in_dim3A_212 = vector.broadcast %broadcast_in_dim3A_211 : f32 to vector<16xf32>
    %scan3A_213 = arith.constant 0 : i32
    %scan3A_214 = arith.constant 128 : i32
    %scan3A_215 = arith.addi %scan3A_213, %scan3A_214 : i32
    %scan3A_216 = arith.constant 1 : i32
    scf.for %scan3A_305 = %scan3A_213 to %scan3A_215 step %scan3A_216  : i32 {
      %mul3A_306 = arith.constant 1 : i32
      %mul3A_307 = arith.muli %scan3A_305, %mul3A_306 : i32
      %add3A_308 = arith.constant 0 : i32
      %add3A_309 = arith.addi %add3A_308, %mul3A_307 : i32
      %swap3A = arith.index_cast %add3A_309 : i32 to index
      %swap3A_310 = arith.constant 0 : index
      %swap3A_311 = tpu.vector_load %arg9[%swap3A, %swap3A_310] {strides = array<i32>} : memref<128x64xf32, #tpu.memory_space<vmem>>, vector<1x16xf32>,
      %swap3A_312 = vector.shape_cast %swap3A_311 : vector<1x16xf32> to vector<16xf32>
      %swap3A_313 = vector.shape_cast %broadcast_in_dim3A_212 : vector<16xf32> to vector<1x16xf32>
      tpu.vector_store %arg9[%swap3A, %swap3A_310], %swap3A_313 {strides = array<i32>} : memref<128x64xf32, #tpu.memory_space<vmem>>, vector<1x16xf32>,
      %swap3A_314 = arith.index_cast %add3A_309 : i32 to index
      %swap3A_315 = arith.constant 16 : index
      %swap3A_316 = tpu.vector_load %arg9[%swap3A_314, %swap3A_315] {strides = array<i32>} : memref<128x64xf32, #tpu.memory_space<vmem>>, vector<1x16xf32>,
      %swap3A_317 = vector.shape_cast %swap3A_316 : vector<1x16xf32> to vector<16xf32>
      %swap3A_318 = vector.shape_cast %broadcast_in_dim3A_212 : vector<16xf32> to vector<1x16xf32>
      tpu.vector_store %arg9[%swap3A_314, %swap3A_315], %swap3A_318 {strides = array<i32>} : memref<128x64xf32, #tpu.memory_space<vmem>>, vector<1x16xf32>,
      %swap3A_319 = arith.index_cast %add3A_309 : i32 to index
      %swap3A_320 = arith.constant 32 : index
      %swap3A_321 = tpu.vector_load %arg9[%swap3A_319, %swap3A_320] {strides = array<i32>} : memref<128x64xf32, #tpu.memory_space<vmem>>, vector<1x16xf32>,
      %swap3A_322 = vector.shape_cast %swap3A_321 : vector<1x16xf32> to vector<16xf32>
      %swap3A_323 = vector.shape_cast %broadcast_in_dim3A_212 : vector<16xf32> to vector<1x16xf32>
      tpu.vector_store %arg9[%swap3A_319, %swap3A_320], %swap3A_323 {strides = array<i32>} : memref<128x64xf32, #tpu.memory_space<vmem>>, vector<1x16xf32>,
      %swap3A_324 = arith.index_cast %add3A_309 : i32 to index
      %swap3A_325 = arith.constant 48 : index
      %swap3A_326 = tpu.vector_load %arg9[%swap3A_324, %swap3A_325] {strides = array<i32>} : memref<128x64xf32, #tpu.memory_space<vmem>>, vector<1x16xf32>,
      %swap3A_327 = vector.shape_cast %swap3A_326 : vector<1x16xf32> to vector<16xf32>
      %swap3A_328 = vector.shape_cast %broadcast_in_dim3A_212 : vector<16xf32> to vector<1x16xf32>
      tpu.vector_store %arg9[%swap3A_324, %swap3A_325], %swap3A_328 {strides = array<i32>} : memref<128x64xf32, #tpu.memory_space<vmem>>, vector<1x16xf32>,
    }
    %scan3A_217 = arith.constant 128 : i32
    %mul3A_218 = arith.constant 648 : i32
    %mul3A_219 = arith.muli %arg1, %mul3A_218 : i32
    %add3A_220 = arith.constant 0 : i32
    %add3A_221 = arith.addi %mul3A_219, %add3A_220 : i32
    %add3A_222 = arith.constant 0 : i32
    %add3A_223 = arith.addi %mul3A_219, %add3A_222 : i32
    "tpu.region"() ({
      %run_scoped3A = tpu.sem_alloc : memref<!tpu.dma_semaphore, #tpu.memory_space<semaphore_mem>>
      %dma_start3A = arith.constant 0 : i32
      %dma_start3A_305 = arith.constant 0 : i32
      %dma_start3A_306 = tpu.memref_slice %arg9[%dma_start3A, %dma_start3A_305] : memref<128x64xf32, #tpu.memory_space<vmem>> -> memref<128x64xf32, #tpu.memory_space<vmem>>
      %dma_start3A_307 = arith.constant 0 : i32
      %dma_start3A_308 = tpu.memref_slice %arg12[%add3A_223, %dma_start3A_307] : memref<10400x64xf32, #tpu.memory_space<vmem_shared>> -> memref<128x64xf32, #tpu.memory_space<vmem_shared>>
      %dma_start3A_309 = arith.constant 0 : i32
      %dma_start3A_310 = tpu.memref_slice %arg12[%add3A_223, %dma_start3A_309] : memref<10400x64xf32, #tpu.memory_space<vmem_shared>> -> memref<128x64xf32, #tpu.memory_space<vmem_shared>>
      %dma_start3A_311 = arith.constant 0 : i32
      %dma_start3A_312 = arith.constant 0 : i32
      %dma_start3A_313 = tpu.memref_slice %arg9[%dma_start3A_311, %dma_start3A_312] : memref<128x64xf32, #tpu.memory_space<vmem>> -> memref<128x64xf32, #tpu.memory_space<vmem>>
      tpu.enqueue_dma source(%dma_start3A_313 : memref<128x64xf32, #tpu.memory_space<vmem>>) target(%dma_start3A_310 : memref<128x64xf32, #tpu.memory_space<vmem_shared>>) target_semaphore(%run_scoped3A : memref<!tpu.dma_semaphore, #tpu.memory_space<semaphore_mem>>)
      %dma_wait3A = arith.constant 0 : i32
      %dma_wait3A_314 = arith.constant 0 : i32
      %dma_wait3A_315 = tpu.memref_slice %arg9[%dma_wait3A, %dma_wait3A_314] : memref<128x64xf32, #tpu.memory_space<vmem>> -> memref<128x64xf32, #tpu.memory_space<vmem>>
      %dma_wait3A_316 = arith.constant 0 : i32
      %dma_wait3A_317 = tpu.memref_slice %arg12[%add3A_223, %dma_wait3A_316] : memref<10400x64xf32, #tpu.memory_space<vmem_shared>> -> memref<128x64xf32, #tpu.memory_space<vmem_shared>>
      %dma_wait3A_318 = arith.constant 0 : i32
      %dma_wait3A_319 = tpu.memref_slice %arg12[%add3A_223, %dma_wait3A_318] : memref<10400x64xf32, #tpu.memory_space<vmem_shared>> -> memref<128x64xf32, #tpu.memory_space<vmem_shared>>
      %dma_wait3A_320 = arith.constant 0 : i32
      %dma_wait3A_321 = arith.constant 0 : i32
      %dma_wait3A_322 = tpu.memref_slice %arg9[%dma_wait3A_320, %dma_wait3A_321] : memref<128x64xf32, #tpu.memory_space<vmem>> -> memref<128x64xf32, #tpu.memory_space<vmem>>
      tpu.wait_dma2 semaphore(%run_scoped3A : memref<!tpu.dma_semaphore, #tpu.memory_space<semaphore_mem>>) src(%dma_wait3A_322 : memref<128x64xf32, #tpu.memory_space<vmem>>) dst(%dma_wait3A_319 : memref<128x64xf32, #tpu.memory_space<vmem_shared>>)
      tpu.yield
    }) : () -> ()
    %add3A_224 = arith.constant 128 : i32
    %add3A_225 = arith.addi %mul3A_219, %add3A_224 : i32
    %add3A_226 = arith.constant 128 : i32
    %add3A_227 = arith.addi %mul3A_219, %add3A_226 : i32
    "tpu.region"() ({
      %run_scoped3A = tpu.sem_alloc : memref<!tpu.dma_semaphore, #tpu.memory_space<semaphore_mem>>
      %dma_start3A = arith.constant 0 : i32
      %dma_start3A_305 = arith.constant 0 : i32
      %dma_start3A_306 = tpu.memref_slice %arg9[%dma_start3A, %dma_start3A_305] : memref<128x64xf32, #tpu.memory_space<vmem>> -> memref<128x64xf32, #tpu.memory_space<vmem>>
      %dma_start3A_307 = arith.constant 0 : i32
      %dma_start3A_308 = tpu.memref_slice %arg12[%add3A_227, %dma_start3A_307] : memref<10400x64xf32, #tpu.memory_space<vmem_shared>> -> memref<128x64xf32, #tpu.memory_space<vmem_shared>>
      %dma_start3A_309 = arith.constant 0 : i32
      %dma_start3A_310 = tpu.memref_slice %arg12[%add3A_227, %dma_start3A_309] : memref<10400x64xf32, #tpu.memory_space<vmem_shared>> -> memref<128x64xf32, #tpu.memory_space<vmem_shared>>
      %dma_start3A_311 = arith.constant 0 : i32
      %dma_start3A_312 = arith.constant 0 : i32
      %dma_start3A_313 = tpu.memref_slice %arg9[%dma_start3A_311, %dma_start3A_312] : memref<128x64xf32, #tpu.memory_space<vmem>> -> memref<128x64xf32, #tpu.memory_space<vmem>>
      tpu.enqueue_dma source(%dma_start3A_313 : memref<128x64xf32, #tpu.memory_space<vmem>>) target(%dma_start3A_310 : memref<128x64xf32, #tpu.memory_space<vmem_shared>>) target_semaphore(%run_scoped3A : memref<!tpu.dma_semaphore, #tpu.memory_space<semaphore_mem>>)
      %dma_wait3A = arith.constant 0 : i32
      %dma_wait3A_314 = arith.constant 0 : i32
      %dma_wait3A_315 = tpu.memref_slice %arg9[%dma_wait3A, %dma_wait3A_314] : memref<128x64xf32, #tpu.memory_space<vmem>> -> memref<128x64xf32, #tpu.memory_space<vmem>>
      %dma_wait3A_316 = arith.constant 0 : i32
      %dma_wait3A_317 = tpu.memref_slice %arg12[%add3A_227, %dma_wait3A_316] : memref<10400x64xf32, #tpu.memory_space<vmem_shared>> -> memref<128x64xf32, #tpu.memory_space<vmem_shared>>
      %dma_wait3A_318 = arith.constant 0 : i32
      %dma_wait3A_319 = tpu.memref_slice %arg12[%add3A_227, %dma_wait3A_318] : memref<10400x64xf32, #tpu.memory_space<vmem_shared>> -> memref<128x64xf32, #tpu.memory_space<vmem_shared>>
      %dma_wait3A_320 = arith.constant 0 : i32
      %dma_wait3A_321 = arith.constant 0 : i32
      %dma_wait3A_322 = tpu.memref_slice %arg9[%dma_wait3A_320, %dma_wait3A_321] : memref<128x64xf32, #tpu.memory_space<vmem>> -> memref<128x64xf32, #tpu.memory_space<vmem>>
      tpu.wait_dma2 semaphore(%run_scoped3A : memref<!tpu.dma_semaphore, #tpu.memory_space<semaphore_mem>>) src(%dma_wait3A_322 : memref<128x64xf32, #tpu.memory_space<vmem>>) dst(%dma_wait3A_319 : memref<128x64xf32, #tpu.memory_space<vmem_shared>>)
      tpu.yield
    }) : () -> ()
    %add3A_228 = arith.constant 256 : i32
    %add3A_229 = arith.addi %mul3A_219, %add3A_228 : i32
    %add3A_230 = arith.constant 256 : i32
    %add3A_231 = arith.addi %mul3A_219, %add3A_230 : i32
    "tpu.region"() ({
      %run_scoped3A = tpu.sem_alloc : memref<!tpu.dma_semaphore, #tpu.memory_space<semaphore_mem>>
      %dma_start3A = arith.constant 0 : i32
      %dma_start3A_305 = arith.constant 0 : i32
      %dma_start3A_306 = tpu.memref_slice %arg9[%dma_start3A, %dma_start3A_305] : memref<128x64xf32, #tpu.memory_space<vmem>> -> memref<128x64xf32, #tpu.memory_space<vmem>>
      %dma_start3A_307 = arith.constant 0 : i32
      %dma_start3A_308 = tpu.memref_slice %arg12[%add3A_231, %dma_start3A_307] : memref<10400x64xf32, #tpu.memory_space<vmem_shared>> -> memref<128x64xf32, #tpu.memory_space<vmem_shared>>
      %dma_start3A_309 = arith.constant 0 : i32
      %dma_start3A_310 = tpu.memref_slice %arg12[%add3A_231, %dma_start3A_309] : memref<10400x64xf32, #tpu.memory_space<vmem_shared>> -> memref<128x64xf32, #tpu.memory_space<vmem_shared>>
      %dma_start3A_311 = arith.constant 0 : i32
      %dma_start3A_312 = arith.constant 0 : i32
      %dma_start3A_313 = tpu.memref_slice %arg9[%dma_start3A_311, %dma_start3A_312] : memref<128x64xf32, #tpu.memory_space<vmem>> -> memref<128x64xf32, #tpu.memory_space<vmem>>
      tpu.enqueue_dma source(%dma_start3A_313 : memref<128x64xf32, #tpu.memory_space<vmem>>) target(%dma_start3A_310 : memref<128x64xf32, #tpu.memory_space<vmem_shared>>) target_semaphore(%run_scoped3A : memref<!tpu.dma_semaphore, #tpu.memory_space<semaphore_mem>>)
      %dma_wait3A = arith.constant 0 : i32
      %dma_wait3A_314 = arith.constant 0 : i32
      %dma_wait3A_315 = tpu.memref_slice %arg9[%dma_wait3A, %dma_wait3A_314] : memref<128x64xf32, #tpu.memory_space<vmem>> -> memref<128x64xf32, #tpu.memory_space<vmem>>
      %dma_wait3A_316 = arith.constant 0 : i32
      %dma_wait3A_317 = tpu.memref_slice %arg12[%add3A_231, %dma_wait3A_316] : memref<10400x64xf32, #tpu.memory_space<vmem_shared>> -> memref<128x64xf32, #tpu.memory_space<vmem_shared>>
      %dma_wait3A_318 = arith.constant 0 : i32
      %dma_wait3A_319 = tpu.memref_slice %arg12[%add3A_231, %dma_wait3A_318] : memref<10400x64xf32, #tpu.memory_space<vmem_shared>> -> memref<128x64xf32, #tpu.memory_space<vmem_shared>>
      %dma_wait3A_320 = arith.constant 0 : i32
      %dma_wait3A_321 = arith.constant 0 : i32
      %dma_wait3A_322 = tpu.memref_slice %arg9[%dma_wait3A_320, %dma_wait3A_321] : memref<128x64xf32, #tpu.memory_space<vmem>> -> memref<128x64xf32, #tpu.memory_space<vmem>>
      tpu.wait_dma2 semaphore(%run_scoped3A : memref<!tpu.dma_semaphore, #tpu.memory_space<semaphore_mem>>) src(%dma_wait3A_322 : memref<128x64xf32, #tpu.memory_space<vmem>>) dst(%dma_wait3A_319 : memref<128x64xf32, #tpu.memory_space<vmem_shared>>)
      tpu.yield
    }) : () -> ()
    %add3A_232 = arith.constant 384 : i32
    %add3A_233 = arith.addi %mul3A_219, %add3A_232 : i32
    %add3A_234 = arith.constant 384 : i32
    %add3A_235 = arith.addi %mul3A_219, %add3A_234 : i32
    "tpu.region"() ({
      %run_scoped3A = tpu.sem_alloc : memref<!tpu.dma_semaphore, #tpu.memory_space<semaphore_mem>>
      %dma_start3A = arith.constant 0 : i32
      %dma_start3A_305 = arith.constant 0 : i32
      %dma_start3A_306 = tpu.memref_slice %arg9[%dma_start3A, %dma_start3A_305] : memref<128x64xf32, #tpu.memory_space<vmem>> -> memref<128x64xf32, #tpu.memory_space<vmem>>
      %dma_start3A_307 = arith.constant 0 : i32
      %dma_start3A_308 = tpu.memref_slice %arg12[%add3A_235, %dma_start3A_307] : memref<10400x64xf32, #tpu.memory_space<vmem_shared>> -> memref<128x64xf32, #tpu.memory_space<vmem_shared>>
      %dma_start3A_309 = arith.constant 0 : i32
      %dma_start3A_310 = tpu.memref_slice %arg12[%add3A_235, %dma_start3A_309] : memref<10400x64xf32, #tpu.memory_space<vmem_shared>> -> memref<128x64xf32, #tpu.memory_space<vmem_shared>>
      %dma_start3A_311 = arith.constant 0 : i32
      %dma_start3A_312 = arith.constant 0 : i32
      %dma_start3A_313 = tpu.memref_slice %arg9[%dma_start3A_311, %dma_start3A_312] : memref<128x64xf32, #tpu.memory_space<vmem>> -> memref<128x64xf32, #tpu.memory_space<vmem>>
      tpu.enqueue_dma source(%dma_start3A_313 : memref<128x64xf32, #tpu.memory_space<vmem>>) target(%dma_start3A_310 : memref<128x64xf32, #tpu.memory_space<vmem_shared>>) target_semaphore(%run_scoped3A : memref<!tpu.dma_semaphore, #tpu.memory_space<semaphore_mem>>)
      %dma_wait3A = arith.constant 0 : i32
      %dma_wait3A_314 = arith.constant 0 : i32
      %dma_wait3A_315 = tpu.memref_slice %arg9[%dma_wait3A, %dma_wait3A_314] : memref<128x64xf32, #tpu.memory_space<vmem>> -> memref<128x64xf32, #tpu.memory_space<vmem>>
      %dma_wait3A_316 = arith.constant 0 : i32
      %dma_wait3A_317 = tpu.memref_slice %arg12[%add3A_235, %dma_wait3A_316] : memref<10400x64xf32, #tpu.memory_space<vmem_shared>> -> memref<128x64xf32, #tpu.memory_space<vmem_shared>>
      %dma_wait3A_318 = arith.constant 0 : i32
      %dma_wait3A_319 = tpu.memref_slice %arg12[%add3A_235, %dma_wait3A_318] : memref<10400x64xf32, #tpu.memory_space<vmem_shared>> -> memref<128x64xf32, #tpu.memory_space<vmem_shared>>
      %dma_wait3A_320 = arith.constant 0 : i32
      %dma_wait3A_321 = arith.constant 0 : i32
      %dma_wait3A_322 = tpu.memref_slice %arg9[%dma_wait3A_320, %dma_wait3A_321] : memref<128x64xf32, #tpu.memory_space<vmem>> -> memref<128x64xf32, #tpu.memory_space<vmem>>
      tpu.wait_dma2 semaphore(%run_scoped3A : memref<!tpu.dma_semaphore, #tpu.memory_space<semaphore_mem>>) src(%dma_wait3A_322 : memref<128x64xf32, #tpu.memory_space<vmem>>) dst(%dma_wait3A_319 : memref<128x64xf32, #tpu.memory_space<vmem_shared>>)
      tpu.yield
    }) : () -> ()
    %add3A_236 = arith.constant 512 : i32
    %add3A_237 = arith.addi %mul3A_219, %add3A_236 : i32
    %add3A_238 = arith.constant 512 : i32
    %add3A_239 = arith.addi %mul3A_219, %add3A_238 : i32
    "tpu.region"() ({
      %run_scoped3A = tpu.sem_alloc : memref<!tpu.dma_semaphore, #tpu.memory_space<semaphore_mem>>
      %dma_start3A = arith.constant 0 : i32
      %dma_start3A_305 = arith.constant 0 : i32
      %dma_start3A_306 = tpu.memref_slice %arg9[%dma_start3A, %dma_start3A_305] : memref<128x64xf32, #tpu.memory_space<vmem>> -> memref<128x64xf32, #tpu.memory_space<vmem>>
      %dma_start3A_307 = arith.constant 0 : i32
      %dma_start3A_308 = tpu.memref_slice %arg12[%add3A_239, %dma_start3A_307] : memref<10400x64xf32, #tpu.memory_space<vmem_shared>> -> memref<128x64xf32, #tpu.memory_space<vmem_shared>>
      %dma_start3A_309 = arith.constant 0 : i32
      %dma_start3A_310 = tpu.memref_slice %arg12[%add3A_239, %dma_start3A_309] : memref<10400x64xf32, #tpu.memory_space<vmem_shared>> -> memref<128x64xf32, #tpu.memory_space<vmem_shared>>
      %dma_start3A_311 = arith.constant 0 : i32
      %dma_start3A_312 = arith.constant 0 : i32
      %dma_start3A_313 = tpu.memref_slice %arg9[%dma_start3A_311, %dma_start3A_312] : memref<128x64xf32, #tpu.memory_space<vmem>> -> memref<128x64xf32, #tpu.memory_space<vmem>>
      tpu.enqueue_dma source(%dma_start3A_313 : memref<128x64xf32, #tpu.memory_space<vmem>>) target(%dma_start3A_310 : memref<128x64xf32, #tpu.memory_space<vmem_shared>>) target_semaphore(%run_scoped3A : memref<!tpu.dma_semaphore, #tpu.memory_space<semaphore_mem>>)
      %dma_wait3A = arith.constant 0 : i32
      %dma_wait3A_314 = arith.constant 0 : i32
      %dma_wait3A_315 = tpu.memref_slice %arg9[%dma_wait3A, %dma_wait3A_314] : memref<128x64xf32, #tpu.memory_space<vmem>> -> memref<128x64xf32, #tpu.memory_space<vmem>>
      %dma_wait3A_316 = arith.constant 0 : i32
      %dma_wait3A_317 = tpu.memref_slice %arg12[%add3A_239, %dma_wait3A_316] : memref<10400x64xf32, #tpu.memory_space<vmem_shared>> -> memref<128x64xf32, #tpu.memory_space<vmem_shared>>
      %dma_wait3A_318 = arith.constant 0 : i32
      %dma_wait3A_319 = tpu.memref_slice %arg12[%add3A_239, %dma_wait3A_318] : memref<10400x64xf32, #tpu.memory_space<vmem_shared>> -> memref<128x64xf32, #tpu.memory_space<vmem_shared>>
      %dma_wait3A_320 = arith.constant 0 : i32
      %dma_wait3A_321 = arith.constant 0 : i32
      %dma_wait3A_322 = tpu.memref_slice %arg9[%dma_wait3A_320, %dma_wait3A_321] : memref<128x64xf32, #tpu.memory_space<vmem>> -> memref<128x64xf32, #tpu.memory_space<vmem>>
      tpu.wait_dma2 semaphore(%run_scoped3A : memref<!tpu.dma_semaphore, #tpu.memory_space<semaphore_mem>>) src(%dma_wait3A_322 : memref<128x64xf32, #tpu.memory_space<vmem>>) dst(%dma_wait3A_319 : memref<128x64xf32, #tpu.memory_space<vmem_shared>>)
      tpu.yield
    }) : () -> ()
    %add3A_240 = arith.constant 640 : i32
    %add3A_241 = arith.addi %mul3A_219, %add3A_240 : i32
    %add3A_242 = arith.constant 640 : i32
    %add3A_243 = arith.addi %mul3A_219, %add3A_242 : i32
    "tpu.region"() ({
      %run_scoped3A = tpu.sem_alloc : memref<!tpu.dma_semaphore, #tpu.memory_space<semaphore_mem>>
      %dma_start3A = arith.constant 0 : i32
      %dma_start3A_305 = arith.constant 0 : i32
      %dma_start3A_306 = tpu.memref_slice %arg9[%dma_start3A, %dma_start3A_305] : memref<128x64xf32, #tpu.memory_space<vmem>> -> memref<8x64xf32, #tpu.memory_space<vmem>>
      %dma_start3A_307 = arith.constant 0 : i32
      %dma_start3A_308 = tpu.memref_slice %arg12[%add3A_243, %dma_start3A_307] : memref<10400x64xf32, #tpu.memory_space<vmem_shared>> -> memref<8x64xf32, #tpu.memory_space<vmem_shared>>
      %dma_start3A_309 = arith.constant 0 : i32
      %dma_start3A_310 = tpu.memref_slice %arg12[%add3A_243, %dma_start3A_309] : memref<10400x64xf32, #tpu.memory_space<vmem_shared>> -> memref<8x64xf32, #tpu.memory_space<vmem_shared>>
      %dma_start3A_311 = arith.constant 0 : i32
      %dma_start3A_312 = arith.constant 0 : i32
      %dma_start3A_313 = tpu.memref_slice %arg9[%dma_start3A_311, %dma_start3A_312] : memref<128x64xf32, #tpu.memory_space<vmem>> -> memref<8x64xf32, #tpu.memory_space<vmem>>
      tpu.enqueue_dma source(%dma_start3A_313 : memref<8x64xf32, #tpu.memory_space<vmem>>) target(%dma_start3A_310 : memref<8x64xf32, #tpu.memory_space<vmem_shared>>) target_semaphore(%run_scoped3A : memref<!tpu.dma_semaphore, #tpu.memory_space<semaphore_mem>>)
      %dma_wait3A = arith.constant 0 : i32
      %dma_wait3A_314 = arith.constant 0 : i32
      %dma_wait3A_315 = tpu.memref_slice %arg9[%dma_wait3A, %dma_wait3A_314] : memref<128x64xf32, #tpu.memory_space<vmem>> -> memref<8x64xf32, #tpu.memory_space<vmem>>
      %dma_wait3A_316 = arith.constant 0 : i32
      %dma_wait3A_317 = tpu.memref_slice %arg12[%add3A_243, %dma_wait3A_316] : memref<10400x64xf32, #tpu.memory_space<vmem_shared>> -> memref<8x64xf32, #tpu.memory_space<vmem_shared>>
      %dma_wait3A_318 = arith.constant 0 : i32
      %dma_wait3A_319 = tpu.memref_slice %arg12[%add3A_243, %dma_wait3A_318] : memref<10400x64xf32, #tpu.memory_space<vmem_shared>> -> memref<8x64xf32, #tpu.memory_space<vmem_shared>>
      %dma_wait3A_320 = arith.constant 0 : i32
      %dma_wait3A_321 = arith.constant 0 : i32
      %dma_wait3A_322 = tpu.memref_slice %arg9[%dma_wait3A_320, %dma_wait3A_321] : memref<128x64xf32, #tpu.memory_space<vmem>> -> memref<8x64xf32, #tpu.memory_space<vmem>>
      tpu.wait_dma2 semaphore(%run_scoped3A : memref<!tpu.dma_semaphore, #tpu.memory_space<semaphore_mem>>) src(%dma_wait3A_322 : memref<8x64xf32, #tpu.memory_space<vmem>>) dst(%dma_wait3A_319 : memref<8x64xf32, #tpu.memory_space<vmem_shared>>)
      tpu.yield
    }) : () -> ()
    %eq3A_244 = arith.constant 15 : i32
    %eq3A_245 = arith.cmpi eq, %arg1, %eq3A_244 : i32
    %convert_element_type3A_246 = arith.extui %eq3A_245 : i1 to i32
    %cond3A_247 = arith.constant 0 : i32
    %cond3A_248 = arith.cmpi ne, %convert_element_type3A_246, %cond3A_247 : i32
    scf.if %cond3A_248 {
      "tpu.region"() ({
        %run_scoped3A = tpu.sem_alloc : memref<!tpu.dma_semaphore, #tpu.memory_space<semaphore_mem>>
        %dma_start3A = arith.constant 0 : i32
        %dma_start3A_305 = arith.constant 0 : i32
        %dma_start3A_306 = tpu.memref_slice %arg9[%dma_start3A, %dma_start3A_305] : memref<128x64xf32, #tpu.memory_space<vmem>> -> memref<32x64xf32, #tpu.memory_space<vmem>>
        %dma_start3A_307 = arith.constant 10368 : i32
        %dma_start3A_308 = arith.constant 0 : i32
        %dma_start3A_309 = tpu.memref_slice %arg12[%dma_start3A_307, %dma_start3A_308] : memref<10400x64xf32, #tpu.memory_space<vmem_shared>> -> memref<32x64xf32, #tpu.memory_space<vmem_shared>>
        %dma_start3A_310 = arith.constant 10368 : i32
        %dma_start3A_311 = arith.constant 0 : i32
        %dma_start3A_312 = tpu.memref_slice %arg12[%dma_start3A_310, %dma_start3A_311] : memref<10400x64xf32, #tpu.memory_space<vmem_shared>> -> memref<32x64xf32, #tpu.memory_space<vmem_shared>>
        %dma_start3A_313 = arith.constant 0 : i32
        %dma_start3A_314 = arith.constant 0 : i32
        %dma_start3A_315 = tpu.memref_slice %arg9[%dma_start3A_313, %dma_start3A_314] : memref<128x64xf32, #tpu.memory_space<vmem>> -> memref<32x64xf32, #tpu.memory_space<vmem>>
        tpu.enqueue_dma source(%dma_start3A_315 : memref<32x64xf32, #tpu.memory_space<vmem>>) target(%dma_start3A_312 : memref<32x64xf32, #tpu.memory_space<vmem_shared>>) target_semaphore(%run_scoped3A : memref<!tpu.dma_semaphore, #tpu.memory_space<semaphore_mem>>)
        %dma_wait3A = arith.constant 0 : i32
        %dma_wait3A_316 = arith.constant 0 : i32
        %dma_wait3A_317 = tpu.memref_slice %arg9[%dma_wait3A, %dma_wait3A_316] : memref<128x64xf32, #tpu.memory_space<vmem>> -> memref<32x64xf32, #tpu.memory_space<vmem>>
        %dma_wait3A_318 = arith.constant 10368 : i32
        %dma_wait3A_319 = arith.constant 0 : i32
        %dma_wait3A_320 = tpu.memref_slice %arg12[%dma_wait3A_318, %dma_wait3A_319] : memref<10400x64xf32, #tpu.memory_space<vmem_shared>> -> memref<32x64xf32, #tpu.memory_space<vmem_shared>>
        %dma_wait3A_321 = arith.constant 10368 : i32
        %dma_wait3A_322 = arith.constant 0 : i32
        %dma_wait3A_323 = tpu.memref_slice %arg12[%dma_wait3A_321, %dma_wait3A_322] : memref<10400x64xf32, #tpu.memory_space<vmem_shared>> -> memref<32x64xf32, #tpu.memory_space<vmem_shared>>
        %dma_wait3A_324 = arith.constant 0 : i32
        %dma_wait3A_325 = arith.constant 0 : i32
        %dma_wait3A_326 = tpu.memref_slice %arg9[%dma_wait3A_324, %dma_wait3A_325] : memref<128x64xf32, #tpu.memory_space<vmem>> -> memref<32x64xf32, #tpu.memory_space<vmem>>
        tpu.wait_dma2 semaphore(%run_scoped3A : memref<!tpu.dma_semaphore, #tpu.memory_space<semaphore_mem>>) src(%dma_wait3A_326 : memref<32x64xf32, #tpu.memory_space<vmem>>) dst(%dma_wait3A_323 : memref<32x64xf32, #tpu.memory_space<vmem_shared>>)
        tpu.yield
      }) : () -> ()
    } else {
    }
    %barrier3A_249 = arith.constant 0 : index
    tpu.barrier barrier_id(%barrier3A_249)
    %scan3A_250 = arith.constant 0 : i32
    %scan3A_251 = arith.constant 80 : i32
    %scan3A_252 = arith.addi %scan3A_250, %scan3A_251 : i32
    %scan3A_253 = arith.constant 1 : i32
    scf.for %scan3A_305 = %scan3A_250 to %scan3A_252 step %scan3A_253  : i32 {
      %mul3A_306 = arith.constant 1 : i32
      %mul3A_307 = arith.muli %scan3A_305, %mul3A_306 : i32
      %add3A_308 = arith.constant 0 : i32
      %add3A_309 = arith.addi %add3A_308, %mul3A_307 : i32
      %dma_start3A = arith.constant 0 : i32
      %dma_start3A_310 = tpu.memref_slice %arg7[%add3A_309, %dma_start3A] : memref<80x128xi32, #tpu.memory_space<vmem>> -> memref<1x128xi32, #tpu.memory_space<vmem>>
      %dma_start3A_311 = tpu.memref_squeeze %dma_start3A_310 : memref<1x128xi32, #tpu.memory_space<vmem>> -> memref<128xi32, #tpu.memory_space<vmem>>
      %dma_start3A_312 = arith.constant 0 : i32
      %dma_start3A_313 = arith.constant 0 : i32
      %dma_start3A_314 = tpu.memref_slice %arg2[%dma_start3A_312, %dma_start3A_313] : memref<41600x64xf32, #tpu.memory_space<hbm>> -> memref<41600x64xf32, #tpu.memory_space<hbm>>
      tpu.enqueue_indirect_dma source(%dma_start3A_314 : memref<41600x64xf32, #tpu.memory_space<hbm>>) target(%arg9 : memref<128x64xf32, #tpu.memory_space<vmem>>) offsets(%dma_start3A_311 : memref<128xi32, #tpu.memory_space<vmem>>) semaphore(%arg14 : memref<!tpu.dma_semaphore, #tpu.memory_space<semaphore_mem>>)
      %dma_wait3A = arith.constant 0 : i32
      %dma_wait3A_315 = tpu.memref_slice %arg7[%add3A_309, %dma_wait3A] : memref<80x128xi32, #tpu.memory_space<vmem>> -> memref<1x128xi32, #tpu.memory_space<vmem>>
      %dma_wait3A_316 = tpu.memref_squeeze %dma_wait3A_315 : memref<1x128xi32, #tpu.memory_space<vmem>> -> memref<128xi32, #tpu.memory_space<vmem>>
      %dma_wait3A_317 = arith.constant 0 : i32
      %dma_wait3A_318 = arith.constant 0 : i32
      %dma_wait3A_319 = tpu.memref_slice %arg2[%dma_wait3A_317, %dma_wait3A_318] : memref<41600x64xf32, #tpu.memory_space<hbm>> -> memref<41600x64xf32, #tpu.memory_space<hbm>>
      tpu.wait_indirect_dma semaphore(%arg14 : memref<!tpu.dma_semaphore, #tpu.memory_space<semaphore_mem>>) src(%dma_wait3A_319 : memref<41600x64xf32, #tpu.memory_space<hbm>>) dst(%arg9 : memref<128x64xf32, #tpu.memory_space<vmem>>)
      "tpu.region"() ({
        %run_scoped3A = tpu.sem_alloc : memref<!tpu.dma_semaphore, #tpu.memory_space<semaphore_mem>>
        %dma_start3A_320 = arith.constant 0 : i32
        %dma_start3A_321 = tpu.memref_slice %arg8[%add3A_309, %dma_start3A_320] : memref<80x128xi32, #tpu.memory_space<vmem>> -> memref<1x128xi32, #tpu.memory_space<vmem>>
        %dma_start3A_322 = tpu.memref_squeeze %dma_start3A_321 : memref<1x128xi32, #tpu.memory_space<vmem>> -> memref<128xi32, #tpu.memory_space<vmem>>
        %dma_start3A_323 = arith.constant 0 : i32
        %dma_start3A_324 = arith.constant 0 : i32
        %dma_start3A_325 = tpu.memref_slice %arg12[%dma_start3A_323, %dma_start3A_324] : memref<10400x64xf32, #tpu.memory_space<vmem_shared>> -> memref<10400x64xf32, #tpu.memory_space<vmem_shared>>
        tpu.enqueue_indirect_dma source(%arg9 : memref<128x64xf32, #tpu.memory_space<vmem>>) target(%dma_start3A_325 : memref<10400x64xf32, #tpu.memory_space<vmem_shared>>) offsets(%dma_start3A_322 : memref<128xi32, #tpu.memory_space<vmem>>) semaphore(%run_scoped3A : memref<!tpu.dma_semaphore, #tpu.memory_space<semaphore_mem>>) {add = true}
        %dma_wait3A_326 = arith.constant 0 : i32
        %dma_wait3A_327 = tpu.memref_slice %arg8[%add3A_309, %dma_wait3A_326] : memref<80x128xi32, #tpu.memory_space<vmem>> -> memref<1x128xi32, #tpu.memory_space<vmem>>
        %dma_wait3A_328 = tpu.memref_squeeze %dma_wait3A_327 : memref<1x128xi32, #tpu.memory_space<vmem>> -> memref<128xi32, #tpu.memory_space<vmem>>
        %dma_wait3A_329 = arith.constant 0 : i32
        %dma_wait3A_330 = arith.constant 0 : i32
        %dma_wait3A_331 = tpu.memref_slice %arg12[%dma_wait3A_329, %dma_wait3A_330] : memref<10400x64xf32, #tpu.memory_space<vmem_shared>> -> memref<10400x64xf32, #tpu.memory_space<vmem_shared>>
        tpu.wait_indirect_dma semaphore(%run_scoped3A : memref<!tpu.dma_semaphore, #tpu.memory_space<semaphore_mem>>) src(%arg9 : memref<128x64xf32, #tpu.memory_space<vmem>>) dst(%dma_wait3A_331 : memref<10400x64xf32, #tpu.memory_space<vmem_shared>>)
        tpu.yield
      }) : () -> ()
    }
    %scan3A_254 = arith.constant 80 : i32
    %barrier3A_255 = arith.constant 0 : index
    tpu.barrier barrier_id(%barrier3A_255)
    %mul3A_256 = arith.constant 648 : i32
    %mul3A_257 = arith.muli %arg1, %mul3A_256 : i32
    %add3A_258 = arith.constant 0 : i32
    %add3A_259 = arith.addi %mul3A_257, %add3A_258 : i32
    %add3A_260 = arith.constant 0 : i32
    %add3A_261 = arith.addi %mul3A_257, %add3A_260 : i32
    %mul3A_262 = arith.constant 10400 : i32
    %mul3A_263 = arith.muli %add3A_210, %mul3A_262 : i32
    %add3A_264 = arith.addi %mul3A_263, %add3A_261 : i32
    "tpu.region"() ({
      %run_scoped3A = tpu.sem_alloc : memref<!tpu.dma_semaphore, #tpu.memory_space<semaphore_mem>>
      %dma_start3A = arith.constant 0 : i32
      %dma_start3A_305 = tpu.memref_slice %arg5[%add3A_264, %dma_start3A] : memref<41600x64xf32, #tpu.memory_space<hbm>> -> memref<128x64xf32, #tpu.memory_space<hbm>>
      %dma_start3A_306 = arith.constant 0 : i32
      %dma_start3A_307 = tpu.memref_slice %arg12[%add3A_259, %dma_start3A_306] : memref<10400x64xf32, #tpu.memory_space<vmem_shared>> -> memref<128x64xf32, #tpu.memory_space<vmem_shared>>
      tpu.enqueue_dma source(%dma_start3A_307 : memref<128x64xf32, #tpu.memory_space<vmem_shared>>) target(%dma_start3A_305 : memref<128x64xf32, #tpu.memory_space<hbm>>) target_semaphore(%run_scoped3A : memref<!tpu.dma_semaphore, #tpu.memory_space<semaphore_mem>>)
      %dma_wait3A = arith.constant 0 : i32
      %dma_wait3A_308 = tpu.memref_slice %arg5[%add3A_264, %dma_wait3A] : memref<41600x64xf32, #tpu.memory_space<hbm>> -> memref<128x64xf32, #tpu.memory_space<hbm>>
      %dma_wait3A_309 = arith.constant 0 : i32
      %dma_wait3A_310 = tpu.memref_slice %arg12[%add3A_259, %dma_wait3A_309] : memref<10400x64xf32, #tpu.memory_space<vmem_shared>> -> memref<128x64xf32, #tpu.memory_space<vmem_shared>>
      tpu.wait_dma2 semaphore(%run_scoped3A : memref<!tpu.dma_semaphore, #tpu.memory_space<semaphore_mem>>) src(%dma_wait3A_310 : memref<128x64xf32, #tpu.memory_space<vmem_shared>>) dst(%dma_wait3A_308 : memref<128x64xf32, #tpu.memory_space<hbm>>)
      tpu.yield
    }) : () -> ()
    %add3A_265 = arith.constant 128 : i32
    %add3A_266 = arith.addi %mul3A_257, %add3A_265 : i32
    %add3A_267 = arith.constant 128 : i32
    %add3A_268 = arith.addi %mul3A_257, %add3A_267 : i32
    %mul3A_269 = arith.constant 10400 : i32
    %mul3A_270 = arith.muli %add3A_210, %mul3A_269 : i32
    %add3A_271 = arith.addi %mul3A_270, %add3A_268 : i32
    "tpu.region"() ({
      %run_scoped3A = tpu.sem_alloc : memref<!tpu.dma_semaphore, #tpu.memory_space<semaphore_mem>>
      %dma_start3A = arith.constant 0 : i32
      %dma_start3A_305 = tpu.memref_slice %arg5[%add3A_271, %dma_start3A] : memref<41600x64xf32, #tpu.memory_space<hbm>> -> memref<128x64xf32, #tpu.memory_space<hbm>>
      %dma_start3A_306 = arith.constant 0 : i32
      %dma_start3A_307 = tpu.memref_slice %arg12[%add3A_266, %dma_start3A_306] : memref<10400x64xf32, #tpu.memory_space<vmem_shared>> -> memref<128x64xf32, #tpu.memory_space<vmem_shared>>
      tpu.enqueue_dma source(%dma_start3A_307 : memref<128x64xf32, #tpu.memory_space<vmem_shared>>) target(%dma_start3A_305 : memref<128x64xf32, #tpu.memory_space<hbm>>) target_semaphore(%run_scoped3A : memref<!tpu.dma_semaphore, #tpu.memory_space<semaphore_mem>>)
      %dma_wait3A = arith.constant 0 : i32
      %dma_wait3A_308 = tpu.memref_slice %arg5[%add3A_271, %dma_wait3A] : memref<41600x64xf32, #tpu.memory_space<hbm>> -> memref<128x64xf32, #tpu.memory_space<hbm>>
      %dma_wait3A_309 = arith.constant 0 : i32
      %dma_wait3A_310 = tpu.memref_slice %arg12[%add3A_266, %dma_wait3A_309] : memref<10400x64xf32, #tpu.memory_space<vmem_shared>> -> memref<128x64xf32, #tpu.memory_space<vmem_shared>>
      tpu.wait_dma2 semaphore(%run_scoped3A : memref<!tpu.dma_semaphore, #tpu.memory_space<semaphore_mem>>) src(%dma_wait3A_310 : memref<128x64xf32, #tpu.memory_space<vmem_shared>>) dst(%dma_wait3A_308 : memref<128x64xf32, #tpu.memory_space<hbm>>)
      tpu.yield
    }) : () -> ()
    %add3A_272 = arith.constant 256 : i32
    %add3A_273 = arith.addi %mul3A_257, %add3A_272 : i32
    %add3A_274 = arith.constant 256 : i32
    %add3A_275 = arith.addi %mul3A_257, %add3A_274 : i32
    %mul3A_276 = arith.constant 10400 : i32
    %mul3A_277 = arith.muli %add3A_210, %mul3A_276 : i32
    %add3A_278 = arith.addi %mul3A_277, %add3A_275 : i32
    "tpu.region"() ({
      %run_scoped3A = tpu.sem_alloc : memref<!tpu.dma_semaphore, #tpu.memory_space<semaphore_mem>>
      %dma_start3A = arith.constant 0 : i32
      %dma_start3A_305 = tpu.memref_slice %arg5[%add3A_278, %dma_start3A] : memref<41600x64xf32, #tpu.memory_space<hbm>> -> memref<128x64xf32, #tpu.memory_space<hbm>>
      %dma_start3A_306 = arith.constant 0 : i32
      %dma_start3A_307 = tpu.memref_slice %arg12[%add3A_273, %dma_start3A_306] : memref<10400x64xf32, #tpu.memory_space<vmem_shared>> -> memref<128x64xf32, #tpu.memory_space<vmem_shared>>
      tpu.enqueue_dma source(%dma_start3A_307 : memref<128x64xf32, #tpu.memory_space<vmem_shared>>) target(%dma_start3A_305 : memref<128x64xf32, #tpu.memory_space<hbm>>) target_semaphore(%run_scoped3A : memref<!tpu.dma_semaphore, #tpu.memory_space<semaphore_mem>>)
      %dma_wait3A = arith.constant 0 : i32
      %dma_wait3A_308 = tpu.memref_slice %arg5[%add3A_278, %dma_wait3A] : memref<41600x64xf32, #tpu.memory_space<hbm>> -> memref<128x64xf32, #tpu.memory_space<hbm>>
      %dma_wait3A_309 = arith.constant 0 : i32
      %dma_wait3A_310 = tpu.memref_slice %arg12[%add3A_273, %dma_wait3A_309] : memref<10400x64xf32, #tpu.memory_space<vmem_shared>> -> memref<128x64xf32, #tpu.memory_space<vmem_shared>>
      tpu.wait_dma2 semaphore(%run_scoped3A : memref<!tpu.dma_semaphore, #tpu.memory_space<semaphore_mem>>) src(%dma_wait3A_310 : memref<128x64xf32, #tpu.memory_space<vmem_shared>>) dst(%dma_wait3A_308 : memref<128x64xf32, #tpu.memory_space<hbm>>)
      tpu.yield
    }) : () -> ()
    %add3A_279 = arith.constant 384 : i32
    %add3A_280 = arith.addi %mul3A_257, %add3A_279 : i32
    %add3A_281 = arith.constant 384 : i32
    %add3A_282 = arith.addi %mul3A_257, %add3A_281 : i32
    %mul3A_283 = arith.constant 10400 : i32
    %mul3A_284 = arith.muli %add3A_210, %mul3A_283 : i32
    %add3A_285 = arith.addi %mul3A_284, %add3A_282 : i32
    "tpu.region"() ({
      %run_scoped3A = tpu.sem_alloc : memref<!tpu.dma_semaphore, #tpu.memory_space<semaphore_mem>>
      %dma_start3A = arith.constant 0 : i32
      %dma_start3A_305 = tpu.memref_slice %arg5[%add3A_285, %dma_start3A] : memref<41600x64xf32, #tpu.memory_space<hbm>> -> memref<128x64xf32, #tpu.memory_space<hbm>>
      %dma_start3A_306 = arith.constant 0 : i32
      %dma_start3A_307 = tpu.memref_slice %arg12[%add3A_280, %dma_start3A_306] : memref<10400x64xf32, #tpu.memory_space<vmem_shared>> -> memref<128x64xf32, #tpu.memory_space<vmem_shared>>
      tpu.enqueue_dma source(%dma_start3A_307 : memref<128x64xf32, #tpu.memory_space<vmem_shared>>) target(%dma_start3A_305 : memref<128x64xf32, #tpu.memory_space<hbm>>) target_semaphore(%run_scoped3A : memref<!tpu.dma_semaphore, #tpu.memory_space<semaphore_mem>>)
      %dma_wait3A = arith.constant 0 : i32
      %dma_wait3A_308 = tpu.memref_slice %arg5[%add3A_285, %dma_wait3A] : memref<41600x64xf32, #tpu.memory_space<hbm>> -> memref<128x64xf32, #tpu.memory_space<hbm>>
      %dma_wait3A_309 = arith.constant 0 : i32
      %dma_wait3A_310 = tpu.memref_slice %arg12[%add3A_280, %dma_wait3A_309] : memref<10400x64xf32, #tpu.memory_space<vmem_shared>> -> memref<128x64xf32, #tpu.memory_space<vmem_shared>>
      tpu.wait_dma2 semaphore(%run_scoped3A : memref<!tpu.dma_semaphore, #tpu.memory_space<semaphore_mem>>) src(%dma_wait3A_310 : memref<128x64xf32, #tpu.memory_space<vmem_shared>>) dst(%dma_wait3A_308 : memref<128x64xf32, #tpu.memory_space<hbm>>)
      tpu.yield
    }) : () -> ()
    %add3A_286 = arith.constant 512 : i32
    %add3A_287 = arith.addi %mul3A_257, %add3A_286 : i32
    %add3A_288 = arith.constant 512 : i32
    %add3A_289 = arith.addi %mul3A_257, %add3A_288 : i32
    %mul3A_290 = arith.constant 10400 : i32
    %mul3A_291 = arith.muli %add3A_210, %mul3A_290 : i32
    %add3A_292 = arith.addi %mul3A_291, %add3A_289 : i32
    "tpu.region"() ({
      %run_scoped3A = tpu.sem_alloc : memref<!tpu.dma_semaphore, #tpu.memory_space<semaphore_mem>>
      %dma_start3A = arith.constant 0 : i32
      %dma_start3A_305 = tpu.memref_slice %arg5[%add3A_292, %dma_start3A] : memref<41600x64xf32, #tpu.memory_space<hbm>> -> memref<128x64xf32, #tpu.memory_space<hbm>>
      %dma_start3A_306 = arith.constant 0 : i32
      %dma_start3A_307 = tpu.memref_slice %arg12[%add3A_287, %dma_start3A_306] : memref<10400x64xf32, #tpu.memory_space<vmem_shared>> -> memref<128x64xf32, #tpu.memory_space<vmem_shared>>
      tpu.enqueue_dma source(%dma_start3A_307 : memref<128x64xf32, #tpu.memory_space<vmem_shared>>) target(%dma_start3A_305 : memref<128x64xf32, #tpu.memory_space<hbm>>) target_semaphore(%run_scoped3A : memref<!tpu.dma_semaphore, #tpu.memory_space<semaphore_mem>>)
      %dma_wait3A = arith.constant 0 : i32
      %dma_wait3A_308 = tpu.memref_slice %arg5[%add3A_292, %dma_wait3A] : memref<41600x64xf32, #tpu.memory_space<hbm>> -> memref<128x64xf32, #tpu.memory_space<hbm>>
      %dma_wait3A_309 = arith.constant 0 : i32
      %dma_wait3A_310 = tpu.memref_slice %arg12[%add3A_287, %dma_wait3A_309] : memref<10400x64xf32, #tpu.memory_space<vmem_shared>> -> memref<128x64xf32, #tpu.memory_space<vmem_shared>>
      tpu.wait_dma2 semaphore(%run_scoped3A : memref<!tpu.dma_semaphore, #tpu.memory_space<semaphore_mem>>) src(%dma_wait3A_310 : memref<128x64xf32, #tpu.memory_space<vmem_shared>>) dst(%dma_wait3A_308 : memref<128x64xf32, #tpu.memory_space<hbm>>)
      tpu.yield
    }) : () -> ()
    %add3A_293 = arith.constant 640 : i32
    %add3A_294 = arith.addi %mul3A_257, %add3A_293 : i32
    %add3A_295 = arith.constant 640 : i32
    %add3A_296 = arith.addi %mul3A_257, %add3A_295 : i32
    %mul3A_297 = arith.constant 10400 : i32
    %mul3A_298 = arith.muli %add3A_210, %mul3A_297 : i32
    %add3A_299 = arith.addi %mul3A_298, %add3A_296 : i32
    "tpu.region"() ({
      %run_scoped3A = tpu.sem_alloc : memref<!tpu.dma_semaphore, #tpu.memory_space<semaphore_mem>>
      %dma_start3A = arith.constant 0 : i32
      %dma_start3A_305 = tpu.memref_slice %arg5[%add3A_299, %dma_start3A] : memref<41600x64xf32, #tpu.memory_space<hbm>> -> memref<8x64xf32, #tpu.memory_space<hbm>>
      %dma_start3A_306 = arith.constant 0 : i32
      %dma_start3A_307 = tpu.memref_slice %arg12[%add3A_294, %dma_start3A_306] : memref<10400x64xf32, #tpu.memory_space<vmem_shared>> -> memref<8x64xf32, #tpu.memory_space<vmem_shared>>
      tpu.enqueue_dma source(%dma_start3A_307 : memref<8x64xf32, #tpu.memory_space<vmem_shared>>) target(%dma_start3A_305 : memref<8x64xf32, #tpu.memory_space<hbm>>) target_semaphore(%run_scoped3A : memref<!tpu.dma_semaphore, #tpu.memory_space<semaphore_mem>>)
      %dma_wait3A = arith.constant 0 : i32
      %dma_wait3A_308 = tpu.memref_slice %arg5[%add3A_299, %dma_wait3A] : memref<41600x64xf32, #tpu.memory_space<hbm>> -> memref<8x64xf32, #tpu.memory_space<hbm>>
      %dma_wait3A_309 = arith.constant 0 : i32
      %dma_wait3A_310 = tpu.memref_slice %arg12[%add3A_294, %dma_wait3A_309] : memref<10400x64xf32, #tpu.memory_space<vmem_shared>> -> memref<8x64xf32, #tpu.memory_space<vmem_shared>>
      tpu.wait_dma2 semaphore(%run_scoped3A : memref<!tpu.dma_semaphore, #tpu.memory_space<semaphore_mem>>) src(%dma_wait3A_310 : memref<8x64xf32, #tpu.memory_space<vmem_shared>>) dst(%dma_wait3A_308 : memref<8x64xf32, #tpu.memory_space<hbm>>)
      tpu.yield
    }) : () -> ()
    %eq3A_300 = arith.constant 15 : i32
    %eq3A_301 = arith.cmpi eq, %arg1, %eq3A_300 : i32
    %convert_element_type3A_302 = arith.extui %eq3A_301 : i1 to i32
    %cond3A_303 = arith.constant 0 : i32
    %cond3A_304 = arith.cmpi ne, %convert_element_type3A_302, %cond3A_303 : i32
    scf.if %cond3A_304 {
      %mul3A_305 = arith.constant 10400 : i32
      %mul3A_306 = arith.muli %add3A_210, %mul3A_305 : i32
      %add3A_307 = arith.constant 10368 : i32
      %add3A_308 = arith.addi %mul3A_306, %add3A_307 : i32
      "tpu.region"() ({
        %run_scoped3A = tpu.sem_alloc : memref<!tpu.dma_semaphore, #tpu.memory_space<semaphore_mem>>
        %dma_start3A = arith.constant 0 : i32
        %dma_start3A_309 = tpu.memref_slice %arg5[%add3A_308, %dma_start3A] : memref<41600x64xf32, #tpu.memory_space<hbm>> -> memref<32x64xf32, #tpu.memory_space<hbm>>
        %dma_start3A_310 = arith.constant 10368 : i32
        %dma_start3A_311 = arith.constant 0 : i32
        %dma_start3A_312 = tpu.memref_slice %arg12[%dma_start3A_310, %dma_start3A_311] : memref<10400x64xf32, #tpu.memory_space<vmem_shared>> -> memref<32x64xf32, #tpu.memory_space<vmem_shared>>
        tpu.enqueue_dma source(%dma_start3A_312 : memref<32x64xf32, #tpu.memory_space<vmem_shared>>) target(%dma_start3A_309 : memref<32x64xf32, #tpu.memory_space<hbm>>) target_semaphore(%run_scoped3A : memref<!tpu.dma_semaphore, #tpu.memory_space<semaphore_mem>>)
        %dma_wait3A = arith.constant 0 : i32
        %dma_wait3A_313 = tpu.memref_slice %arg5[%add3A_308, %dma_wait3A] : memref<41600x64xf32, #tpu.memory_space<hbm>> -> memref<32x64xf32, #tpu.memory_space<hbm>>
        %dma_wait3A_314 = arith.constant 10368 : i32
        %dma_wait3A_315 = arith.constant 0 : i32
        %dma_wait3A_316 = tpu.memref_slice %arg12[%dma_wait3A_314, %dma_wait3A_315] : memref<10400x64xf32, #tpu.memory_space<vmem_shared>> -> memref<32x64xf32, #tpu.memory_space<vmem_shared>>
        tpu.wait_dma2 semaphore(%run_scoped3A : memref<!tpu.dma_semaphore, #tpu.memory_space<semaphore_mem>>) src(%dma_wait3A_316 : memref<32x64xf32, #tpu.memory_space<vmem_shared>>) dst(%dma_wait3A_313 : memref<32x64xf32, #tpu.memory_space<hbm>>)
        tpu.yield
      }) : () -> ()
    } else {
    }
    return
  }
}

#map = affine_map<(d0, d1) -> (0, 0)>
module attributes {stable_mosaic.version = 14 : i64} {
  func.func @_sc_agg2_body(%arg0: i32, %arg1: i32, %arg2: memref<83200x64xf32, #tpu.memory_space<hbm>>, %arg3: memref<1280x128xi32, #tpu.memory_space<hbm>>, %arg4: memref<1280x128xi32, #tpu.memory_space<hbm>>, %arg5: memref<83200x64xf32, #tpu.memory_space<hbm>>, %arg6: memref<80x128xi32, #tpu.memory_space<vmem>>, %arg7: memref<80x128xi32, #tpu.memory_space<vmem>>, %arg8: memref<128x64xf32, #tpu.memory_space<vmem>>, %arg9: memref<10400x64xf32, #tpu.memory_space<vmem_shared>>, %arg10: memref<!tpu.dma_semaphore, #tpu.memory_space<semaphore_mem>>) attributes {dimension_semantics = [#tpu.dimension_semantics<core_parallel>, #tpu.dimension_semantics<subcore_parallel>], iteration_bounds = array<i64: 2, 16>, scalar_prefetch = 0 : i64, scratch_operands = 5 : i64, tpu.core_type = #tpu.core_type<sc_vector_subcore>, window_params = [{transform_indices = #map}, {transform_indices = #map}, {transform_indices = #map}, {transform_indices = #map}]} {
    %mul3A = arith.constant 80 : i32
    %mul3A_0 = arith.muli %arg1, %mul3A : i32
    "tpu.region"() ({
      %run_scoped3A = tpu.sem_alloc : memref<!tpu.dma_semaphore, #tpu.memory_space<semaphore_mem>>
      %dma_start3A = arith.constant 0 : i32
      %dma_start3A_410 = tpu.memref_slice %arg3[%mul3A_0, %dma_start3A] : memref<1280x128xi32, #tpu.memory_space<hbm>> -> memref<80x128xi32, #tpu.memory_space<hbm>>
      %dma_start3A_411 = arith.constant 0 : i32
      %dma_start3A_412 = tpu.memref_slice %arg3[%mul3A_0, %dma_start3A_411] : memref<1280x128xi32, #tpu.memory_space<hbm>> -> memref<80x128xi32, #tpu.memory_space<hbm>>
      tpu.enqueue_dma source(%dma_start3A_412 : memref<80x128xi32, #tpu.memory_space<hbm>>) target(%arg6 : memref<80x128xi32, #tpu.memory_space<vmem>>) target_semaphore(%run_scoped3A : memref<!tpu.dma_semaphore, #tpu.memory_space<semaphore_mem>>)
      %dma_wait3A = arith.constant 0 : i32
      %dma_wait3A_413 = tpu.memref_slice %arg3[%mul3A_0, %dma_wait3A] : memref<1280x128xi32, #tpu.memory_space<hbm>> -> memref<80x128xi32, #tpu.memory_space<hbm>>
      %dma_wait3A_414 = arith.constant 0 : i32
      %dma_wait3A_415 = tpu.memref_slice %arg3[%mul3A_0, %dma_wait3A_414] : memref<1280x128xi32, #tpu.memory_space<hbm>> -> memref<80x128xi32, #tpu.memory_space<hbm>>
      tpu.wait_dma2 semaphore(%run_scoped3A : memref<!tpu.dma_semaphore, #tpu.memory_space<semaphore_mem>>) src(%dma_wait3A_415 : memref<80x128xi32, #tpu.memory_space<hbm>>) dst(%arg6 : memref<80x128xi32, #tpu.memory_space<vmem>>)
      tpu.yield
    }) : () -> ()
    %mul3A_1 = arith.constant 80 : i32
    %mul3A_2 = arith.muli %arg1, %mul3A_1 : i32
    "tpu.region"() ({
      %run_scoped3A = tpu.sem_alloc : memref<!tpu.dma_semaphore, #tpu.memory_space<semaphore_mem>>
      %dma_start3A = arith.constant 0 : i32
      %dma_start3A_410 = tpu.memref_slice %arg4[%mul3A_2, %dma_start3A] : memref<1280x128xi32, #tpu.memory_space<hbm>> -> memref<80x128xi32, #tpu.memory_space<hbm>>
      %dma_start3A_411 = arith.constant 0 : i32
      %dma_start3A_412 = tpu.memref_slice %arg4[%mul3A_2, %dma_start3A_411] : memref<1280x128xi32, #tpu.memory_space<hbm>> -> memref<80x128xi32, #tpu.memory_space<hbm>>
      tpu.enqueue_dma source(%dma_start3A_412 : memref<80x128xi32, #tpu.memory_space<hbm>>) target(%arg7 : memref<80x128xi32, #tpu.memory_space<vmem>>) target_semaphore(%run_scoped3A : memref<!tpu.dma_semaphore, #tpu.memory_space<semaphore_mem>>)
      %dma_wait3A = arith.constant 0 : i32
      %dma_wait3A_413 = tpu.memref_slice %arg4[%mul3A_2, %dma_wait3A] : memref<1280x128xi32, #tpu.memory_space<hbm>> -> memref<80x128xi32, #tpu.memory_space<hbm>>
      %dma_wait3A_414 = arith.constant 0 : i32
      %dma_wait3A_415 = tpu.memref_slice %arg4[%mul3A_2, %dma_wait3A_414] : memref<1280x128xi32, #tpu.memory_space<hbm>> -> memref<80x128xi32, #tpu.memory_space<hbm>>
      tpu.wait_dma2 semaphore(%run_scoped3A : memref<!tpu.dma_semaphore, #tpu.memory_space<semaphore_mem>>) src(%dma_wait3A_415 : memref<80x128xi32, #tpu.memory_space<hbm>>) dst(%arg7 : memref<80x128xi32, #tpu.memory_space<vmem>>)
      tpu.yield
    }) : () -> ()
    %mul3A_3 = arith.constant 4 : i32
    %mul3A_4 = arith.muli %mul3A_3, %arg0 : i32
    %mul3A_5 = arith.constant 10400 : i32
    %mul3A_6 = arith.muli %mul3A_4, %mul3A_5 : i32
    %scan3A = arith.constant 0 : i32
    %scan3A_7 = arith.constant 80 : i32
    %scan3A_8 = arith.addi %scan3A, %scan3A_7 : i32
    %scan3A_9 = arith.constant 1 : i32
    scf.for %scan3A_410 = %scan3A to %scan3A_8 step %scan3A_9  : i32 {
      %mul3A_411 = arith.constant 1 : i32
      %mul3A_412 = arith.muli %scan3A_410, %mul3A_411 : i32
      %add3A_413 = arith.constant 0 : i32
      %add3A_414 = arith.addi %add3A_413, %mul3A_412 : i32
      %get3A = arith.index_cast %add3A_414 : i32 to index
      %get3A_415 = arith.constant 0 : index
      %get3A_416 = tpu.vector_load %arg6[%get3A, %get3A_415] {strides = array<i32>} : memref<80x128xi32, #tpu.memory_space<vmem>>, vector<1x16xi32>,
      %get3A_417 = vector.shape_cast %get3A_416 : vector<1x16xi32> to vector<16xi32>
      %add3A_418 = vector.broadcast %mul3A_6 : i32 to vector<16xi32>
      %add3A_419 = arith.addi %get3A_417, %add3A_418 : vector<16xi32>
      %swap3A = arith.index_cast %add3A_414 : i32 to index
      %swap3A_420 = arith.constant 0 : index
      %swap3A_421 = tpu.vector_load %arg6[%swap3A, %swap3A_420] {strides = array<i32>} : memref<80x128xi32, #tpu.memory_space<vmem>>, vector<1x16xi32>,
      %swap3A_422 = vector.shape_cast %swap3A_421 : vector<1x16xi32> to vector<16xi32>
      %swap3A_423 = vector.shape_cast %add3A_419 : vector<16xi32> to vector<1x16xi32>
      tpu.vector_store %arg6[%swap3A, %swap3A_420], %swap3A_423 {strides = array<i32>} : memref<80x128xi32, #tpu.memory_space<vmem>>, vector<1x16xi32>,
      %get3A_424 = arith.index_cast %add3A_414 : i32 to index
      %get3A_425 = arith.constant 16 : index
      %get3A_426 = tpu.vector_load %arg6[%get3A_424, %get3A_425] {strides = array<i32>} : memref<80x128xi32, #tpu.memory_space<vmem>>, vector<1x16xi32>,
      %get3A_427 = vector.shape_cast %get3A_426 : vector<1x16xi32> to vector<16xi32>
      %add3A_428 = vector.broadcast %mul3A_6 : i32 to vector<16xi32>
      %add3A_429 = arith.addi %get3A_427, %add3A_428 : vector<16xi32>
      %swap3A_430 = arith.index_cast %add3A_414 : i32 to index
      %swap3A_431 = arith.constant 16 : index
      %swap3A_432 = tpu.vector_load %arg6[%swap3A_430, %swap3A_431] {strides = array<i32>} : memref<80x128xi32, #tpu.memory_space<vmem>>, vector<1x16xi32>,
      %swap3A_433 = vector.shape_cast %swap3A_432 : vector<1x16xi32> to vector<16xi32>
      %swap3A_434 = vector.shape_cast %add3A_429 : vector<16xi32> to vector<1x16xi32>
      tpu.vector_store %arg6[%swap3A_430, %swap3A_431], %swap3A_434 {strides = array<i32>} : memref<80x128xi32, #tpu.memory_space<vmem>>, vector<1x16xi32>,
      %get3A_435 = arith.index_cast %add3A_414 : i32 to index
      %get3A_436 = arith.constant 32 : index
      %get3A_437 = tpu.vector_load %arg6[%get3A_435, %get3A_436] {strides = array<i32>} : memref<80x128xi32, #tpu.memory_space<vmem>>, vector<1x16xi32>,
      %get3A_438 = vector.shape_cast %get3A_437 : vector<1x16xi32> to vector<16xi32>
      %add3A_439 = vector.broadcast %mul3A_6 : i32 to vector<16xi32>
      %add3A_440 = arith.addi %get3A_438, %add3A_439 : vector<16xi32>
      %swap3A_441 = arith.index_cast %add3A_414 : i32 to index
      %swap3A_442 = arith.constant 32 : index
      %swap3A_443 = tpu.vector_load %arg6[%swap3A_441, %swap3A_442] {strides = array<i32>} : memref<80x128xi32, #tpu.memory_space<vmem>>, vector<1x16xi32>,
      %swap3A_444 = vector.shape_cast %swap3A_443 : vector<1x16xi32> to vector<16xi32>
      %swap3A_445 = vector.shape_cast %add3A_440 : vector<16xi32> to vector<1x16xi32>
      tpu.vector_store %arg6[%swap3A_441, %swap3A_442], %swap3A_445 {strides = array<i32>} : memref<80x128xi32, #tpu.memory_space<vmem>>, vector<1x16xi32>,
      %get3A_446 = arith.index_cast %add3A_414 : i32 to index
      %get3A_447 = arith.constant 48 : index
      %get3A_448 = tpu.vector_load %arg6[%get3A_446, %get3A_447] {strides = array<i32>} : memref<80x128xi32, #tpu.memory_space<vmem>>, vector<1x16xi32>,
      %get3A_449 = vector.shape_cast %get3A_448 : vector<1x16xi32> to vector<16xi32>
      %add3A_450 = vector.broadcast %mul3A_6 : i32 to vector<16xi32>
      %add3A_451 = arith.addi %get3A_449, %add3A_450 : vector<16xi32>
      %swap3A_452 = arith.index_cast %add3A_414 : i32 to index
      %swap3A_453 = arith.constant 48 : index
      %swap3A_454 = tpu.vector_load %arg6[%swap3A_452, %swap3A_453] {strides = array<i32>} : memref<80x128xi32, #tpu.memory_space<vmem>>, vector<1x16xi32>,
      %swap3A_455 = vector.shape_cast %swap3A_454 : vector<1x16xi32> to vector<16xi32>
      %swap3A_456 = vector.shape_cast %add3A_451 : vector<16xi32> to vector<1x16xi32>
      tpu.vector_store %arg6[%swap3A_452, %swap3A_453], %swap3A_456 {strides = array<i32>} : memref<80x128xi32, #tpu.memory_space<vmem>>, vector<1x16xi32>,
      %get3A_457 = arith.index_cast %add3A_414 : i32 to index
      %get3A_458 = arith.constant 64 : index
      %get3A_459 = tpu.vector_load %arg6[%get3A_457, %get3A_458] {strides = array<i32>} : memref<80x128xi32, #tpu.memory_space<vmem>>, vector<1x16xi32>,
      %get3A_460 = vector.shape_cast %get3A_459 : vector<1x16xi32> to vector<16xi32>
      %add3A_461 = vector.broadcast %mul3A_6 : i32 to vector<16xi32>
      %add3A_462 = arith.addi %get3A_460, %add3A_461 : vector<16xi32>
      %swap3A_463 = arith.index_cast %add3A_414 : i32 to index
      %swap3A_464 = arith.constant 64 : index
      %swap3A_465 = tpu.vector_load %arg6[%swap3A_463, %swap3A_464] {strides = array<i32>} : memref<80x128xi32, #tpu.memory_space<vmem>>, vector<1x16xi32>,
      %swap3A_466 = vector.shape_cast %swap3A_465 : vector<1x16xi32> to vector<16xi32>
      %swap3A_467 = vector.shape_cast %add3A_462 : vector<16xi32> to vector<1x16xi32>
      tpu.vector_store %arg6[%swap3A_463, %swap3A_464], %swap3A_467 {strides = array<i32>} : memref<80x128xi32, #tpu.memory_space<vmem>>, vector<1x16xi32>,
      %get3A_468 = arith.index_cast %add3A_414 : i32 to index
      %get3A_469 = arith.constant 80 : index
      %get3A_470 = tpu.vector_load %arg6[%get3A_468, %get3A_469] {strides = array<i32>} : memref<80x128xi32, #tpu.memory_space<vmem>>, vector<1x16xi32>,
      %get3A_471 = vector.shape_cast %get3A_470 : vector<1x16xi32> to vector<16xi32>
      %add3A_472 = vector.broadcast %mul3A_6 : i32 to vector<16xi32>
      %add3A_473 = arith.addi %get3A_471, %add3A_472 : vector<16xi32>
      %swap3A_474 = arith.index_cast %add3A_414 : i32 to index
      %swap3A_475 = arith.constant 80 : index
      %swap3A_476 = tpu.vector_load %arg6[%swap3A_474, %swap3A_475] {strides = array<i32>} : memref<80x128xi32, #tpu.memory_space<vmem>>, vector<1x16xi32>,
      %swap3A_477 = vector.shape_cast %swap3A_476 : vector<1x16xi32> to vector<16xi32>
      %swap3A_478 = vector.shape_cast %add3A_473 : vector<16xi32> to vector<1x16xi32>
      tpu.vector_store %arg6[%swap3A_474, %swap3A_475], %swap3A_478 {strides = array<i32>} : memref<80x128xi32, #tpu.memory_space<vmem>>, vector<1x16xi32>,
      %get3A_479 = arith.index_cast %add3A_414 : i32 to index
      %get3A_480 = arith.constant 96 : index
      %get3A_481 = tpu.vector_load %arg6[%get3A_479, %get3A_480] {strides = array<i32>} : memref<80x128xi32, #tpu.memory_space<vmem>>, vector<1x16xi32>,
      %get3A_482 = vector.shape_cast %get3A_481 : vector<1x16xi32> to vector<16xi32>
      %add3A_483 = vector.broadcast %mul3A_6 : i32 to vector<16xi32>
      %add3A_484 = arith.addi %get3A_482, %add3A_483 : vector<16xi32>
      %swap3A_485 = arith.index_cast %add3A_414 : i32 to index
      %swap3A_486 = arith.constant 96 : index
      %swap3A_487 = tpu.vector_load %arg6[%swap3A_485, %swap3A_486] {strides = array<i32>} : memref<80x128xi32, #tpu.memory_space<vmem>>, vector<1x16xi32>,
      %swap3A_488 = vector.shape_cast %swap3A_487 : vector<1x16xi32> to vector<16xi32>
      %swap3A_489 = vector.shape_cast %add3A_484 : vector<16xi32> to vector<1x16xi32>
      tpu.vector_store %arg6[%swap3A_485, %swap3A_486], %swap3A_489 {strides = array<i32>} : memref<80x128xi32, #tpu.memory_space<vmem>>, vector<1x16xi32>,
      %get3A_490 = arith.index_cast %add3A_414 : i32 to index
      %get3A_491 = arith.constant 112 : index
      %get3A_492 = tpu.vector_load %arg6[%get3A_490, %get3A_491] {strides = array<i32>} : memref<80x128xi32, #tpu.memory_space<vmem>>, vector<1x16xi32>,
      %get3A_493 = vector.shape_cast %get3A_492 : vector<1x16xi32> to vector<16xi32>
      %add3A_494 = vector.broadcast %mul3A_6 : i32 to vector<16xi32>
      %add3A_495 = arith.addi %get3A_493, %add3A_494 : vector<16xi32>
      %swap3A_496 = arith.index_cast %add3A_414 : i32 to index
      %swap3A_497 = arith.constant 112 : index
      %swap3A_498 = tpu.vector_load %arg6[%swap3A_496, %swap3A_497] {strides = array<i32>} : memref<80x128xi32, #tpu.memory_space<vmem>>, vector<1x16xi32>,
      %swap3A_499 = vector.shape_cast %swap3A_498 : vector<1x16xi32> to vector<16xi32>
      %swap3A_500 = vector.shape_cast %add3A_495 : vector<16xi32> to vector<1x16xi32>
      tpu.vector_store %arg6[%swap3A_496, %swap3A_497], %swap3A_500 {strides = array<i32>} : memref<80x128xi32, #tpu.memory_space<vmem>>, vector<1x16xi32>,
    }
    %scan3A_10 = arith.constant 80 : i32
    %mul3A_11 = arith.constant 4 : i32
    %mul3A_12 = arith.muli %mul3A_11, %arg0 : i32
    %broadcast_in_dim3A = arith.constant 0.000000e+00 : f32
    %broadcast_in_dim3A_13 = vector.broadcast %broadcast_in_dim3A : f32 to vector<16xf32>
    %scan3A_14 = arith.constant 0 : i32
    %scan3A_15 = arith.constant 128 : i32
    %scan3A_16 = arith.addi %scan3A_14, %scan3A_15 : i32
    %scan3A_17 = arith.constant 1 : i32
    scf.for %scan3A_410 = %scan3A_14 to %scan3A_16 step %scan3A_17  : i32 {
      %mul3A_411 = arith.constant 1 : i32
      %mul3A_412 = arith.muli %scan3A_410, %mul3A_411 : i32
      %add3A_413 = arith.constant 0 : i32
      %add3A_414 = arith.addi %add3A_413, %mul3A_412 : i32
      %swap3A = arith.index_cast %add3A_414 : i32 to index
      %swap3A_415 = arith.constant 0 : index
      %swap3A_416 = tpu.vector_load %arg8[%swap3A, %swap3A_415] {strides = array<i32>} : memref<128x64xf32, #tpu.memory_space<vmem>>, vector<1x16xf32>,
      %swap3A_417 = vector.shape_cast %swap3A_416 : vector<1x16xf32> to vector<16xf32>
      %swap3A_418 = vector.shape_cast %broadcast_in_dim3A_13 : vector<16xf32> to vector<1x16xf32>
      tpu.vector_store %arg8[%swap3A, %swap3A_415], %swap3A_418 {strides = array<i32>} : memref<128x64xf32, #tpu.memory_space<vmem>>, vector<1x16xf32>,
      %swap3A_419 = arith.index_cast %add3A_414 : i32 to index
      %swap3A_420 = arith.constant 16 : index
      %swap3A_421 = tpu.vector_load %arg8[%swap3A_419, %swap3A_420] {strides = array<i32>} : memref<128x64xf32, #tpu.memory_space<vmem>>, vector<1x16xf32>,
      %swap3A_422 = vector.shape_cast %swap3A_421 : vector<1x16xf32> to vector<16xf32>
      %swap3A_423 = vector.shape_cast %broadcast_in_dim3A_13 : vector<16xf32> to vector<1x16xf32>
      tpu.vector_store %arg8[%swap3A_419, %swap3A_420], %swap3A_423 {strides = array<i32>} : memref<128x64xf32, #tpu.memory_space<vmem>>, vector<1x16xf32>,
      %swap3A_424 = arith.index_cast %add3A_414 : i32 to index
      %swap3A_425 = arith.constant 32 : index
      %swap3A_426 = tpu.vector_load %arg8[%swap3A_424, %swap3A_425] {strides = array<i32>} : memref<128x64xf32, #tpu.memory_space<vmem>>, vector<1x16xf32>,
      %swap3A_427 = vector.shape_cast %swap3A_426 : vector<1x16xf32> to vector<16xf32>
      %swap3A_428 = vector.shape_cast %broadcast_in_dim3A_13 : vector<16xf32> to vector<1x16xf32>
      tpu.vector_store %arg8[%swap3A_424, %swap3A_425], %swap3A_428 {strides = array<i32>} : memref<128x64xf32, #tpu.memory_space<vmem>>, vector<1x16xf32>,
      %swap3A_429 = arith.index_cast %add3A_414 : i32 to index
      %swap3A_430 = arith.constant 48 : index
      %swap3A_431 = tpu.vector_load %arg8[%swap3A_429, %swap3A_430] {strides = array<i32>} : memref<128x64xf32, #tpu.memory_space<vmem>>, vector<1x16xf32>,
      %swap3A_432 = vector.shape_cast %swap3A_431 : vector<1x16xf32> to vector<16xf32>
      %swap3A_433 = vector.shape_cast %broadcast_in_dim3A_13 : vector<16xf32> to vector<1x16xf32>
      tpu.vector_store %arg8[%swap3A_429, %swap3A_430], %swap3A_433 {strides = array<i32>} : memref<128x64xf32, #tpu.memory_space<vmem>>, vector<1x16xf32>,
    }
    %scan3A_18 = arith.constant 128 : i32
    %mul3A_19 = arith.constant 648 : i32
    %mul3A_20 = arith.muli %arg1, %mul3A_19 : i32
    %add3A = arith.constant 0 : i32
    %add3A_21 = arith.addi %mul3A_20, %add3A : i32
    %add3A_22 = arith.constant 0 : i32
    %add3A_23 = arith.addi %mul3A_20, %add3A_22 : i32
    "tpu.region"() ({
      %run_scoped3A = tpu.sem_alloc : memref<!tpu.dma_semaphore, #tpu.memory_space<semaphore_mem>>
      %dma_start3A = arith.constant 0 : i32
      %dma_start3A_410 = arith.constant 0 : i32
      %dma_start3A_411 = tpu.memref_slice %arg8[%dma_start3A, %dma_start3A_410] : memref<128x64xf32, #tpu.memory_space<vmem>> -> memref<128x64xf32, #tpu.memory_space<vmem>>
      %dma_start3A_412 = arith.constant 0 : i32
      %dma_start3A_413 = tpu.memref_slice %arg9[%add3A_23, %dma_start3A_412] : memref<10400x64xf32, #tpu.memory_space<vmem_shared>> -> memref<128x64xf32, #tpu.memory_space<vmem_shared>>
      %dma_start3A_414 = arith.constant 0 : i32
      %dma_start3A_415 = tpu.memref_slice %arg9[%add3A_23, %dma_start3A_414] : memref<10400x64xf32, #tpu.memory_space<vmem_shared>> -> memref<128x64xf32, #tpu.memory_space<vmem_shared>>
      %dma_start3A_416 = arith.constant 0 : i32
      %dma_start3A_417 = arith.constant 0 : i32
      %dma_start3A_418 = tpu.memref_slice %arg8[%dma_start3A_416, %dma_start3A_417] : memref<128x64xf32, #tpu.memory_space<vmem>> -> memref<128x64xf32, #tpu.memory_space<vmem>>
      tpu.enqueue_dma source(%dma_start3A_418 : memref<128x64xf32, #tpu.memory_space<vmem>>) target(%dma_start3A_415 : memref<128x64xf32, #tpu.memory_space<vmem_shared>>) target_semaphore(%run_scoped3A : memref<!tpu.dma_semaphore, #tpu.memory_space<semaphore_mem>>)
      %dma_wait3A = arith.constant 0 : i32
      %dma_wait3A_419 = arith.constant 0 : i32
      %dma_wait3A_420 = tpu.memref_slice %arg8[%dma_wait3A, %dma_wait3A_419] : memref<128x64xf32, #tpu.memory_space<vmem>> -> memref<128x64xf32, #tpu.memory_space<vmem>>
      %dma_wait3A_421 = arith.constant 0 : i32
      %dma_wait3A_422 = tpu.memref_slice %arg9[%add3A_23, %dma_wait3A_421] : memref<10400x64xf32, #tpu.memory_space<vmem_shared>> -> memref<128x64xf32, #tpu.memory_space<vmem_shared>>
      %dma_wait3A_423 = arith.constant 0 : i32
      %dma_wait3A_424 = tpu.memref_slice %arg9[%add3A_23, %dma_wait3A_423] : memref<10400x64xf32, #tpu.memory_space<vmem_shared>> -> memref<128x64xf32, #tpu.memory_space<vmem_shared>>
      %dma_wait3A_425 = arith.constant 0 : i32
      %dma_wait3A_426 = arith.constant 0 : i32
      %dma_wait3A_427 = tpu.memref_slice %arg8[%dma_wait3A_425, %dma_wait3A_426] : memref<128x64xf32, #tpu.memory_space<vmem>> -> memref<128x64xf32, #tpu.memory_space<vmem>>
      tpu.wait_dma2 semaphore(%run_scoped3A : memref<!tpu.dma_semaphore, #tpu.memory_space<semaphore_mem>>) src(%dma_wait3A_427 : memref<128x64xf32, #tpu.memory_space<vmem>>) dst(%dma_wait3A_424 : memref<128x64xf32, #tpu.memory_space<vmem_shared>>)
      tpu.yield
    }) : () -> ()
    %add3A_24 = arith.constant 128 : i32
    %add3A_25 = arith.addi %mul3A_20, %add3A_24 : i32
    %add3A_26 = arith.constant 128 : i32
    %add3A_27 = arith.addi %mul3A_20, %add3A_26 : i32
    "tpu.region"() ({
      %run_scoped3A = tpu.sem_alloc : memref<!tpu.dma_semaphore, #tpu.memory_space<semaphore_mem>>
      %dma_start3A = arith.constant 0 : i32
      %dma_start3A_410 = arith.constant 0 : i32
      %dma_start3A_411 = tpu.memref_slice %arg8[%dma_start3A, %dma_start3A_410] : memref<128x64xf32, #tpu.memory_space<vmem>> -> memref<128x64xf32, #tpu.memory_space<vmem>>
      %dma_start3A_412 = arith.constant 0 : i32
      %dma_start3A_413 = tpu.memref_slice %arg9[%add3A_27, %dma_start3A_412] : memref<10400x64xf32, #tpu.memory_space<vmem_shared>> -> memref<128x64xf32, #tpu.memory_space<vmem_shared>>
      %dma_start3A_414 = arith.constant 0 : i32
      %dma_start3A_415 = tpu.memref_slice %arg9[%add3A_27, %dma_start3A_414] : memref<10400x64xf32, #tpu.memory_space<vmem_shared>> -> memref<128x64xf32, #tpu.memory_space<vmem_shared>>
      %dma_start3A_416 = arith.constant 0 : i32
      %dma_start3A_417 = arith.constant 0 : i32
      %dma_start3A_418 = tpu.memref_slice %arg8[%dma_start3A_416, %dma_start3A_417] : memref<128x64xf32, #tpu.memory_space<vmem>> -> memref<128x64xf32, #tpu.memory_space<vmem>>
      tpu.enqueue_dma source(%dma_start3A_418 : memref<128x64xf32, #tpu.memory_space<vmem>>) target(%dma_start3A_415 : memref<128x64xf32, #tpu.memory_space<vmem_shared>>) target_semaphore(%run_scoped3A : memref<!tpu.dma_semaphore, #tpu.memory_space<semaphore_mem>>)
      %dma_wait3A = arith.constant 0 : i32
      %dma_wait3A_419 = arith.constant 0 : i32
      %dma_wait3A_420 = tpu.memref_slice %arg8[%dma_wait3A, %dma_wait3A_419] : memref<128x64xf32, #tpu.memory_space<vmem>> -> memref<128x64xf32, #tpu.memory_space<vmem>>
      %dma_wait3A_421 = arith.constant 0 : i32
      %dma_wait3A_422 = tpu.memref_slice %arg9[%add3A_27, %dma_wait3A_421] : memref<10400x64xf32, #tpu.memory_space<vmem_shared>> -> memref<128x64xf32, #tpu.memory_space<vmem_shared>>
      %dma_wait3A_423 = arith.constant 0 : i32
      %dma_wait3A_424 = tpu.memref_slice %arg9[%add3A_27, %dma_wait3A_423] : memref<10400x64xf32, #tpu.memory_space<vmem_shared>> -> memref<128x64xf32, #tpu.memory_space<vmem_shared>>
      %dma_wait3A_425 = arith.constant 0 : i32
      %dma_wait3A_426 = arith.constant 0 : i32
      %dma_wait3A_427 = tpu.memref_slice %arg8[%dma_wait3A_425, %dma_wait3A_426] : memref<128x64xf32, #tpu.memory_space<vmem>> -> memref<128x64xf32, #tpu.memory_space<vmem>>
      tpu.wait_dma2 semaphore(%run_scoped3A : memref<!tpu.dma_semaphore, #tpu.memory_space<semaphore_mem>>) src(%dma_wait3A_427 : memref<128x64xf32, #tpu.memory_space<vmem>>) dst(%dma_wait3A_424 : memref<128x64xf32, #tpu.memory_space<vmem_shared>>)
      tpu.yield
    }) : () -> ()
    %add3A_28 = arith.constant 256 : i32
    %add3A_29 = arith.addi %mul3A_20, %add3A_28 : i32
    %add3A_30 = arith.constant 256 : i32
    %add3A_31 = arith.addi %mul3A_20, %add3A_30 : i32
    "tpu.region"() ({
      %run_scoped3A = tpu.sem_alloc : memref<!tpu.dma_semaphore, #tpu.memory_space<semaphore_mem>>
      %dma_start3A = arith.constant 0 : i32
      %dma_start3A_410 = arith.constant 0 : i32
      %dma_start3A_411 = tpu.memref_slice %arg8[%dma_start3A, %dma_start3A_410] : memref<128x64xf32, #tpu.memory_space<vmem>> -> memref<128x64xf32, #tpu.memory_space<vmem>>
      %dma_start3A_412 = arith.constant 0 : i32
      %dma_start3A_413 = tpu.memref_slice %arg9[%add3A_31, %dma_start3A_412] : memref<10400x64xf32, #tpu.memory_space<vmem_shared>> -> memref<128x64xf32, #tpu.memory_space<vmem_shared>>
      %dma_start3A_414 = arith.constant 0 : i32
      %dma_start3A_415 = tpu.memref_slice %arg9[%add3A_31, %dma_start3A_414] : memref<10400x64xf32, #tpu.memory_space<vmem_shared>> -> memref<128x64xf32, #tpu.memory_space<vmem_shared>>
      %dma_start3A_416 = arith.constant 0 : i32
      %dma_start3A_417 = arith.constant 0 : i32
      %dma_start3A_418 = tpu.memref_slice %arg8[%dma_start3A_416, %dma_start3A_417] : memref<128x64xf32, #tpu.memory_space<vmem>> -> memref<128x64xf32, #tpu.memory_space<vmem>>
      tpu.enqueue_dma source(%dma_start3A_418 : memref<128x64xf32, #tpu.memory_space<vmem>>) target(%dma_start3A_415 : memref<128x64xf32, #tpu.memory_space<vmem_shared>>) target_semaphore(%run_scoped3A : memref<!tpu.dma_semaphore, #tpu.memory_space<semaphore_mem>>)
      %dma_wait3A = arith.constant 0 : i32
      %dma_wait3A_419 = arith.constant 0 : i32
      %dma_wait3A_420 = tpu.memref_slice %arg8[%dma_wait3A, %dma_wait3A_419] : memref<128x64xf32, #tpu.memory_space<vmem>> -> memref<128x64xf32, #tpu.memory_space<vmem>>
      %dma_wait3A_421 = arith.constant 0 : i32
      %dma_wait3A_422 = tpu.memref_slice %arg9[%add3A_31, %dma_wait3A_421] : memref<10400x64xf32, #tpu.memory_space<vmem_shared>> -> memref<128x64xf32, #tpu.memory_space<vmem_shared>>
      %dma_wait3A_423 = arith.constant 0 : i32
      %dma_wait3A_424 = tpu.memref_slice %arg9[%add3A_31, %dma_wait3A_423] : memref<10400x64xf32, #tpu.memory_space<vmem_shared>> -> memref<128x64xf32, #tpu.memory_space<vmem_shared>>
      %dma_wait3A_425 = arith.constant 0 : i32
      %dma_wait3A_426 = arith.constant 0 : i32
      %dma_wait3A_427 = tpu.memref_slice %arg8[%dma_wait3A_425, %dma_wait3A_426] : memref<128x64xf32, #tpu.memory_space<vmem>> -> memref<128x64xf32, #tpu.memory_space<vmem>>
      tpu.wait_dma2 semaphore(%run_scoped3A : memref<!tpu.dma_semaphore, #tpu.memory_space<semaphore_mem>>) src(%dma_wait3A_427 : memref<128x64xf32, #tpu.memory_space<vmem>>) dst(%dma_wait3A_424 : memref<128x64xf32, #tpu.memory_space<vmem_shared>>)
      tpu.yield
    }) : () -> ()
    %add3A_32 = arith.constant 384 : i32
    %add3A_33 = arith.addi %mul3A_20, %add3A_32 : i32
    %add3A_34 = arith.constant 384 : i32
    %add3A_35 = arith.addi %mul3A_20, %add3A_34 : i32
    "tpu.region"() ({
      %run_scoped3A = tpu.sem_alloc : memref<!tpu.dma_semaphore, #tpu.memory_space<semaphore_mem>>
      %dma_start3A = arith.constant 0 : i32
      %dma_start3A_410 = arith.constant 0 : i32
      %dma_start3A_411 = tpu.memref_slice %arg8[%dma_start3A, %dma_start3A_410] : memref<128x64xf32, #tpu.memory_space<vmem>> -> memref<128x64xf32, #tpu.memory_space<vmem>>
      %dma_start3A_412 = arith.constant 0 : i32
      %dma_start3A_413 = tpu.memref_slice %arg9[%add3A_35, %dma_start3A_412] : memref<10400x64xf32, #tpu.memory_space<vmem_shared>> -> memref<128x64xf32, #tpu.memory_space<vmem_shared>>
      %dma_start3A_414 = arith.constant 0 : i32
      %dma_start3A_415 = tpu.memref_slice %arg9[%add3A_35, %dma_start3A_414] : memref<10400x64xf32, #tpu.memory_space<vmem_shared>> -> memref<128x64xf32, #tpu.memory_space<vmem_shared>>
      %dma_start3A_416 = arith.constant 0 : i32
      %dma_start3A_417 = arith.constant 0 : i32
      %dma_start3A_418 = tpu.memref_slice %arg8[%dma_start3A_416, %dma_start3A_417] : memref<128x64xf32, #tpu.memory_space<vmem>> -> memref<128x64xf32, #tpu.memory_space<vmem>>
      tpu.enqueue_dma source(%dma_start3A_418 : memref<128x64xf32, #tpu.memory_space<vmem>>) target(%dma_start3A_415 : memref<128x64xf32, #tpu.memory_space<vmem_shared>>) target_semaphore(%run_scoped3A : memref<!tpu.dma_semaphore, #tpu.memory_space<semaphore_mem>>)
      %dma_wait3A = arith.constant 0 : i32
      %dma_wait3A_419 = arith.constant 0 : i32
      %dma_wait3A_420 = tpu.memref_slice %arg8[%dma_wait3A, %dma_wait3A_419] : memref<128x64xf32, #tpu.memory_space<vmem>> -> memref<128x64xf32, #tpu.memory_space<vmem>>
      %dma_wait3A_421 = arith.constant 0 : i32
      %dma_wait3A_422 = tpu.memref_slice %arg9[%add3A_35, %dma_wait3A_421] : memref<10400x64xf32, #tpu.memory_space<vmem_shared>> -> memref<128x64xf32, #tpu.memory_space<vmem_shared>>
      %dma_wait3A_423 = arith.constant 0 : i32
      %dma_wait3A_424 = tpu.memref_slice %arg9[%add3A_35, %dma_wait3A_423] : memref<10400x64xf32, #tpu.memory_space<vmem_shared>> -> memref<128x64xf32, #tpu.memory_space<vmem_shared>>
      %dma_wait3A_425 = arith.constant 0 : i32
      %dma_wait3A_426 = arith.constant 0 : i32
      %dma_wait3A_427 = tpu.memref_slice %arg8[%dma_wait3A_425, %dma_wait3A_426] : memref<128x64xf32, #tpu.memory_space<vmem>> -> memref<128x64xf32, #tpu.memory_space<vmem>>
      tpu.wait_dma2 semaphore(%run_scoped3A : memref<!tpu.dma_semaphore, #tpu.memory_space<semaphore_mem>>) src(%dma_wait3A_427 : memref<128x64xf32, #tpu.memory_space<vmem>>) dst(%dma_wait3A_424 : memref<128x64xf32, #tpu.memory_space<vmem_shared>>)
      tpu.yield
    }) : () -> ()
    %add3A_36 = arith.constant 512 : i32
    %add3A_37 = arith.addi %mul3A_20, %add3A_36 : i32
    %add3A_38 = arith.constant 512 : i32
    %add3A_39 = arith.addi %mul3A_20, %add3A_38 : i32
    "tpu.region"() ({
      %run_scoped3A = tpu.sem_alloc : memref<!tpu.dma_semaphore, #tpu.memory_space<semaphore_mem>>
      %dma_start3A = arith.constant 0 : i32
      %dma_start3A_410 = arith.constant 0 : i32
      %dma_start3A_411 = tpu.memref_slice %arg8[%dma_start3A, %dma_start3A_410] : memref<128x64xf32, #tpu.memory_space<vmem>> -> memref<128x64xf32, #tpu.memory_space<vmem>>
      %dma_start3A_412 = arith.constant 0 : i32
      %dma_start3A_413 = tpu.memref_slice %arg9[%add3A_39, %dma_start3A_412] : memref<10400x64xf32, #tpu.memory_space<vmem_shared>> -> memref<128x64xf32, #tpu.memory_space<vmem_shared>>
      %dma_start3A_414 = arith.constant 0 : i32
      %dma_start3A_415 = tpu.memref_slice %arg9[%add3A_39, %dma_start3A_414] : memref<10400x64xf32, #tpu.memory_space<vmem_shared>> -> memref<128x64xf32, #tpu.memory_space<vmem_shared>>
      %dma_start3A_416 = arith.constant 0 : i32
      %dma_start3A_417 = arith.constant 0 : i32
      %dma_start3A_418 = tpu.memref_slice %arg8[%dma_start3A_416, %dma_start3A_417] : memref<128x64xf32, #tpu.memory_space<vmem>> -> memref<128x64xf32, #tpu.memory_space<vmem>>
      tpu.enqueue_dma source(%dma_start3A_418 : memref<128x64xf32, #tpu.memory_space<vmem>>) target(%dma_start3A_415 : memref<128x64xf32, #tpu.memory_space<vmem_shared>>) target_semaphore(%run_scoped3A : memref<!tpu.dma_semaphore, #tpu.memory_space<semaphore_mem>>)
      %dma_wait3A = arith.constant 0 : i32
      %dma_wait3A_419 = arith.constant 0 : i32
      %dma_wait3A_420 = tpu.memref_slice %arg8[%dma_wait3A, %dma_wait3A_419] : memref<128x64xf32, #tpu.memory_space<vmem>> -> memref<128x64xf32, #tpu.memory_space<vmem>>
      %dma_wait3A_421 = arith.constant 0 : i32
      %dma_wait3A_422 = tpu.memref_slice %arg9[%add3A_39, %dma_wait3A_421] : memref<10400x64xf32, #tpu.memory_space<vmem_shared>> -> memref<128x64xf32, #tpu.memory_space<vmem_shared>>
      %dma_wait3A_423 = arith.constant 0 : i32
      %dma_wait3A_424 = tpu.memref_slice %arg9[%add3A_39, %dma_wait3A_423] : memref<10400x64xf32, #tpu.memory_space<vmem_shared>> -> memref<128x64xf32, #tpu.memory_space<vmem_shared>>
      %dma_wait3A_425 = arith.constant 0 : i32
      %dma_wait3A_426 = arith.constant 0 : i32
      %dma_wait3A_427 = tpu.memref_slice %arg8[%dma_wait3A_425, %dma_wait3A_426] : memref<128x64xf32, #tpu.memory_space<vmem>> -> memref<128x64xf32, #tpu.memory_space<vmem>>
      tpu.wait_dma2 semaphore(%run_scoped3A : memref<!tpu.dma_semaphore, #tpu.memory_space<semaphore_mem>>) src(%dma_wait3A_427 : memref<128x64xf32, #tpu.memory_space<vmem>>) dst(%dma_wait3A_424 : memref<128x64xf32, #tpu.memory_space<vmem_shared>>)
      tpu.yield
    }) : () -> ()
    %add3A_40 = arith.constant 640 : i32
    %add3A_41 = arith.addi %mul3A_20, %add3A_40 : i32
    %add3A_42 = arith.constant 640 : i32
    %add3A_43 = arith.addi %mul3A_20, %add3A_42 : i32
    "tpu.region"() ({
      %run_scoped3A = tpu.sem_alloc : memref<!tpu.dma_semaphore, #tpu.memory_space<semaphore_mem>>
      %dma_start3A = arith.constant 0 : i32
      %dma_start3A_410 = arith.constant 0 : i32
      %dma_start3A_411 = tpu.memref_slice %arg8[%dma_start3A, %dma_start3A_410] : memref<128x64xf32, #tpu.memory_space<vmem>> -> memref<8x64xf32, #tpu.memory_space<vmem>>
      %dma_start3A_412 = arith.constant 0 : i32
      %dma_start3A_413 = tpu.memref_slice %arg9[%add3A_43, %dma_start3A_412] : memref<10400x64xf32, #tpu.memory_space<vmem_shared>> -> memref<8x64xf32, #tpu.memory_space<vmem_shared>>
      %dma_start3A_414 = arith.constant 0 : i32
      %dma_start3A_415 = tpu.memref_slice %arg9[%add3A_43, %dma_start3A_414] : memref<10400x64xf32, #tpu.memory_space<vmem_shared>> -> memref<8x64xf32, #tpu.memory_space<vmem_shared>>
      %dma_start3A_416 = arith.constant 0 : i32
      %dma_start3A_417 = arith.constant 0 : i32
      %dma_start3A_418 = tpu.memref_slice %arg8[%dma_start3A_416, %dma_start3A_417] : memref<128x64xf32, #tpu.memory_space<vmem>> -> memref<8x64xf32, #tpu.memory_space<vmem>>
      tpu.enqueue_dma source(%dma_start3A_418 : memref<8x64xf32, #tpu.memory_space<vmem>>) target(%dma_start3A_415 : memref<8x64xf32, #tpu.memory_space<vmem_shared>>) target_semaphore(%run_scoped3A : memref<!tpu.dma_semaphore, #tpu.memory_space<semaphore_mem>>)
      %dma_wait3A = arith.constant 0 : i32
      %dma_wait3A_419 = arith.constant 0 : i32
      %dma_wait3A_420 = tpu.memref_slice %arg8[%dma_wait3A, %dma_wait3A_419] : memref<128x64xf32, #tpu.memory_space<vmem>> -> memref<8x64xf32, #tpu.memory_space<vmem>>
      %dma_wait3A_421 = arith.constant 0 : i32
      %dma_wait3A_422 = tpu.memref_slice %arg9[%add3A_43, %dma_wait3A_421] : memref<10400x64xf32, #tpu.memory_space<vmem_shared>> -> memref<8x64xf32, #tpu.memory_space<vmem_shared>>
      %dma_wait3A_423 = arith.constant 0 : i32
      %dma_wait3A_424 = tpu.memref_slice %arg9[%add3A_43, %dma_wait3A_423] : memref<10400x64xf32, #tpu.memory_space<vmem_shared>> -> memref<8x64xf32, #tpu.memory_space<vmem_shared>>
      %dma_wait3A_425 = arith.constant 0 : i32
      %dma_wait3A_426 = arith.constant 0 : i32
      %dma_wait3A_427 = tpu.memref_slice %arg8[%dma_wait3A_425, %dma_wait3A_426] : memref<128x64xf32, #tpu.memory_space<vmem>> -> memref<8x64xf32, #tpu.memory_space<vmem>>
      tpu.wait_dma2 semaphore(%run_scoped3A : memref<!tpu.dma_semaphore, #tpu.memory_space<semaphore_mem>>) src(%dma_wait3A_427 : memref<8x64xf32, #tpu.memory_space<vmem>>) dst(%dma_wait3A_424 : memref<8x64xf32, #tpu.memory_space<vmem_shared>>)
      tpu.yield
    }) : () -> ()
    %eq3A = arith.constant 15 : i32
    %eq3A_44 = arith.cmpi eq, %arg1, %eq3A : i32
    %convert_element_type3A = arith.extui %eq3A_44 : i1 to i32
    %cond3A = arith.constant 0 : i32
    %cond3A_45 = arith.cmpi ne, %convert_element_type3A, %cond3A : i32
    scf.if %cond3A_45 {
      "tpu.region"() ({
        %run_scoped3A = tpu.sem_alloc : memref<!tpu.dma_semaphore, #tpu.memory_space<semaphore_mem>>
        %dma_start3A = arith.constant 0 : i32
        %dma_start3A_410 = arith.constant 0 : i32
        %dma_start3A_411 = tpu.memref_slice %arg8[%dma_start3A, %dma_start3A_410] : memref<128x64xf32, #tpu.memory_space<vmem>> -> memref<32x64xf32, #tpu.memory_space<vmem>>
        %dma_start3A_412 = arith.constant 10368 : i32
        %dma_start3A_413 = arith.constant 0 : i32
        %dma_start3A_414 = tpu.memref_slice %arg9[%dma_start3A_412, %dma_start3A_413] : memref<10400x64xf32, #tpu.memory_space<vmem_shared>> -> memref<32x64xf32, #tpu.memory_space<vmem_shared>>
        %dma_start3A_415 = arith.constant 10368 : i32
        %dma_start3A_416 = arith.constant 0 : i32
        %dma_start3A_417 = tpu.memref_slice %arg9[%dma_start3A_415, %dma_start3A_416] : memref<10400x64xf32, #tpu.memory_space<vmem_shared>> -> memref<32x64xf32, #tpu.memory_space<vmem_shared>>
        %dma_start3A_418 = arith.constant 0 : i32
        %dma_start3A_419 = arith.constant 0 : i32
        %dma_start3A_420 = tpu.memref_slice %arg8[%dma_start3A_418, %dma_start3A_419] : memref<128x64xf32, #tpu.memory_space<vmem>> -> memref<32x64xf32, #tpu.memory_space<vmem>>
        tpu.enqueue_dma source(%dma_start3A_420 : memref<32x64xf32, #tpu.memory_space<vmem>>) target(%dma_start3A_417 : memref<32x64xf32, #tpu.memory_space<vmem_shared>>) target_semaphore(%run_scoped3A : memref<!tpu.dma_semaphore, #tpu.memory_space<semaphore_mem>>)
        %dma_wait3A = arith.constant 0 : i32
        %dma_wait3A_421 = arith.constant 0 : i32
        %dma_wait3A_422 = tpu.memref_slice %arg8[%dma_wait3A, %dma_wait3A_421] : memref<128x64xf32, #tpu.memory_space<vmem>> -> memref<32x64xf32, #tpu.memory_space<vmem>>
        %dma_wait3A_423 = arith.constant 10368 : i32
        %dma_wait3A_424 = arith.constant 0 : i32
        %dma_wait3A_425 = tpu.memref_slice %arg9[%dma_wait3A_423, %dma_wait3A_424] : memref<10400x64xf32, #tpu.memory_space<vmem_shared>> -> memref<32x64xf32, #tpu.memory_space<vmem_shared>>
        %dma_wait3A_426 = arith.constant 10368 : i32
        %dma_wait3A_427 = arith.constant 0 : i32
        %dma_wait3A_428 = tpu.memref_slice %arg9[%dma_wait3A_426, %dma_wait3A_427] : memref<10400x64xf32, #tpu.memory_space<vmem_shared>> -> memref<32x64xf32, #tpu.memory_space<vmem_shared>>
        %dma_wait3A_429 = arith.constant 0 : i32
        %dma_wait3A_430 = arith.constant 0 : i32
        %dma_wait3A_431 = tpu.memref_slice %arg8[%dma_wait3A_429, %dma_wait3A_430] : memref<128x64xf32, #tpu.memory_space<vmem>> -> memref<32x64xf32, #tpu.memory_space<vmem>>
        tpu.wait_dma2 semaphore(%run_scoped3A : memref<!tpu.dma_semaphore, #tpu.memory_space<semaphore_mem>>) src(%dma_wait3A_431 : memref<32x64xf32, #tpu.memory_space<vmem>>) dst(%dma_wait3A_428 : memref<32x64xf32, #tpu.memory_space<vmem_shared>>)
        tpu.yield
      }) : () -> ()
    } else {
    }
    %barrier3A = arith.constant 0 : index
    tpu.barrier barrier_id(%barrier3A)
    %scan3A_46 = arith.constant 0 : i32
    %scan3A_47 = arith.constant 80 : i32
    %scan3A_48 = arith.addi %scan3A_46, %scan3A_47 : i32
    %scan3A_49 = arith.constant 1 : i32
    scf.for %scan3A_410 = %scan3A_46 to %scan3A_48 step %scan3A_49  : i32 {
      %mul3A_411 = arith.constant 1 : i32
      %mul3A_412 = arith.muli %scan3A_410, %mul3A_411 : i32
      %add3A_413 = arith.constant 0 : i32
      %add3A_414 = arith.addi %add3A_413, %mul3A_412 : i32
      %dma_start3A = arith.constant 0 : i32
      %dma_start3A_415 = tpu.memref_slice %arg6[%add3A_414, %dma_start3A] : memref<80x128xi32, #tpu.memory_space<vmem>> -> memref<1x128xi32, #tpu.memory_space<vmem>>
      %dma_start3A_416 = tpu.memref_squeeze %dma_start3A_415 : memref<1x128xi32, #tpu.memory_space<vmem>> -> memref<128xi32, #tpu.memory_space<vmem>>
      %dma_start3A_417 = arith.constant 0 : i32
      %dma_start3A_418 = arith.constant 0 : i32
      %dma_start3A_419 = tpu.memref_slice %arg2[%dma_start3A_417, %dma_start3A_418] : memref<83200x64xf32, #tpu.memory_space<hbm>> -> memref<83200x64xf32, #tpu.memory_space<hbm>>
      tpu.enqueue_indirect_dma source(%dma_start3A_419 : memref<83200x64xf32, #tpu.memory_space<hbm>>) target(%arg8 : memref<128x64xf32, #tpu.memory_space<vmem>>) offsets(%dma_start3A_416 : memref<128xi32, #tpu.memory_space<vmem>>) semaphore(%arg10 : memref<!tpu.dma_semaphore, #tpu.memory_space<semaphore_mem>>)
      %dma_wait3A = arith.constant 0 : i32
      %dma_wait3A_420 = tpu.memref_slice %arg6[%add3A_414, %dma_wait3A] : memref<80x128xi32, #tpu.memory_space<vmem>> -> memref<1x128xi32, #tpu.memory_space<vmem>>
      %dma_wait3A_421 = tpu.memref_squeeze %dma_wait3A_420 : memref<1x128xi32, #tpu.memory_space<vmem>> -> memref<128xi32, #tpu.memory_space<vmem>>
      %dma_wait3A_422 = arith.constant 0 : i32
      %dma_wait3A_423 = arith.constant 0 : i32
      %dma_wait3A_424 = tpu.memref_slice %arg2[%dma_wait3A_422, %dma_wait3A_423] : memref<83200x64xf32, #tpu.memory_space<hbm>> -> memref<83200x64xf32, #tpu.memory_space<hbm>>
      tpu.wait_indirect_dma semaphore(%arg10 : memref<!tpu.dma_semaphore, #tpu.memory_space<semaphore_mem>>) src(%dma_wait3A_424 : memref<83200x64xf32, #tpu.memory_space<hbm>>) dst(%arg8 : memref<128x64xf32, #tpu.memory_space<vmem>>)
      "tpu.region"() ({
        %run_scoped3A = tpu.sem_alloc : memref<!tpu.dma_semaphore, #tpu.memory_space<semaphore_mem>>
        %dma_start3A_425 = arith.constant 0 : i32
        %dma_start3A_426 = tpu.memref_slice %arg7[%add3A_414, %dma_start3A_425] : memref<80x128xi32, #tpu.memory_space<vmem>> -> memref<1x128xi32, #tpu.memory_space<vmem>>
        %dma_start3A_427 = tpu.memref_squeeze %dma_start3A_426 : memref<1x128xi32, #tpu.memory_space<vmem>> -> memref<128xi32, #tpu.memory_space<vmem>>
        %dma_start3A_428 = arith.constant 0 : i32
        %dma_start3A_429 = arith.constant 0 : i32
        %dma_start3A_430 = tpu.memref_slice %arg9[%dma_start3A_428, %dma_start3A_429] : memref<10400x64xf32, #tpu.memory_space<vmem_shared>> -> memref<10400x64xf32, #tpu.memory_space<vmem_shared>>
        tpu.enqueue_indirect_dma source(%arg8 : memref<128x64xf32, #tpu.memory_space<vmem>>) target(%dma_start3A_430 : memref<10400x64xf32, #tpu.memory_space<vmem_shared>>) offsets(%dma_start3A_427 : memref<128xi32, #tpu.memory_space<vmem>>) semaphore(%run_scoped3A : memref<!tpu.dma_semaphore, #tpu.memory_space<semaphore_mem>>) {add = true}
        %dma_wait3A_431 = arith.constant 0 : i32
        %dma_wait3A_432 = tpu.memref_slice %arg7[%add3A_414, %dma_wait3A_431] : memref<80x128xi32, #tpu.memory_space<vmem>> -> memref<1x128xi32, #tpu.memory_space<vmem>>
        %dma_wait3A_433 = tpu.memref_squeeze %dma_wait3A_432 : memref<1x128xi32, #tpu.memory_space<vmem>> -> memref<128xi32, #tpu.memory_space<vmem>>
        %dma_wait3A_434 = arith.constant 0 : i32
        %dma_wait3A_435 = arith.constant 0 : i32
        %dma_wait3A_436 = tpu.memref_slice %arg9[%dma_wait3A_434, %dma_wait3A_435] : memref<10400x64xf32, #tpu.memory_space<vmem_shared>> -> memref<10400x64xf32, #tpu.memory_space<vmem_shared>>
        tpu.wait_indirect_dma semaphore(%run_scoped3A : memref<!tpu.dma_semaphore, #tpu.memory_space<semaphore_mem>>) src(%arg8 : memref<128x64xf32, #tpu.memory_space<vmem>>) dst(%dma_wait3A_436 : memref<10400x64xf32, #tpu.memory_space<vmem_shared>>)
        tpu.yield
      }) : () -> ()
    }
    %scan3A_50 = arith.constant 80 : i32
    %barrier3A_51 = arith.constant 0 : index
    tpu.barrier barrier_id(%barrier3A_51)
    %mul3A_52 = arith.constant 648 : i32
    %mul3A_53 = arith.muli %arg1, %mul3A_52 : i32
    %add3A_54 = arith.constant 0 : i32
    %add3A_55 = arith.addi %mul3A_53, %add3A_54 : i32
    %add3A_56 = arith.constant 0 : i32
    %add3A_57 = arith.addi %mul3A_53, %add3A_56 : i32
    %mul3A_58 = arith.constant 10400 : i32
    %mul3A_59 = arith.muli %mul3A_12, %mul3A_58 : i32
    %add3A_60 = arith.addi %mul3A_59, %add3A_57 : i32
    "tpu.region"() ({
      %run_scoped3A = tpu.sem_alloc : memref<!tpu.dma_semaphore, #tpu.memory_space<semaphore_mem>>
      %dma_start3A = arith.constant 0 : i32
      %dma_start3A_410 = tpu.memref_slice %arg5[%add3A_60, %dma_start3A] : memref<83200x64xf32, #tpu.memory_space<hbm>> -> memref<128x64xf32, #tpu.memory_space<hbm>>
      %dma_start3A_411 = arith.constant 0 : i32
      %dma_start3A_412 = tpu.memref_slice %arg9[%add3A_55, %dma_start3A_411] : memref<10400x64xf32, #tpu.memory_space<vmem_shared>> -> memref<128x64xf32, #tpu.memory_space<vmem_shared>>
      tpu.enqueue_dma source(%dma_start3A_412 : memref<128x64xf32, #tpu.memory_space<vmem_shared>>) target(%dma_start3A_410 : memref<128x64xf32, #tpu.memory_space<hbm>>) target_semaphore(%run_scoped3A : memref<!tpu.dma_semaphore, #tpu.memory_space<semaphore_mem>>)
      %dma_wait3A = arith.constant 0 : i32
      %dma_wait3A_413 = tpu.memref_slice %arg5[%add3A_60, %dma_wait3A] : memref<83200x64xf32, #tpu.memory_space<hbm>> -> memref<128x64xf32, #tpu.memory_space<hbm>>
      %dma_wait3A_414 = arith.constant 0 : i32
      %dma_wait3A_415 = tpu.memref_slice %arg9[%add3A_55, %dma_wait3A_414] : memref<10400x64xf32, #tpu.memory_space<vmem_shared>> -> memref<128x64xf32, #tpu.memory_space<vmem_shared>>
      tpu.wait_dma2 semaphore(%run_scoped3A : memref<!tpu.dma_semaphore, #tpu.memory_space<semaphore_mem>>) src(%dma_wait3A_415 : memref<128x64xf32, #tpu.memory_space<vmem_shared>>) dst(%dma_wait3A_413 : memref<128x64xf32, #tpu.memory_space<hbm>>)
      tpu.yield
    }) : () -> ()
    %add3A_61 = arith.constant 128 : i32
    %add3A_62 = arith.addi %mul3A_53, %add3A_61 : i32
    %add3A_63 = arith.constant 128 : i32
    %add3A_64 = arith.addi %mul3A_53, %add3A_63 : i32
    %mul3A_65 = arith.constant 10400 : i32
    %mul3A_66 = arith.muli %mul3A_12, %mul3A_65 : i32
    %add3A_67 = arith.addi %mul3A_66, %add3A_64 : i32
    "tpu.region"() ({
      %run_scoped3A = tpu.sem_alloc : memref<!tpu.dma_semaphore, #tpu.memory_space<semaphore_mem>>
      %dma_start3A = arith.constant 0 : i32
      %dma_start3A_410 = tpu.memref_slice %arg5[%add3A_67, %dma_start3A] : memref<83200x64xf32, #tpu.memory_space<hbm>> -> memref<128x64xf32, #tpu.memory_space<hbm>>
      %dma_start3A_411 = arith.constant 0 : i32
      %dma_start3A_412 = tpu.memref_slice %arg9[%add3A_62, %dma_start3A_411] : memref<10400x64xf32, #tpu.memory_space<vmem_shared>> -> memref<128x64xf32, #tpu.memory_space<vmem_shared>>
      tpu.enqueue_dma source(%dma_start3A_412 : memref<128x64xf32, #tpu.memory_space<vmem_shared>>) target(%dma_start3A_410 : memref<128x64xf32, #tpu.memory_space<hbm>>) target_semaphore(%run_scoped3A : memref<!tpu.dma_semaphore, #tpu.memory_space<semaphore_mem>>)
      %dma_wait3A = arith.constant 0 : i32
      %dma_wait3A_413 = tpu.memref_slice %arg5[%add3A_67, %dma_wait3A] : memref<83200x64xf32, #tpu.memory_space<hbm>> -> memref<128x64xf32, #tpu.memory_space<hbm>>
      %dma_wait3A_414 = arith.constant 0 : i32
      %dma_wait3A_415 = tpu.memref_slice %arg9[%add3A_62, %dma_wait3A_414] : memref<10400x64xf32, #tpu.memory_space<vmem_shared>> -> memref<128x64xf32, #tpu.memory_space<vmem_shared>>
      tpu.wait_dma2 semaphore(%run_scoped3A : memref<!tpu.dma_semaphore, #tpu.memory_space<semaphore_mem>>) src(%dma_wait3A_415 : memref<128x64xf32, #tpu.memory_space<vmem_shared>>) dst(%dma_wait3A_413 : memref<128x64xf32, #tpu.memory_space<hbm>>)
      tpu.yield
    }) : () -> ()
    %add3A_68 = arith.constant 256 : i32
    %add3A_69 = arith.addi %mul3A_53, %add3A_68 : i32
    %add3A_70 = arith.constant 256 : i32
    %add3A_71 = arith.addi %mul3A_53, %add3A_70 : i32
    %mul3A_72 = arith.constant 10400 : i32
    %mul3A_73 = arith.muli %mul3A_12, %mul3A_72 : i32
    %add3A_74 = arith.addi %mul3A_73, %add3A_71 : i32
    "tpu.region"() ({
      %run_scoped3A = tpu.sem_alloc : memref<!tpu.dma_semaphore, #tpu.memory_space<semaphore_mem>>
      %dma_start3A = arith.constant 0 : i32
      %dma_start3A_410 = tpu.memref_slice %arg5[%add3A_74, %dma_start3A] : memref<83200x64xf32, #tpu.memory_space<hbm>> -> memref<128x64xf32, #tpu.memory_space<hbm>>
      %dma_start3A_411 = arith.constant 0 : i32
      %dma_start3A_412 = tpu.memref_slice %arg9[%add3A_69, %dma_start3A_411] : memref<10400x64xf32, #tpu.memory_space<vmem_shared>> -> memref<128x64xf32, #tpu.memory_space<vmem_shared>>
      tpu.enqueue_dma source(%dma_start3A_412 : memref<128x64xf32, #tpu.memory_space<vmem_shared>>) target(%dma_start3A_410 : memref<128x64xf32, #tpu.memory_space<hbm>>) target_semaphore(%run_scoped3A : memref<!tpu.dma_semaphore, #tpu.memory_space<semaphore_mem>>)
      %dma_wait3A = arith.constant 0 : i32
      %dma_wait3A_413 = tpu.memref_slice %arg5[%add3A_74, %dma_wait3A] : memref<83200x64xf32, #tpu.memory_space<hbm>> -> memref<128x64xf32, #tpu.memory_space<hbm>>
      %dma_wait3A_414 = arith.constant 0 : i32
      %dma_wait3A_415 = tpu.memref_slice %arg9[%add3A_69, %dma_wait3A_414] : memref<10400x64xf32, #tpu.memory_space<vmem_shared>> -> memref<128x64xf32, #tpu.memory_space<vmem_shared>>
      tpu.wait_dma2 semaphore(%run_scoped3A : memref<!tpu.dma_semaphore, #tpu.memory_space<semaphore_mem>>) src(%dma_wait3A_415 : memref<128x64xf32, #tpu.memory_space<vmem_shared>>) dst(%dma_wait3A_413 : memref<128x64xf32, #tpu.memory_space<hbm>>)
      tpu.yield
    }) : () -> ()
    %add3A_75 = arith.constant 384 : i32
    %add3A_76 = arith.addi %mul3A_53, %add3A_75 : i32
    %add3A_77 = arith.constant 384 : i32
    %add3A_78 = arith.addi %mul3A_53, %add3A_77 : i32
    %mul3A_79 = arith.constant 10400 : i32
    %mul3A_80 = arith.muli %mul3A_12, %mul3A_79 : i32
    %add3A_81 = arith.addi %mul3A_80, %add3A_78 : i32
    "tpu.region"() ({
      %run_scoped3A = tpu.sem_alloc : memref<!tpu.dma_semaphore, #tpu.memory_space<semaphore_mem>>
      %dma_start3A = arith.constant 0 : i32
      %dma_start3A_410 = tpu.memref_slice %arg5[%add3A_81, %dma_start3A] : memref<83200x64xf32, #tpu.memory_space<hbm>> -> memref<128x64xf32, #tpu.memory_space<hbm>>
      %dma_start3A_411 = arith.constant 0 : i32
      %dma_start3A_412 = tpu.memref_slice %arg9[%add3A_76, %dma_start3A_411] : memref<10400x64xf32, #tpu.memory_space<vmem_shared>> -> memref<128x64xf32, #tpu.memory_space<vmem_shared>>
      tpu.enqueue_dma source(%dma_start3A_412 : memref<128x64xf32, #tpu.memory_space<vmem_shared>>) target(%dma_start3A_410 : memref<128x64xf32, #tpu.memory_space<hbm>>) target_semaphore(%run_scoped3A : memref<!tpu.dma_semaphore, #tpu.memory_space<semaphore_mem>>)
      %dma_wait3A = arith.constant 0 : i32
      %dma_wait3A_413 = tpu.memref_slice %arg5[%add3A_81, %dma_wait3A] : memref<83200x64xf32, #tpu.memory_space<hbm>> -> memref<128x64xf32, #tpu.memory_space<hbm>>
      %dma_wait3A_414 = arith.constant 0 : i32
      %dma_wait3A_415 = tpu.memref_slice %arg9[%add3A_76, %dma_wait3A_414] : memref<10400x64xf32, #tpu.memory_space<vmem_shared>> -> memref<128x64xf32, #tpu.memory_space<vmem_shared>>
      tpu.wait_dma2 semaphore(%run_scoped3A : memref<!tpu.dma_semaphore, #tpu.memory_space<semaphore_mem>>) src(%dma_wait3A_415 : memref<128x64xf32, #tpu.memory_space<vmem_shared>>) dst(%dma_wait3A_413 : memref<128x64xf32, #tpu.memory_space<hbm>>)
      tpu.yield
    }) : () -> ()
    %add3A_82 = arith.constant 512 : i32
    %add3A_83 = arith.addi %mul3A_53, %add3A_82 : i32
    %add3A_84 = arith.constant 512 : i32
    %add3A_85 = arith.addi %mul3A_53, %add3A_84 : i32
    %mul3A_86 = arith.constant 10400 : i32
    %mul3A_87 = arith.muli %mul3A_12, %mul3A_86 : i32
    %add3A_88 = arith.addi %mul3A_87, %add3A_85 : i32
    "tpu.region"() ({
      %run_scoped3A = tpu.sem_alloc : memref<!tpu.dma_semaphore, #tpu.memory_space<semaphore_mem>>
      %dma_start3A = arith.constant 0 : i32
      %dma_start3A_410 = tpu.memref_slice %arg5[%add3A_88, %dma_start3A] : memref<83200x64xf32, #tpu.memory_space<hbm>> -> memref<128x64xf32, #tpu.memory_space<hbm>>
      %dma_start3A_411 = arith.constant 0 : i32
      %dma_start3A_412 = tpu.memref_slice %arg9[%add3A_83, %dma_start3A_411] : memref<10400x64xf32, #tpu.memory_space<vmem_shared>> -> memref<128x64xf32, #tpu.memory_space<vmem_shared>>
      tpu.enqueue_dma source(%dma_start3A_412 : memref<128x64xf32, #tpu.memory_space<vmem_shared>>) target(%dma_start3A_410 : memref<128x64xf32, #tpu.memory_space<hbm>>) target_semaphore(%run_scoped3A : memref<!tpu.dma_semaphore, #tpu.memory_space<semaphore_mem>>)
      %dma_wait3A = arith.constant 0 : i32
      %dma_wait3A_413 = tpu.memref_slice %arg5[%add3A_88, %dma_wait3A] : memref<83200x64xf32, #tpu.memory_space<hbm>> -> memref<128x64xf32, #tpu.memory_space<hbm>>
      %dma_wait3A_414 = arith.constant 0 : i32
      %dma_wait3A_415 = tpu.memref_slice %arg9[%add3A_83, %dma_wait3A_414] : memref<10400x64xf32, #tpu.memory_space<vmem_shared>> -> memref<128x64xf32, #tpu.memory_space<vmem_shared>>
      tpu.wait_dma2 semaphore(%run_scoped3A : memref<!tpu.dma_semaphore, #tpu.memory_space<semaphore_mem>>) src(%dma_wait3A_415 : memref<128x64xf32, #tpu.memory_space<vmem_shared>>) dst(%dma_wait3A_413 : memref<128x64xf32, #tpu.memory_space<hbm>>)
      tpu.yield
    }) : () -> ()
    %add3A_89 = arith.constant 640 : i32
    %add3A_90 = arith.addi %mul3A_53, %add3A_89 : i32
    %add3A_91 = arith.constant 640 : i32
    %add3A_92 = arith.addi %mul3A_53, %add3A_91 : i32
    %mul3A_93 = arith.constant 10400 : i32
    %mul3A_94 = arith.muli %mul3A_12, %mul3A_93 : i32
    %add3A_95 = arith.addi %mul3A_94, %add3A_92 : i32
    "tpu.region"() ({
      %run_scoped3A = tpu.sem_alloc : memref<!tpu.dma_semaphore, #tpu.memory_space<semaphore_mem>>
      %dma_start3A = arith.constant 0 : i32
      %dma_start3A_410 = tpu.memref_slice %arg5[%add3A_95, %dma_start3A] : memref<83200x64xf32, #tpu.memory_space<hbm>> -> memref<8x64xf32, #tpu.memory_space<hbm>>
      %dma_start3A_411 = arith.constant 0 : i32
      %dma_start3A_412 = tpu.memref_slice %arg9[%add3A_90, %dma_start3A_411] : memref<10400x64xf32, #tpu.memory_space<vmem_shared>> -> memref<8x64xf32, #tpu.memory_space<vmem_shared>>
      tpu.enqueue_dma source(%dma_start3A_412 : memref<8x64xf32, #tpu.memory_space<vmem_shared>>) target(%dma_start3A_410 : memref<8x64xf32, #tpu.memory_space<hbm>>) target_semaphore(%run_scoped3A : memref<!tpu.dma_semaphore, #tpu.memory_space<semaphore_mem>>)
      %dma_wait3A = arith.constant 0 : i32
      %dma_wait3A_413 = tpu.memref_slice %arg5[%add3A_95, %dma_wait3A] : memref<83200x64xf32, #tpu.memory_space<hbm>> -> memref<8x64xf32, #tpu.memory_space<hbm>>
      %dma_wait3A_414 = arith.constant 0 : i32
      %dma_wait3A_415 = tpu.memref_slice %arg9[%add3A_90, %dma_wait3A_414] : memref<10400x64xf32, #tpu.memory_space<vmem_shared>> -> memref<8x64xf32, #tpu.memory_space<vmem_shared>>
      tpu.wait_dma2 semaphore(%run_scoped3A : memref<!tpu.dma_semaphore, #tpu.memory_space<semaphore_mem>>) src(%dma_wait3A_415 : memref<8x64xf32, #tpu.memory_space<vmem_shared>>) dst(%dma_wait3A_413 : memref<8x64xf32, #tpu.memory_space<hbm>>)
      tpu.yield
    }) : () -> ()
    %eq3A_96 = arith.constant 15 : i32
    %eq3A_97 = arith.cmpi eq, %arg1, %eq3A_96 : i32
    %convert_element_type3A_98 = arith.extui %eq3A_97 : i1 to i32
    %cond3A_99 = arith.constant 0 : i32
    %cond3A_100 = arith.cmpi ne, %convert_element_type3A_98, %cond3A_99 : i32
    scf.if %cond3A_100 {
      %mul3A_410 = arith.constant 10400 : i32
      %mul3A_411 = arith.muli %mul3A_12, %mul3A_410 : i32
      %add3A_412 = arith.constant 10368 : i32
      %add3A_413 = arith.addi %mul3A_411, %add3A_412 : i32
      "tpu.region"() ({
        %run_scoped3A = tpu.sem_alloc : memref<!tpu.dma_semaphore, #tpu.memory_space<semaphore_mem>>
        %dma_start3A = arith.constant 0 : i32
        %dma_start3A_414 = tpu.memref_slice %arg5[%add3A_413, %dma_start3A] : memref<83200x64xf32, #tpu.memory_space<hbm>> -> memref<32x64xf32, #tpu.memory_space<hbm>>
        %dma_start3A_415 = arith.constant 10368 : i32
        %dma_start3A_416 = arith.constant 0 : i32
        %dma_start3A_417 = tpu.memref_slice %arg9[%dma_start3A_415, %dma_start3A_416] : memref<10400x64xf32, #tpu.memory_space<vmem_shared>> -> memref<32x64xf32, #tpu.memory_space<vmem_shared>>
        tpu.enqueue_dma source(%dma_start3A_417 : memref<32x64xf32, #tpu.memory_space<vmem_shared>>) target(%dma_start3A_414 : memref<32x64xf32, #tpu.memory_space<hbm>>) target_semaphore(%run_scoped3A : memref<!tpu.dma_semaphore, #tpu.memory_space<semaphore_mem>>)
        %dma_wait3A = arith.constant 0 : i32
        %dma_wait3A_418 = tpu.memref_slice %arg5[%add3A_413, %dma_wait3A] : memref<83200x64xf32, #tpu.memory_space<hbm>> -> memref<32x64xf32, #tpu.memory_space<hbm>>
        %dma_wait3A_419 = arith.constant 10368 : i32
        %dma_wait3A_420 = arith.constant 0 : i32
        %dma_wait3A_421 = tpu.memref_slice %arg9[%dma_wait3A_419, %dma_wait3A_420] : memref<10400x64xf32, #tpu.memory_space<vmem_shared>> -> memref<32x64xf32, #tpu.memory_space<vmem_shared>>
        tpu.wait_dma2 semaphore(%run_scoped3A : memref<!tpu.dma_semaphore, #tpu.memory_space<semaphore_mem>>) src(%dma_wait3A_421 : memref<32x64xf32, #tpu.memory_space<vmem_shared>>) dst(%dma_wait3A_418 : memref<32x64xf32, #tpu.memory_space<hbm>>)
        tpu.yield
      }) : () -> ()
    } else {
    }
    %scan3A_101 = arith.constant 0 : i32
    %scan3A_102 = arith.constant 80 : i32
    %scan3A_103 = arith.addi %scan3A_101, %scan3A_102 : i32
    %scan3A_104 = arith.constant 1 : i32
    scf.for %scan3A_410 = %scan3A_101 to %scan3A_103 step %scan3A_104  : i32 {
      %mul3A_411 = arith.constant 1 : i32
      %mul3A_412 = arith.muli %scan3A_410, %mul3A_411 : i32
      %add3A_413 = arith.constant 0 : i32
      %add3A_414 = arith.addi %add3A_413, %mul3A_412 : i32
      %get3A = arith.index_cast %add3A_414 : i32 to index
      %get3A_415 = arith.constant 0 : index
      %get3A_416 = tpu.vector_load %arg6[%get3A, %get3A_415] {strides = array<i32>} : memref<80x128xi32, #tpu.memory_space<vmem>>, vector<1x16xi32>,
      %get3A_417 = vector.shape_cast %get3A_416 : vector<1x16xi32> to vector<16xi32>
      %add3A_418 = arith.constant 10400 : i32
      %add3A_419 = vector.broadcast %add3A_418 : i32 to vector<16xi32>
      %add3A_420 = arith.addi %get3A_417, %add3A_419 : vector<16xi32>
      %swap3A = arith.index_cast %add3A_414 : i32 to index
      %swap3A_421 = arith.constant 0 : index
      %swap3A_422 = tpu.vector_load %arg6[%swap3A, %swap3A_421] {strides = array<i32>} : memref<80x128xi32, #tpu.memory_space<vmem>>, vector<1x16xi32>,
      %swap3A_423 = vector.shape_cast %swap3A_422 : vector<1x16xi32> to vector<16xi32>
      %swap3A_424 = vector.shape_cast %add3A_420 : vector<16xi32> to vector<1x16xi32>
      tpu.vector_store %arg6[%swap3A, %swap3A_421], %swap3A_424 {strides = array<i32>} : memref<80x128xi32, #tpu.memory_space<vmem>>, vector<1x16xi32>,
      %get3A_425 = arith.index_cast %add3A_414 : i32 to index
      %get3A_426 = arith.constant 16 : index
      %get3A_427 = tpu.vector_load %arg6[%get3A_425, %get3A_426] {strides = array<i32>} : memref<80x128xi32, #tpu.memory_space<vmem>>, vector<1x16xi32>,
      %get3A_428 = vector.shape_cast %get3A_427 : vector<1x16xi32> to vector<16xi32>
      %add3A_429 = arith.constant 10400 : i32
      %add3A_430 = vector.broadcast %add3A_429 : i32 to vector<16xi32>
      %add3A_431 = arith.addi %get3A_428, %add3A_430 : vector<16xi32>
      %swap3A_432 = arith.index_cast %add3A_414 : i32 to index
      %swap3A_433 = arith.constant 16 : index
      %swap3A_434 = tpu.vector_load %arg6[%swap3A_432, %swap3A_433] {strides = array<i32>} : memref<80x128xi32, #tpu.memory_space<vmem>>, vector<1x16xi32>,
      %swap3A_435 = vector.shape_cast %swap3A_434 : vector<1x16xi32> to vector<16xi32>
      %swap3A_436 = vector.shape_cast %add3A_431 : vector<16xi32> to vector<1x16xi32>
      tpu.vector_store %arg6[%swap3A_432, %swap3A_433], %swap3A_436 {strides = array<i32>} : memref<80x128xi32, #tpu.memory_space<vmem>>, vector<1x16xi32>,
      %get3A_437 = arith.index_cast %add3A_414 : i32 to index
      %get3A_438 = arith.constant 32 : index
      %get3A_439 = tpu.vector_load %arg6[%get3A_437, %get3A_438] {strides = array<i32>} : memref<80x128xi32, #tpu.memory_space<vmem>>, vector<1x16xi32>,
      %get3A_440 = vector.shape_cast %get3A_439 : vector<1x16xi32> to vector<16xi32>
      %add3A_441 = arith.constant 10400 : i32
      %add3A_442 = vector.broadcast %add3A_441 : i32 to vector<16xi32>
      %add3A_443 = arith.addi %get3A_440, %add3A_442 : vector<16xi32>
      %swap3A_444 = arith.index_cast %add3A_414 : i32 to index
      %swap3A_445 = arith.constant 32 : index
      %swap3A_446 = tpu.vector_load %arg6[%swap3A_444, %swap3A_445] {strides = array<i32>} : memref<80x128xi32, #tpu.memory_space<vmem>>, vector<1x16xi32>,
      %swap3A_447 = vector.shape_cast %swap3A_446 : vector<1x16xi32> to vector<16xi32>
      %swap3A_448 = vector.shape_cast %add3A_443 : vector<16xi32> to vector<1x16xi32>
      tpu.vector_store %arg6[%swap3A_444, %swap3A_445], %swap3A_448 {strides = array<i32>} : memref<80x128xi32, #tpu.memory_space<vmem>>, vector<1x16xi32>,
      %get3A_449 = arith.index_cast %add3A_414 : i32 to index
      %get3A_450 = arith.constant 48 : index
      %get3A_451 = tpu.vector_load %arg6[%get3A_449, %get3A_450] {strides = array<i32>} : memref<80x128xi32, #tpu.memory_space<vmem>>, vector<1x16xi32>,
      %get3A_452 = vector.shape_cast %get3A_451 : vector<1x16xi32> to vector<16xi32>
      %add3A_453 = arith.constant 10400 : i32
      %add3A_454 = vector.broadcast %add3A_453 : i32 to vector<16xi32>
      %add3A_455 = arith.addi %get3A_452, %add3A_454 : vector<16xi32>
      %swap3A_456 = arith.index_cast %add3A_414 : i32 to index
      %swap3A_457 = arith.constant 48 : index
      %swap3A_458 = tpu.vector_load %arg6[%swap3A_456, %swap3A_457] {strides = array<i32>} : memref<80x128xi32, #tpu.memory_space<vmem>>, vector<1x16xi32>,
      %swap3A_459 = vector.shape_cast %swap3A_458 : vector<1x16xi32> to vector<16xi32>
      %swap3A_460 = vector.shape_cast %add3A_455 : vector<16xi32> to vector<1x16xi32>
      tpu.vector_store %arg6[%swap3A_456, %swap3A_457], %swap3A_460 {strides = array<i32>} : memref<80x128xi32, #tpu.memory_space<vmem>>, vector<1x16xi32>,
      %get3A_461 = arith.index_cast %add3A_414 : i32 to index
      %get3A_462 = arith.constant 64 : index
      %get3A_463 = tpu.vector_load %arg6[%get3A_461, %get3A_462] {strides = array<i32>} : memref<80x128xi32, #tpu.memory_space<vmem>>, vector<1x16xi32>,
      %get3A_464 = vector.shape_cast %get3A_463 : vector<1x16xi32> to vector<16xi32>
      %add3A_465 = arith.constant 10400 : i32
      %add3A_466 = vector.broadcast %add3A_465 : i32 to vector<16xi32>
      %add3A_467 = arith.addi %get3A_464, %add3A_466 : vector<16xi32>
      %swap3A_468 = arith.index_cast %add3A_414 : i32 to index
      %swap3A_469 = arith.constant 64 : index
      %swap3A_470 = tpu.vector_load %arg6[%swap3A_468, %swap3A_469] {strides = array<i32>} : memref<80x128xi32, #tpu.memory_space<vmem>>, vector<1x16xi32>,
      %swap3A_471 = vector.shape_cast %swap3A_470 : vector<1x16xi32> to vector<16xi32>
      %swap3A_472 = vector.shape_cast %add3A_467 : vector<16xi32> to vector<1x16xi32>
      tpu.vector_store %arg6[%swap3A_468, %swap3A_469], %swap3A_472 {strides = array<i32>} : memref<80x128xi32, #tpu.memory_space<vmem>>, vector<1x16xi32>,
      %get3A_473 = arith.index_cast %add3A_414 : i32 to index
      %get3A_474 = arith.constant 80 : index
      %get3A_475 = tpu.vector_load %arg6[%get3A_473, %get3A_474] {strides = array<i32>} : memref<80x128xi32, #tpu.memory_space<vmem>>, vector<1x16xi32>,
      %get3A_476 = vector.shape_cast %get3A_475 : vector<1x16xi32> to vector<16xi32>
      %add3A_477 = arith.constant 10400 : i32
      %add3A_478 = vector.broadcast %add3A_477 : i32 to vector<16xi32>
      %add3A_479 = arith.addi %get3A_476, %add3A_478 : vector<16xi32>
      %swap3A_480 = arith.index_cast %add3A_414 : i32 to index
      %swap3A_481 = arith.constant 80 : index
      %swap3A_482 = tpu.vector_load %arg6[%swap3A_480, %swap3A_481] {strides = array<i32>} : memref<80x128xi32, #tpu.memory_space<vmem>>, vector<1x16xi32>,
      %swap3A_483 = vector.shape_cast %swap3A_482 : vector<1x16xi32> to vector<16xi32>
      %swap3A_484 = vector.shape_cast %add3A_479 : vector<16xi32> to vector<1x16xi32>
      tpu.vector_store %arg6[%swap3A_480, %swap3A_481], %swap3A_484 {strides = array<i32>} : memref<80x128xi32, #tpu.memory_space<vmem>>, vector<1x16xi32>,
      %get3A_485 = arith.index_cast %add3A_414 : i32 to index
      %get3A_486 = arith.constant 96 : index
      %get3A_487 = tpu.vector_load %arg6[%get3A_485, %get3A_486] {strides = array<i32>} : memref<80x128xi32, #tpu.memory_space<vmem>>, vector<1x16xi32>,
      %get3A_488 = vector.shape_cast %get3A_487 : vector<1x16xi32> to vector<16xi32>
      %add3A_489 = arith.constant 10400 : i32
      %add3A_490 = vector.broadcast %add3A_489 : i32 to vector<16xi32>
      %add3A_491 = arith.addi %get3A_488, %add3A_490 : vector<16xi32>
      %swap3A_492 = arith.index_cast %add3A_414 : i32 to index
      %swap3A_493 = arith.constant 96 : index
      %swap3A_494 = tpu.vector_load %arg6[%swap3A_492, %swap3A_493] {strides = array<i32>} : memref<80x128xi32, #tpu.memory_space<vmem>>, vector<1x16xi32>,
      %swap3A_495 = vector.shape_cast %swap3A_494 : vector<1x16xi32> to vector<16xi32>
      %swap3A_496 = vector.shape_cast %add3A_491 : vector<16xi32> to vector<1x16xi32>
      tpu.vector_store %arg6[%swap3A_492, %swap3A_493], %swap3A_496 {strides = array<i32>} : memref<80x128xi32, #tpu.memory_space<vmem>>, vector<1x16xi32>,
      %get3A_497 = arith.index_cast %add3A_414 : i32 to index
      %get3A_498 = arith.constant 112 : index
      %get3A_499 = tpu.vector_load %arg6[%get3A_497, %get3A_498] {strides = array<i32>} : memref<80x128xi32, #tpu.memory_space<vmem>>, vector<1x16xi32>,
      %get3A_500 = vector.shape_cast %get3A_499 : vector<1x16xi32> to vector<16xi32>
      %add3A_501 = arith.constant 10400 : i32
      %add3A_502 = vector.broadcast %add3A_501 : i32 to vector<16xi32>
      %add3A_503 = arith.addi %get3A_500, %add3A_502 : vector<16xi32>
      %swap3A_504 = arith.index_cast %add3A_414 : i32 to index
      %swap3A_505 = arith.constant 112 : index
      %swap3A_506 = tpu.vector_load %arg6[%swap3A_504, %swap3A_505] {strides = array<i32>} : memref<80x128xi32, #tpu.memory_space<vmem>>, vector<1x16xi32>,
      %swap3A_507 = vector.shape_cast %swap3A_506 : vector<1x16xi32> to vector<16xi32>
      %swap3A_508 = vector.shape_cast %add3A_503 : vector<16xi32> to vector<1x16xi32>
      tpu.vector_store %arg6[%swap3A_504, %swap3A_505], %swap3A_508 {strides = array<i32>} : memref<80x128xi32, #tpu.memory_space<vmem>>, vector<1x16xi32>,
    }
    %scan3A_105 = arith.constant 80 : i32
    %mul3A_106 = arith.constant 4 : i32
    %mul3A_107 = arith.muli %mul3A_106, %arg0 : i32
    %add3A_108 = arith.constant 1 : i32
    %add3A_109 = arith.addi %mul3A_107, %add3A_108 : i32
    %broadcast_in_dim3A_110 = arith.constant 0.000000e+00 : f32
    %broadcast_in_dim3A_111 = vector.broadcast %broadcast_in_dim3A_110 : f32 to vector<16xf32>
    %scan3A_112 = arith.constant 0 : i32
    %scan3A_113 = arith.constant 128 : i32
    %scan3A_114 = arith.addi %scan3A_112, %scan3A_113 : i32
    %scan3A_115 = arith.constant 1 : i32
    scf.for %scan3A_410 = %scan3A_112 to %scan3A_114 step %scan3A_115  : i32 {
      %mul3A_411 = arith.constant 1 : i32
      %mul3A_412 = arith.muli %scan3A_410, %mul3A_411 : i32
      %add3A_413 = arith.constant 0 : i32
      %add3A_414 = arith.addi %add3A_413, %mul3A_412 : i32
      %swap3A = arith.index_cast %add3A_414 : i32 to index
      %swap3A_415 = arith.constant 0 : index
      %swap3A_416 = tpu.vector_load %arg8[%swap3A, %swap3A_415] {strides = array<i32>} : memref<128x64xf32, #tpu.memory_space<vmem>>, vector<1x16xf32>,
      %swap3A_417 = vector.shape_cast %swap3A_416 : vector<1x16xf32> to vector<16xf32>
      %swap3A_418 = vector.shape_cast %broadcast_in_dim3A_111 : vector<16xf32> to vector<1x16xf32>
      tpu.vector_store %arg8[%swap3A, %swap3A_415], %swap3A_418 {strides = array<i32>} : memref<128x64xf32, #tpu.memory_space<vmem>>, vector<1x16xf32>,
      %swap3A_419 = arith.index_cast %add3A_414 : i32 to index
      %swap3A_420 = arith.constant 16 : index
      %swap3A_421 = tpu.vector_load %arg8[%swap3A_419, %swap3A_420] {strides = array<i32>} : memref<128x64xf32, #tpu.memory_space<vmem>>, vector<1x16xf32>,
      %swap3A_422 = vector.shape_cast %swap3A_421 : vector<1x16xf32> to vector<16xf32>
      %swap3A_423 = vector.shape_cast %broadcast_in_dim3A_111 : vector<16xf32> to vector<1x16xf32>
      tpu.vector_store %arg8[%swap3A_419, %swap3A_420], %swap3A_423 {strides = array<i32>} : memref<128x64xf32, #tpu.memory_space<vmem>>, vector<1x16xf32>,
      %swap3A_424 = arith.index_cast %add3A_414 : i32 to index
      %swap3A_425 = arith.constant 32 : index
      %swap3A_426 = tpu.vector_load %arg8[%swap3A_424, %swap3A_425] {strides = array<i32>} : memref<128x64xf32, #tpu.memory_space<vmem>>, vector<1x16xf32>,
      %swap3A_427 = vector.shape_cast %swap3A_426 : vector<1x16xf32> to vector<16xf32>
      %swap3A_428 = vector.shape_cast %broadcast_in_dim3A_111 : vector<16xf32> to vector<1x16xf32>
      tpu.vector_store %arg8[%swap3A_424, %swap3A_425], %swap3A_428 {strides = array<i32>} : memref<128x64xf32, #tpu.memory_space<vmem>>, vector<1x16xf32>,
      %swap3A_429 = arith.index_cast %add3A_414 : i32 to index
      %swap3A_430 = arith.constant 48 : index
      %swap3A_431 = tpu.vector_load %arg8[%swap3A_429, %swap3A_430] {strides = array<i32>} : memref<128x64xf32, #tpu.memory_space<vmem>>, vector<1x16xf32>,
      %swap3A_432 = vector.shape_cast %swap3A_431 : vector<1x16xf32> to vector<16xf32>
      %swap3A_433 = vector.shape_cast %broadcast_in_dim3A_111 : vector<16xf32> to vector<1x16xf32>
      tpu.vector_store %arg8[%swap3A_429, %swap3A_430], %swap3A_433 {strides = array<i32>} : memref<128x64xf32, #tpu.memory_space<vmem>>, vector<1x16xf32>,
    }
    %scan3A_116 = arith.constant 128 : i32
    %mul3A_117 = arith.constant 648 : i32
    %mul3A_118 = arith.muli %arg1, %mul3A_117 : i32
    %add3A_119 = arith.constant 0 : i32
    %add3A_120 = arith.addi %mul3A_118, %add3A_119 : i32
    %add3A_121 = arith.constant 0 : i32
    %add3A_122 = arith.addi %mul3A_118, %add3A_121 : i32
    "tpu.region"() ({
      %run_scoped3A = tpu.sem_alloc : memref<!tpu.dma_semaphore, #tpu.memory_space<semaphore_mem>>
      %dma_start3A = arith.constant 0 : i32
      %dma_start3A_410 = arith.constant 0 : i32
      %dma_start3A_411 = tpu.memref_slice %arg8[%dma_start3A, %dma_start3A_410] : memref<128x64xf32, #tpu.memory_space<vmem>> -> memref<128x64xf32, #tpu.memory_space<vmem>>
      %dma_start3A_412 = arith.constant 0 : i32
      %dma_start3A_413 = tpu.memref_slice %arg9[%add3A_122, %dma_start3A_412] : memref<10400x64xf32, #tpu.memory_space<vmem_shared>> -> memref<128x64xf32, #tpu.memory_space<vmem_shared>>
      %dma_start3A_414 = arith.constant 0 : i32
      %dma_start3A_415 = tpu.memref_slice %arg9[%add3A_122, %dma_start3A_414] : memref<10400x64xf32, #tpu.memory_space<vmem_shared>> -> memref<128x64xf32, #tpu.memory_space<vmem_shared>>
      %dma_start3A_416 = arith.constant 0 : i32
      %dma_start3A_417 = arith.constant 0 : i32
      %dma_start3A_418 = tpu.memref_slice %arg8[%dma_start3A_416, %dma_start3A_417] : memref<128x64xf32, #tpu.memory_space<vmem>> -> memref<128x64xf32, #tpu.memory_space<vmem>>
      tpu.enqueue_dma source(%dma_start3A_418 : memref<128x64xf32, #tpu.memory_space<vmem>>) target(%dma_start3A_415 : memref<128x64xf32, #tpu.memory_space<vmem_shared>>) target_semaphore(%run_scoped3A : memref<!tpu.dma_semaphore, #tpu.memory_space<semaphore_mem>>)
      %dma_wait3A = arith.constant 0 : i32
      %dma_wait3A_419 = arith.constant 0 : i32
      %dma_wait3A_420 = tpu.memref_slice %arg8[%dma_wait3A, %dma_wait3A_419] : memref<128x64xf32, #tpu.memory_space<vmem>> -> memref<128x64xf32, #tpu.memory_space<vmem>>
      %dma_wait3A_421 = arith.constant 0 : i32
      %dma_wait3A_422 = tpu.memref_slice %arg9[%add3A_122, %dma_wait3A_421] : memref<10400x64xf32, #tpu.memory_space<vmem_shared>> -> memref<128x64xf32, #tpu.memory_space<vmem_shared>>
      %dma_wait3A_423 = arith.constant 0 : i32
      %dma_wait3A_424 = tpu.memref_slice %arg9[%add3A_122, %dma_wait3A_423] : memref<10400x64xf32, #tpu.memory_space<vmem_shared>> -> memref<128x64xf32, #tpu.memory_space<vmem_shared>>
      %dma_wait3A_425 = arith.constant 0 : i32
      %dma_wait3A_426 = arith.constant 0 : i32
      %dma_wait3A_427 = tpu.memref_slice %arg8[%dma_wait3A_425, %dma_wait3A_426] : memref<128x64xf32, #tpu.memory_space<vmem>> -> memref<128x64xf32, #tpu.memory_space<vmem>>
      tpu.wait_dma2 semaphore(%run_scoped3A : memref<!tpu.dma_semaphore, #tpu.memory_space<semaphore_mem>>) src(%dma_wait3A_427 : memref<128x64xf32, #tpu.memory_space<vmem>>) dst(%dma_wait3A_424 : memref<128x64xf32, #tpu.memory_space<vmem_shared>>)
      tpu.yield
    }) : () -> ()
    %add3A_123 = arith.constant 128 : i32
    %add3A_124 = arith.addi %mul3A_118, %add3A_123 : i32
    %add3A_125 = arith.constant 128 : i32
    %add3A_126 = arith.addi %mul3A_118, %add3A_125 : i32
    "tpu.region"() ({
      %run_scoped3A = tpu.sem_alloc : memref<!tpu.dma_semaphore, #tpu.memory_space<semaphore_mem>>
      %dma_start3A = arith.constant 0 : i32
      %dma_start3A_410 = arith.constant 0 : i32
      %dma_start3A_411 = tpu.memref_slice %arg8[%dma_start3A, %dma_start3A_410] : memref<128x64xf32, #tpu.memory_space<vmem>> -> memref<128x64xf32, #tpu.memory_space<vmem>>
      %dma_start3A_412 = arith.constant 0 : i32
      %dma_start3A_413 = tpu.memref_slice %arg9[%add3A_126, %dma_start3A_412] : memref<10400x64xf32, #tpu.memory_space<vmem_shared>> -> memref<128x64xf32, #tpu.memory_space<vmem_shared>>
      %dma_start3A_414 = arith.constant 0 : i32
      %dma_start3A_415 = tpu.memref_slice %arg9[%add3A_126, %dma_start3A_414] : memref<10400x64xf32, #tpu.memory_space<vmem_shared>> -> memref<128x64xf32, #tpu.memory_space<vmem_shared>>
      %dma_start3A_416 = arith.constant 0 : i32
      %dma_start3A_417 = arith.constant 0 : i32
      %dma_start3A_418 = tpu.memref_slice %arg8[%dma_start3A_416, %dma_start3A_417] : memref<128x64xf32, #tpu.memory_space<vmem>> -> memref<128x64xf32, #tpu.memory_space<vmem>>
      tpu.enqueue_dma source(%dma_start3A_418 : memref<128x64xf32, #tpu.memory_space<vmem>>) target(%dma_start3A_415 : memref<128x64xf32, #tpu.memory_space<vmem_shared>>) target_semaphore(%run_scoped3A : memref<!tpu.dma_semaphore, #tpu.memory_space<semaphore_mem>>)
      %dma_wait3A = arith.constant 0 : i32
      %dma_wait3A_419 = arith.constant 0 : i32
      %dma_wait3A_420 = tpu.memref_slice %arg8[%dma_wait3A, %dma_wait3A_419] : memref<128x64xf32, #tpu.memory_space<vmem>> -> memref<128x64xf32, #tpu.memory_space<vmem>>
      %dma_wait3A_421 = arith.constant 0 : i32
      %dma_wait3A_422 = tpu.memref_slice %arg9[%add3A_126, %dma_wait3A_421] : memref<10400x64xf32, #tpu.memory_space<vmem_shared>> -> memref<128x64xf32, #tpu.memory_space<vmem_shared>>
      %dma_wait3A_423 = arith.constant 0 : i32
      %dma_wait3A_424 = tpu.memref_slice %arg9[%add3A_126, %dma_wait3A_423] : memref<10400x64xf32, #tpu.memory_space<vmem_shared>> -> memref<128x64xf32, #tpu.memory_space<vmem_shared>>
      %dma_wait3A_425 = arith.constant 0 : i32
      %dma_wait3A_426 = arith.constant 0 : i32
      %dma_wait3A_427 = tpu.memref_slice %arg8[%dma_wait3A_425, %dma_wait3A_426] : memref<128x64xf32, #tpu.memory_space<vmem>> -> memref<128x64xf32, #tpu.memory_space<vmem>>
      tpu.wait_dma2 semaphore(%run_scoped3A : memref<!tpu.dma_semaphore, #tpu.memory_space<semaphore_mem>>) src(%dma_wait3A_427 : memref<128x64xf32, #tpu.memory_space<vmem>>) dst(%dma_wait3A_424 : memref<128x64xf32, #tpu.memory_space<vmem_shared>>)
      tpu.yield
    }) : () -> ()
    %add3A_127 = arith.constant 256 : i32
    %add3A_128 = arith.addi %mul3A_118, %add3A_127 : i32
    %add3A_129 = arith.constant 256 : i32
    %add3A_130 = arith.addi %mul3A_118, %add3A_129 : i32
    "tpu.region"() ({
      %run_scoped3A = tpu.sem_alloc : memref<!tpu.dma_semaphore, #tpu.memory_space<semaphore_mem>>
      %dma_start3A = arith.constant 0 : i32
      %dma_start3A_410 = arith.constant 0 : i32
      %dma_start3A_411 = tpu.memref_slice %arg8[%dma_start3A, %dma_start3A_410] : memref<128x64xf32, #tpu.memory_space<vmem>> -> memref<128x64xf32, #tpu.memory_space<vmem>>
      %dma_start3A_412 = arith.constant 0 : i32
      %dma_start3A_413 = tpu.memref_slice %arg9[%add3A_130, %dma_start3A_412] : memref<10400x64xf32, #tpu.memory_space<vmem_shared>> -> memref<128x64xf32, #tpu.memory_space<vmem_shared>>
      %dma_start3A_414 = arith.constant 0 : i32
      %dma_start3A_415 = tpu.memref_slice %arg9[%add3A_130, %dma_start3A_414] : memref<10400x64xf32, #tpu.memory_space<vmem_shared>> -> memref<128x64xf32, #tpu.memory_space<vmem_shared>>
      %dma_start3A_416 = arith.constant 0 : i32
      %dma_start3A_417 = arith.constant 0 : i32
      %dma_start3A_418 = tpu.memref_slice %arg8[%dma_start3A_416, %dma_start3A_417] : memref<128x64xf32, #tpu.memory_space<vmem>> -> memref<128x64xf32, #tpu.memory_space<vmem>>
      tpu.enqueue_dma source(%dma_start3A_418 : memref<128x64xf32, #tpu.memory_space<vmem>>) target(%dma_start3A_415 : memref<128x64xf32, #tpu.memory_space<vmem_shared>>) target_semaphore(%run_scoped3A : memref<!tpu.dma_semaphore, #tpu.memory_space<semaphore_mem>>)
      %dma_wait3A = arith.constant 0 : i32
      %dma_wait3A_419 = arith.constant 0 : i32
      %dma_wait3A_420 = tpu.memref_slice %arg8[%dma_wait3A, %dma_wait3A_419] : memref<128x64xf32, #tpu.memory_space<vmem>> -> memref<128x64xf32, #tpu.memory_space<vmem>>
      %dma_wait3A_421 = arith.constant 0 : i32
      %dma_wait3A_422 = tpu.memref_slice %arg9[%add3A_130, %dma_wait3A_421] : memref<10400x64xf32, #tpu.memory_space<vmem_shared>> -> memref<128x64xf32, #tpu.memory_space<vmem_shared>>
      %dma_wait3A_423 = arith.constant 0 : i32
      %dma_wait3A_424 = tpu.memref_slice %arg9[%add3A_130, %dma_wait3A_423] : memref<10400x64xf32, #tpu.memory_space<vmem_shared>> -> memref<128x64xf32, #tpu.memory_space<vmem_shared>>
      %dma_wait3A_425 = arith.constant 0 : i32
      %dma_wait3A_426 = arith.constant 0 : i32
      %dma_wait3A_427 = tpu.memref_slice %arg8[%dma_wait3A_425, %dma_wait3A_426] : memref<128x64xf32, #tpu.memory_space<vmem>> -> memref<128x64xf32, #tpu.memory_space<vmem>>
      tpu.wait_dma2 semaphore(%run_scoped3A : memref<!tpu.dma_semaphore, #tpu.memory_space<semaphore_mem>>) src(%dma_wait3A_427 : memref<128x64xf32, #tpu.memory_space<vmem>>) dst(%dma_wait3A_424 : memref<128x64xf32, #tpu.memory_space<vmem_shared>>)
      tpu.yield
    }) : () -> ()
    %add3A_131 = arith.constant 384 : i32
    %add3A_132 = arith.addi %mul3A_118, %add3A_131 : i32
    %add3A_133 = arith.constant 384 : i32
    %add3A_134 = arith.addi %mul3A_118, %add3A_133 : i32
    "tpu.region"() ({
      %run_scoped3A = tpu.sem_alloc : memref<!tpu.dma_semaphore, #tpu.memory_space<semaphore_mem>>
      %dma_start3A = arith.constant 0 : i32
      %dma_start3A_410 = arith.constant 0 : i32
      %dma_start3A_411 = tpu.memref_slice %arg8[%dma_start3A, %dma_start3A_410] : memref<128x64xf32, #tpu.memory_space<vmem>> -> memref<128x64xf32, #tpu.memory_space<vmem>>
      %dma_start3A_412 = arith.constant 0 : i32
      %dma_start3A_413 = tpu.memref_slice %arg9[%add3A_134, %dma_start3A_412] : memref<10400x64xf32, #tpu.memory_space<vmem_shared>> -> memref<128x64xf32, #tpu.memory_space<vmem_shared>>
      %dma_start3A_414 = arith.constant 0 : i32
      %dma_start3A_415 = tpu.memref_slice %arg9[%add3A_134, %dma_start3A_414] : memref<10400x64xf32, #tpu.memory_space<vmem_shared>> -> memref<128x64xf32, #tpu.memory_space<vmem_shared>>
      %dma_start3A_416 = arith.constant 0 : i32
      %dma_start3A_417 = arith.constant 0 : i32
      %dma_start3A_418 = tpu.memref_slice %arg8[%dma_start3A_416, %dma_start3A_417] : memref<128x64xf32, #tpu.memory_space<vmem>> -> memref<128x64xf32, #tpu.memory_space<vmem>>
      tpu.enqueue_dma source(%dma_start3A_418 : memref<128x64xf32, #tpu.memory_space<vmem>>) target(%dma_start3A_415 : memref<128x64xf32, #tpu.memory_space<vmem_shared>>) target_semaphore(%run_scoped3A : memref<!tpu.dma_semaphore, #tpu.memory_space<semaphore_mem>>)
      %dma_wait3A = arith.constant 0 : i32
      %dma_wait3A_419 = arith.constant 0 : i32
      %dma_wait3A_420 = tpu.memref_slice %arg8[%dma_wait3A, %dma_wait3A_419] : memref<128x64xf32, #tpu.memory_space<vmem>> -> memref<128x64xf32, #tpu.memory_space<vmem>>
      %dma_wait3A_421 = arith.constant 0 : i32
      %dma_wait3A_422 = tpu.memref_slice %arg9[%add3A_134, %dma_wait3A_421] : memref<10400x64xf32, #tpu.memory_space<vmem_shared>> -> memref<128x64xf32, #tpu.memory_space<vmem_shared>>
      %dma_wait3A_423 = arith.constant 0 : i32
      %dma_wait3A_424 = tpu.memref_slice %arg9[%add3A_134, %dma_wait3A_423] : memref<10400x64xf32, #tpu.memory_space<vmem_shared>> -> memref<128x64xf32, #tpu.memory_space<vmem_shared>>
      %dma_wait3A_425 = arith.constant 0 : i32
      %dma_wait3A_426 = arith.constant 0 : i32
      %dma_wait3A_427 = tpu.memref_slice %arg8[%dma_wait3A_425, %dma_wait3A_426] : memref<128x64xf32, #tpu.memory_space<vmem>> -> memref<128x64xf32, #tpu.memory_space<vmem>>
      tpu.wait_dma2 semaphore(%run_scoped3A : memref<!tpu.dma_semaphore, #tpu.memory_space<semaphore_mem>>) src(%dma_wait3A_427 : memref<128x64xf32, #tpu.memory_space<vmem>>) dst(%dma_wait3A_424 : memref<128x64xf32, #tpu.memory_space<vmem_shared>>)
      tpu.yield
    }) : () -> ()
    %add3A_135 = arith.constant 512 : i32
    %add3A_136 = arith.addi %mul3A_118, %add3A_135 : i32
    %add3A_137 = arith.constant 512 : i32
    %add3A_138 = arith.addi %mul3A_118, %add3A_137 : i32
    "tpu.region"() ({
      %run_scoped3A = tpu.sem_alloc : memref<!tpu.dma_semaphore, #tpu.memory_space<semaphore_mem>>
      %dma_start3A = arith.constant 0 : i32
      %dma_start3A_410 = arith.constant 0 : i32
      %dma_start3A_411 = tpu.memref_slice %arg8[%dma_start3A, %dma_start3A_410] : memref<128x64xf32, #tpu.memory_space<vmem>> -> memref<128x64xf32, #tpu.memory_space<vmem>>
      %dma_start3A_412 = arith.constant 0 : i32
      %dma_start3A_413 = tpu.memref_slice %arg9[%add3A_138, %dma_start3A_412] : memref<10400x64xf32, #tpu.memory_space<vmem_shared>> -> memref<128x64xf32, #tpu.memory_space<vmem_shared>>
      %dma_start3A_414 = arith.constant 0 : i32
      %dma_start3A_415 = tpu.memref_slice %arg9[%add3A_138, %dma_start3A_414] : memref<10400x64xf32, #tpu.memory_space<vmem_shared>> -> memref<128x64xf32, #tpu.memory_space<vmem_shared>>
      %dma_start3A_416 = arith.constant 0 : i32
      %dma_start3A_417 = arith.constant 0 : i32
      %dma_start3A_418 = tpu.memref_slice %arg8[%dma_start3A_416, %dma_start3A_417] : memref<128x64xf32, #tpu.memory_space<vmem>> -> memref<128x64xf32, #tpu.memory_space<vmem>>
      tpu.enqueue_dma source(%dma_start3A_418 : memref<128x64xf32, #tpu.memory_space<vmem>>) target(%dma_start3A_415 : memref<128x64xf32, #tpu.memory_space<vmem_shared>>) target_semaphore(%run_scoped3A : memref<!tpu.dma_semaphore, #tpu.memory_space<semaphore_mem>>)
      %dma_wait3A = arith.constant 0 : i32
      %dma_wait3A_419 = arith.constant 0 : i32
      %dma_wait3A_420 = tpu.memref_slice %arg8[%dma_wait3A, %dma_wait3A_419] : memref<128x64xf32, #tpu.memory_space<vmem>> -> memref<128x64xf32, #tpu.memory_space<vmem>>
      %dma_wait3A_421 = arith.constant 0 : i32
      %dma_wait3A_422 = tpu.memref_slice %arg9[%add3A_138, %dma_wait3A_421] : memref<10400x64xf32, #tpu.memory_space<vmem_shared>> -> memref<128x64xf32, #tpu.memory_space<vmem_shared>>
      %dma_wait3A_423 = arith.constant 0 : i32
      %dma_wait3A_424 = tpu.memref_slice %arg9[%add3A_138, %dma_wait3A_423] : memref<10400x64xf32, #tpu.memory_space<vmem_shared>> -> memref<128x64xf32, #tpu.memory_space<vmem_shared>>
      %dma_wait3A_425 = arith.constant 0 : i32
      %dma_wait3A_426 = arith.constant 0 : i32
      %dma_wait3A_427 = tpu.memref_slice %arg8[%dma_wait3A_425, %dma_wait3A_426] : memref<128x64xf32, #tpu.memory_space<vmem>> -> memref<128x64xf32, #tpu.memory_space<vmem>>
      tpu.wait_dma2 semaphore(%run_scoped3A : memref<!tpu.dma_semaphore, #tpu.memory_space<semaphore_mem>>) src(%dma_wait3A_427 : memref<128x64xf32, #tpu.memory_space<vmem>>) dst(%dma_wait3A_424 : memref<128x64xf32, #tpu.memory_space<vmem_shared>>)
      tpu.yield
    }) : () -> ()
    %add3A_139 = arith.constant 640 : i32
    %add3A_140 = arith.addi %mul3A_118, %add3A_139 : i32
    %add3A_141 = arith.constant 640 : i32
    %add3A_142 = arith.addi %mul3A_118, %add3A_141 : i32
    "tpu.region"() ({
      %run_scoped3A = tpu.sem_alloc : memref<!tpu.dma_semaphore, #tpu.memory_space<semaphore_mem>>
      %dma_start3A = arith.constant 0 : i32
      %dma_start3A_410 = arith.constant 0 : i32
      %dma_start3A_411 = tpu.memref_slice %arg8[%dma_start3A, %dma_start3A_410] : memref<128x64xf32, #tpu.memory_space<vmem>> -> memref<8x64xf32, #tpu.memory_space<vmem>>
      %dma_start3A_412 = arith.constant 0 : i32
      %dma_start3A_413 = tpu.memref_slice %arg9[%add3A_142, %dma_start3A_412] : memref<10400x64xf32, #tpu.memory_space<vmem_shared>> -> memref<8x64xf32, #tpu.memory_space<vmem_shared>>
      %dma_start3A_414 = arith.constant 0 : i32
      %dma_start3A_415 = tpu.memref_slice %arg9[%add3A_142, %dma_start3A_414] : memref<10400x64xf32, #tpu.memory_space<vmem_shared>> -> memref<8x64xf32, #tpu.memory_space<vmem_shared>>
      %dma_start3A_416 = arith.constant 0 : i32
      %dma_start3A_417 = arith.constant 0 : i32
      %dma_start3A_418 = tpu.memref_slice %arg8[%dma_start3A_416, %dma_start3A_417] : memref<128x64xf32, #tpu.memory_space<vmem>> -> memref<8x64xf32, #tpu.memory_space<vmem>>
      tpu.enqueue_dma source(%dma_start3A_418 : memref<8x64xf32, #tpu.memory_space<vmem>>) target(%dma_start3A_415 : memref<8x64xf32, #tpu.memory_space<vmem_shared>>) target_semaphore(%run_scoped3A : memref<!tpu.dma_semaphore, #tpu.memory_space<semaphore_mem>>)
      %dma_wait3A = arith.constant 0 : i32
      %dma_wait3A_419 = arith.constant 0 : i32
      %dma_wait3A_420 = tpu.memref_slice %arg8[%dma_wait3A, %dma_wait3A_419] : memref<128x64xf32, #tpu.memory_space<vmem>> -> memref<8x64xf32, #tpu.memory_space<vmem>>
      %dma_wait3A_421 = arith.constant 0 : i32
      %dma_wait3A_422 = tpu.memref_slice %arg9[%add3A_142, %dma_wait3A_421] : memref<10400x64xf32, #tpu.memory_space<vmem_shared>> -> memref<8x64xf32, #tpu.memory_space<vmem_shared>>
      %dma_wait3A_423 = arith.constant 0 : i32
      %dma_wait3A_424 = tpu.memref_slice %arg9[%add3A_142, %dma_wait3A_423] : memref<10400x64xf32, #tpu.memory_space<vmem_shared>> -> memref<8x64xf32, #tpu.memory_space<vmem_shared>>
      %dma_wait3A_425 = arith.constant 0 : i32
      %dma_wait3A_426 = arith.constant 0 : i32
      %dma_wait3A_427 = tpu.memref_slice %arg8[%dma_wait3A_425, %dma_wait3A_426] : memref<128x64xf32, #tpu.memory_space<vmem>> -> memref<8x64xf32, #tpu.memory_space<vmem>>
      tpu.wait_dma2 semaphore(%run_scoped3A : memref<!tpu.dma_semaphore, #tpu.memory_space<semaphore_mem>>) src(%dma_wait3A_427 : memref<8x64xf32, #tpu.memory_space<vmem>>) dst(%dma_wait3A_424 : memref<8x64xf32, #tpu.memory_space<vmem_shared>>)
      tpu.yield
    }) : () -> ()
    %eq3A_143 = arith.constant 15 : i32
    %eq3A_144 = arith.cmpi eq, %arg1, %eq3A_143 : i32
    %convert_element_type3A_145 = arith.extui %eq3A_144 : i1 to i32
    %cond3A_146 = arith.constant 0 : i32
    %cond3A_147 = arith.cmpi ne, %convert_element_type3A_145, %cond3A_146 : i32
    scf.if %cond3A_147 {
      "tpu.region"() ({
        %run_scoped3A = tpu.sem_alloc : memref<!tpu.dma_semaphore, #tpu.memory_space<semaphore_mem>>
        %dma_start3A = arith.constant 0 : i32
        %dma_start3A_410 = arith.constant 0 : i32
        %dma_start3A_411 = tpu.memref_slice %arg8[%dma_start3A, %dma_start3A_410] : memref<128x64xf32, #tpu.memory_space<vmem>> -> memref<32x64xf32, #tpu.memory_space<vmem>>
        %dma_start3A_412 = arith.constant 10368 : i32
        %dma_start3A_413 = arith.constant 0 : i32
        %dma_start3A_414 = tpu.memref_slice %arg9[%dma_start3A_412, %dma_start3A_413] : memref<10400x64xf32, #tpu.memory_space<vmem_shared>> -> memref<32x64xf32, #tpu.memory_space<vmem_shared>>
        %dma_start3A_415 = arith.constant 10368 : i32
        %dma_start3A_416 = arith.constant 0 : i32
        %dma_start3A_417 = tpu.memref_slice %arg9[%dma_start3A_415, %dma_start3A_416] : memref<10400x64xf32, #tpu.memory_space<vmem_shared>> -> memref<32x64xf32, #tpu.memory_space<vmem_shared>>
        %dma_start3A_418 = arith.constant 0 : i32
        %dma_start3A_419 = arith.constant 0 : i32
        %dma_start3A_420 = tpu.memref_slice %arg8[%dma_start3A_418, %dma_start3A_419] : memref<128x64xf32, #tpu.memory_space<vmem>> -> memref<32x64xf32, #tpu.memory_space<vmem>>
        tpu.enqueue_dma source(%dma_start3A_420 : memref<32x64xf32, #tpu.memory_space<vmem>>) target(%dma_start3A_417 : memref<32x64xf32, #tpu.memory_space<vmem_shared>>) target_semaphore(%run_scoped3A : memref<!tpu.dma_semaphore, #tpu.memory_space<semaphore_mem>>)
        %dma_wait3A = arith.constant 0 : i32
        %dma_wait3A_421 = arith.constant 0 : i32
        %dma_wait3A_422 = tpu.memref_slice %arg8[%dma_wait3A, %dma_wait3A_421] : memref<128x64xf32, #tpu.memory_space<vmem>> -> memref<32x64xf32, #tpu.memory_space<vmem>>
        %dma_wait3A_423 = arith.constant 10368 : i32
        %dma_wait3A_424 = arith.constant 0 : i32
        %dma_wait3A_425 = tpu.memref_slice %arg9[%dma_wait3A_423, %dma_wait3A_424] : memref<10400x64xf32, #tpu.memory_space<vmem_shared>> -> memref<32x64xf32, #tpu.memory_space<vmem_shared>>
        %dma_wait3A_426 = arith.constant 10368 : i32
        %dma_wait3A_427 = arith.constant 0 : i32
        %dma_wait3A_428 = tpu.memref_slice %arg9[%dma_wait3A_426, %dma_wait3A_427] : memref<10400x64xf32, #tpu.memory_space<vmem_shared>> -> memref<32x64xf32, #tpu.memory_space<vmem_shared>>
        %dma_wait3A_429 = arith.constant 0 : i32
        %dma_wait3A_430 = arith.constant 0 : i32
        %dma_wait3A_431 = tpu.memref_slice %arg8[%dma_wait3A_429, %dma_wait3A_430] : memref<128x64xf32, #tpu.memory_space<vmem>> -> memref<32x64xf32, #tpu.memory_space<vmem>>
        tpu.wait_dma2 semaphore(%run_scoped3A : memref<!tpu.dma_semaphore, #tpu.memory_space<semaphore_mem>>) src(%dma_wait3A_431 : memref<32x64xf32, #tpu.memory_space<vmem>>) dst(%dma_wait3A_428 : memref<32x64xf32, #tpu.memory_space<vmem_shared>>)
        tpu.yield
      }) : () -> ()
    } else {
    }
    %barrier3A_148 = arith.constant 0 : index
    tpu.barrier barrier_id(%barrier3A_148)
    %scan3A_149 = arith.constant 0 : i32
    %scan3A_150 = arith.constant 80 : i32
    %scan3A_151 = arith.addi %scan3A_149, %scan3A_150 : i32
    %scan3A_152 = arith.constant 1 : i32
    scf.for %scan3A_410 = %scan3A_149 to %scan3A_151 step %scan3A_152  : i32 {
      %mul3A_411 = arith.constant 1 : i32
      %mul3A_412 = arith.muli %scan3A_410, %mul3A_411 : i32
      %add3A_413 = arith.constant 0 : i32
      %add3A_414 = arith.addi %add3A_413, %mul3A_412 : i32
      %dma_start3A = arith.constant 0 : i32
      %dma_start3A_415 = tpu.memref_slice %arg6[%add3A_414, %dma_start3A] : memref<80x128xi32, #tpu.memory_space<vmem>> -> memref<1x128xi32, #tpu.memory_space<vmem>>
      %dma_start3A_416 = tpu.memref_squeeze %dma_start3A_415 : memref<1x128xi32, #tpu.memory_space<vmem>> -> memref<128xi32, #tpu.memory_space<vmem>>
      %dma_start3A_417 = arith.constant 0 : i32
      %dma_start3A_418 = arith.constant 0 : i32
      %dma_start3A_419 = tpu.memref_slice %arg2[%dma_start3A_417, %dma_start3A_418] : memref<83200x64xf32, #tpu.memory_space<hbm>> -> memref<83200x64xf32, #tpu.memory_space<hbm>>
      tpu.enqueue_indirect_dma source(%dma_start3A_419 : memref<83200x64xf32, #tpu.memory_space<hbm>>) target(%arg8 : memref<128x64xf32, #tpu.memory_space<vmem>>) offsets(%dma_start3A_416 : memref<128xi32, #tpu.memory_space<vmem>>) semaphore(%arg10 : memref<!tpu.dma_semaphore, #tpu.memory_space<semaphore_mem>>)
      %dma_wait3A = arith.constant 0 : i32
      %dma_wait3A_420 = tpu.memref_slice %arg6[%add3A_414, %dma_wait3A] : memref<80x128xi32, #tpu.memory_space<vmem>> -> memref<1x128xi32, #tpu.memory_space<vmem>>
      %dma_wait3A_421 = tpu.memref_squeeze %dma_wait3A_420 : memref<1x128xi32, #tpu.memory_space<vmem>> -> memref<128xi32, #tpu.memory_space<vmem>>
      %dma_wait3A_422 = arith.constant 0 : i32
      %dma_wait3A_423 = arith.constant 0 : i32
      %dma_wait3A_424 = tpu.memref_slice %arg2[%dma_wait3A_422, %dma_wait3A_423] : memref<83200x64xf32, #tpu.memory_space<hbm>> -> memref<83200x64xf32, #tpu.memory_space<hbm>>
      tpu.wait_indirect_dma semaphore(%arg10 : memref<!tpu.dma_semaphore, #tpu.memory_space<semaphore_mem>>) src(%dma_wait3A_424 : memref<83200x64xf32, #tpu.memory_space<hbm>>) dst(%arg8 : memref<128x64xf32, #tpu.memory_space<vmem>>)
      "tpu.region"() ({
        %run_scoped3A = tpu.sem_alloc : memref<!tpu.dma_semaphore, #tpu.memory_space<semaphore_mem>>
        %dma_start3A_425 = arith.constant 0 : i32
        %dma_start3A_426 = tpu.memref_slice %arg7[%add3A_414, %dma_start3A_425] : memref<80x128xi32, #tpu.memory_space<vmem>> -> memref<1x128xi32, #tpu.memory_space<vmem>>
        %dma_start3A_427 = tpu.memref_squeeze %dma_start3A_426 : memref<1x128xi32, #tpu.memory_space<vmem>> -> memref<128xi32, #tpu.memory_space<vmem>>
        %dma_start3A_428 = arith.constant 0 : i32
        %dma_start3A_429 = arith.constant 0 : i32
        %dma_start3A_430 = tpu.memref_slice %arg9[%dma_start3A_428, %dma_start3A_429] : memref<10400x64xf32, #tpu.memory_space<vmem_shared>> -> memref<10400x64xf32, #tpu.memory_space<vmem_shared>>
        tpu.enqueue_indirect_dma source(%arg8 : memref<128x64xf32, #tpu.memory_space<vmem>>) target(%dma_start3A_430 : memref<10400x64xf32, #tpu.memory_space<vmem_shared>>) offsets(%dma_start3A_427 : memref<128xi32, #tpu.memory_space<vmem>>) semaphore(%run_scoped3A : memref<!tpu.dma_semaphore, #tpu.memory_space<semaphore_mem>>) {add = true}
        %dma_wait3A_431 = arith.constant 0 : i32
        %dma_wait3A_432 = tpu.memref_slice %arg7[%add3A_414, %dma_wait3A_431] : memref<80x128xi32, #tpu.memory_space<vmem>> -> memref<1x128xi32, #tpu.memory_space<vmem>>
        %dma_wait3A_433 = tpu.memref_squeeze %dma_wait3A_432 : memref<1x128xi32, #tpu.memory_space<vmem>> -> memref<128xi32, #tpu.memory_space<vmem>>
        %dma_wait3A_434 = arith.constant 0 : i32
        %dma_wait3A_435 = arith.constant 0 : i32
        %dma_wait3A_436 = tpu.memref_slice %arg9[%dma_wait3A_434, %dma_wait3A_435] : memref<10400x64xf32, #tpu.memory_space<vmem_shared>> -> memref<10400x64xf32, #tpu.memory_space<vmem_shared>>
        tpu.wait_indirect_dma semaphore(%run_scoped3A : memref<!tpu.dma_semaphore, #tpu.memory_space<semaphore_mem>>) src(%arg8 : memref<128x64xf32, #tpu.memory_space<vmem>>) dst(%dma_wait3A_436 : memref<10400x64xf32, #tpu.memory_space<vmem_shared>>)
        tpu.yield
      }) : () -> ()
    }
    %scan3A_153 = arith.constant 80 : i32
    %barrier3A_154 = arith.constant 0 : index
    tpu.barrier barrier_id(%barrier3A_154)
    %mul3A_155 = arith.constant 648 : i32
    %mul3A_156 = arith.muli %arg1, %mul3A_155 : i32
    %add3A_157 = arith.constant 0 : i32
    %add3A_158 = arith.addi %mul3A_156, %add3A_157 : i32
    %add3A_159 = arith.constant 0 : i32
    %add3A_160 = arith.addi %mul3A_156, %add3A_159 : i32
    %mul3A_161 = arith.constant 10400 : i32
    %mul3A_162 = arith.muli %add3A_109, %mul3A_161 : i32
    %add3A_163 = arith.addi %mul3A_162, %add3A_160 : i32
    "tpu.region"() ({
      %run_scoped3A = tpu.sem_alloc : memref<!tpu.dma_semaphore, #tpu.memory_space<semaphore_mem>>
      %dma_start3A = arith.constant 0 : i32
      %dma_start3A_410 = tpu.memref_slice %arg5[%add3A_163, %dma_start3A] : memref<83200x64xf32, #tpu.memory_space<hbm>> -> memref<128x64xf32, #tpu.memory_space<hbm>>
      %dma_start3A_411 = arith.constant 0 : i32
      %dma_start3A_412 = tpu.memref_slice %arg9[%add3A_158, %dma_start3A_411] : memref<10400x64xf32, #tpu.memory_space<vmem_shared>> -> memref<128x64xf32, #tpu.memory_space<vmem_shared>>
      tpu.enqueue_dma source(%dma_start3A_412 : memref<128x64xf32, #tpu.memory_space<vmem_shared>>) target(%dma_start3A_410 : memref<128x64xf32, #tpu.memory_space<hbm>>) target_semaphore(%run_scoped3A : memref<!tpu.dma_semaphore, #tpu.memory_space<semaphore_mem>>)
      %dma_wait3A = arith.constant 0 : i32
      %dma_wait3A_413 = tpu.memref_slice %arg5[%add3A_163, %dma_wait3A] : memref<83200x64xf32, #tpu.memory_space<hbm>> -> memref<128x64xf32, #tpu.memory_space<hbm>>
      %dma_wait3A_414 = arith.constant 0 : i32
      %dma_wait3A_415 = tpu.memref_slice %arg9[%add3A_158, %dma_wait3A_414] : memref<10400x64xf32, #tpu.memory_space<vmem_shared>> -> memref<128x64xf32, #tpu.memory_space<vmem_shared>>
      tpu.wait_dma2 semaphore(%run_scoped3A : memref<!tpu.dma_semaphore, #tpu.memory_space<semaphore_mem>>) src(%dma_wait3A_415 : memref<128x64xf32, #tpu.memory_space<vmem_shared>>) dst(%dma_wait3A_413 : memref<128x64xf32, #tpu.memory_space<hbm>>)
      tpu.yield
    }) : () -> ()
    %add3A_164 = arith.constant 128 : i32
    %add3A_165 = arith.addi %mul3A_156, %add3A_164 : i32
    %add3A_166 = arith.constant 128 : i32
    %add3A_167 = arith.addi %mul3A_156, %add3A_166 : i32
    %mul3A_168 = arith.constant 10400 : i32
    %mul3A_169 = arith.muli %add3A_109, %mul3A_168 : i32
    %add3A_170 = arith.addi %mul3A_169, %add3A_167 : i32
    "tpu.region"() ({
      %run_scoped3A = tpu.sem_alloc : memref<!tpu.dma_semaphore, #tpu.memory_space<semaphore_mem>>
      %dma_start3A = arith.constant 0 : i32
      %dma_start3A_410 = tpu.memref_slice %arg5[%add3A_170, %dma_start3A] : memref<83200x64xf32, #tpu.memory_space<hbm>> -> memref<128x64xf32, #tpu.memory_space<hbm>>
      %dma_start3A_411 = arith.constant 0 : i32
      %dma_start3A_412 = tpu.memref_slice %arg9[%add3A_165, %dma_start3A_411] : memref<10400x64xf32, #tpu.memory_space<vmem_shared>> -> memref<128x64xf32, #tpu.memory_space<vmem_shared>>
      tpu.enqueue_dma source(%dma_start3A_412 : memref<128x64xf32, #tpu.memory_space<vmem_shared>>) target(%dma_start3A_410 : memref<128x64xf32, #tpu.memory_space<hbm>>) target_semaphore(%run_scoped3A : memref<!tpu.dma_semaphore, #tpu.memory_space<semaphore_mem>>)
      %dma_wait3A = arith.constant 0 : i32
      %dma_wait3A_413 = tpu.memref_slice %arg5[%add3A_170, %dma_wait3A] : memref<83200x64xf32, #tpu.memory_space<hbm>> -> memref<128x64xf32, #tpu.memory_space<hbm>>
      %dma_wait3A_414 = arith.constant 0 : i32
      %dma_wait3A_415 = tpu.memref_slice %arg9[%add3A_165, %dma_wait3A_414] : memref<10400x64xf32, #tpu.memory_space<vmem_shared>> -> memref<128x64xf32, #tpu.memory_space<vmem_shared>>
      tpu.wait_dma2 semaphore(%run_scoped3A : memref<!tpu.dma_semaphore, #tpu.memory_space<semaphore_mem>>) src(%dma_wait3A_415 : memref<128x64xf32, #tpu.memory_space<vmem_shared>>) dst(%dma_wait3A_413 : memref<128x64xf32, #tpu.memory_space<hbm>>)
      tpu.yield
    }) : () -> ()
    %add3A_171 = arith.constant 256 : i32
    %add3A_172 = arith.addi %mul3A_156, %add3A_171 : i32
    %add3A_173 = arith.constant 256 : i32
    %add3A_174 = arith.addi %mul3A_156, %add3A_173 : i32
    %mul3A_175 = arith.constant 10400 : i32
    %mul3A_176 = arith.muli %add3A_109, %mul3A_175 : i32
    %add3A_177 = arith.addi %mul3A_176, %add3A_174 : i32
    "tpu.region"() ({
      %run_scoped3A = tpu.sem_alloc : memref<!tpu.dma_semaphore, #tpu.memory_space<semaphore_mem>>
      %dma_start3A = arith.constant 0 : i32
      %dma_start3A_410 = tpu.memref_slice %arg5[%add3A_177, %dma_start3A] : memref<83200x64xf32, #tpu.memory_space<hbm>> -> memref<128x64xf32, #tpu.memory_space<hbm>>
      %dma_start3A_411 = arith.constant 0 : i32
      %dma_start3A_412 = tpu.memref_slice %arg9[%add3A_172, %dma_start3A_411] : memref<10400x64xf32, #tpu.memory_space<vmem_shared>> -> memref<128x64xf32, #tpu.memory_space<vmem_shared>>
      tpu.enqueue_dma source(%dma_start3A_412 : memref<128x64xf32, #tpu.memory_space<vmem_shared>>) target(%dma_start3A_410 : memref<128x64xf32, #tpu.memory_space<hbm>>) target_semaphore(%run_scoped3A : memref<!tpu.dma_semaphore, #tpu.memory_space<semaphore_mem>>)
      %dma_wait3A = arith.constant 0 : i32
      %dma_wait3A_413 = tpu.memref_slice %arg5[%add3A_177, %dma_wait3A] : memref<83200x64xf32, #tpu.memory_space<hbm>> -> memref<128x64xf32, #tpu.memory_space<hbm>>
      %dma_wait3A_414 = arith.constant 0 : i32
      %dma_wait3A_415 = tpu.memref_slice %arg9[%add3A_172, %dma_wait3A_414] : memref<10400x64xf32, #tpu.memory_space<vmem_shared>> -> memref<128x64xf32, #tpu.memory_space<vmem_shared>>
      tpu.wait_dma2 semaphore(%run_scoped3A : memref<!tpu.dma_semaphore, #tpu.memory_space<semaphore_mem>>) src(%dma_wait3A_415 : memref<128x64xf32, #tpu.memory_space<vmem_shared>>) dst(%dma_wait3A_413 : memref<128x64xf32, #tpu.memory_space<hbm>>)
      tpu.yield
    }) : () -> ()
    %add3A_178 = arith.constant 384 : i32
    %add3A_179 = arith.addi %mul3A_156, %add3A_178 : i32
    %add3A_180 = arith.constant 384 : i32
    %add3A_181 = arith.addi %mul3A_156, %add3A_180 : i32
    %mul3A_182 = arith.constant 10400 : i32
    %mul3A_183 = arith.muli %add3A_109, %mul3A_182 : i32
    %add3A_184 = arith.addi %mul3A_183, %add3A_181 : i32
    "tpu.region"() ({
      %run_scoped3A = tpu.sem_alloc : memref<!tpu.dma_semaphore, #tpu.memory_space<semaphore_mem>>
      %dma_start3A = arith.constant 0 : i32
      %dma_start3A_410 = tpu.memref_slice %arg5[%add3A_184, %dma_start3A] : memref<83200x64xf32, #tpu.memory_space<hbm>> -> memref<128x64xf32, #tpu.memory_space<hbm>>
      %dma_start3A_411 = arith.constant 0 : i32
      %dma_start3A_412 = tpu.memref_slice %arg9[%add3A_179, %dma_start3A_411] : memref<10400x64xf32, #tpu.memory_space<vmem_shared>> -> memref<128x64xf32, #tpu.memory_space<vmem_shared>>
      tpu.enqueue_dma source(%dma_start3A_412 : memref<128x64xf32, #tpu.memory_space<vmem_shared>>) target(%dma_start3A_410 : memref<128x64xf32, #tpu.memory_space<hbm>>) target_semaphore(%run_scoped3A : memref<!tpu.dma_semaphore, #tpu.memory_space<semaphore_mem>>)
      %dma_wait3A = arith.constant 0 : i32
      %dma_wait3A_413 = tpu.memref_slice %arg5[%add3A_184, %dma_wait3A] : memref<83200x64xf32, #tpu.memory_space<hbm>> -> memref<128x64xf32, #tpu.memory_space<hbm>>
      %dma_wait3A_414 = arith.constant 0 : i32
      %dma_wait3A_415 = tpu.memref_slice %arg9[%add3A_179, %dma_wait3A_414] : memref<10400x64xf32, #tpu.memory_space<vmem_shared>> -> memref<128x64xf32, #tpu.memory_space<vmem_shared>>
      tpu.wait_dma2 semaphore(%run_scoped3A : memref<!tpu.dma_semaphore, #tpu.memory_space<semaphore_mem>>) src(%dma_wait3A_415 : memref<128x64xf32, #tpu.memory_space<vmem_shared>>) dst(%dma_wait3A_413 : memref<128x64xf32, #tpu.memory_space<hbm>>)
      tpu.yield
    }) : () -> ()
    %add3A_185 = arith.constant 512 : i32
    %add3A_186 = arith.addi %mul3A_156, %add3A_185 : i32
    %add3A_187 = arith.constant 512 : i32
    %add3A_188 = arith.addi %mul3A_156, %add3A_187 : i32
    %mul3A_189 = arith.constant 10400 : i32
    %mul3A_190 = arith.muli %add3A_109, %mul3A_189 : i32
    %add3A_191 = arith.addi %mul3A_190, %add3A_188 : i32
    "tpu.region"() ({
      %run_scoped3A = tpu.sem_alloc : memref<!tpu.dma_semaphore, #tpu.memory_space<semaphore_mem>>
      %dma_start3A = arith.constant 0 : i32
      %dma_start3A_410 = tpu.memref_slice %arg5[%add3A_191, %dma_start3A] : memref<83200x64xf32, #tpu.memory_space<hbm>> -> memref<128x64xf32, #tpu.memory_space<hbm>>
      %dma_start3A_411 = arith.constant 0 : i32
      %dma_start3A_412 = tpu.memref_slice %arg9[%add3A_186, %dma_start3A_411] : memref<10400x64xf32, #tpu.memory_space<vmem_shared>> -> memref<128x64xf32, #tpu.memory_space<vmem_shared>>
      tpu.enqueue_dma source(%dma_start3A_412 : memref<128x64xf32, #tpu.memory_space<vmem_shared>>) target(%dma_start3A_410 : memref<128x64xf32, #tpu.memory_space<hbm>>) target_semaphore(%run_scoped3A : memref<!tpu.dma_semaphore, #tpu.memory_space<semaphore_mem>>)
      %dma_wait3A = arith.constant 0 : i32
      %dma_wait3A_413 = tpu.memref_slice %arg5[%add3A_191, %dma_wait3A] : memref<83200x64xf32, #tpu.memory_space<hbm>> -> memref<128x64xf32, #tpu.memory_space<hbm>>
      %dma_wait3A_414 = arith.constant 0 : i32
      %dma_wait3A_415 = tpu.memref_slice %arg9[%add3A_186, %dma_wait3A_414] : memref<10400x64xf32, #tpu.memory_space<vmem_shared>> -> memref<128x64xf32, #tpu.memory_space<vmem_shared>>
      tpu.wait_dma2 semaphore(%run_scoped3A : memref<!tpu.dma_semaphore, #tpu.memory_space<semaphore_mem>>) src(%dma_wait3A_415 : memref<128x64xf32, #tpu.memory_space<vmem_shared>>) dst(%dma_wait3A_413 : memref<128x64xf32, #tpu.memory_space<hbm>>)
      tpu.yield
    }) : () -> ()
    %add3A_192 = arith.constant 640 : i32
    %add3A_193 = arith.addi %mul3A_156, %add3A_192 : i32
    %add3A_194 = arith.constant 640 : i32
    %add3A_195 = arith.addi %mul3A_156, %add3A_194 : i32
    %mul3A_196 = arith.constant 10400 : i32
    %mul3A_197 = arith.muli %add3A_109, %mul3A_196 : i32
    %add3A_198 = arith.addi %mul3A_197, %add3A_195 : i32
    "tpu.region"() ({
      %run_scoped3A = tpu.sem_alloc : memref<!tpu.dma_semaphore, #tpu.memory_space<semaphore_mem>>
      %dma_start3A = arith.constant 0 : i32
      %dma_start3A_410 = tpu.memref_slice %arg5[%add3A_198, %dma_start3A] : memref<83200x64xf32, #tpu.memory_space<hbm>> -> memref<8x64xf32, #tpu.memory_space<hbm>>
      %dma_start3A_411 = arith.constant 0 : i32
      %dma_start3A_412 = tpu.memref_slice %arg9[%add3A_193, %dma_start3A_411] : memref<10400x64xf32, #tpu.memory_space<vmem_shared>> -> memref<8x64xf32, #tpu.memory_space<vmem_shared>>
      tpu.enqueue_dma source(%dma_start3A_412 : memref<8x64xf32, #tpu.memory_space<vmem_shared>>) target(%dma_start3A_410 : memref<8x64xf32, #tpu.memory_space<hbm>>) target_semaphore(%run_scoped3A : memref<!tpu.dma_semaphore, #tpu.memory_space<semaphore_mem>>)
      %dma_wait3A = arith.constant 0 : i32
      %dma_wait3A_413 = tpu.memref_slice %arg5[%add3A_198, %dma_wait3A] : memref<83200x64xf32, #tpu.memory_space<hbm>> -> memref<8x64xf32, #tpu.memory_space<hbm>>
      %dma_wait3A_414 = arith.constant 0 : i32
      %dma_wait3A_415 = tpu.memref_slice %arg9[%add3A_193, %dma_wait3A_414] : memref<10400x64xf32, #tpu.memory_space<vmem_shared>> -> memref<8x64xf32, #tpu.memory_space<vmem_shared>>
      tpu.wait_dma2 semaphore(%run_scoped3A : memref<!tpu.dma_semaphore, #tpu.memory_space<semaphore_mem>>) src(%dma_wait3A_415 : memref<8x64xf32, #tpu.memory_space<vmem_shared>>) dst(%dma_wait3A_413 : memref<8x64xf32, #tpu.memory_space<hbm>>)
      tpu.yield
    }) : () -> ()
    %eq3A_199 = arith.constant 15 : i32
    %eq3A_200 = arith.cmpi eq, %arg1, %eq3A_199 : i32
    %convert_element_type3A_201 = arith.extui %eq3A_200 : i1 to i32
    %cond3A_202 = arith.constant 0 : i32
    %cond3A_203 = arith.cmpi ne, %convert_element_type3A_201, %cond3A_202 : i32
    scf.if %cond3A_203 {
      %mul3A_410 = arith.constant 10400 : i32
      %mul3A_411 = arith.muli %add3A_109, %mul3A_410 : i32
      %add3A_412 = arith.constant 10368 : i32
      %add3A_413 = arith.addi %mul3A_411, %add3A_412 : i32
      "tpu.region"() ({
        %run_scoped3A = tpu.sem_alloc : memref<!tpu.dma_semaphore, #tpu.memory_space<semaphore_mem>>
        %dma_start3A = arith.constant 0 : i32
        %dma_start3A_414 = tpu.memref_slice %arg5[%add3A_413, %dma_start3A] : memref<83200x64xf32, #tpu.memory_space<hbm>> -> memref<32x64xf32, #tpu.memory_space<hbm>>
        %dma_start3A_415 = arith.constant 10368 : i32
        %dma_start3A_416 = arith.constant 0 : i32
        %dma_start3A_417 = tpu.memref_slice %arg9[%dma_start3A_415, %dma_start3A_416] : memref<10400x64xf32, #tpu.memory_space<vmem_shared>> -> memref<32x64xf32, #tpu.memory_space<vmem_shared>>
        tpu.enqueue_dma source(%dma_start3A_417 : memref<32x64xf32, #tpu.memory_space<vmem_shared>>) target(%dma_start3A_414 : memref<32x64xf32, #tpu.memory_space<hbm>>) target_semaphore(%run_scoped3A : memref<!tpu.dma_semaphore, #tpu.memory_space<semaphore_mem>>)
        %dma_wait3A = arith.constant 0 : i32
        %dma_wait3A_418 = tpu.memref_slice %arg5[%add3A_413, %dma_wait3A] : memref<83200x64xf32, #tpu.memory_space<hbm>> -> memref<32x64xf32, #tpu.memory_space<hbm>>
        %dma_wait3A_419 = arith.constant 10368 : i32
        %dma_wait3A_420 = arith.constant 0 : i32
        %dma_wait3A_421 = tpu.memref_slice %arg9[%dma_wait3A_419, %dma_wait3A_420] : memref<10400x64xf32, #tpu.memory_space<vmem_shared>> -> memref<32x64xf32, #tpu.memory_space<vmem_shared>>
        tpu.wait_dma2 semaphore(%run_scoped3A : memref<!tpu.dma_semaphore, #tpu.memory_space<semaphore_mem>>) src(%dma_wait3A_421 : memref<32x64xf32, #tpu.memory_space<vmem_shared>>) dst(%dma_wait3A_418 : memref<32x64xf32, #tpu.memory_space<hbm>>)
        tpu.yield
      }) : () -> ()
    } else {
    }
    %scan3A_204 = arith.constant 0 : i32
    %scan3A_205 = arith.constant 80 : i32
    %scan3A_206 = arith.addi %scan3A_204, %scan3A_205 : i32
    %scan3A_207 = arith.constant 1 : i32
    scf.for %scan3A_410 = %scan3A_204 to %scan3A_206 step %scan3A_207  : i32 {
      %mul3A_411 = arith.constant 1 : i32
      %mul3A_412 = arith.muli %scan3A_410, %mul3A_411 : i32
      %add3A_413 = arith.constant 0 : i32
      %add3A_414 = arith.addi %add3A_413, %mul3A_412 : i32
      %get3A = arith.index_cast %add3A_414 : i32 to index
      %get3A_415 = arith.constant 0 : index
      %get3A_416 = tpu.vector_load %arg6[%get3A, %get3A_415] {strides = array<i32>} : memref<80x128xi32, #tpu.memory_space<vmem>>, vector<1x16xi32>,
      %get3A_417 = vector.shape_cast %get3A_416 : vector<1x16xi32> to vector<16xi32>
      %add3A_418 = arith.constant 10400 : i32
      %add3A_419 = vector.broadcast %add3A_418 : i32 to vector<16xi32>
      %add3A_420 = arith.addi %get3A_417, %add3A_419 : vector<16xi32>
      %swap3A = arith.index_cast %add3A_414 : i32 to index
      %swap3A_421 = arith.constant 0 : index
      %swap3A_422 = tpu.vector_load %arg6[%swap3A, %swap3A_421] {strides = array<i32>} : memref<80x128xi32, #tpu.memory_space<vmem>>, vector<1x16xi32>,
      %swap3A_423 = vector.shape_cast %swap3A_422 : vector<1x16xi32> to vector<16xi32>
      %swap3A_424 = vector.shape_cast %add3A_420 : vector<16xi32> to vector<1x16xi32>
      tpu.vector_store %arg6[%swap3A, %swap3A_421], %swap3A_424 {strides = array<i32>} : memref<80x128xi32, #tpu.memory_space<vmem>>, vector<1x16xi32>,
      %get3A_425 = arith.index_cast %add3A_414 : i32 to index
      %get3A_426 = arith.constant 16 : index
      %get3A_427 = tpu.vector_load %arg6[%get3A_425, %get3A_426] {strides = array<i32>} : memref<80x128xi32, #tpu.memory_space<vmem>>, vector<1x16xi32>,
      %get3A_428 = vector.shape_cast %get3A_427 : vector<1x16xi32> to vector<16xi32>
      %add3A_429 = arith.constant 10400 : i32
      %add3A_430 = vector.broadcast %add3A_429 : i32 to vector<16xi32>
      %add3A_431 = arith.addi %get3A_428, %add3A_430 : vector<16xi32>
      %swap3A_432 = arith.index_cast %add3A_414 : i32 to index
      %swap3A_433 = arith.constant 16 : index
      %swap3A_434 = tpu.vector_load %arg6[%swap3A_432, %swap3A_433] {strides = array<i32>} : memref<80x128xi32, #tpu.memory_space<vmem>>, vector<1x16xi32>,
      %swap3A_435 = vector.shape_cast %swap3A_434 : vector<1x16xi32> to vector<16xi32>
      %swap3A_436 = vector.shape_cast %add3A_431 : vector<16xi32> to vector<1x16xi32>
      tpu.vector_store %arg6[%swap3A_432, %swap3A_433], %swap3A_436 {strides = array<i32>} : memref<80x128xi32, #tpu.memory_space<vmem>>, vector<1x16xi32>,
      %get3A_437 = arith.index_cast %add3A_414 : i32 to index
      %get3A_438 = arith.constant 32 : index
      %get3A_439 = tpu.vector_load %arg6[%get3A_437, %get3A_438] {strides = array<i32>} : memref<80x128xi32, #tpu.memory_space<vmem>>, vector<1x16xi32>,
      %get3A_440 = vector.shape_cast %get3A_439 : vector<1x16xi32> to vector<16xi32>
      %add3A_441 = arith.constant 10400 : i32
      %add3A_442 = vector.broadcast %add3A_441 : i32 to vector<16xi32>
      %add3A_443 = arith.addi %get3A_440, %add3A_442 : vector<16xi32>
      %swap3A_444 = arith.index_cast %add3A_414 : i32 to index
      %swap3A_445 = arith.constant 32 : index
      %swap3A_446 = tpu.vector_load %arg6[%swap3A_444, %swap3A_445] {strides = array<i32>} : memref<80x128xi32, #tpu.memory_space<vmem>>, vector<1x16xi32>,
      %swap3A_447 = vector.shape_cast %swap3A_446 : vector<1x16xi32> to vector<16xi32>
      %swap3A_448 = vector.shape_cast %add3A_443 : vector<16xi32> to vector<1x16xi32>
      tpu.vector_store %arg6[%swap3A_444, %swap3A_445], %swap3A_448 {strides = array<i32>} : memref<80x128xi32, #tpu.memory_space<vmem>>, vector<1x16xi32>,
      %get3A_449 = arith.index_cast %add3A_414 : i32 to index
      %get3A_450 = arith.constant 48 : index
      %get3A_451 = tpu.vector_load %arg6[%get3A_449, %get3A_450] {strides = array<i32>} : memref<80x128xi32, #tpu.memory_space<vmem>>, vector<1x16xi32>,
      %get3A_452 = vector.shape_cast %get3A_451 : vector<1x16xi32> to vector<16xi32>
      %add3A_453 = arith.constant 10400 : i32
      %add3A_454 = vector.broadcast %add3A_453 : i32 to vector<16xi32>
      %add3A_455 = arith.addi %get3A_452, %add3A_454 : vector<16xi32>
      %swap3A_456 = arith.index_cast %add3A_414 : i32 to index
      %swap3A_457 = arith.constant 48 : index
      %swap3A_458 = tpu.vector_load %arg6[%swap3A_456, %swap3A_457] {strides = array<i32>} : memref<80x128xi32, #tpu.memory_space<vmem>>, vector<1x16xi32>,
      %swap3A_459 = vector.shape_cast %swap3A_458 : vector<1x16xi32> to vector<16xi32>
      %swap3A_460 = vector.shape_cast %add3A_455 : vector<16xi32> to vector<1x16xi32>
      tpu.vector_store %arg6[%swap3A_456, %swap3A_457], %swap3A_460 {strides = array<i32>} : memref<80x128xi32, #tpu.memory_space<vmem>>, vector<1x16xi32>,
      %get3A_461 = arith.index_cast %add3A_414 : i32 to index
      %get3A_462 = arith.constant 64 : index
      %get3A_463 = tpu.vector_load %arg6[%get3A_461, %get3A_462] {strides = array<i32>} : memref<80x128xi32, #tpu.memory_space<vmem>>, vector<1x16xi32>,
      %get3A_464 = vector.shape_cast %get3A_463 : vector<1x16xi32> to vector<16xi32>
      %add3A_465 = arith.constant 10400 : i32
      %add3A_466 = vector.broadcast %add3A_465 : i32 to vector<16xi32>
      %add3A_467 = arith.addi %get3A_464, %add3A_466 : vector<16xi32>
      %swap3A_468 = arith.index_cast %add3A_414 : i32 to index
      %swap3A_469 = arith.constant 64 : index
      %swap3A_470 = tpu.vector_load %arg6[%swap3A_468, %swap3A_469] {strides = array<i32>} : memref<80x128xi32, #tpu.memory_space<vmem>>, vector<1x16xi32>,
      %swap3A_471 = vector.shape_cast %swap3A_470 : vector<1x16xi32> to vector<16xi32>
      %swap3A_472 = vector.shape_cast %add3A_467 : vector<16xi32> to vector<1x16xi32>
      tpu.vector_store %arg6[%swap3A_468, %swap3A_469], %swap3A_472 {strides = array<i32>} : memref<80x128xi32, #tpu.memory_space<vmem>>, vector<1x16xi32>,
      %get3A_473 = arith.index_cast %add3A_414 : i32 to index
      %get3A_474 = arith.constant 80 : index
      %get3A_475 = tpu.vector_load %arg6[%get3A_473, %get3A_474] {strides = array<i32>} : memref<80x128xi32, #tpu.memory_space<vmem>>, vector<1x16xi32>,
      %get3A_476 = vector.shape_cast %get3A_475 : vector<1x16xi32> to vector<16xi32>
      %add3A_477 = arith.constant 10400 : i32
      %add3A_478 = vector.broadcast %add3A_477 : i32 to vector<16xi32>
      %add3A_479 = arith.addi %get3A_476, %add3A_478 : vector<16xi32>
      %swap3A_480 = arith.index_cast %add3A_414 : i32 to index
      %swap3A_481 = arith.constant 80 : index
      %swap3A_482 = tpu.vector_load %arg6[%swap3A_480, %swap3A_481] {strides = array<i32>} : memref<80x128xi32, #tpu.memory_space<vmem>>, vector<1x16xi32>,
      %swap3A_483 = vector.shape_cast %swap3A_482 : vector<1x16xi32> to vector<16xi32>
      %swap3A_484 = vector.shape_cast %add3A_479 : vector<16xi32> to vector<1x16xi32>
      tpu.vector_store %arg6[%swap3A_480, %swap3A_481], %swap3A_484 {strides = array<i32>} : memref<80x128xi32, #tpu.memory_space<vmem>>, vector<1x16xi32>,
      %get3A_485 = arith.index_cast %add3A_414 : i32 to index
      %get3A_486 = arith.constant 96 : index
      %get3A_487 = tpu.vector_load %arg6[%get3A_485, %get3A_486] {strides = array<i32>} : memref<80x128xi32, #tpu.memory_space<vmem>>, vector<1x16xi32>,
      %get3A_488 = vector.shape_cast %get3A_487 : vector<1x16xi32> to vector<16xi32>
      %add3A_489 = arith.constant 10400 : i32
      %add3A_490 = vector.broadcast %add3A_489 : i32 to vector<16xi32>
      %add3A_491 = arith.addi %get3A_488, %add3A_490 : vector<16xi32>
      %swap3A_492 = arith.index_cast %add3A_414 : i32 to index
      %swap3A_493 = arith.constant 96 : index
      %swap3A_494 = tpu.vector_load %arg6[%swap3A_492, %swap3A_493] {strides = array<i32>} : memref<80x128xi32, #tpu.memory_space<vmem>>, vector<1x16xi32>,
      %swap3A_495 = vector.shape_cast %swap3A_494 : vector<1x16xi32> to vector<16xi32>
      %swap3A_496 = vector.shape_cast %add3A_491 : vector<16xi32> to vector<1x16xi32>
      tpu.vector_store %arg6[%swap3A_492, %swap3A_493], %swap3A_496 {strides = array<i32>} : memref<80x128xi32, #tpu.memory_space<vmem>>, vector<1x16xi32>,
      %get3A_497 = arith.index_cast %add3A_414 : i32 to index
      %get3A_498 = arith.constant 112 : index
      %get3A_499 = tpu.vector_load %arg6[%get3A_497, %get3A_498] {strides = array<i32>} : memref<80x128xi32, #tpu.memory_space<vmem>>, vector<1x16xi32>,
      %get3A_500 = vector.shape_cast %get3A_499 : vector<1x16xi32> to vector<16xi32>
      %add3A_501 = arith.constant 10400 : i32
      %add3A_502 = vector.broadcast %add3A_501 : i32 to vector<16xi32>
      %add3A_503 = arith.addi %get3A_500, %add3A_502 : vector<16xi32>
      %swap3A_504 = arith.index_cast %add3A_414 : i32 to index
      %swap3A_505 = arith.constant 112 : index
      %swap3A_506 = tpu.vector_load %arg6[%swap3A_504, %swap3A_505] {strides = array<i32>} : memref<80x128xi32, #tpu.memory_space<vmem>>, vector<1x16xi32>,
      %swap3A_507 = vector.shape_cast %swap3A_506 : vector<1x16xi32> to vector<16xi32>
      %swap3A_508 = vector.shape_cast %add3A_503 : vector<16xi32> to vector<1x16xi32>
      tpu.vector_store %arg6[%swap3A_504, %swap3A_505], %swap3A_508 {strides = array<i32>} : memref<80x128xi32, #tpu.memory_space<vmem>>, vector<1x16xi32>,
    }
    %scan3A_208 = arith.constant 80 : i32
    %mul3A_209 = arith.constant 4 : i32
    %mul3A_210 = arith.muli %mul3A_209, %arg0 : i32
    %add3A_211 = arith.constant 2 : i32
    %add3A_212 = arith.addi %mul3A_210, %add3A_211 : i32
    %broadcast_in_dim3A_213 = arith.constant 0.000000e+00 : f32
    %broadcast_in_dim3A_214 = vector.broadcast %broadcast_in_dim3A_213 : f32 to vector<16xf32>
    %scan3A_215 = arith.constant 0 : i32
    %scan3A_216 = arith.constant 128 : i32
    %scan3A_217 = arith.addi %scan3A_215, %scan3A_216 : i32
    %scan3A_218 = arith.constant 1 : i32
    scf.for %scan3A_410 = %scan3A_215 to %scan3A_217 step %scan3A_218  : i32 {
      %mul3A_411 = arith.constant 1 : i32
      %mul3A_412 = arith.muli %scan3A_410, %mul3A_411 : i32
      %add3A_413 = arith.constant 0 : i32
      %add3A_414 = arith.addi %add3A_413, %mul3A_412 : i32
      %swap3A = arith.index_cast %add3A_414 : i32 to index
      %swap3A_415 = arith.constant 0 : index
      %swap3A_416 = tpu.vector_load %arg8[%swap3A, %swap3A_415] {strides = array<i32>} : memref<128x64xf32, #tpu.memory_space<vmem>>, vector<1x16xf32>,
      %swap3A_417 = vector.shape_cast %swap3A_416 : vector<1x16xf32> to vector<16xf32>
      %swap3A_418 = vector.shape_cast %broadcast_in_dim3A_214 : vector<16xf32> to vector<1x16xf32>
      tpu.vector_store %arg8[%swap3A, %swap3A_415], %swap3A_418 {strides = array<i32>} : memref<128x64xf32, #tpu.memory_space<vmem>>, vector<1x16xf32>,
      %swap3A_419 = arith.index_cast %add3A_414 : i32 to index
      %swap3A_420 = arith.constant 16 : index
      %swap3A_421 = tpu.vector_load %arg8[%swap3A_419, %swap3A_420] {strides = array<i32>} : memref<128x64xf32, #tpu.memory_space<vmem>>, vector<1x16xf32>,
      %swap3A_422 = vector.shape_cast %swap3A_421 : vector<1x16xf32> to vector<16xf32>
      %swap3A_423 = vector.shape_cast %broadcast_in_dim3A_214 : vector<16xf32> to vector<1x16xf32>
      tpu.vector_store %arg8[%swap3A_419, %swap3A_420], %swap3A_423 {strides = array<i32>} : memref<128x64xf32, #tpu.memory_space<vmem>>, vector<1x16xf32>,
      %swap3A_424 = arith.index_cast %add3A_414 : i32 to index
      %swap3A_425 = arith.constant 32 : index
      %swap3A_426 = tpu.vector_load %arg8[%swap3A_424, %swap3A_425] {strides = array<i32>} : memref<128x64xf32, #tpu.memory_space<vmem>>, vector<1x16xf32>,
      %swap3A_427 = vector.shape_cast %swap3A_426 : vector<1x16xf32> to vector<16xf32>
      %swap3A_428 = vector.shape_cast %broadcast_in_dim3A_214 : vector<16xf32> to vector<1x16xf32>
      tpu.vector_store %arg8[%swap3A_424, %swap3A_425], %swap3A_428 {strides = array<i32>} : memref<128x64xf32, #tpu.memory_space<vmem>>, vector<1x16xf32>,
      %swap3A_429 = arith.index_cast %add3A_414 : i32 to index
      %swap3A_430 = arith.constant 48 : index
      %swap3A_431 = tpu.vector_load %arg8[%swap3A_429, %swap3A_430] {strides = array<i32>} : memref<128x64xf32, #tpu.memory_space<vmem>>, vector<1x16xf32>,
      %swap3A_432 = vector.shape_cast %swap3A_431 : vector<1x16xf32> to vector<16xf32>
      %swap3A_433 = vector.shape_cast %broadcast_in_dim3A_214 : vector<16xf32> to vector<1x16xf32>
      tpu.vector_store %arg8[%swap3A_429, %swap3A_430], %swap3A_433 {strides = array<i32>} : memref<128x64xf32, #tpu.memory_space<vmem>>, vector<1x16xf32>,
    }
    %scan3A_219 = arith.constant 128 : i32
    %mul3A_220 = arith.constant 648 : i32
    %mul3A_221 = arith.muli %arg1, %mul3A_220 : i32
    %add3A_222 = arith.constant 0 : i32
    %add3A_223 = arith.addi %mul3A_221, %add3A_222 : i32
    %add3A_224 = arith.constant 0 : i32
    %add3A_225 = arith.addi %mul3A_221, %add3A_224 : i32
    "tpu.region"() ({
      %run_scoped3A = tpu.sem_alloc : memref<!tpu.dma_semaphore, #tpu.memory_space<semaphore_mem>>
      %dma_start3A = arith.constant 0 : i32
      %dma_start3A_410 = arith.constant 0 : i32
      %dma_start3A_411 = tpu.memref_slice %arg8[%dma_start3A, %dma_start3A_410] : memref<128x64xf32, #tpu.memory_space<vmem>> -> memref<128x64xf32, #tpu.memory_space<vmem>>
      %dma_start3A_412 = arith.constant 0 : i32
      %dma_start3A_413 = tpu.memref_slice %arg9[%add3A_225, %dma_start3A_412] : memref<10400x64xf32, #tpu.memory_space<vmem_shared>> -> memref<128x64xf32, #tpu.memory_space<vmem_shared>>
      %dma_start3A_414 = arith.constant 0 : i32
      %dma_start3A_415 = tpu.memref_slice %arg9[%add3A_225, %dma_start3A_414] : memref<10400x64xf32, #tpu.memory_space<vmem_shared>> -> memref<128x64xf32, #tpu.memory_space<vmem_shared>>
      %dma_start3A_416 = arith.constant 0 : i32
      %dma_start3A_417 = arith.constant 0 : i32
      %dma_start3A_418 = tpu.memref_slice %arg8[%dma_start3A_416, %dma_start3A_417] : memref<128x64xf32, #tpu.memory_space<vmem>> -> memref<128x64xf32, #tpu.memory_space<vmem>>
      tpu.enqueue_dma source(%dma_start3A_418 : memref<128x64xf32, #tpu.memory_space<vmem>>) target(%dma_start3A_415 : memref<128x64xf32, #tpu.memory_space<vmem_shared>>) target_semaphore(%run_scoped3A : memref<!tpu.dma_semaphore, #tpu.memory_space<semaphore_mem>>)
      %dma_wait3A = arith.constant 0 : i32
      %dma_wait3A_419 = arith.constant 0 : i32
      %dma_wait3A_420 = tpu.memref_slice %arg8[%dma_wait3A, %dma_wait3A_419] : memref<128x64xf32, #tpu.memory_space<vmem>> -> memref<128x64xf32, #tpu.memory_space<vmem>>
      %dma_wait3A_421 = arith.constant 0 : i32
      %dma_wait3A_422 = tpu.memref_slice %arg9[%add3A_225, %dma_wait3A_421] : memref<10400x64xf32, #tpu.memory_space<vmem_shared>> -> memref<128x64xf32, #tpu.memory_space<vmem_shared>>
      %dma_wait3A_423 = arith.constant 0 : i32
      %dma_wait3A_424 = tpu.memref_slice %arg9[%add3A_225, %dma_wait3A_423] : memref<10400x64xf32, #tpu.memory_space<vmem_shared>> -> memref<128x64xf32, #tpu.memory_space<vmem_shared>>
      %dma_wait3A_425 = arith.constant 0 : i32
      %dma_wait3A_426 = arith.constant 0 : i32
      %dma_wait3A_427 = tpu.memref_slice %arg8[%dma_wait3A_425, %dma_wait3A_426] : memref<128x64xf32, #tpu.memory_space<vmem>> -> memref<128x64xf32, #tpu.memory_space<vmem>>
      tpu.wait_dma2 semaphore(%run_scoped3A : memref<!tpu.dma_semaphore, #tpu.memory_space<semaphore_mem>>) src(%dma_wait3A_427 : memref<128x64xf32, #tpu.memory_space<vmem>>) dst(%dma_wait3A_424 : memref<128x64xf32, #tpu.memory_space<vmem_shared>>)
      tpu.yield
    }) : () -> ()
    %add3A_226 = arith.constant 128 : i32
    %add3A_227 = arith.addi %mul3A_221, %add3A_226 : i32
    %add3A_228 = arith.constant 128 : i32
    %add3A_229 = arith.addi %mul3A_221, %add3A_228 : i32
    "tpu.region"() ({
      %run_scoped3A = tpu.sem_alloc : memref<!tpu.dma_semaphore, #tpu.memory_space<semaphore_mem>>
      %dma_start3A = arith.constant 0 : i32
      %dma_start3A_410 = arith.constant 0 : i32
      %dma_start3A_411 = tpu.memref_slice %arg8[%dma_start3A, %dma_start3A_410] : memref<128x64xf32, #tpu.memory_space<vmem>> -> memref<128x64xf32, #tpu.memory_space<vmem>>
      %dma_start3A_412 = arith.constant 0 : i32
      %dma_start3A_413 = tpu.memref_slice %arg9[%add3A_229, %dma_start3A_412] : memref<10400x64xf32, #tpu.memory_space<vmem_shared>> -> memref<128x64xf32, #tpu.memory_space<vmem_shared>>
      %dma_start3A_414 = arith.constant 0 : i32
      %dma_start3A_415 = tpu.memref_slice %arg9[%add3A_229, %dma_start3A_414] : memref<10400x64xf32, #tpu.memory_space<vmem_shared>> -> memref<128x64xf32, #tpu.memory_space<vmem_shared>>
      %dma_start3A_416 = arith.constant 0 : i32
      %dma_start3A_417 = arith.constant 0 : i32
      %dma_start3A_418 = tpu.memref_slice %arg8[%dma_start3A_416, %dma_start3A_417] : memref<128x64xf32, #tpu.memory_space<vmem>> -> memref<128x64xf32, #tpu.memory_space<vmem>>
      tpu.enqueue_dma source(%dma_start3A_418 : memref<128x64xf32, #tpu.memory_space<vmem>>) target(%dma_start3A_415 : memref<128x64xf32, #tpu.memory_space<vmem_shared>>) target_semaphore(%run_scoped3A : memref<!tpu.dma_semaphore, #tpu.memory_space<semaphore_mem>>)
      %dma_wait3A = arith.constant 0 : i32
      %dma_wait3A_419 = arith.constant 0 : i32
      %dma_wait3A_420 = tpu.memref_slice %arg8[%dma_wait3A, %dma_wait3A_419] : memref<128x64xf32, #tpu.memory_space<vmem>> -> memref<128x64xf32, #tpu.memory_space<vmem>>
      %dma_wait3A_421 = arith.constant 0 : i32
      %dma_wait3A_422 = tpu.memref_slice %arg9[%add3A_229, %dma_wait3A_421] : memref<10400x64xf32, #tpu.memory_space<vmem_shared>> -> memref<128x64xf32, #tpu.memory_space<vmem_shared>>
      %dma_wait3A_423 = arith.constant 0 : i32
      %dma_wait3A_424 = tpu.memref_slice %arg9[%add3A_229, %dma_wait3A_423] : memref<10400x64xf32, #tpu.memory_space<vmem_shared>> -> memref<128x64xf32, #tpu.memory_space<vmem_shared>>
      %dma_wait3A_425 = arith.constant 0 : i32
      %dma_wait3A_426 = arith.constant 0 : i32
      %dma_wait3A_427 = tpu.memref_slice %arg8[%dma_wait3A_425, %dma_wait3A_426] : memref<128x64xf32, #tpu.memory_space<vmem>> -> memref<128x64xf32, #tpu.memory_space<vmem>>
      tpu.wait_dma2 semaphore(%run_scoped3A : memref<!tpu.dma_semaphore, #tpu.memory_space<semaphore_mem>>) src(%dma_wait3A_427 : memref<128x64xf32, #tpu.memory_space<vmem>>) dst(%dma_wait3A_424 : memref<128x64xf32, #tpu.memory_space<vmem_shared>>)
      tpu.yield
    }) : () -> ()
    %add3A_230 = arith.constant 256 : i32
    %add3A_231 = arith.addi %mul3A_221, %add3A_230 : i32
    %add3A_232 = arith.constant 256 : i32
    %add3A_233 = arith.addi %mul3A_221, %add3A_232 : i32
    "tpu.region"() ({
      %run_scoped3A = tpu.sem_alloc : memref<!tpu.dma_semaphore, #tpu.memory_space<semaphore_mem>>
      %dma_start3A = arith.constant 0 : i32
      %dma_start3A_410 = arith.constant 0 : i32
      %dma_start3A_411 = tpu.memref_slice %arg8[%dma_start3A, %dma_start3A_410] : memref<128x64xf32, #tpu.memory_space<vmem>> -> memref<128x64xf32, #tpu.memory_space<vmem>>
      %dma_start3A_412 = arith.constant 0 : i32
      %dma_start3A_413 = tpu.memref_slice %arg9[%add3A_233, %dma_start3A_412] : memref<10400x64xf32, #tpu.memory_space<vmem_shared>> -> memref<128x64xf32, #tpu.memory_space<vmem_shared>>
      %dma_start3A_414 = arith.constant 0 : i32
      %dma_start3A_415 = tpu.memref_slice %arg9[%add3A_233, %dma_start3A_414] : memref<10400x64xf32, #tpu.memory_space<vmem_shared>> -> memref<128x64xf32, #tpu.memory_space<vmem_shared>>
      %dma_start3A_416 = arith.constant 0 : i32
      %dma_start3A_417 = arith.constant 0 : i32
      %dma_start3A_418 = tpu.memref_slice %arg8[%dma_start3A_416, %dma_start3A_417] : memref<128x64xf32, #tpu.memory_space<vmem>> -> memref<128x64xf32, #tpu.memory_space<vmem>>
      tpu.enqueue_dma source(%dma_start3A_418 : memref<128x64xf32, #tpu.memory_space<vmem>>) target(%dma_start3A_415 : memref<128x64xf32, #tpu.memory_space<vmem_shared>>) target_semaphore(%run_scoped3A : memref<!tpu.dma_semaphore, #tpu.memory_space<semaphore_mem>>)
      %dma_wait3A = arith.constant 0 : i32
      %dma_wait3A_419 = arith.constant 0 : i32
      %dma_wait3A_420 = tpu.memref_slice %arg8[%dma_wait3A, %dma_wait3A_419] : memref<128x64xf32, #tpu.memory_space<vmem>> -> memref<128x64xf32, #tpu.memory_space<vmem>>
      %dma_wait3A_421 = arith.constant 0 : i32
      %dma_wait3A_422 = tpu.memref_slice %arg9[%add3A_233, %dma_wait3A_421] : memref<10400x64xf32, #tpu.memory_space<vmem_shared>> -> memref<128x64xf32, #tpu.memory_space<vmem_shared>>
      %dma_wait3A_423 = arith.constant 0 : i32
      %dma_wait3A_424 = tpu.memref_slice %arg9[%add3A_233, %dma_wait3A_423] : memref<10400x64xf32, #tpu.memory_space<vmem_shared>> -> memref<128x64xf32, #tpu.memory_space<vmem_shared>>
      %dma_wait3A_425 = arith.constant 0 : i32
      %dma_wait3A_426 = arith.constant 0 : i32
      %dma_wait3A_427 = tpu.memref_slice %arg8[%dma_wait3A_425, %dma_wait3A_426] : memref<128x64xf32, #tpu.memory_space<vmem>> -> memref<128x64xf32, #tpu.memory_space<vmem>>
      tpu.wait_dma2 semaphore(%run_scoped3A : memref<!tpu.dma_semaphore, #tpu.memory_space<semaphore_mem>>) src(%dma_wait3A_427 : memref<128x64xf32, #tpu.memory_space<vmem>>) dst(%dma_wait3A_424 : memref<128x64xf32, #tpu.memory_space<vmem_shared>>)
      tpu.yield
    }) : () -> ()
    %add3A_234 = arith.constant 384 : i32
    %add3A_235 = arith.addi %mul3A_221, %add3A_234 : i32
    %add3A_236 = arith.constant 384 : i32
    %add3A_237 = arith.addi %mul3A_221, %add3A_236 : i32
    "tpu.region"() ({
      %run_scoped3A = tpu.sem_alloc : memref<!tpu.dma_semaphore, #tpu.memory_space<semaphore_mem>>
      %dma_start3A = arith.constant 0 : i32
      %dma_start3A_410 = arith.constant 0 : i32
      %dma_start3A_411 = tpu.memref_slice %arg8[%dma_start3A, %dma_start3A_410] : memref<128x64xf32, #tpu.memory_space<vmem>> -> memref<128x64xf32, #tpu.memory_space<vmem>>
      %dma_start3A_412 = arith.constant 0 : i32
      %dma_start3A_413 = tpu.memref_slice %arg9[%add3A_237, %dma_start3A_412] : memref<10400x64xf32, #tpu.memory_space<vmem_shared>> -> memref<128x64xf32, #tpu.memory_space<vmem_shared>>
      %dma_start3A_414 = arith.constant 0 : i32
      %dma_start3A_415 = tpu.memref_slice %arg9[%add3A_237, %dma_start3A_414] : memref<10400x64xf32, #tpu.memory_space<vmem_shared>> -> memref<128x64xf32, #tpu.memory_space<vmem_shared>>
      %dma_start3A_416 = arith.constant 0 : i32
      %dma_start3A_417 = arith.constant 0 : i32
      %dma_start3A_418 = tpu.memref_slice %arg8[%dma_start3A_416, %dma_start3A_417] : memref<128x64xf32, #tpu.memory_space<vmem>> -> memref<128x64xf32, #tpu.memory_space<vmem>>
      tpu.enqueue_dma source(%dma_start3A_418 : memref<128x64xf32, #tpu.memory_space<vmem>>) target(%dma_start3A_415 : memref<128x64xf32, #tpu.memory_space<vmem_shared>>) target_semaphore(%run_scoped3A : memref<!tpu.dma_semaphore, #tpu.memory_space<semaphore_mem>>)
      %dma_wait3A = arith.constant 0 : i32
      %dma_wait3A_419 = arith.constant 0 : i32
      %dma_wait3A_420 = tpu.memref_slice %arg8[%dma_wait3A, %dma_wait3A_419] : memref<128x64xf32, #tpu.memory_space<vmem>> -> memref<128x64xf32, #tpu.memory_space<vmem>>
      %dma_wait3A_421 = arith.constant 0 : i32
      %dma_wait3A_422 = tpu.memref_slice %arg9[%add3A_237, %dma_wait3A_421] : memref<10400x64xf32, #tpu.memory_space<vmem_shared>> -> memref<128x64xf32, #tpu.memory_space<vmem_shared>>
      %dma_wait3A_423 = arith.constant 0 : i32
      %dma_wait3A_424 = tpu.memref_slice %arg9[%add3A_237, %dma_wait3A_423] : memref<10400x64xf32, #tpu.memory_space<vmem_shared>> -> memref<128x64xf32, #tpu.memory_space<vmem_shared>>
      %dma_wait3A_425 = arith.constant 0 : i32
      %dma_wait3A_426 = arith.constant 0 : i32
      %dma_wait3A_427 = tpu.memref_slice %arg8[%dma_wait3A_425, %dma_wait3A_426] : memref<128x64xf32, #tpu.memory_space<vmem>> -> memref<128x64xf32, #tpu.memory_space<vmem>>
      tpu.wait_dma2 semaphore(%run_scoped3A : memref<!tpu.dma_semaphore, #tpu.memory_space<semaphore_mem>>) src(%dma_wait3A_427 : memref<128x64xf32, #tpu.memory_space<vmem>>) dst(%dma_wait3A_424 : memref<128x64xf32, #tpu.memory_space<vmem_shared>>)
      tpu.yield
    }) : () -> ()
    %add3A_238 = arith.constant 512 : i32
    %add3A_239 = arith.addi %mul3A_221, %add3A_238 : i32
    %add3A_240 = arith.constant 512 : i32
    %add3A_241 = arith.addi %mul3A_221, %add3A_240 : i32
    "tpu.region"() ({
      %run_scoped3A = tpu.sem_alloc : memref<!tpu.dma_semaphore, #tpu.memory_space<semaphore_mem>>
      %dma_start3A = arith.constant 0 : i32
      %dma_start3A_410 = arith.constant 0 : i32
      %dma_start3A_411 = tpu.memref_slice %arg8[%dma_start3A, %dma_start3A_410] : memref<128x64xf32, #tpu.memory_space<vmem>> -> memref<128x64xf32, #tpu.memory_space<vmem>>
      %dma_start3A_412 = arith.constant 0 : i32
      %dma_start3A_413 = tpu.memref_slice %arg9[%add3A_241, %dma_start3A_412] : memref<10400x64xf32, #tpu.memory_space<vmem_shared>> -> memref<128x64xf32, #tpu.memory_space<vmem_shared>>
      %dma_start3A_414 = arith.constant 0 : i32
      %dma_start3A_415 = tpu.memref_slice %arg9[%add3A_241, %dma_start3A_414] : memref<10400x64xf32, #tpu.memory_space<vmem_shared>> -> memref<128x64xf32, #tpu.memory_space<vmem_shared>>
      %dma_start3A_416 = arith.constant 0 : i32
      %dma_start3A_417 = arith.constant 0 : i32
      %dma_start3A_418 = tpu.memref_slice %arg8[%dma_start3A_416, %dma_start3A_417] : memref<128x64xf32, #tpu.memory_space<vmem>> -> memref<128x64xf32, #tpu.memory_space<vmem>>
      tpu.enqueue_dma source(%dma_start3A_418 : memref<128x64xf32, #tpu.memory_space<vmem>>) target(%dma_start3A_415 : memref<128x64xf32, #tpu.memory_space<vmem_shared>>) target_semaphore(%run_scoped3A : memref<!tpu.dma_semaphore, #tpu.memory_space<semaphore_mem>>)
      %dma_wait3A = arith.constant 0 : i32
      %dma_wait3A_419 = arith.constant 0 : i32
      %dma_wait3A_420 = tpu.memref_slice %arg8[%dma_wait3A, %dma_wait3A_419] : memref<128x64xf32, #tpu.memory_space<vmem>> -> memref<128x64xf32, #tpu.memory_space<vmem>>
      %dma_wait3A_421 = arith.constant 0 : i32
      %dma_wait3A_422 = tpu.memref_slice %arg9[%add3A_241, %dma_wait3A_421] : memref<10400x64xf32, #tpu.memory_space<vmem_shared>> -> memref<128x64xf32, #tpu.memory_space<vmem_shared>>
      %dma_wait3A_423 = arith.constant 0 : i32
      %dma_wait3A_424 = tpu.memref_slice %arg9[%add3A_241, %dma_wait3A_423] : memref<10400x64xf32, #tpu.memory_space<vmem_shared>> -> memref<128x64xf32, #tpu.memory_space<vmem_shared>>
      %dma_wait3A_425 = arith.constant 0 : i32
      %dma_wait3A_426 = arith.constant 0 : i32
      %dma_wait3A_427 = tpu.memref_slice %arg8[%dma_wait3A_425, %dma_wait3A_426] : memref<128x64xf32, #tpu.memory_space<vmem>> -> memref<128x64xf32, #tpu.memory_space<vmem>>
      tpu.wait_dma2 semaphore(%run_scoped3A : memref<!tpu.dma_semaphore, #tpu.memory_space<semaphore_mem>>) src(%dma_wait3A_427 : memref<128x64xf32, #tpu.memory_space<vmem>>) dst(%dma_wait3A_424 : memref<128x64xf32, #tpu.memory_space<vmem_shared>>)
      tpu.yield
    }) : () -> ()
    %add3A_242 = arith.constant 640 : i32
    %add3A_243 = arith.addi %mul3A_221, %add3A_242 : i32
    %add3A_244 = arith.constant 640 : i32
    %add3A_245 = arith.addi %mul3A_221, %add3A_244 : i32
    "tpu.region"() ({
      %run_scoped3A = tpu.sem_alloc : memref<!tpu.dma_semaphore, #tpu.memory_space<semaphore_mem>>
      %dma_start3A = arith.constant 0 : i32
      %dma_start3A_410 = arith.constant 0 : i32
      %dma_start3A_411 = tpu.memref_slice %arg8[%dma_start3A, %dma_start3A_410] : memref<128x64xf32, #tpu.memory_space<vmem>> -> memref<8x64xf32, #tpu.memory_space<vmem>>
      %dma_start3A_412 = arith.constant 0 : i32
      %dma_start3A_413 = tpu.memref_slice %arg9[%add3A_245, %dma_start3A_412] : memref<10400x64xf32, #tpu.memory_space<vmem_shared>> -> memref<8x64xf32, #tpu.memory_space<vmem_shared>>
      %dma_start3A_414 = arith.constant 0 : i32
      %dma_start3A_415 = tpu.memref_slice %arg9[%add3A_245, %dma_start3A_414] : memref<10400x64xf32, #tpu.memory_space<vmem_shared>> -> memref<8x64xf32, #tpu.memory_space<vmem_shared>>
      %dma_start3A_416 = arith.constant 0 : i32
      %dma_start3A_417 = arith.constant 0 : i32
      %dma_start3A_418 = tpu.memref_slice %arg8[%dma_start3A_416, %dma_start3A_417] : memref<128x64xf32, #tpu.memory_space<vmem>> -> memref<8x64xf32, #tpu.memory_space<vmem>>
      tpu.enqueue_dma source(%dma_start3A_418 : memref<8x64xf32, #tpu.memory_space<vmem>>) target(%dma_start3A_415 : memref<8x64xf32, #tpu.memory_space<vmem_shared>>) target_semaphore(%run_scoped3A : memref<!tpu.dma_semaphore, #tpu.memory_space<semaphore_mem>>)
      %dma_wait3A = arith.constant 0 : i32
      %dma_wait3A_419 = arith.constant 0 : i32
      %dma_wait3A_420 = tpu.memref_slice %arg8[%dma_wait3A, %dma_wait3A_419] : memref<128x64xf32, #tpu.memory_space<vmem>> -> memref<8x64xf32, #tpu.memory_space<vmem>>
      %dma_wait3A_421 = arith.constant 0 : i32
      %dma_wait3A_422 = tpu.memref_slice %arg9[%add3A_245, %dma_wait3A_421] : memref<10400x64xf32, #tpu.memory_space<vmem_shared>> -> memref<8x64xf32, #tpu.memory_space<vmem_shared>>
      %dma_wait3A_423 = arith.constant 0 : i32
      %dma_wait3A_424 = tpu.memref_slice %arg9[%add3A_245, %dma_wait3A_423] : memref<10400x64xf32, #tpu.memory_space<vmem_shared>> -> memref<8x64xf32, #tpu.memory_space<vmem_shared>>
      %dma_wait3A_425 = arith.constant 0 : i32
      %dma_wait3A_426 = arith.constant 0 : i32
      %dma_wait3A_427 = tpu.memref_slice %arg8[%dma_wait3A_425, %dma_wait3A_426] : memref<128x64xf32, #tpu.memory_space<vmem>> -> memref<8x64xf32, #tpu.memory_space<vmem>>
      tpu.wait_dma2 semaphore(%run_scoped3A : memref<!tpu.dma_semaphore, #tpu.memory_space<semaphore_mem>>) src(%dma_wait3A_427 : memref<8x64xf32, #tpu.memory_space<vmem>>) dst(%dma_wait3A_424 : memref<8x64xf32, #tpu.memory_space<vmem_shared>>)
      tpu.yield
    }) : () -> ()
    %eq3A_246 = arith.constant 15 : i32
    %eq3A_247 = arith.cmpi eq, %arg1, %eq3A_246 : i32
    %convert_element_type3A_248 = arith.extui %eq3A_247 : i1 to i32
    %cond3A_249 = arith.constant 0 : i32
    %cond3A_250 = arith.cmpi ne, %convert_element_type3A_248, %cond3A_249 : i32
    scf.if %cond3A_250 {
      "tpu.region"() ({
        %run_scoped3A = tpu.sem_alloc : memref<!tpu.dma_semaphore, #tpu.memory_space<semaphore_mem>>
        %dma_start3A = arith.constant 0 : i32
        %dma_start3A_410 = arith.constant 0 : i32
        %dma_start3A_411 = tpu.memref_slice %arg8[%dma_start3A, %dma_start3A_410] : memref<128x64xf32, #tpu.memory_space<vmem>> -> memref<32x64xf32, #tpu.memory_space<vmem>>
        %dma_start3A_412 = arith.constant 10368 : i32
        %dma_start3A_413 = arith.constant 0 : i32
        %dma_start3A_414 = tpu.memref_slice %arg9[%dma_start3A_412, %dma_start3A_413] : memref<10400x64xf32, #tpu.memory_space<vmem_shared>> -> memref<32x64xf32, #tpu.memory_space<vmem_shared>>
        %dma_start3A_415 = arith.constant 10368 : i32
        %dma_start3A_416 = arith.constant 0 : i32
        %dma_start3A_417 = tpu.memref_slice %arg9[%dma_start3A_415, %dma_start3A_416] : memref<10400x64xf32, #tpu.memory_space<vmem_shared>> -> memref<32x64xf32, #tpu.memory_space<vmem_shared>>
        %dma_start3A_418 = arith.constant 0 : i32
        %dma_start3A_419 = arith.constant 0 : i32
        %dma_start3A_420 = tpu.memref_slice %arg8[%dma_start3A_418, %dma_start3A_419] : memref<128x64xf32, #tpu.memory_space<vmem>> -> memref<32x64xf32, #tpu.memory_space<vmem>>
        tpu.enqueue_dma source(%dma_start3A_420 : memref<32x64xf32, #tpu.memory_space<vmem>>) target(%dma_start3A_417 : memref<32x64xf32, #tpu.memory_space<vmem_shared>>) target_semaphore(%run_scoped3A : memref<!tpu.dma_semaphore, #tpu.memory_space<semaphore_mem>>)
        %dma_wait3A = arith.constant 0 : i32
        %dma_wait3A_421 = arith.constant 0 : i32
        %dma_wait3A_422 = tpu.memref_slice %arg8[%dma_wait3A, %dma_wait3A_421] : memref<128x64xf32, #tpu.memory_space<vmem>> -> memref<32x64xf32, #tpu.memory_space<vmem>>
        %dma_wait3A_423 = arith.constant 10368 : i32
        %dma_wait3A_424 = arith.constant 0 : i32
        %dma_wait3A_425 = tpu.memref_slice %arg9[%dma_wait3A_423, %dma_wait3A_424] : memref<10400x64xf32, #tpu.memory_space<vmem_shared>> -> memref<32x64xf32, #tpu.memory_space<vmem_shared>>
        %dma_wait3A_426 = arith.constant 10368 : i32
        %dma_wait3A_427 = arith.constant 0 : i32
        %dma_wait3A_428 = tpu.memref_slice %arg9[%dma_wait3A_426, %dma_wait3A_427] : memref<10400x64xf32, #tpu.memory_space<vmem_shared>> -> memref<32x64xf32, #tpu.memory_space<vmem_shared>>
        %dma_wait3A_429 = arith.constant 0 : i32
        %dma_wait3A_430 = arith.constant 0 : i32
        %dma_wait3A_431 = tpu.memref_slice %arg8[%dma_wait3A_429, %dma_wait3A_430] : memref<128x64xf32, #tpu.memory_space<vmem>> -> memref<32x64xf32, #tpu.memory_space<vmem>>
        tpu.wait_dma2 semaphore(%run_scoped3A : memref<!tpu.dma_semaphore, #tpu.memory_space<semaphore_mem>>) src(%dma_wait3A_431 : memref<32x64xf32, #tpu.memory_space<vmem>>) dst(%dma_wait3A_428 : memref<32x64xf32, #tpu.memory_space<vmem_shared>>)
        tpu.yield
      }) : () -> ()
    } else {
    }
    %barrier3A_251 = arith.constant 0 : index
    tpu.barrier barrier_id(%barrier3A_251)
    %scan3A_252 = arith.constant 0 : i32
    %scan3A_253 = arith.constant 80 : i32
    %scan3A_254 = arith.addi %scan3A_252, %scan3A_253 : i32
    %scan3A_255 = arith.constant 1 : i32
    scf.for %scan3A_410 = %scan3A_252 to %scan3A_254 step %scan3A_255  : i32 {
      %mul3A_411 = arith.constant 1 : i32
      %mul3A_412 = arith.muli %scan3A_410, %mul3A_411 : i32
      %add3A_413 = arith.constant 0 : i32
      %add3A_414 = arith.addi %add3A_413, %mul3A_412 : i32
      %dma_start3A = arith.constant 0 : i32
      %dma_start3A_415 = tpu.memref_slice %arg6[%add3A_414, %dma_start3A] : memref<80x128xi32, #tpu.memory_space<vmem>> -> memref<1x128xi32, #tpu.memory_space<vmem>>
      %dma_start3A_416 = tpu.memref_squeeze %dma_start3A_415 : memref<1x128xi32, #tpu.memory_space<vmem>> -> memref<128xi32, #tpu.memory_space<vmem>>
      %dma_start3A_417 = arith.constant 0 : i32
      %dma_start3A_418 = arith.constant 0 : i32
      %dma_start3A_419 = tpu.memref_slice %arg2[%dma_start3A_417, %dma_start3A_418] : memref<83200x64xf32, #tpu.memory_space<hbm>> -> memref<83200x64xf32, #tpu.memory_space<hbm>>
      tpu.enqueue_indirect_dma source(%dma_start3A_419 : memref<83200x64xf32, #tpu.memory_space<hbm>>) target(%arg8 : memref<128x64xf32, #tpu.memory_space<vmem>>) offsets(%dma_start3A_416 : memref<128xi32, #tpu.memory_space<vmem>>) semaphore(%arg10 : memref<!tpu.dma_semaphore, #tpu.memory_space<semaphore_mem>>)
      %dma_wait3A = arith.constant 0 : i32
      %dma_wait3A_420 = tpu.memref_slice %arg6[%add3A_414, %dma_wait3A] : memref<80x128xi32, #tpu.memory_space<vmem>> -> memref<1x128xi32, #tpu.memory_space<vmem>>
      %dma_wait3A_421 = tpu.memref_squeeze %dma_wait3A_420 : memref<1x128xi32, #tpu.memory_space<vmem>> -> memref<128xi32, #tpu.memory_space<vmem>>
      %dma_wait3A_422 = arith.constant 0 : i32
      %dma_wait3A_423 = arith.constant 0 : i32
      %dma_wait3A_424 = tpu.memref_slice %arg2[%dma_wait3A_422, %dma_wait3A_423] : memref<83200x64xf32, #tpu.memory_space<hbm>> -> memref<83200x64xf32, #tpu.memory_space<hbm>>
      tpu.wait_indirect_dma semaphore(%arg10 : memref<!tpu.dma_semaphore, #tpu.memory_space<semaphore_mem>>) src(%dma_wait3A_424 : memref<83200x64xf32, #tpu.memory_space<hbm>>) dst(%arg8 : memref<128x64xf32, #tpu.memory_space<vmem>>)
      "tpu.region"() ({
        %run_scoped3A = tpu.sem_alloc : memref<!tpu.dma_semaphore, #tpu.memory_space<semaphore_mem>>
        %dma_start3A_425 = arith.constant 0 : i32
        %dma_start3A_426 = tpu.memref_slice %arg7[%add3A_414, %dma_start3A_425] : memref<80x128xi32, #tpu.memory_space<vmem>> -> memref<1x128xi32, #tpu.memory_space<vmem>>
        %dma_start3A_427 = tpu.memref_squeeze %dma_start3A_426 : memref<1x128xi32, #tpu.memory_space<vmem>> -> memref<128xi32, #tpu.memory_space<vmem>>
        %dma_start3A_428 = arith.constant 0 : i32
        %dma_start3A_429 = arith.constant 0 : i32
        %dma_start3A_430 = tpu.memref_slice %arg9[%dma_start3A_428, %dma_start3A_429] : memref<10400x64xf32, #tpu.memory_space<vmem_shared>> -> memref<10400x64xf32, #tpu.memory_space<vmem_shared>>
        tpu.enqueue_indirect_dma source(%arg8 : memref<128x64xf32, #tpu.memory_space<vmem>>) target(%dma_start3A_430 : memref<10400x64xf32, #tpu.memory_space<vmem_shared>>) offsets(%dma_start3A_427 : memref<128xi32, #tpu.memory_space<vmem>>) semaphore(%run_scoped3A : memref<!tpu.dma_semaphore, #tpu.memory_space<semaphore_mem>>) {add = true}
        %dma_wait3A_431 = arith.constant 0 : i32
        %dma_wait3A_432 = tpu.memref_slice %arg7[%add3A_414, %dma_wait3A_431] : memref<80x128xi32, #tpu.memory_space<vmem>> -> memref<1x128xi32, #tpu.memory_space<vmem>>
        %dma_wait3A_433 = tpu.memref_squeeze %dma_wait3A_432 : memref<1x128xi32, #tpu.memory_space<vmem>> -> memref<128xi32, #tpu.memory_space<vmem>>
        %dma_wait3A_434 = arith.constant 0 : i32
        %dma_wait3A_435 = arith.constant 0 : i32
        %dma_wait3A_436 = tpu.memref_slice %arg9[%dma_wait3A_434, %dma_wait3A_435] : memref<10400x64xf32, #tpu.memory_space<vmem_shared>> -> memref<10400x64xf32, #tpu.memory_space<vmem_shared>>
        tpu.wait_indirect_dma semaphore(%run_scoped3A : memref<!tpu.dma_semaphore, #tpu.memory_space<semaphore_mem>>) src(%arg8 : memref<128x64xf32, #tpu.memory_space<vmem>>) dst(%dma_wait3A_436 : memref<10400x64xf32, #tpu.memory_space<vmem_shared>>)
        tpu.yield
      }) : () -> ()
    }
    %scan3A_256 = arith.constant 80 : i32
    %barrier3A_257 = arith.constant 0 : index
    tpu.barrier barrier_id(%barrier3A_257)
    %mul3A_258 = arith.constant 648 : i32
    %mul3A_259 = arith.muli %arg1, %mul3A_258 : i32
    %add3A_260 = arith.constant 0 : i32
    %add3A_261 = arith.addi %mul3A_259, %add3A_260 : i32
    %add3A_262 = arith.constant 0 : i32
    %add3A_263 = arith.addi %mul3A_259, %add3A_262 : i32
    %mul3A_264 = arith.constant 10400 : i32
    %mul3A_265 = arith.muli %add3A_212, %mul3A_264 : i32
    %add3A_266 = arith.addi %mul3A_265, %add3A_263 : i32
    "tpu.region"() ({
      %run_scoped3A = tpu.sem_alloc : memref<!tpu.dma_semaphore, #tpu.memory_space<semaphore_mem>>
      %dma_start3A = arith.constant 0 : i32
      %dma_start3A_410 = tpu.memref_slice %arg5[%add3A_266, %dma_start3A] : memref<83200x64xf32, #tpu.memory_space<hbm>> -> memref<128x64xf32, #tpu.memory_space<hbm>>
      %dma_start3A_411 = arith.constant 0 : i32
      %dma_start3A_412 = tpu.memref_slice %arg9[%add3A_261, %dma_start3A_411] : memref<10400x64xf32, #tpu.memory_space<vmem_shared>> -> memref<128x64xf32, #tpu.memory_space<vmem_shared>>
      tpu.enqueue_dma source(%dma_start3A_412 : memref<128x64xf32, #tpu.memory_space<vmem_shared>>) target(%dma_start3A_410 : memref<128x64xf32, #tpu.memory_space<hbm>>) target_semaphore(%run_scoped3A : memref<!tpu.dma_semaphore, #tpu.memory_space<semaphore_mem>>)
      %dma_wait3A = arith.constant 0 : i32
      %dma_wait3A_413 = tpu.memref_slice %arg5[%add3A_266, %dma_wait3A] : memref<83200x64xf32, #tpu.memory_space<hbm>> -> memref<128x64xf32, #tpu.memory_space<hbm>>
      %dma_wait3A_414 = arith.constant 0 : i32
      %dma_wait3A_415 = tpu.memref_slice %arg9[%add3A_261, %dma_wait3A_414] : memref<10400x64xf32, #tpu.memory_space<vmem_shared>> -> memref<128x64xf32, #tpu.memory_space<vmem_shared>>
      tpu.wait_dma2 semaphore(%run_scoped3A : memref<!tpu.dma_semaphore, #tpu.memory_space<semaphore_mem>>) src(%dma_wait3A_415 : memref<128x64xf32, #tpu.memory_space<vmem_shared>>) dst(%dma_wait3A_413 : memref<128x64xf32, #tpu.memory_space<hbm>>)
      tpu.yield
    }) : () -> ()
    %add3A_267 = arith.constant 128 : i32
    %add3A_268 = arith.addi %mul3A_259, %add3A_267 : i32
    %add3A_269 = arith.constant 128 : i32
    %add3A_270 = arith.addi %mul3A_259, %add3A_269 : i32
    %mul3A_271 = arith.constant 10400 : i32
    %mul3A_272 = arith.muli %add3A_212, %mul3A_271 : i32
    %add3A_273 = arith.addi %mul3A_272, %add3A_270 : i32
    "tpu.region"() ({
      %run_scoped3A = tpu.sem_alloc : memref<!tpu.dma_semaphore, #tpu.memory_space<semaphore_mem>>
      %dma_start3A = arith.constant 0 : i32
      %dma_start3A_410 = tpu.memref_slice %arg5[%add3A_273, %dma_start3A] : memref<83200x64xf32, #tpu.memory_space<hbm>> -> memref<128x64xf32, #tpu.memory_space<hbm>>
      %dma_start3A_411 = arith.constant 0 : i32
      %dma_start3A_412 = tpu.memref_slice %arg9[%add3A_268, %dma_start3A_411] : memref<10400x64xf32, #tpu.memory_space<vmem_shared>> -> memref<128x64xf32, #tpu.memory_space<vmem_shared>>
      tpu.enqueue_dma source(%dma_start3A_412 : memref<128x64xf32, #tpu.memory_space<vmem_shared>>) target(%dma_start3A_410 : memref<128x64xf32, #tpu.memory_space<hbm>>) target_semaphore(%run_scoped3A : memref<!tpu.dma_semaphore, #tpu.memory_space<semaphore_mem>>)
      %dma_wait3A = arith.constant 0 : i32
      %dma_wait3A_413 = tpu.memref_slice %arg5[%add3A_273, %dma_wait3A] : memref<83200x64xf32, #tpu.memory_space<hbm>> -> memref<128x64xf32, #tpu.memory_space<hbm>>
      %dma_wait3A_414 = arith.constant 0 : i32
      %dma_wait3A_415 = tpu.memref_slice %arg9[%add3A_268, %dma_wait3A_414] : memref<10400x64xf32, #tpu.memory_space<vmem_shared>> -> memref<128x64xf32, #tpu.memory_space<vmem_shared>>
      tpu.wait_dma2 semaphore(%run_scoped3A : memref<!tpu.dma_semaphore, #tpu.memory_space<semaphore_mem>>) src(%dma_wait3A_415 : memref<128x64xf32, #tpu.memory_space<vmem_shared>>) dst(%dma_wait3A_413 : memref<128x64xf32, #tpu.memory_space<hbm>>)
      tpu.yield
    }) : () -> ()
    %add3A_274 = arith.constant 256 : i32
    %add3A_275 = arith.addi %mul3A_259, %add3A_274 : i32
    %add3A_276 = arith.constant 256 : i32
    %add3A_277 = arith.addi %mul3A_259, %add3A_276 : i32
    %mul3A_278 = arith.constant 10400 : i32
    %mul3A_279 = arith.muli %add3A_212, %mul3A_278 : i32
    %add3A_280 = arith.addi %mul3A_279, %add3A_277 : i32
    "tpu.region"() ({
      %run_scoped3A = tpu.sem_alloc : memref<!tpu.dma_semaphore, #tpu.memory_space<semaphore_mem>>
      %dma_start3A = arith.constant 0 : i32
      %dma_start3A_410 = tpu.memref_slice %arg5[%add3A_280, %dma_start3A] : memref<83200x64xf32, #tpu.memory_space<hbm>> -> memref<128x64xf32, #tpu.memory_space<hbm>>
      %dma_start3A_411 = arith.constant 0 : i32
      %dma_start3A_412 = tpu.memref_slice %arg9[%add3A_275, %dma_start3A_411] : memref<10400x64xf32, #tpu.memory_space<vmem_shared>> -> memref<128x64xf32, #tpu.memory_space<vmem_shared>>
      tpu.enqueue_dma source(%dma_start3A_412 : memref<128x64xf32, #tpu.memory_space<vmem_shared>>) target(%dma_start3A_410 : memref<128x64xf32, #tpu.memory_space<hbm>>) target_semaphore(%run_scoped3A : memref<!tpu.dma_semaphore, #tpu.memory_space<semaphore_mem>>)
      %dma_wait3A = arith.constant 0 : i32
      %dma_wait3A_413 = tpu.memref_slice %arg5[%add3A_280, %dma_wait3A] : memref<83200x64xf32, #tpu.memory_space<hbm>> -> memref<128x64xf32, #tpu.memory_space<hbm>>
      %dma_wait3A_414 = arith.constant 0 : i32
      %dma_wait3A_415 = tpu.memref_slice %arg9[%add3A_275, %dma_wait3A_414] : memref<10400x64xf32, #tpu.memory_space<vmem_shared>> -> memref<128x64xf32, #tpu.memory_space<vmem_shared>>
      tpu.wait_dma2 semaphore(%run_scoped3A : memref<!tpu.dma_semaphore, #tpu.memory_space<semaphore_mem>>) src(%dma_wait3A_415 : memref<128x64xf32, #tpu.memory_space<vmem_shared>>) dst(%dma_wait3A_413 : memref<128x64xf32, #tpu.memory_space<hbm>>)
      tpu.yield
    }) : () -> ()
    %add3A_281 = arith.constant 384 : i32
    %add3A_282 = arith.addi %mul3A_259, %add3A_281 : i32
    %add3A_283 = arith.constant 384 : i32
    %add3A_284 = arith.addi %mul3A_259, %add3A_283 : i32
    %mul3A_285 = arith.constant 10400 : i32
    %mul3A_286 = arith.muli %add3A_212, %mul3A_285 : i32
    %add3A_287 = arith.addi %mul3A_286, %add3A_284 : i32
    "tpu.region"() ({
      %run_scoped3A = tpu.sem_alloc : memref<!tpu.dma_semaphore, #tpu.memory_space<semaphore_mem>>
      %dma_start3A = arith.constant 0 : i32
      %dma_start3A_410 = tpu.memref_slice %arg5[%add3A_287, %dma_start3A] : memref<83200x64xf32, #tpu.memory_space<hbm>> -> memref<128x64xf32, #tpu.memory_space<hbm>>
      %dma_start3A_411 = arith.constant 0 : i32
      %dma_start3A_412 = tpu.memref_slice %arg9[%add3A_282, %dma_start3A_411] : memref<10400x64xf32, #tpu.memory_space<vmem_shared>> -> memref<128x64xf32, #tpu.memory_space<vmem_shared>>
      tpu.enqueue_dma source(%dma_start3A_412 : memref<128x64xf32, #tpu.memory_space<vmem_shared>>) target(%dma_start3A_410 : memref<128x64xf32, #tpu.memory_space<hbm>>) target_semaphore(%run_scoped3A : memref<!tpu.dma_semaphore, #tpu.memory_space<semaphore_mem>>)
      %dma_wait3A = arith.constant 0 : i32
      %dma_wait3A_413 = tpu.memref_slice %arg5[%add3A_287, %dma_wait3A] : memref<83200x64xf32, #tpu.memory_space<hbm>> -> memref<128x64xf32, #tpu.memory_space<hbm>>
      %dma_wait3A_414 = arith.constant 0 : i32
      %dma_wait3A_415 = tpu.memref_slice %arg9[%add3A_282, %dma_wait3A_414] : memref<10400x64xf32, #tpu.memory_space<vmem_shared>> -> memref<128x64xf32, #tpu.memory_space<vmem_shared>>
      tpu.wait_dma2 semaphore(%run_scoped3A : memref<!tpu.dma_semaphore, #tpu.memory_space<semaphore_mem>>) src(%dma_wait3A_415 : memref<128x64xf32, #tpu.memory_space<vmem_shared>>) dst(%dma_wait3A_413 : memref<128x64xf32, #tpu.memory_space<hbm>>)
      tpu.yield
    }) : () -> ()
    %add3A_288 = arith.constant 512 : i32
    %add3A_289 = arith.addi %mul3A_259, %add3A_288 : i32
    %add3A_290 = arith.constant 512 : i32
    %add3A_291 = arith.addi %mul3A_259, %add3A_290 : i32
    %mul3A_292 = arith.constant 10400 : i32
    %mul3A_293 = arith.muli %add3A_212, %mul3A_292 : i32
    %add3A_294 = arith.addi %mul3A_293, %add3A_291 : i32
    "tpu.region"() ({
      %run_scoped3A = tpu.sem_alloc : memref<!tpu.dma_semaphore, #tpu.memory_space<semaphore_mem>>
      %dma_start3A = arith.constant 0 : i32
      %dma_start3A_410 = tpu.memref_slice %arg5[%add3A_294, %dma_start3A] : memref<83200x64xf32, #tpu.memory_space<hbm>> -> memref<128x64xf32, #tpu.memory_space<hbm>>
      %dma_start3A_411 = arith.constant 0 : i32
      %dma_start3A_412 = tpu.memref_slice %arg9[%add3A_289, %dma_start3A_411] : memref<10400x64xf32, #tpu.memory_space<vmem_shared>> -> memref<128x64xf32, #tpu.memory_space<vmem_shared>>
      tpu.enqueue_dma source(%dma_start3A_412 : memref<128x64xf32, #tpu.memory_space<vmem_shared>>) target(%dma_start3A_410 : memref<128x64xf32, #tpu.memory_space<hbm>>) target_semaphore(%run_scoped3A : memref<!tpu.dma_semaphore, #tpu.memory_space<semaphore_mem>>)
      %dma_wait3A = arith.constant 0 : i32
      %dma_wait3A_413 = tpu.memref_slice %arg5[%add3A_294, %dma_wait3A] : memref<83200x64xf32, #tpu.memory_space<hbm>> -> memref<128x64xf32, #tpu.memory_space<hbm>>
      %dma_wait3A_414 = arith.constant 0 : i32
      %dma_wait3A_415 = tpu.memref_slice %arg9[%add3A_289, %dma_wait3A_414] : memref<10400x64xf32, #tpu.memory_space<vmem_shared>> -> memref<128x64xf32, #tpu.memory_space<vmem_shared>>
      tpu.wait_dma2 semaphore(%run_scoped3A : memref<!tpu.dma_semaphore, #tpu.memory_space<semaphore_mem>>) src(%dma_wait3A_415 : memref<128x64xf32, #tpu.memory_space<vmem_shared>>) dst(%dma_wait3A_413 : memref<128x64xf32, #tpu.memory_space<hbm>>)
      tpu.yield
    }) : () -> ()
    %add3A_295 = arith.constant 640 : i32
    %add3A_296 = arith.addi %mul3A_259, %add3A_295 : i32
    %add3A_297 = arith.constant 640 : i32
    %add3A_298 = arith.addi %mul3A_259, %add3A_297 : i32
    %mul3A_299 = arith.constant 10400 : i32
    %mul3A_300 = arith.muli %add3A_212, %mul3A_299 : i32
    %add3A_301 = arith.addi %mul3A_300, %add3A_298 : i32
    "tpu.region"() ({
      %run_scoped3A = tpu.sem_alloc : memref<!tpu.dma_semaphore, #tpu.memory_space<semaphore_mem>>
      %dma_start3A = arith.constant 0 : i32
      %dma_start3A_410 = tpu.memref_slice %arg5[%add3A_301, %dma_start3A] : memref<83200x64xf32, #tpu.memory_space<hbm>> -> memref<8x64xf32, #tpu.memory_space<hbm>>
      %dma_start3A_411 = arith.constant 0 : i32
      %dma_start3A_412 = tpu.memref_slice %arg9[%add3A_296, %dma_start3A_411] : memref<10400x64xf32, #tpu.memory_space<vmem_shared>> -> memref<8x64xf32, #tpu.memory_space<vmem_shared>>
      tpu.enqueue_dma source(%dma_start3A_412 : memref<8x64xf32, #tpu.memory_space<vmem_shared>>) target(%dma_start3A_410 : memref<8x64xf32, #tpu.memory_space<hbm>>) target_semaphore(%run_scoped3A : memref<!tpu.dma_semaphore, #tpu.memory_space<semaphore_mem>>)
      %dma_wait3A = arith.constant 0 : i32
      %dma_wait3A_413 = tpu.memref_slice %arg5[%add3A_301, %dma_wait3A] : memref<83200x64xf32, #tpu.memory_space<hbm>> -> memref<8x64xf32, #tpu.memory_space<hbm>>
      %dma_wait3A_414 = arith.constant 0 : i32
      %dma_wait3A_415 = tpu.memref_slice %arg9[%add3A_296, %dma_wait3A_414] : memref<10400x64xf32, #tpu.memory_space<vmem_shared>> -> memref<8x64xf32, #tpu.memory_space<vmem_shared>>
      tpu.wait_dma2 semaphore(%run_scoped3A : memref<!tpu.dma_semaphore, #tpu.memory_space<semaphore_mem>>) src(%dma_wait3A_415 : memref<8x64xf32, #tpu.memory_space<vmem_shared>>) dst(%dma_wait3A_413 : memref<8x64xf32, #tpu.memory_space<hbm>>)
      tpu.yield
    }) : () -> ()
    %eq3A_302 = arith.constant 15 : i32
    %eq3A_303 = arith.cmpi eq, %arg1, %eq3A_302 : i32
    %convert_element_type3A_304 = arith.extui %eq3A_303 : i1 to i32
    %cond3A_305 = arith.constant 0 : i32
    %cond3A_306 = arith.cmpi ne, %convert_element_type3A_304, %cond3A_305 : i32
    scf.if %cond3A_306 {
      %mul3A_410 = arith.constant 10400 : i32
      %mul3A_411 = arith.muli %add3A_212, %mul3A_410 : i32
      %add3A_412 = arith.constant 10368 : i32
      %add3A_413 = arith.addi %mul3A_411, %add3A_412 : i32
      "tpu.region"() ({
        %run_scoped3A = tpu.sem_alloc : memref<!tpu.dma_semaphore, #tpu.memory_space<semaphore_mem>>
        %dma_start3A = arith.constant 0 : i32
        %dma_start3A_414 = tpu.memref_slice %arg5[%add3A_413, %dma_start3A] : memref<83200x64xf32, #tpu.memory_space<hbm>> -> memref<32x64xf32, #tpu.memory_space<hbm>>
        %dma_start3A_415 = arith.constant 10368 : i32
        %dma_start3A_416 = arith.constant 0 : i32
        %dma_start3A_417 = tpu.memref_slice %arg9[%dma_start3A_415, %dma_start3A_416] : memref<10400x64xf32, #tpu.memory_space<vmem_shared>> -> memref<32x64xf32, #tpu.memory_space<vmem_shared>>
        tpu.enqueue_dma source(%dma_start3A_417 : memref<32x64xf32, #tpu.memory_space<vmem_shared>>) target(%dma_start3A_414 : memref<32x64xf32, #tpu.memory_space<hbm>>) target_semaphore(%run_scoped3A : memref<!tpu.dma_semaphore, #tpu.memory_space<semaphore_mem>>)
        %dma_wait3A = arith.constant 0 : i32
        %dma_wait3A_418 = tpu.memref_slice %arg5[%add3A_413, %dma_wait3A] : memref<83200x64xf32, #tpu.memory_space<hbm>> -> memref<32x64xf32, #tpu.memory_space<hbm>>
        %dma_wait3A_419 = arith.constant 10368 : i32
        %dma_wait3A_420 = arith.constant 0 : i32
        %dma_wait3A_421 = tpu.memref_slice %arg9[%dma_wait3A_419, %dma_wait3A_420] : memref<10400x64xf32, #tpu.memory_space<vmem_shared>> -> memref<32x64xf32, #tpu.memory_space<vmem_shared>>
        tpu.wait_dma2 semaphore(%run_scoped3A : memref<!tpu.dma_semaphore, #tpu.memory_space<semaphore_mem>>) src(%dma_wait3A_421 : memref<32x64xf32, #tpu.memory_space<vmem_shared>>) dst(%dma_wait3A_418 : memref<32x64xf32, #tpu.memory_space<hbm>>)
        tpu.yield
      }) : () -> ()
    } else {
    }
    %scan3A_307 = arith.constant 0 : i32
    %scan3A_308 = arith.constant 80 : i32
    %scan3A_309 = arith.addi %scan3A_307, %scan3A_308 : i32
    %scan3A_310 = arith.constant 1 : i32
    scf.for %scan3A_410 = %scan3A_307 to %scan3A_309 step %scan3A_310  : i32 {
      %mul3A_411 = arith.constant 1 : i32
      %mul3A_412 = arith.muli %scan3A_410, %mul3A_411 : i32
      %add3A_413 = arith.constant 0 : i32
      %add3A_414 = arith.addi %add3A_413, %mul3A_412 : i32
      %get3A = arith.index_cast %add3A_414 : i32 to index
      %get3A_415 = arith.constant 0 : index
      %get3A_416 = tpu.vector_load %arg6[%get3A, %get3A_415] {strides = array<i32>} : memref<80x128xi32, #tpu.memory_space<vmem>>, vector<1x16xi32>,
      %get3A_417 = vector.shape_cast %get3A_416 : vector<1x16xi32> to vector<16xi32>
      %add3A_418 = arith.constant 10400 : i32
      %add3A_419 = vector.broadcast %add3A_418 : i32 to vector<16xi32>
      %add3A_420 = arith.addi %get3A_417, %add3A_419 : vector<16xi32>
      %swap3A = arith.index_cast %add3A_414 : i32 to index
      %swap3A_421 = arith.constant 0 : index
      %swap3A_422 = tpu.vector_load %arg6[%swap3A, %swap3A_421] {strides = array<i32>} : memref<80x128xi32, #tpu.memory_space<vmem>>, vector<1x16xi32>,
      %swap3A_423 = vector.shape_cast %swap3A_422 : vector<1x16xi32> to vector<16xi32>
      %swap3A_424 = vector.shape_cast %add3A_420 : vector<16xi32> to vector<1x16xi32>
      tpu.vector_store %arg6[%swap3A, %swap3A_421], %swap3A_424 {strides = array<i32>} : memref<80x128xi32, #tpu.memory_space<vmem>>, vector<1x16xi32>,
      %get3A_425 = arith.index_cast %add3A_414 : i32 to index
      %get3A_426 = arith.constant 16 : index
      %get3A_427 = tpu.vector_load %arg6[%get3A_425, %get3A_426] {strides = array<i32>} : memref<80x128xi32, #tpu.memory_space<vmem>>, vector<1x16xi32>,
      %get3A_428 = vector.shape_cast %get3A_427 : vector<1x16xi32> to vector<16xi32>
      %add3A_429 = arith.constant 10400 : i32
      %add3A_430 = vector.broadcast %add3A_429 : i32 to vector<16xi32>
      %add3A_431 = arith.addi %get3A_428, %add3A_430 : vector<16xi32>
      %swap3A_432 = arith.index_cast %add3A_414 : i32 to index
      %swap3A_433 = arith.constant 16 : index
      %swap3A_434 = tpu.vector_load %arg6[%swap3A_432, %swap3A_433] {strides = array<i32>} : memref<80x128xi32, #tpu.memory_space<vmem>>, vector<1x16xi32>,
      %swap3A_435 = vector.shape_cast %swap3A_434 : vector<1x16xi32> to vector<16xi32>
      %swap3A_436 = vector.shape_cast %add3A_431 : vector<16xi32> to vector<1x16xi32>
      tpu.vector_store %arg6[%swap3A_432, %swap3A_433], %swap3A_436 {strides = array<i32>} : memref<80x128xi32, #tpu.memory_space<vmem>>, vector<1x16xi32>,
      %get3A_437 = arith.index_cast %add3A_414 : i32 to index
      %get3A_438 = arith.constant 32 : index
      %get3A_439 = tpu.vector_load %arg6[%get3A_437, %get3A_438] {strides = array<i32>} : memref<80x128xi32, #tpu.memory_space<vmem>>, vector<1x16xi32>,
      %get3A_440 = vector.shape_cast %get3A_439 : vector<1x16xi32> to vector<16xi32>
      %add3A_441 = arith.constant 10400 : i32
      %add3A_442 = vector.broadcast %add3A_441 : i32 to vector<16xi32>
      %add3A_443 = arith.addi %get3A_440, %add3A_442 : vector<16xi32>
      %swap3A_444 = arith.index_cast %add3A_414 : i32 to index
      %swap3A_445 = arith.constant 32 : index
      %swap3A_446 = tpu.vector_load %arg6[%swap3A_444, %swap3A_445] {strides = array<i32>} : memref<80x128xi32, #tpu.memory_space<vmem>>, vector<1x16xi32>,
      %swap3A_447 = vector.shape_cast %swap3A_446 : vector<1x16xi32> to vector<16xi32>
      %swap3A_448 = vector.shape_cast %add3A_443 : vector<16xi32> to vector<1x16xi32>
      tpu.vector_store %arg6[%swap3A_444, %swap3A_445], %swap3A_448 {strides = array<i32>} : memref<80x128xi32, #tpu.memory_space<vmem>>, vector<1x16xi32>,
      %get3A_449 = arith.index_cast %add3A_414 : i32 to index
      %get3A_450 = arith.constant 48 : index
      %get3A_451 = tpu.vector_load %arg6[%get3A_449, %get3A_450] {strides = array<i32>} : memref<80x128xi32, #tpu.memory_space<vmem>>, vector<1x16xi32>,
      %get3A_452 = vector.shape_cast %get3A_451 : vector<1x16xi32> to vector<16xi32>
      %add3A_453 = arith.constant 10400 : i32
      %add3A_454 = vector.broadcast %add3A_453 : i32 to vector<16xi32>
      %add3A_455 = arith.addi %get3A_452, %add3A_454 : vector<16xi32>
      %swap3A_456 = arith.index_cast %add3A_414 : i32 to index
      %swap3A_457 = arith.constant 48 : index
      %swap3A_458 = tpu.vector_load %arg6[%swap3A_456, %swap3A_457] {strides = array<i32>} : memref<80x128xi32, #tpu.memory_space<vmem>>, vector<1x16xi32>,
      %swap3A_459 = vector.shape_cast %swap3A_458 : vector<1x16xi32> to vector<16xi32>
      %swap3A_460 = vector.shape_cast %add3A_455 : vector<16xi32> to vector<1x16xi32>
      tpu.vector_store %arg6[%swap3A_456, %swap3A_457], %swap3A_460 {strides = array<i32>} : memref<80x128xi32, #tpu.memory_space<vmem>>, vector<1x16xi32>,
      %get3A_461 = arith.index_cast %add3A_414 : i32 to index
      %get3A_462 = arith.constant 64 : index
      %get3A_463 = tpu.vector_load %arg6[%get3A_461, %get3A_462] {strides = array<i32>} : memref<80x128xi32, #tpu.memory_space<vmem>>, vector<1x16xi32>,
      %get3A_464 = vector.shape_cast %get3A_463 : vector<1x16xi32> to vector<16xi32>
      %add3A_465 = arith.constant 10400 : i32
      %add3A_466 = vector.broadcast %add3A_465 : i32 to vector<16xi32>
      %add3A_467 = arith.addi %get3A_464, %add3A_466 : vector<16xi32>
      %swap3A_468 = arith.index_cast %add3A_414 : i32 to index
      %swap3A_469 = arith.constant 64 : index
      %swap3A_470 = tpu.vector_load %arg6[%swap3A_468, %swap3A_469] {strides = array<i32>} : memref<80x128xi32, #tpu.memory_space<vmem>>, vector<1x16xi32>,
      %swap3A_471 = vector.shape_cast %swap3A_470 : vector<1x16xi32> to vector<16xi32>
      %swap3A_472 = vector.shape_cast %add3A_467 : vector<16xi32> to vector<1x16xi32>
      tpu.vector_store %arg6[%swap3A_468, %swap3A_469], %swap3A_472 {strides = array<i32>} : memref<80x128xi32, #tpu.memory_space<vmem>>, vector<1x16xi32>,
      %get3A_473 = arith.index_cast %add3A_414 : i32 to index
      %get3A_474 = arith.constant 80 : index
      %get3A_475 = tpu.vector_load %arg6[%get3A_473, %get3A_474] {strides = array<i32>} : memref<80x128xi32, #tpu.memory_space<vmem>>, vector<1x16xi32>,
      %get3A_476 = vector.shape_cast %get3A_475 : vector<1x16xi32> to vector<16xi32>
      %add3A_477 = arith.constant 10400 : i32
      %add3A_478 = vector.broadcast %add3A_477 : i32 to vector<16xi32>
      %add3A_479 = arith.addi %get3A_476, %add3A_478 : vector<16xi32>
      %swap3A_480 = arith.index_cast %add3A_414 : i32 to index
      %swap3A_481 = arith.constant 80 : index
      %swap3A_482 = tpu.vector_load %arg6[%swap3A_480, %swap3A_481] {strides = array<i32>} : memref<80x128xi32, #tpu.memory_space<vmem>>, vector<1x16xi32>,
      %swap3A_483 = vector.shape_cast %swap3A_482 : vector<1x16xi32> to vector<16xi32>
      %swap3A_484 = vector.shape_cast %add3A_479 : vector<16xi32> to vector<1x16xi32>
      tpu.vector_store %arg6[%swap3A_480, %swap3A_481], %swap3A_484 {strides = array<i32>} : memref<80x128xi32, #tpu.memory_space<vmem>>, vector<1x16xi32>,
      %get3A_485 = arith.index_cast %add3A_414 : i32 to index
      %get3A_486 = arith.constant 96 : index
      %get3A_487 = tpu.vector_load %arg6[%get3A_485, %get3A_486] {strides = array<i32>} : memref<80x128xi32, #tpu.memory_space<vmem>>, vector<1x16xi32>,
      %get3A_488 = vector.shape_cast %get3A_487 : vector<1x16xi32> to vector<16xi32>
      %add3A_489 = arith.constant 10400 : i32
      %add3A_490 = vector.broadcast %add3A_489 : i32 to vector<16xi32>
      %add3A_491 = arith.addi %get3A_488, %add3A_490 : vector<16xi32>
      %swap3A_492 = arith.index_cast %add3A_414 : i32 to index
      %swap3A_493 = arith.constant 96 : index
      %swap3A_494 = tpu.vector_load %arg6[%swap3A_492, %swap3A_493] {strides = array<i32>} : memref<80x128xi32, #tpu.memory_space<vmem>>, vector<1x16xi32>,
      %swap3A_495 = vector.shape_cast %swap3A_494 : vector<1x16xi32> to vector<16xi32>
      %swap3A_496 = vector.shape_cast %add3A_491 : vector<16xi32> to vector<1x16xi32>
      tpu.vector_store %arg6[%swap3A_492, %swap3A_493], %swap3A_496 {strides = array<i32>} : memref<80x128xi32, #tpu.memory_space<vmem>>, vector<1x16xi32>,
      %get3A_497 = arith.index_cast %add3A_414 : i32 to index
      %get3A_498 = arith.constant 112 : index
      %get3A_499 = tpu.vector_load %arg6[%get3A_497, %get3A_498] {strides = array<i32>} : memref<80x128xi32, #tpu.memory_space<vmem>>, vector<1x16xi32>,
      %get3A_500 = vector.shape_cast %get3A_499 : vector<1x16xi32> to vector<16xi32>
      %add3A_501 = arith.constant 10400 : i32
      %add3A_502 = vector.broadcast %add3A_501 : i32 to vector<16xi32>
      %add3A_503 = arith.addi %get3A_500, %add3A_502 : vector<16xi32>
      %swap3A_504 = arith.index_cast %add3A_414 : i32 to index
      %swap3A_505 = arith.constant 112 : index
      %swap3A_506 = tpu.vector_load %arg6[%swap3A_504, %swap3A_505] {strides = array<i32>} : memref<80x128xi32, #tpu.memory_space<vmem>>, vector<1x16xi32>,
      %swap3A_507 = vector.shape_cast %swap3A_506 : vector<1x16xi32> to vector<16xi32>
      %swap3A_508 = vector.shape_cast %add3A_503 : vector<16xi32> to vector<1x16xi32>
      tpu.vector_store %arg6[%swap3A_504, %swap3A_505], %swap3A_508 {strides = array<i32>} : memref<80x128xi32, #tpu.memory_space<vmem>>, vector<1x16xi32>,
    }
    %scan3A_311 = arith.constant 80 : i32
    %mul3A_312 = arith.constant 4 : i32
    %mul3A_313 = arith.muli %mul3A_312, %arg0 : i32
    %add3A_314 = arith.constant 3 : i32
    %add3A_315 = arith.addi %mul3A_313, %add3A_314 : i32
    %broadcast_in_dim3A_316 = arith.constant 0.000000e+00 : f32
    %broadcast_in_dim3A_317 = vector.broadcast %broadcast_in_dim3A_316 : f32 to vector<16xf32>
    %scan3A_318 = arith.constant 0 : i32
    %scan3A_319 = arith.constant 128 : i32
    %scan3A_320 = arith.addi %scan3A_318, %scan3A_319 : i32
    %scan3A_321 = arith.constant 1 : i32
    scf.for %scan3A_410 = %scan3A_318 to %scan3A_320 step %scan3A_321  : i32 {
      %mul3A_411 = arith.constant 1 : i32
      %mul3A_412 = arith.muli %scan3A_410, %mul3A_411 : i32
      %add3A_413 = arith.constant 0 : i32
      %add3A_414 = arith.addi %add3A_413, %mul3A_412 : i32
      %swap3A = arith.index_cast %add3A_414 : i32 to index
      %swap3A_415 = arith.constant 0 : index
      %swap3A_416 = tpu.vector_load %arg8[%swap3A, %swap3A_415] {strides = array<i32>} : memref<128x64xf32, #tpu.memory_space<vmem>>, vector<1x16xf32>,
      %swap3A_417 = vector.shape_cast %swap3A_416 : vector<1x16xf32> to vector<16xf32>
      %swap3A_418 = vector.shape_cast %broadcast_in_dim3A_317 : vector<16xf32> to vector<1x16xf32>
      tpu.vector_store %arg8[%swap3A, %swap3A_415], %swap3A_418 {strides = array<i32>} : memref<128x64xf32, #tpu.memory_space<vmem>>, vector<1x16xf32>,
      %swap3A_419 = arith.index_cast %add3A_414 : i32 to index
      %swap3A_420 = arith.constant 16 : index
      %swap3A_421 = tpu.vector_load %arg8[%swap3A_419, %swap3A_420] {strides = array<i32>} : memref<128x64xf32, #tpu.memory_space<vmem>>, vector<1x16xf32>,
      %swap3A_422 = vector.shape_cast %swap3A_421 : vector<1x16xf32> to vector<16xf32>
      %swap3A_423 = vector.shape_cast %broadcast_in_dim3A_317 : vector<16xf32> to vector<1x16xf32>
      tpu.vector_store %arg8[%swap3A_419, %swap3A_420], %swap3A_423 {strides = array<i32>} : memref<128x64xf32, #tpu.memory_space<vmem>>, vector<1x16xf32>,
      %swap3A_424 = arith.index_cast %add3A_414 : i32 to index
      %swap3A_425 = arith.constant 32 : index
      %swap3A_426 = tpu.vector_load %arg8[%swap3A_424, %swap3A_425] {strides = array<i32>} : memref<128x64xf32, #tpu.memory_space<vmem>>, vector<1x16xf32>,
      %swap3A_427 = vector.shape_cast %swap3A_426 : vector<1x16xf32> to vector<16xf32>
      %swap3A_428 = vector.shape_cast %broadcast_in_dim3A_317 : vector<16xf32> to vector<1x16xf32>
      tpu.vector_store %arg8[%swap3A_424, %swap3A_425], %swap3A_428 {strides = array<i32>} : memref<128x64xf32, #tpu.memory_space<vmem>>, vector<1x16xf32>,
      %swap3A_429 = arith.index_cast %add3A_414 : i32 to index
      %swap3A_430 = arith.constant 48 : index
      %swap3A_431 = tpu.vector_load %arg8[%swap3A_429, %swap3A_430] {strides = array<i32>} : memref<128x64xf32, #tpu.memory_space<vmem>>, vector<1x16xf32>,
      %swap3A_432 = vector.shape_cast %swap3A_431 : vector<1x16xf32> to vector<16xf32>
      %swap3A_433 = vector.shape_cast %broadcast_in_dim3A_317 : vector<16xf32> to vector<1x16xf32>
      tpu.vector_store %arg8[%swap3A_429, %swap3A_430], %swap3A_433 {strides = array<i32>} : memref<128x64xf32, #tpu.memory_space<vmem>>, vector<1x16xf32>,
    }
    %scan3A_322 = arith.constant 128 : i32
    %mul3A_323 = arith.constant 648 : i32
    %mul3A_324 = arith.muli %arg1, %mul3A_323 : i32
    %add3A_325 = arith.constant 0 : i32
    %add3A_326 = arith.addi %mul3A_324, %add3A_325 : i32
    %add3A_327 = arith.constant 0 : i32
    %add3A_328 = arith.addi %mul3A_324, %add3A_327 : i32
    "tpu.region"() ({
      %run_scoped3A = tpu.sem_alloc : memref<!tpu.dma_semaphore, #tpu.memory_space<semaphore_mem>>
      %dma_start3A = arith.constant 0 : i32
      %dma_start3A_410 = arith.constant 0 : i32
      %dma_start3A_411 = tpu.memref_slice %arg8[%dma_start3A, %dma_start3A_410] : memref<128x64xf32, #tpu.memory_space<vmem>> -> memref<128x64xf32, #tpu.memory_space<vmem>>
      %dma_start3A_412 = arith.constant 0 : i32
      %dma_start3A_413 = tpu.memref_slice %arg9[%add3A_328, %dma_start3A_412] : memref<10400x64xf32, #tpu.memory_space<vmem_shared>> -> memref<128x64xf32, #tpu.memory_space<vmem_shared>>
      %dma_start3A_414 = arith.constant 0 : i32
      %dma_start3A_415 = tpu.memref_slice %arg9[%add3A_328, %dma_start3A_414] : memref<10400x64xf32, #tpu.memory_space<vmem_shared>> -> memref<128x64xf32, #tpu.memory_space<vmem_shared>>
      %dma_start3A_416 = arith.constant 0 : i32
      %dma_start3A_417 = arith.constant 0 : i32
      %dma_start3A_418 = tpu.memref_slice %arg8[%dma_start3A_416, %dma_start3A_417] : memref<128x64xf32, #tpu.memory_space<vmem>> -> memref<128x64xf32, #tpu.memory_space<vmem>>
      tpu.enqueue_dma source(%dma_start3A_418 : memref<128x64xf32, #tpu.memory_space<vmem>>) target(%dma_start3A_415 : memref<128x64xf32, #tpu.memory_space<vmem_shared>>) target_semaphore(%run_scoped3A : memref<!tpu.dma_semaphore, #tpu.memory_space<semaphore_mem>>)
      %dma_wait3A = arith.constant 0 : i32
      %dma_wait3A_419 = arith.constant 0 : i32
      %dma_wait3A_420 = tpu.memref_slice %arg8[%dma_wait3A, %dma_wait3A_419] : memref<128x64xf32, #tpu.memory_space<vmem>> -> memref<128x64xf32, #tpu.memory_space<vmem>>
      %dma_wait3A_421 = arith.constant 0 : i32
      %dma_wait3A_422 = tpu.memref_slice %arg9[%add3A_328, %dma_wait3A_421] : memref<10400x64xf32, #tpu.memory_space<vmem_shared>> -> memref<128x64xf32, #tpu.memory_space<vmem_shared>>
      %dma_wait3A_423 = arith.constant 0 : i32
      %dma_wait3A_424 = tpu.memref_slice %arg9[%add3A_328, %dma_wait3A_423] : memref<10400x64xf32, #tpu.memory_space<vmem_shared>> -> memref<128x64xf32, #tpu.memory_space<vmem_shared>>
      %dma_wait3A_425 = arith.constant 0 : i32
      %dma_wait3A_426 = arith.constant 0 : i32
      %dma_wait3A_427 = tpu.memref_slice %arg8[%dma_wait3A_425, %dma_wait3A_426] : memref<128x64xf32, #tpu.memory_space<vmem>> -> memref<128x64xf32, #tpu.memory_space<vmem>>
      tpu.wait_dma2 semaphore(%run_scoped3A : memref<!tpu.dma_semaphore, #tpu.memory_space<semaphore_mem>>) src(%dma_wait3A_427 : memref<128x64xf32, #tpu.memory_space<vmem>>) dst(%dma_wait3A_424 : memref<128x64xf32, #tpu.memory_space<vmem_shared>>)
      tpu.yield
    }) : () -> ()
    %add3A_329 = arith.constant 128 : i32
    %add3A_330 = arith.addi %mul3A_324, %add3A_329 : i32
    %add3A_331 = arith.constant 128 : i32
    %add3A_332 = arith.addi %mul3A_324, %add3A_331 : i32
    "tpu.region"() ({
      %run_scoped3A = tpu.sem_alloc : memref<!tpu.dma_semaphore, #tpu.memory_space<semaphore_mem>>
      %dma_start3A = arith.constant 0 : i32
      %dma_start3A_410 = arith.constant 0 : i32
      %dma_start3A_411 = tpu.memref_slice %arg8[%dma_start3A, %dma_start3A_410] : memref<128x64xf32, #tpu.memory_space<vmem>> -> memref<128x64xf32, #tpu.memory_space<vmem>>
      %dma_start3A_412 = arith.constant 0 : i32
      %dma_start3A_413 = tpu.memref_slice %arg9[%add3A_332, %dma_start3A_412] : memref<10400x64xf32, #tpu.memory_space<vmem_shared>> -> memref<128x64xf32, #tpu.memory_space<vmem_shared>>
      %dma_start3A_414 = arith.constant 0 : i32
      %dma_start3A_415 = tpu.memref_slice %arg9[%add3A_332, %dma_start3A_414] : memref<10400x64xf32, #tpu.memory_space<vmem_shared>> -> memref<128x64xf32, #tpu.memory_space<vmem_shared>>
      %dma_start3A_416 = arith.constant 0 : i32
      %dma_start3A_417 = arith.constant 0 : i32
      %dma_start3A_418 = tpu.memref_slice %arg8[%dma_start3A_416, %dma_start3A_417] : memref<128x64xf32, #tpu.memory_space<vmem>> -> memref<128x64xf32, #tpu.memory_space<vmem>>
      tpu.enqueue_dma source(%dma_start3A_418 : memref<128x64xf32, #tpu.memory_space<vmem>>) target(%dma_start3A_415 : memref<128x64xf32, #tpu.memory_space<vmem_shared>>) target_semaphore(%run_scoped3A : memref<!tpu.dma_semaphore, #tpu.memory_space<semaphore_mem>>)
      %dma_wait3A = arith.constant 0 : i32
      %dma_wait3A_419 = arith.constant 0 : i32
      %dma_wait3A_420 = tpu.memref_slice %arg8[%dma_wait3A, %dma_wait3A_419] : memref<128x64xf32, #tpu.memory_space<vmem>> -> memref<128x64xf32, #tpu.memory_space<vmem>>
      %dma_wait3A_421 = arith.constant 0 : i32
      %dma_wait3A_422 = tpu.memref_slice %arg9[%add3A_332, %dma_wait3A_421] : memref<10400x64xf32, #tpu.memory_space<vmem_shared>> -> memref<128x64xf32, #tpu.memory_space<vmem_shared>>
      %dma_wait3A_423 = arith.constant 0 : i32
      %dma_wait3A_424 = tpu.memref_slice %arg9[%add3A_332, %dma_wait3A_423] : memref<10400x64xf32, #tpu.memory_space<vmem_shared>> -> memref<128x64xf32, #tpu.memory_space<vmem_shared>>
      %dma_wait3A_425 = arith.constant 0 : i32
      %dma_wait3A_426 = arith.constant 0 : i32
      %dma_wait3A_427 = tpu.memref_slice %arg8[%dma_wait3A_425, %dma_wait3A_426] : memref<128x64xf32, #tpu.memory_space<vmem>> -> memref<128x64xf32, #tpu.memory_space<vmem>>
      tpu.wait_dma2 semaphore(%run_scoped3A : memref<!tpu.dma_semaphore, #tpu.memory_space<semaphore_mem>>) src(%dma_wait3A_427 : memref<128x64xf32, #tpu.memory_space<vmem>>) dst(%dma_wait3A_424 : memref<128x64xf32, #tpu.memory_space<vmem_shared>>)
      tpu.yield
    }) : () -> ()
    %add3A_333 = arith.constant 256 : i32
    %add3A_334 = arith.addi %mul3A_324, %add3A_333 : i32
    %add3A_335 = arith.constant 256 : i32
    %add3A_336 = arith.addi %mul3A_324, %add3A_335 : i32
    "tpu.region"() ({
      %run_scoped3A = tpu.sem_alloc : memref<!tpu.dma_semaphore, #tpu.memory_space<semaphore_mem>>
      %dma_start3A = arith.constant 0 : i32
      %dma_start3A_410 = arith.constant 0 : i32
      %dma_start3A_411 = tpu.memref_slice %arg8[%dma_start3A, %dma_start3A_410] : memref<128x64xf32, #tpu.memory_space<vmem>> -> memref<128x64xf32, #tpu.memory_space<vmem>>
      %dma_start3A_412 = arith.constant 0 : i32
      %dma_start3A_413 = tpu.memref_slice %arg9[%add3A_336, %dma_start3A_412] : memref<10400x64xf32, #tpu.memory_space<vmem_shared>> -> memref<128x64xf32, #tpu.memory_space<vmem_shared>>
      %dma_start3A_414 = arith.constant 0 : i32
      %dma_start3A_415 = tpu.memref_slice %arg9[%add3A_336, %dma_start3A_414] : memref<10400x64xf32, #tpu.memory_space<vmem_shared>> -> memref<128x64xf32, #tpu.memory_space<vmem_shared>>
      %dma_start3A_416 = arith.constant 0 : i32
      %dma_start3A_417 = arith.constant 0 : i32
      %dma_start3A_418 = tpu.memref_slice %arg8[%dma_start3A_416, %dma_start3A_417] : memref<128x64xf32, #tpu.memory_space<vmem>> -> memref<128x64xf32, #tpu.memory_space<vmem>>
      tpu.enqueue_dma source(%dma_start3A_418 : memref<128x64xf32, #tpu.memory_space<vmem>>) target(%dma_start3A_415 : memref<128x64xf32, #tpu.memory_space<vmem_shared>>) target_semaphore(%run_scoped3A : memref<!tpu.dma_semaphore, #tpu.memory_space<semaphore_mem>>)
      %dma_wait3A = arith.constant 0 : i32
      %dma_wait3A_419 = arith.constant 0 : i32
      %dma_wait3A_420 = tpu.memref_slice %arg8[%dma_wait3A, %dma_wait3A_419] : memref<128x64xf32, #tpu.memory_space<vmem>> -> memref<128x64xf32, #tpu.memory_space<vmem>>
      %dma_wait3A_421 = arith.constant 0 : i32
      %dma_wait3A_422 = tpu.memref_slice %arg9[%add3A_336, %dma_wait3A_421] : memref<10400x64xf32, #tpu.memory_space<vmem_shared>> -> memref<128x64xf32, #tpu.memory_space<vmem_shared>>
      %dma_wait3A_423 = arith.constant 0 : i32
      %dma_wait3A_424 = tpu.memref_slice %arg9[%add3A_336, %dma_wait3A_423] : memref<10400x64xf32, #tpu.memory_space<vmem_shared>> -> memref<128x64xf32, #tpu.memory_space<vmem_shared>>
      %dma_wait3A_425 = arith.constant 0 : i32
      %dma_wait3A_426 = arith.constant 0 : i32
      %dma_wait3A_427 = tpu.memref_slice %arg8[%dma_wait3A_425, %dma_wait3A_426] : memref<128x64xf32, #tpu.memory_space<vmem>> -> memref<128x64xf32, #tpu.memory_space<vmem>>
      tpu.wait_dma2 semaphore(%run_scoped3A : memref<!tpu.dma_semaphore, #tpu.memory_space<semaphore_mem>>) src(%dma_wait3A_427 : memref<128x64xf32, #tpu.memory_space<vmem>>) dst(%dma_wait3A_424 : memref<128x64xf32, #tpu.memory_space<vmem_shared>>)
      tpu.yield
    }) : () -> ()
    %add3A_337 = arith.constant 384 : i32
    %add3A_338 = arith.addi %mul3A_324, %add3A_337 : i32
    %add3A_339 = arith.constant 384 : i32
    %add3A_340 = arith.addi %mul3A_324, %add3A_339 : i32
    "tpu.region"() ({
      %run_scoped3A = tpu.sem_alloc : memref<!tpu.dma_semaphore, #tpu.memory_space<semaphore_mem>>
      %dma_start3A = arith.constant 0 : i32
      %dma_start3A_410 = arith.constant 0 : i32
      %dma_start3A_411 = tpu.memref_slice %arg8[%dma_start3A, %dma_start3A_410] : memref<128x64xf32, #tpu.memory_space<vmem>> -> memref<128x64xf32, #tpu.memory_space<vmem>>
      %dma_start3A_412 = arith.constant 0 : i32
      %dma_start3A_413 = tpu.memref_slice %arg9[%add3A_340, %dma_start3A_412] : memref<10400x64xf32, #tpu.memory_space<vmem_shared>> -> memref<128x64xf32, #tpu.memory_space<vmem_shared>>
      %dma_start3A_414 = arith.constant 0 : i32
      %dma_start3A_415 = tpu.memref_slice %arg9[%add3A_340, %dma_start3A_414] : memref<10400x64xf32, #tpu.memory_space<vmem_shared>> -> memref<128x64xf32, #tpu.memory_space<vmem_shared>>
      %dma_start3A_416 = arith.constant 0 : i32
      %dma_start3A_417 = arith.constant 0 : i32
      %dma_start3A_418 = tpu.memref_slice %arg8[%dma_start3A_416, %dma_start3A_417] : memref<128x64xf32, #tpu.memory_space<vmem>> -> memref<128x64xf32, #tpu.memory_space<vmem>>
      tpu.enqueue_dma source(%dma_start3A_418 : memref<128x64xf32, #tpu.memory_space<vmem>>) target(%dma_start3A_415 : memref<128x64xf32, #tpu.memory_space<vmem_shared>>) target_semaphore(%run_scoped3A : memref<!tpu.dma_semaphore, #tpu.memory_space<semaphore_mem>>)
      %dma_wait3A = arith.constant 0 : i32
      %dma_wait3A_419 = arith.constant 0 : i32
      %dma_wait3A_420 = tpu.memref_slice %arg8[%dma_wait3A, %dma_wait3A_419] : memref<128x64xf32, #tpu.memory_space<vmem>> -> memref<128x64xf32, #tpu.memory_space<vmem>>
      %dma_wait3A_421 = arith.constant 0 : i32
      %dma_wait3A_422 = tpu.memref_slice %arg9[%add3A_340, %dma_wait3A_421] : memref<10400x64xf32, #tpu.memory_space<vmem_shared>> -> memref<128x64xf32, #tpu.memory_space<vmem_shared>>
      %dma_wait3A_423 = arith.constant 0 : i32
      %dma_wait3A_424 = tpu.memref_slice %arg9[%add3A_340, %dma_wait3A_423] : memref<10400x64xf32, #tpu.memory_space<vmem_shared>> -> memref<128x64xf32, #tpu.memory_space<vmem_shared>>
      %dma_wait3A_425 = arith.constant 0 : i32
      %dma_wait3A_426 = arith.constant 0 : i32
      %dma_wait3A_427 = tpu.memref_slice %arg8[%dma_wait3A_425, %dma_wait3A_426] : memref<128x64xf32, #tpu.memory_space<vmem>> -> memref<128x64xf32, #tpu.memory_space<vmem>>
      tpu.wait_dma2 semaphore(%run_scoped3A : memref<!tpu.dma_semaphore, #tpu.memory_space<semaphore_mem>>) src(%dma_wait3A_427 : memref<128x64xf32, #tpu.memory_space<vmem>>) dst(%dma_wait3A_424 : memref<128x64xf32, #tpu.memory_space<vmem_shared>>)
      tpu.yield
    }) : () -> ()
    %add3A_341 = arith.constant 512 : i32
    %add3A_342 = arith.addi %mul3A_324, %add3A_341 : i32
    %add3A_343 = arith.constant 512 : i32
    %add3A_344 = arith.addi %mul3A_324, %add3A_343 : i32
    "tpu.region"() ({
      %run_scoped3A = tpu.sem_alloc : memref<!tpu.dma_semaphore, #tpu.memory_space<semaphore_mem>>
      %dma_start3A = arith.constant 0 : i32
      %dma_start3A_410 = arith.constant 0 : i32
      %dma_start3A_411 = tpu.memref_slice %arg8[%dma_start3A, %dma_start3A_410] : memref<128x64xf32, #tpu.memory_space<vmem>> -> memref<128x64xf32, #tpu.memory_space<vmem>>
      %dma_start3A_412 = arith.constant 0 : i32
      %dma_start3A_413 = tpu.memref_slice %arg9[%add3A_344, %dma_start3A_412] : memref<10400x64xf32, #tpu.memory_space<vmem_shared>> -> memref<128x64xf32, #tpu.memory_space<vmem_shared>>
      %dma_start3A_414 = arith.constant 0 : i32
      %dma_start3A_415 = tpu.memref_slice %arg9[%add3A_344, %dma_start3A_414] : memref<10400x64xf32, #tpu.memory_space<vmem_shared>> -> memref<128x64xf32, #tpu.memory_space<vmem_shared>>
      %dma_start3A_416 = arith.constant 0 : i32
      %dma_start3A_417 = arith.constant 0 : i32
      %dma_start3A_418 = tpu.memref_slice %arg8[%dma_start3A_416, %dma_start3A_417] : memref<128x64xf32, #tpu.memory_space<vmem>> -> memref<128x64xf32, #tpu.memory_space<vmem>>
      tpu.enqueue_dma source(%dma_start3A_418 : memref<128x64xf32, #tpu.memory_space<vmem>>) target(%dma_start3A_415 : memref<128x64xf32, #tpu.memory_space<vmem_shared>>) target_semaphore(%run_scoped3A : memref<!tpu.dma_semaphore, #tpu.memory_space<semaphore_mem>>)
      %dma_wait3A = arith.constant 0 : i32
      %dma_wait3A_419 = arith.constant 0 : i32
      %dma_wait3A_420 = tpu.memref_slice %arg8[%dma_wait3A, %dma_wait3A_419] : memref<128x64xf32, #tpu.memory_space<vmem>> -> memref<128x64xf32, #tpu.memory_space<vmem>>
      %dma_wait3A_421 = arith.constant 0 : i32
      %dma_wait3A_422 = tpu.memref_slice %arg9[%add3A_344, %dma_wait3A_421] : memref<10400x64xf32, #tpu.memory_space<vmem_shared>> -> memref<128x64xf32, #tpu.memory_space<vmem_shared>>
      %dma_wait3A_423 = arith.constant 0 : i32
      %dma_wait3A_424 = tpu.memref_slice %arg9[%add3A_344, %dma_wait3A_423] : memref<10400x64xf32, #tpu.memory_space<vmem_shared>> -> memref<128x64xf32, #tpu.memory_space<vmem_shared>>
      %dma_wait3A_425 = arith.constant 0 : i32
      %dma_wait3A_426 = arith.constant 0 : i32
      %dma_wait3A_427 = tpu.memref_slice %arg8[%dma_wait3A_425, %dma_wait3A_426] : memref<128x64xf32, #tpu.memory_space<vmem>> -> memref<128x64xf32, #tpu.memory_space<vmem>>
      tpu.wait_dma2 semaphore(%run_scoped3A : memref<!tpu.dma_semaphore, #tpu.memory_space<semaphore_mem>>) src(%dma_wait3A_427 : memref<128x64xf32, #tpu.memory_space<vmem>>) dst(%dma_wait3A_424 : memref<128x64xf32, #tpu.memory_space<vmem_shared>>)
      tpu.yield
    }) : () -> ()
    %add3A_345 = arith.constant 640 : i32
    %add3A_346 = arith.addi %mul3A_324, %add3A_345 : i32
    %add3A_347 = arith.constant 640 : i32
    %add3A_348 = arith.addi %mul3A_324, %add3A_347 : i32
    "tpu.region"() ({
      %run_scoped3A = tpu.sem_alloc : memref<!tpu.dma_semaphore, #tpu.memory_space<semaphore_mem>>
      %dma_start3A = arith.constant 0 : i32
      %dma_start3A_410 = arith.constant 0 : i32
      %dma_start3A_411 = tpu.memref_slice %arg8[%dma_start3A, %dma_start3A_410] : memref<128x64xf32, #tpu.memory_space<vmem>> -> memref<8x64xf32, #tpu.memory_space<vmem>>
      %dma_start3A_412 = arith.constant 0 : i32
      %dma_start3A_413 = tpu.memref_slice %arg9[%add3A_348, %dma_start3A_412] : memref<10400x64xf32, #tpu.memory_space<vmem_shared>> -> memref<8x64xf32, #tpu.memory_space<vmem_shared>>
      %dma_start3A_414 = arith.constant 0 : i32
      %dma_start3A_415 = tpu.memref_slice %arg9[%add3A_348, %dma_start3A_414] : memref<10400x64xf32, #tpu.memory_space<vmem_shared>> -> memref<8x64xf32, #tpu.memory_space<vmem_shared>>
      %dma_start3A_416 = arith.constant 0 : i32
      %dma_start3A_417 = arith.constant 0 : i32
      %dma_start3A_418 = tpu.memref_slice %arg8[%dma_start3A_416, %dma_start3A_417] : memref<128x64xf32, #tpu.memory_space<vmem>> -> memref<8x64xf32, #tpu.memory_space<vmem>>
      tpu.enqueue_dma source(%dma_start3A_418 : memref<8x64xf32, #tpu.memory_space<vmem>>) target(%dma_start3A_415 : memref<8x64xf32, #tpu.memory_space<vmem_shared>>) target_semaphore(%run_scoped3A : memref<!tpu.dma_semaphore, #tpu.memory_space<semaphore_mem>>)
      %dma_wait3A = arith.constant 0 : i32
      %dma_wait3A_419 = arith.constant 0 : i32
      %dma_wait3A_420 = tpu.memref_slice %arg8[%dma_wait3A, %dma_wait3A_419] : memref<128x64xf32, #tpu.memory_space<vmem>> -> memref<8x64xf32, #tpu.memory_space<vmem>>
      %dma_wait3A_421 = arith.constant 0 : i32
      %dma_wait3A_422 = tpu.memref_slice %arg9[%add3A_348, %dma_wait3A_421] : memref<10400x64xf32, #tpu.memory_space<vmem_shared>> -> memref<8x64xf32, #tpu.memory_space<vmem_shared>>
      %dma_wait3A_423 = arith.constant 0 : i32
      %dma_wait3A_424 = tpu.memref_slice %arg9[%add3A_348, %dma_wait3A_423] : memref<10400x64xf32, #tpu.memory_space<vmem_shared>> -> memref<8x64xf32, #tpu.memory_space<vmem_shared>>
      %dma_wait3A_425 = arith.constant 0 : i32
      %dma_wait3A_426 = arith.constant 0 : i32
      %dma_wait3A_427 = tpu.memref_slice %arg8[%dma_wait3A_425, %dma_wait3A_426] : memref<128x64xf32, #tpu.memory_space<vmem>> -> memref<8x64xf32, #tpu.memory_space<vmem>>
      tpu.wait_dma2 semaphore(%run_scoped3A : memref<!tpu.dma_semaphore, #tpu.memory_space<semaphore_mem>>) src(%dma_wait3A_427 : memref<8x64xf32, #tpu.memory_space<vmem>>) dst(%dma_wait3A_424 : memref<8x64xf32, #tpu.memory_space<vmem_shared>>)
      tpu.yield
    }) : () -> ()
    %eq3A_349 = arith.constant 15 : i32
    %eq3A_350 = arith.cmpi eq, %arg1, %eq3A_349 : i32
    %convert_element_type3A_351 = arith.extui %eq3A_350 : i1 to i32
    %cond3A_352 = arith.constant 0 : i32
    %cond3A_353 = arith.cmpi ne, %convert_element_type3A_351, %cond3A_352 : i32
    scf.if %cond3A_353 {
      "tpu.region"() ({
        %run_scoped3A = tpu.sem_alloc : memref<!tpu.dma_semaphore, #tpu.memory_space<semaphore_mem>>
        %dma_start3A = arith.constant 0 : i32
        %dma_start3A_410 = arith.constant 0 : i32
        %dma_start3A_411 = tpu.memref_slice %arg8[%dma_start3A, %dma_start3A_410] : memref<128x64xf32, #tpu.memory_space<vmem>> -> memref<32x64xf32, #tpu.memory_space<vmem>>
        %dma_start3A_412 = arith.constant 10368 : i32
        %dma_start3A_413 = arith.constant 0 : i32
        %dma_start3A_414 = tpu.memref_slice %arg9[%dma_start3A_412, %dma_start3A_413] : memref<10400x64xf32, #tpu.memory_space<vmem_shared>> -> memref<32x64xf32, #tpu.memory_space<vmem_shared>>
        %dma_start3A_415 = arith.constant 10368 : i32
        %dma_start3A_416 = arith.constant 0 : i32
        %dma_start3A_417 = tpu.memref_slice %arg9[%dma_start3A_415, %dma_start3A_416] : memref<10400x64xf32, #tpu.memory_space<vmem_shared>> -> memref<32x64xf32, #tpu.memory_space<vmem_shared>>
        %dma_start3A_418 = arith.constant 0 : i32
        %dma_start3A_419 = arith.constant 0 : i32
        %dma_start3A_420 = tpu.memref_slice %arg8[%dma_start3A_418, %dma_start3A_419] : memref<128x64xf32, #tpu.memory_space<vmem>> -> memref<32x64xf32, #tpu.memory_space<vmem>>
        tpu.enqueue_dma source(%dma_start3A_420 : memref<32x64xf32, #tpu.memory_space<vmem>>) target(%dma_start3A_417 : memref<32x64xf32, #tpu.memory_space<vmem_shared>>) target_semaphore(%run_scoped3A : memref<!tpu.dma_semaphore, #tpu.memory_space<semaphore_mem>>)
        %dma_wait3A = arith.constant 0 : i32
        %dma_wait3A_421 = arith.constant 0 : i32
        %dma_wait3A_422 = tpu.memref_slice %arg8[%dma_wait3A, %dma_wait3A_421] : memref<128x64xf32, #tpu.memory_space<vmem>> -> memref<32x64xf32, #tpu.memory_space<vmem>>
        %dma_wait3A_423 = arith.constant 10368 : i32
        %dma_wait3A_424 = arith.constant 0 : i32
        %dma_wait3A_425 = tpu.memref_slice %arg9[%dma_wait3A_423, %dma_wait3A_424] : memref<10400x64xf32, #tpu.memory_space<vmem_shared>> -> memref<32x64xf32, #tpu.memory_space<vmem_shared>>
        %dma_wait3A_426 = arith.constant 10368 : i32
        %dma_wait3A_427 = arith.constant 0 : i32
        %dma_wait3A_428 = tpu.memref_slice %arg9[%dma_wait3A_426, %dma_wait3A_427] : memref<10400x64xf32, #tpu.memory_space<vmem_shared>> -> memref<32x64xf32, #tpu.memory_space<vmem_shared>>
        %dma_wait3A_429 = arith.constant 0 : i32
        %dma_wait3A_430 = arith.constant 0 : i32
        %dma_wait3A_431 = tpu.memref_slice %arg8[%dma_wait3A_429, %dma_wait3A_430] : memref<128x64xf32, #tpu.memory_space<vmem>> -> memref<32x64xf32, #tpu.memory_space<vmem>>
        tpu.wait_dma2 semaphore(%run_scoped3A : memref<!tpu.dma_semaphore, #tpu.memory_space<semaphore_mem>>) src(%dma_wait3A_431 : memref<32x64xf32, #tpu.memory_space<vmem>>) dst(%dma_wait3A_428 : memref<32x64xf32, #tpu.memory_space<vmem_shared>>)
        tpu.yield
      }) : () -> ()
    } else {
    }
    %barrier3A_354 = arith.constant 0 : index
    tpu.barrier barrier_id(%barrier3A_354)
    %scan3A_355 = arith.constant 0 : i32
    %scan3A_356 = arith.constant 80 : i32
    %scan3A_357 = arith.addi %scan3A_355, %scan3A_356 : i32
    %scan3A_358 = arith.constant 1 : i32
    scf.for %scan3A_410 = %scan3A_355 to %scan3A_357 step %scan3A_358  : i32 {
      %mul3A_411 = arith.constant 1 : i32
      %mul3A_412 = arith.muli %scan3A_410, %mul3A_411 : i32
      %add3A_413 = arith.constant 0 : i32
      %add3A_414 = arith.addi %add3A_413, %mul3A_412 : i32
      %dma_start3A = arith.constant 0 : i32
      %dma_start3A_415 = tpu.memref_slice %arg6[%add3A_414, %dma_start3A] : memref<80x128xi32, #tpu.memory_space<vmem>> -> memref<1x128xi32, #tpu.memory_space<vmem>>
      %dma_start3A_416 = tpu.memref_squeeze %dma_start3A_415 : memref<1x128xi32, #tpu.memory_space<vmem>> -> memref<128xi32, #tpu.memory_space<vmem>>
      %dma_start3A_417 = arith.constant 0 : i32
      %dma_start3A_418 = arith.constant 0 : i32
      %dma_start3A_419 = tpu.memref_slice %arg2[%dma_start3A_417, %dma_start3A_418] : memref<83200x64xf32, #tpu.memory_space<hbm>> -> memref<83200x64xf32, #tpu.memory_space<hbm>>
      tpu.enqueue_indirect_dma source(%dma_start3A_419 : memref<83200x64xf32, #tpu.memory_space<hbm>>) target(%arg8 : memref<128x64xf32, #tpu.memory_space<vmem>>) offsets(%dma_start3A_416 : memref<128xi32, #tpu.memory_space<vmem>>) semaphore(%arg10 : memref<!tpu.dma_semaphore, #tpu.memory_space<semaphore_mem>>)
      %dma_wait3A = arith.constant 0 : i32
      %dma_wait3A_420 = tpu.memref_slice %arg6[%add3A_414, %dma_wait3A] : memref<80x128xi32, #tpu.memory_space<vmem>> -> memref<1x128xi32, #tpu.memory_space<vmem>>
      %dma_wait3A_421 = tpu.memref_squeeze %dma_wait3A_420 : memref<1x128xi32, #tpu.memory_space<vmem>> -> memref<128xi32, #tpu.memory_space<vmem>>
      %dma_wait3A_422 = arith.constant 0 : i32
      %dma_wait3A_423 = arith.constant 0 : i32
      %dma_wait3A_424 = tpu.memref_slice %arg2[%dma_wait3A_422, %dma_wait3A_423] : memref<83200x64xf32, #tpu.memory_space<hbm>> -> memref<83200x64xf32, #tpu.memory_space<hbm>>
      tpu.wait_indirect_dma semaphore(%arg10 : memref<!tpu.dma_semaphore, #tpu.memory_space<semaphore_mem>>) src(%dma_wait3A_424 : memref<83200x64xf32, #tpu.memory_space<hbm>>) dst(%arg8 : memref<128x64xf32, #tpu.memory_space<vmem>>)
      "tpu.region"() ({
        %run_scoped3A = tpu.sem_alloc : memref<!tpu.dma_semaphore, #tpu.memory_space<semaphore_mem>>
        %dma_start3A_425 = arith.constant 0 : i32
        %dma_start3A_426 = tpu.memref_slice %arg7[%add3A_414, %dma_start3A_425] : memref<80x128xi32, #tpu.memory_space<vmem>> -> memref<1x128xi32, #tpu.memory_space<vmem>>
        %dma_start3A_427 = tpu.memref_squeeze %dma_start3A_426 : memref<1x128xi32, #tpu.memory_space<vmem>> -> memref<128xi32, #tpu.memory_space<vmem>>
        %dma_start3A_428 = arith.constant 0 : i32
        %dma_start3A_429 = arith.constant 0 : i32
        %dma_start3A_430 = tpu.memref_slice %arg9[%dma_start3A_428, %dma_start3A_429] : memref<10400x64xf32, #tpu.memory_space<vmem_shared>> -> memref<10400x64xf32, #tpu.memory_space<vmem_shared>>
        tpu.enqueue_indirect_dma source(%arg8 : memref<128x64xf32, #tpu.memory_space<vmem>>) target(%dma_start3A_430 : memref<10400x64xf32, #tpu.memory_space<vmem_shared>>) offsets(%dma_start3A_427 : memref<128xi32, #tpu.memory_space<vmem>>) semaphore(%run_scoped3A : memref<!tpu.dma_semaphore, #tpu.memory_space<semaphore_mem>>) {add = true}
        %dma_wait3A_431 = arith.constant 0 : i32
        %dma_wait3A_432 = tpu.memref_slice %arg7[%add3A_414, %dma_wait3A_431] : memref<80x128xi32, #tpu.memory_space<vmem>> -> memref<1x128xi32, #tpu.memory_space<vmem>>
        %dma_wait3A_433 = tpu.memref_squeeze %dma_wait3A_432 : memref<1x128xi32, #tpu.memory_space<vmem>> -> memref<128xi32, #tpu.memory_space<vmem>>
        %dma_wait3A_434 = arith.constant 0 : i32
        %dma_wait3A_435 = arith.constant 0 : i32
        %dma_wait3A_436 = tpu.memref_slice %arg9[%dma_wait3A_434, %dma_wait3A_435] : memref<10400x64xf32, #tpu.memory_space<vmem_shared>> -> memref<10400x64xf32, #tpu.memory_space<vmem_shared>>
        tpu.wait_indirect_dma semaphore(%run_scoped3A : memref<!tpu.dma_semaphore, #tpu.memory_space<semaphore_mem>>) src(%arg8 : memref<128x64xf32, #tpu.memory_space<vmem>>) dst(%dma_wait3A_436 : memref<10400x64xf32, #tpu.memory_space<vmem_shared>>)
        tpu.yield
      }) : () -> ()
    }
    %scan3A_359 = arith.constant 80 : i32
    %barrier3A_360 = arith.constant 0 : index
    tpu.barrier barrier_id(%barrier3A_360)
    %mul3A_361 = arith.constant 648 : i32
    %mul3A_362 = arith.muli %arg1, %mul3A_361 : i32
    %add3A_363 = arith.constant 0 : i32
    %add3A_364 = arith.addi %mul3A_362, %add3A_363 : i32
    %add3A_365 = arith.constant 0 : i32
    %add3A_366 = arith.addi %mul3A_362, %add3A_365 : i32
    %mul3A_367 = arith.constant 10400 : i32
    %mul3A_368 = arith.muli %add3A_315, %mul3A_367 : i32
    %add3A_369 = arith.addi %mul3A_368, %add3A_366 : i32
    "tpu.region"() ({
      %run_scoped3A = tpu.sem_alloc : memref<!tpu.dma_semaphore, #tpu.memory_space<semaphore_mem>>
      %dma_start3A = arith.constant 0 : i32
      %dma_start3A_410 = tpu.memref_slice %arg5[%add3A_369, %dma_start3A] : memref<83200x64xf32, #tpu.memory_space<hbm>> -> memref<128x64xf32, #tpu.memory_space<hbm>>
      %dma_start3A_411 = arith.constant 0 : i32
      %dma_start3A_412 = tpu.memref_slice %arg9[%add3A_364, %dma_start3A_411] : memref<10400x64xf32, #tpu.memory_space<vmem_shared>> -> memref<128x64xf32, #tpu.memory_space<vmem_shared>>
      tpu.enqueue_dma source(%dma_start3A_412 : memref<128x64xf32, #tpu.memory_space<vmem_shared>>) target(%dma_start3A_410 : memref<128x64xf32, #tpu.memory_space<hbm>>) target_semaphore(%run_scoped3A : memref<!tpu.dma_semaphore, #tpu.memory_space<semaphore_mem>>)
      %dma_wait3A = arith.constant 0 : i32
      %dma_wait3A_413 = tpu.memref_slice %arg5[%add3A_369, %dma_wait3A] : memref<83200x64xf32, #tpu.memory_space<hbm>> -> memref<128x64xf32, #tpu.memory_space<hbm>>
      %dma_wait3A_414 = arith.constant 0 : i32
      %dma_wait3A_415 = tpu.memref_slice %arg9[%add3A_364, %dma_wait3A_414] : memref<10400x64xf32, #tpu.memory_space<vmem_shared>> -> memref<128x64xf32, #tpu.memory_space<vmem_shared>>
      tpu.wait_dma2 semaphore(%run_scoped3A : memref<!tpu.dma_semaphore, #tpu.memory_space<semaphore_mem>>) src(%dma_wait3A_415 : memref<128x64xf32, #tpu.memory_space<vmem_shared>>) dst(%dma_wait3A_413 : memref<128x64xf32, #tpu.memory_space<hbm>>)
      tpu.yield
    }) : () -> ()
    %add3A_370 = arith.constant 128 : i32
    %add3A_371 = arith.addi %mul3A_362, %add3A_370 : i32
    %add3A_372 = arith.constant 128 : i32
    %add3A_373 = arith.addi %mul3A_362, %add3A_372 : i32
    %mul3A_374 = arith.constant 10400 : i32
    %mul3A_375 = arith.muli %add3A_315, %mul3A_374 : i32
    %add3A_376 = arith.addi %mul3A_375, %add3A_373 : i32
    "tpu.region"() ({
      %run_scoped3A = tpu.sem_alloc : memref<!tpu.dma_semaphore, #tpu.memory_space<semaphore_mem>>
      %dma_start3A = arith.constant 0 : i32
      %dma_start3A_410 = tpu.memref_slice %arg5[%add3A_376, %dma_start3A] : memref<83200x64xf32, #tpu.memory_space<hbm>> -> memref<128x64xf32, #tpu.memory_space<hbm>>
      %dma_start3A_411 = arith.constant 0 : i32
      %dma_start3A_412 = tpu.memref_slice %arg9[%add3A_371, %dma_start3A_411] : memref<10400x64xf32, #tpu.memory_space<vmem_shared>> -> memref<128x64xf32, #tpu.memory_space<vmem_shared>>
      tpu.enqueue_dma source(%dma_start3A_412 : memref<128x64xf32, #tpu.memory_space<vmem_shared>>) target(%dma_start3A_410 : memref<128x64xf32, #tpu.memory_space<hbm>>) target_semaphore(%run_scoped3A : memref<!tpu.dma_semaphore, #tpu.memory_space<semaphore_mem>>)
      %dma_wait3A = arith.constant 0 : i32
      %dma_wait3A_413 = tpu.memref_slice %arg5[%add3A_376, %dma_wait3A] : memref<83200x64xf32, #tpu.memory_space<hbm>> -> memref<128x64xf32, #tpu.memory_space<hbm>>
      %dma_wait3A_414 = arith.constant 0 : i32
      %dma_wait3A_415 = tpu.memref_slice %arg9[%add3A_371, %dma_wait3A_414] : memref<10400x64xf32, #tpu.memory_space<vmem_shared>> -> memref<128x64xf32, #tpu.memory_space<vmem_shared>>
      tpu.wait_dma2 semaphore(%run_scoped3A : memref<!tpu.dma_semaphore, #tpu.memory_space<semaphore_mem>>) src(%dma_wait3A_415 : memref<128x64xf32, #tpu.memory_space<vmem_shared>>) dst(%dma_wait3A_413 : memref<128x64xf32, #tpu.memory_space<hbm>>)
      tpu.yield
    }) : () -> ()
    %add3A_377 = arith.constant 256 : i32
    %add3A_378 = arith.addi %mul3A_362, %add3A_377 : i32
    %add3A_379 = arith.constant 256 : i32
    %add3A_380 = arith.addi %mul3A_362, %add3A_379 : i32
    %mul3A_381 = arith.constant 10400 : i32
    %mul3A_382 = arith.muli %add3A_315, %mul3A_381 : i32
    %add3A_383 = arith.addi %mul3A_382, %add3A_380 : i32
    "tpu.region"() ({
      %run_scoped3A = tpu.sem_alloc : memref<!tpu.dma_semaphore, #tpu.memory_space<semaphore_mem>>
      %dma_start3A = arith.constant 0 : i32
      %dma_start3A_410 = tpu.memref_slice %arg5[%add3A_383, %dma_start3A] : memref<83200x64xf32, #tpu.memory_space<hbm>> -> memref<128x64xf32, #tpu.memory_space<hbm>>
      %dma_start3A_411 = arith.constant 0 : i32
      %dma_start3A_412 = tpu.memref_slice %arg9[%add3A_378, %dma_start3A_411] : memref<10400x64xf32, #tpu.memory_space<vmem_shared>> -> memref<128x64xf32, #tpu.memory_space<vmem_shared>>
      tpu.enqueue_dma source(%dma_start3A_412 : memref<128x64xf32, #tpu.memory_space<vmem_shared>>) target(%dma_start3A_410 : memref<128x64xf32, #tpu.memory_space<hbm>>) target_semaphore(%run_scoped3A : memref<!tpu.dma_semaphore, #tpu.memory_space<semaphore_mem>>)
      %dma_wait3A = arith.constant 0 : i32
      %dma_wait3A_413 = tpu.memref_slice %arg5[%add3A_383, %dma_wait3A] : memref<83200x64xf32, #tpu.memory_space<hbm>> -> memref<128x64xf32, #tpu.memory_space<hbm>>
      %dma_wait3A_414 = arith.constant 0 : i32
      %dma_wait3A_415 = tpu.memref_slice %arg9[%add3A_378, %dma_wait3A_414] : memref<10400x64xf32, #tpu.memory_space<vmem_shared>> -> memref<128x64xf32, #tpu.memory_space<vmem_shared>>
      tpu.wait_dma2 semaphore(%run_scoped3A : memref<!tpu.dma_semaphore, #tpu.memory_space<semaphore_mem>>) src(%dma_wait3A_415 : memref<128x64xf32, #tpu.memory_space<vmem_shared>>) dst(%dma_wait3A_413 : memref<128x64xf32, #tpu.memory_space<hbm>>)
      tpu.yield
    }) : () -> ()
    %add3A_384 = arith.constant 384 : i32
    %add3A_385 = arith.addi %mul3A_362, %add3A_384 : i32
    %add3A_386 = arith.constant 384 : i32
    %add3A_387 = arith.addi %mul3A_362, %add3A_386 : i32
    %mul3A_388 = arith.constant 10400 : i32
    %mul3A_389 = arith.muli %add3A_315, %mul3A_388 : i32
    %add3A_390 = arith.addi %mul3A_389, %add3A_387 : i32
    "tpu.region"() ({
      %run_scoped3A = tpu.sem_alloc : memref<!tpu.dma_semaphore, #tpu.memory_space<semaphore_mem>>
      %dma_start3A = arith.constant 0 : i32
      %dma_start3A_410 = tpu.memref_slice %arg5[%add3A_390, %dma_start3A] : memref<83200x64xf32, #tpu.memory_space<hbm>> -> memref<128x64xf32, #tpu.memory_space<hbm>>
      %dma_start3A_411 = arith.constant 0 : i32
      %dma_start3A_412 = tpu.memref_slice %arg9[%add3A_385, %dma_start3A_411] : memref<10400x64xf32, #tpu.memory_space<vmem_shared>> -> memref<128x64xf32, #tpu.memory_space<vmem_shared>>
      tpu.enqueue_dma source(%dma_start3A_412 : memref<128x64xf32, #tpu.memory_space<vmem_shared>>) target(%dma_start3A_410 : memref<128x64xf32, #tpu.memory_space<hbm>>) target_semaphore(%run_scoped3A : memref<!tpu.dma_semaphore, #tpu.memory_space<semaphore_mem>>)
      %dma_wait3A = arith.constant 0 : i32
      %dma_wait3A_413 = tpu.memref_slice %arg5[%add3A_390, %dma_wait3A] : memref<83200x64xf32, #tpu.memory_space<hbm>> -> memref<128x64xf32, #tpu.memory_space<hbm>>
      %dma_wait3A_414 = arith.constant 0 : i32
      %dma_wait3A_415 = tpu.memref_slice %arg9[%add3A_385, %dma_wait3A_414] : memref<10400x64xf32, #tpu.memory_space<vmem_shared>> -> memref<128x64xf32, #tpu.memory_space<vmem_shared>>
      tpu.wait_dma2 semaphore(%run_scoped3A : memref<!tpu.dma_semaphore, #tpu.memory_space<semaphore_mem>>) src(%dma_wait3A_415 : memref<128x64xf32, #tpu.memory_space<vmem_shared>>) dst(%dma_wait3A_413 : memref<128x64xf32, #tpu.memory_space<hbm>>)
      tpu.yield
    }) : () -> ()
    %add3A_391 = arith.constant 512 : i32
    %add3A_392 = arith.addi %mul3A_362, %add3A_391 : i32
    %add3A_393 = arith.constant 512 : i32
    %add3A_394 = arith.addi %mul3A_362, %add3A_393 : i32
    %mul3A_395 = arith.constant 10400 : i32
    %mul3A_396 = arith.muli %add3A_315, %mul3A_395 : i32
    %add3A_397 = arith.addi %mul3A_396, %add3A_394 : i32
    "tpu.region"() ({
      %run_scoped3A = tpu.sem_alloc : memref<!tpu.dma_semaphore, #tpu.memory_space<semaphore_mem>>
      %dma_start3A = arith.constant 0 : i32
      %dma_start3A_410 = tpu.memref_slice %arg5[%add3A_397, %dma_start3A] : memref<83200x64xf32, #tpu.memory_space<hbm>> -> memref<128x64xf32, #tpu.memory_space<hbm>>
      %dma_start3A_411 = arith.constant 0 : i32
      %dma_start3A_412 = tpu.memref_slice %arg9[%add3A_392, %dma_start3A_411] : memref<10400x64xf32, #tpu.memory_space<vmem_shared>> -> memref<128x64xf32, #tpu.memory_space<vmem_shared>>
      tpu.enqueue_dma source(%dma_start3A_412 : memref<128x64xf32, #tpu.memory_space<vmem_shared>>) target(%dma_start3A_410 : memref<128x64xf32, #tpu.memory_space<hbm>>) target_semaphore(%run_scoped3A : memref<!tpu.dma_semaphore, #tpu.memory_space<semaphore_mem>>)
      %dma_wait3A = arith.constant 0 : i32
      %dma_wait3A_413 = tpu.memref_slice %arg5[%add3A_397, %dma_wait3A] : memref<83200x64xf32, #tpu.memory_space<hbm>> -> memref<128x64xf32, #tpu.memory_space<hbm>>
      %dma_wait3A_414 = arith.constant 0 : i32
      %dma_wait3A_415 = tpu.memref_slice %arg9[%add3A_392, %dma_wait3A_414] : memref<10400x64xf32, #tpu.memory_space<vmem_shared>> -> memref<128x64xf32, #tpu.memory_space<vmem_shared>>
      tpu.wait_dma2 semaphore(%run_scoped3A : memref<!tpu.dma_semaphore, #tpu.memory_space<semaphore_mem>>) src(%dma_wait3A_415 : memref<128x64xf32, #tpu.memory_space<vmem_shared>>) dst(%dma_wait3A_413 : memref<128x64xf32, #tpu.memory_space<hbm>>)
      tpu.yield
    }) : () -> ()
    %add3A_398 = arith.constant 640 : i32
    %add3A_399 = arith.addi %mul3A_362, %add3A_398 : i32
    %add3A_400 = arith.constant 640 : i32
    %add3A_401 = arith.addi %mul3A_362, %add3A_400 : i32
    %mul3A_402 = arith.constant 10400 : i32
    %mul3A_403 = arith.muli %add3A_315, %mul3A_402 : i32
    %add3A_404 = arith.addi %mul3A_403, %add3A_401 : i32
    "tpu.region"() ({
      %run_scoped3A = tpu.sem_alloc : memref<!tpu.dma_semaphore, #tpu.memory_space<semaphore_mem>>
      %dma_start3A = arith.constant 0 : i32
      %dma_start3A_410 = tpu.memref_slice %arg5[%add3A_404, %dma_start3A] : memref<83200x64xf32, #tpu.memory_space<hbm>> -> memref<8x64xf32, #tpu.memory_space<hbm>>
      %dma_start3A_411 = arith.constant 0 : i32
      %dma_start3A_412 = tpu.memref_slice %arg9[%add3A_399, %dma_start3A_411] : memref<10400x64xf32, #tpu.memory_space<vmem_shared>> -> memref<8x64xf32, #tpu.memory_space<vmem_shared>>
      tpu.enqueue_dma source(%dma_start3A_412 : memref<8x64xf32, #tpu.memory_space<vmem_shared>>) target(%dma_start3A_410 : memref<8x64xf32, #tpu.memory_space<hbm>>) target_semaphore(%run_scoped3A : memref<!tpu.dma_semaphore, #tpu.memory_space<semaphore_mem>>)
      %dma_wait3A = arith.constant 0 : i32
      %dma_wait3A_413 = tpu.memref_slice %arg5[%add3A_404, %dma_wait3A] : memref<83200x64xf32, #tpu.memory_space<hbm>> -> memref<8x64xf32, #tpu.memory_space<hbm>>
      %dma_wait3A_414 = arith.constant 0 : i32
      %dma_wait3A_415 = tpu.memref_slice %arg9[%add3A_399, %dma_wait3A_414] : memref<10400x64xf32, #tpu.memory_space<vmem_shared>> -> memref<8x64xf32, #tpu.memory_space<vmem_shared>>
      tpu.wait_dma2 semaphore(%run_scoped3A : memref<!tpu.dma_semaphore, #tpu.memory_space<semaphore_mem>>) src(%dma_wait3A_415 : memref<8x64xf32, #tpu.memory_space<vmem_shared>>) dst(%dma_wait3A_413 : memref<8x64xf32, #tpu.memory_space<hbm>>)
      tpu.yield
    }) : () -> ()
    %eq3A_405 = arith.constant 15 : i32
    %eq3A_406 = arith.cmpi eq, %arg1, %eq3A_405 : i32
    %convert_element_type3A_407 = arith.extui %eq3A_406 : i1 to i32
    %cond3A_408 = arith.constant 0 : i32
    %cond3A_409 = arith.cmpi ne, %convert_element_type3A_407, %cond3A_408 : i32
    scf.if %cond3A_409 {
      %mul3A_410 = arith.constant 10400 : i32
      %mul3A_411 = arith.muli %add3A_315, %mul3A_410 : i32
      %add3A_412 = arith.constant 10368 : i32
      %add3A_413 = arith.addi %mul3A_411, %add3A_412 : i32
      "tpu.region"() ({
        %run_scoped3A = tpu.sem_alloc : memref<!tpu.dma_semaphore, #tpu.memory_space<semaphore_mem>>
        %dma_start3A = arith.constant 0 : i32
        %dma_start3A_414 = tpu.memref_slice %arg5[%add3A_413, %dma_start3A] : memref<83200x64xf32, #tpu.memory_space<hbm>> -> memref<32x64xf32, #tpu.memory_space<hbm>>
        %dma_start3A_415 = arith.constant 10368 : i32
        %dma_start3A_416 = arith.constant 0 : i32
        %dma_start3A_417 = tpu.memref_slice %arg9[%dma_start3A_415, %dma_start3A_416] : memref<10400x64xf32, #tpu.memory_space<vmem_shared>> -> memref<32x64xf32, #tpu.memory_space<vmem_shared>>
        tpu.enqueue_dma source(%dma_start3A_417 : memref<32x64xf32, #tpu.memory_space<vmem_shared>>) target(%dma_start3A_414 : memref<32x64xf32, #tpu.memory_space<hbm>>) target_semaphore(%run_scoped3A : memref<!tpu.dma_semaphore, #tpu.memory_space<semaphore_mem>>)
        %dma_wait3A = arith.constant 0 : i32
        %dma_wait3A_418 = tpu.memref_slice %arg5[%add3A_413, %dma_wait3A] : memref<83200x64xf32, #tpu.memory_space<hbm>> -> memref<32x64xf32, #tpu.memory_space<hbm>>
        %dma_wait3A_419 = arith.constant 10368 : i32
        %dma_wait3A_420 = arith.constant 0 : i32
        %dma_wait3A_421 = tpu.memref_slice %arg9[%dma_wait3A_419, %dma_wait3A_420] : memref<10400x64xf32, #tpu.memory_space<vmem_shared>> -> memref<32x64xf32, #tpu.memory_space<vmem_shared>>
        tpu.wait_dma2 semaphore(%run_scoped3A : memref<!tpu.dma_semaphore, #tpu.memory_space<semaphore_mem>>) src(%dma_wait3A_421 : memref<32x64xf32, #tpu.memory_space<vmem_shared>>) dst(%dma_wait3A_418 : memref<32x64xf32, #tpu.memory_space<hbm>>)
        tpu.yield
      }) : () -> ()
    } else {
    }
    return
  }
}

module attributes {stable_mosaic.version = 14 : i64} {
  func.func @_tc1_body(%arg0: i32, %arg1: i32, %arg2: memref<400x64xf32, #tpu.memory_space<vmem>>, %arg3: memref<400x64xf32, #tpu.memory_space<vmem>>, %arg4: memref<400x64xf32, #tpu.memory_space<vmem>>, %arg5: memref<400x64xf32, #tpu.memory_space<vmem>>, %arg6: memref<256x128xf32, #tpu.memory_space<vmem>>, %arg7: memref<1x128xf32, #tpu.memory_space<vmem>>, %arg8: memref<400x16xf32, #tpu.memory_space<vmem>>, %arg9: memref<2x400x64xf32, #tpu.memory_space<vmem>>) attributes {dimension_semantics = [#tpu.dimension_semantics<arbitrary>, #tpu.dimension_semantics<arbitrary>], iteration_bounds = array<i64: 26, 4>, scalar_prefetch = 0 : i64, scratch_operands = 0 : i64, tpu.core_type = #tpu.core_type<tc>, window_params = [{transform_indices = @transform_0, window_bounds = array<i64: 400, 64>}, {transform_indices = @transform_1, window_bounds = array<i64: 400, 64>}, {transform_indices = @transform_2, window_bounds = array<i64: 400, 64>}, {transform_indices = @transform_3, window_bounds = array<i64: 400, 64>}, {transform_indices = @transform_4, window_bounds = array<i64: 256, 128>}, {transform_indices = @transform_5, window_bounds = array<i64: 1, 128>}, {transform_indices = @transform_6, window_bounds = array<i64: 400, 16>}, {transform_indices = @transform_7, window_bounds = array<i64: 2, 400, 64>}]} {
    %get3A = arith.constant 0 : index
    %get3A_0 = arith.constant 0 : index
    %get3A_1 = vector.load %arg6[%get3A, %get3A_0] : memref<256x128xf32, #tpu.memory_space<vmem>>, vector<256x128xf32>
    %get3A_2 = arith.constant 0 : index
    %get3A_3 = arith.constant 0 : index
    %get3A_4 = vector.load %arg2[%get3A_2, %get3A_3] : memref<400x64xf32, #tpu.memory_space<vmem>>, vector<400x64xf32>
    %slice3A = vector.extract_strided_slice %get3A_1 {offsets = [0, 0], sizes = [64, 128], strides = [1, 1]} : vector<256x128xf32> to vector<64x128xf32>
    %dot_general3A = arith.constant dense<0.000000e+00> : vector<400x128xf32>
    %dot_general3A_5 = tpu.matmul %get3A_4, %slice3A, %dot_general3A {dimension_numbers = #tpu.dot_dimension_numbers<[1], [0], [0], [1], [0, 0, 1, 1], [], []>, transpose_lhs_hint = false} : vector<400x64xf32>, vector<64x128xf32>, vector<400x128xf32> -> vector<400x128xf32>
    %get3A_6 = arith.constant 0 : index
    %get3A_7 = arith.constant 0 : index
    %get3A_8 = vector.load %arg3[%get3A_6, %get3A_7] : memref<400x64xf32, #tpu.memory_space<vmem>>, vector<400x64xf32>
    %slice3A_9 = vector.extract_strided_slice %get3A_1 {offsets = [64, 0], sizes = [64, 128], strides = [1, 1]} : vector<256x128xf32> to vector<64x128xf32>
    %dot_general3A_10 = arith.constant dense<0.000000e+00> : vector<400x128xf32>
    %dot_general3A_11 = tpu.matmul %get3A_8, %slice3A_9, %dot_general3A_10 {dimension_numbers = #tpu.dot_dimension_numbers<[1], [0], [0], [1], [0, 0, 1, 1], [], []>, transpose_lhs_hint = false} : vector<400x64xf32>, vector<64x128xf32>, vector<400x128xf32> -> vector<400x128xf32>
    %add3A = arith.addf %dot_general3A_5, %dot_general3A_11 : vector<400x128xf32>
    %get3A_12 = arith.constant 0 : index
    %get3A_13 = arith.constant 0 : index
    %get3A_14 = vector.load %arg4[%get3A_12, %get3A_13] : memref<400x64xf32, #tpu.memory_space<vmem>>, vector<400x64xf32>
    %slice3A_15 = vector.extract_strided_slice %get3A_1 {offsets = [128, 0], sizes = [64, 128], strides = [1, 1]} : vector<256x128xf32> to vector<64x128xf32>
    %dot_general3A_16 = arith.constant dense<0.000000e+00> : vector<400x128xf32>
    %dot_general3A_17 = tpu.matmul %get3A_14, %slice3A_15, %dot_general3A_16 {dimension_numbers = #tpu.dot_dimension_numbers<[1], [0], [0], [1], [0, 0, 1, 1], [], []>, transpose_lhs_hint = false} : vector<400x64xf32>, vector<64x128xf32>, vector<400x128xf32> -> vector<400x128xf32>
    %add3A_18 = arith.addf %add3A, %dot_general3A_17 : vector<400x128xf32>
    %get3A_19 = arith.constant 0 : index
    %get3A_20 = arith.constant 0 : index
    %get3A_21 = vector.load %arg5[%get3A_19, %get3A_20] : memref<400x64xf32, #tpu.memory_space<vmem>>, vector<400x64xf32>
    %slice3A_22 = vector.extract_strided_slice %get3A_1 {offsets = [192, 0], sizes = [64, 128], strides = [1, 1]} : vector<256x128xf32> to vector<64x128xf32>
    %dot_general3A_23 = arith.constant dense<0.000000e+00> : vector<400x128xf32>
    %dot_general3A_24 = tpu.matmul %get3A_21, %slice3A_22, %dot_general3A_23 {dimension_numbers = #tpu.dot_dimension_numbers<[1], [0], [0], [1], [0, 0, 1, 1], [], []>, transpose_lhs_hint = false} : vector<400x64xf32>, vector<64x128xf32>, vector<400x128xf32> -> vector<400x128xf32>
    %add3A_25 = arith.addf %add3A_18, %dot_general3A_24 : vector<400x128xf32>
    %get3A_26 = arith.constant 0 : index
    %get3A_27 = arith.constant 0 : index
    %get3A_28 = vector.load %arg8[%get3A_26, %get3A_27] : memref<400x16xf32, #tpu.memory_space<vmem>>, vector<400x1xf32>
    %get3A_29 = arith.constant 0 : index
    %get3A_30 = arith.constant 0 : index
    %get3A_31 = vector.load %arg7[%get3A_29, %get3A_30] : memref<1x128xf32, #tpu.memory_space<vmem>>, vector<1x128xf32>
    %mul3A = vector.broadcast %get3A_28 : vector<400x1xf32> to vector<400x128xf32>
    %mul3A_32 = vector.broadcast %get3A_31 : vector<1x128xf32> to vector<400x128xf32>
    %mul3A_33 = arith.mulf %mul3A, %mul3A_32 : vector<400x128xf32>
    %add3A_34 = arith.addf %add3A_25, %mul3A_33 : vector<400x128xf32>
    %tanh3A = math.tanh %add3A_34 : vector<400x128xf32>
    %slice3A_35 = vector.extract_strided_slice %tanh3A {offsets = [0, 0], sizes = [400, 64], strides = [1, 1]} : vector<400x128xf32> to vector<400x64xf32>
    %swap3A = arith.constant 0 : index
    %swap3A_36 = arith.constant 0 : index
    %swap3A_37 = arith.constant 0 : index
    %swap3A_38 = vector.load %arg9[%swap3A, %swap3A_36, %swap3A_37] : memref<2x400x64xf32, #tpu.memory_space<vmem>>, vector<1x400x64xf32>
    %swap3A_39 = vector.shape_cast %swap3A_38 : vector<1x400x64xf32> to vector<400x64xf32>
    %swap3A_40 = vector.shape_cast %slice3A_35 : vector<400x64xf32> to vector<1x400x64xf32>
    tpu.vector_store %arg9[%swap3A, %swap3A_36, %swap3A_37], %swap3A_40 {strides = array<i32>} : memref<2x400x64xf32, #tpu.memory_space<vmem>>, vector<1x400x64xf32>,
    %slice3A_41 = vector.extract_strided_slice %tanh3A {offsets = [0, 64], sizes = [400, 64], strides = [1, 1]} : vector<400x128xf32> to vector<400x64xf32>
    %swap3A_42 = arith.constant 1 : index
    %swap3A_43 = arith.constant 0 : index
    %swap3A_44 = arith.constant 0 : index
    %swap3A_45 = vector.load %arg9[%swap3A_42, %swap3A_43, %swap3A_44] : memref<2x400x64xf32, #tpu.memory_space<vmem>>, vector<1x400x64xf32>
    %swap3A_46 = vector.shape_cast %swap3A_45 : vector<1x400x64xf32> to vector<400x64xf32>
    %swap3A_47 = vector.shape_cast %slice3A_41 : vector<400x64xf32> to vector<1x400x64xf32>
    tpu.vector_store %arg9[%swap3A_42, %swap3A_43, %swap3A_44], %swap3A_47 {strides = array<i32>} : memref<2x400x64xf32, #tpu.memory_space<vmem>>, vector<1x400x64xf32>,
    return
  }
  func.func @transform_0(%arg0: i32, %arg1: i32) -> (i32, i32) {
    %c0_i32 = arith.constant 0 : i32
    %c0_i32_0 = arith.constant 0 : i32
    return %arg0, %c0_i32 : i32, i32
  }
  func.func @transform_1(%arg0: i32, %arg1: i32) -> (i32, i32) {
    %add3A = arith.constant 26 : i32
    %add3A_0 = arith.addi %add3A, %arg0 : i32
    %c0_i32 = arith.constant 0 : i32
    %c0_i32_1 = arith.constant 0 : i32
    return %add3A_0, %c0_i32 : i32, i32
  }
  func.func @transform_2(%arg0: i32, %arg1: i32) -> (i32, i32) {
    %add3A = arith.constant 52 : i32
    %add3A_0 = arith.addi %add3A, %arg0 : i32
    %c0_i32 = arith.constant 0 : i32
    %c0_i32_1 = arith.constant 0 : i32
    return %add3A_0, %c0_i32 : i32, i32
  }
  func.func @transform_3(%arg0: i32, %arg1: i32) -> (i32, i32) {
    %add3A = arith.constant 78 : i32
    %add3A_0 = arith.addi %add3A, %arg0 : i32
    %c0_i32 = arith.constant 0 : i32
    %c0_i32_1 = arith.constant 0 : i32
    return %add3A_0, %c0_i32 : i32, i32
  }
  func.func @transform_4(%arg0: i32, %arg1: i32) -> (i32, i32) {
    %c0_i32 = arith.constant 0 : i32
    %c0_i32_0 = arith.constant 0 : i32
    return %c0_i32, %arg1 : i32, i32
  }
  func.func @transform_5(%arg0: i32, %arg1: i32) -> (i32, i32) {
    %c0_i32 = arith.constant 0 : i32
    %c0_i32_0 = arith.constant 0 : i32
    return %c0_i32, %arg1 : i32, i32
  }
  func.func @transform_6(%arg0: i32, %arg1: i32) -> (i32, i32) {
    %c0_i32 = arith.constant 0 : i32
    %c0_i32_0 = arith.constant 0 : i32
    return %arg0, %c0_i32 : i32, i32
  }
  func.func @transform_7(%arg0: i32, %arg1: i32) -> (i32, i32, i32) {
    %c0_i32 = arith.constant 0 : i32
    %c0_i32_0 = arith.constant 0 : i32
    return %arg1, %arg0, %c0_i32 : i32, i32, i32
  }
}

module attributes {stable_mosaic.version = 14 : i64} {
  func.func @_tc2_body(%arg0: i32, %arg1: memref<400x64xf32, #tpu.memory_space<vmem>>, %arg2: memref<400x64xf32, #tpu.memory_space<vmem>>, %arg3: memref<400x64xf32, #tpu.memory_space<vmem>>, %arg4: memref<400x64xf32, #tpu.memory_space<vmem>>, %arg5: memref<400x64xf32, #tpu.memory_space<vmem>>, %arg6: memref<400x64xf32, #tpu.memory_space<vmem>>, %arg7: memref<400x64xf32, #tpu.memory_space<vmem>>, %arg8: memref<400x64xf32, #tpu.memory_space<vmem>>, %arg9: memref<512x512xf32, #tpu.memory_space<vmem>>, %arg10: memref<1x512xf32, #tpu.memory_space<vmem>>, %arg11: memref<400x16xf32, #tpu.memory_space<vmem>>, %arg12: memref<400x16xf32, #tpu.memory_space<vmem>>, %arg13: memref<512x512xf32, #tpu.memory_space<vmem>>, %arg14: memref<1x512xf32, #tpu.memory_space<vmem>>, %arg15: memref<8x128xf32, #tpu.memory_space<vmem>>) attributes {dimension_semantics = [#tpu.dimension_semantics<arbitrary>], iteration_bounds = array<i64: 25>, scalar_prefetch = 0 : i64, scratch_operands = 0 : i64, tpu.core_type = #tpu.core_type<tc>, window_params = [{transform_indices = @transform_0, window_bounds = array<i64: 400, 64>}, {transform_indices = @transform_1, window_bounds = array<i64: 400, 64>}, {transform_indices = @transform_2, window_bounds = array<i64: 400, 64>}, {transform_indices = @transform_3, window_bounds = array<i64: 400, 64>}, {transform_indices = @transform_4, window_bounds = array<i64: 400, 64>}, {transform_indices = @transform_5, window_bounds = array<i64: 400, 64>}, {transform_indices = @transform_6, window_bounds = array<i64: 400, 64>}, {transform_indices = @transform_7, window_bounds = array<i64: 400, 64>}, {pipeline_mode = #tpu.pipeline_mode<synchronous>, transform_indices = @transform_8, window_bounds = array<i64: 512, 512>}, {pipeline_mode = #tpu.pipeline_mode<synchronous>, transform_indices = @transform_9, window_bounds = array<i64: 1, 512>}, {transform_indices = @transform_10, window_bounds = array<i64: 400, 16>}, {transform_indices = @transform_11, window_bounds = array<i64: 400, 16>}, {pipeline_mode = #tpu.pipeline_mode<synchronous>, transform_indices = @transform_12, window_bounds = array<i64: 512, 512>}, {pipeline_mode = #tpu.pipeline_mode<synchronous>, transform_indices = @transform_13, window_bounds = array<i64: 1, 512>}, {pipeline_mode = #tpu.pipeline_mode<synchronous>, transform_indices = @transform_14, window_bounds = array<i64: 8, 128>}]} {
    %get3A = arith.constant 0 : index
    %get3A_0 = arith.constant 0 : index
    %get3A_1 = vector.load %arg9[%get3A, %get3A_0] : memref<512x512xf32, #tpu.memory_space<vmem>>, vector<512x512xf32>
    %get3A_2 = arith.constant 0 : index
    %get3A_3 = arith.constant 0 : index
    %get3A_4 = vector.load %arg1[%get3A_2, %get3A_3] : memref<400x64xf32, #tpu.memory_space<vmem>>, vector<400x64xf32>
    %slice3A = vector.extract_strided_slice %get3A_1 {offsets = [0, 0], sizes = [64, 512], strides = [1, 1]} : vector<512x512xf32> to vector<64x512xf32>
    %dot_general3A = arith.constant dense<0.000000e+00> : vector<400x512xf32>
    %dot_general3A_5 = tpu.matmul %get3A_4, %slice3A, %dot_general3A {dimension_numbers = #tpu.dot_dimension_numbers<[1], [0], [0], [1], [0, 0, 1, 1], [], []>, transpose_lhs_hint = false} : vector<400x64xf32>, vector<64x512xf32>, vector<400x512xf32> -> vector<400x512xf32>
    %get3A_6 = arith.constant 0 : index
    %get3A_7 = arith.constant 0 : index
    %get3A_8 = vector.load %arg2[%get3A_6, %get3A_7] : memref<400x64xf32, #tpu.memory_space<vmem>>, vector<400x64xf32>
    %slice3A_9 = vector.extract_strided_slice %get3A_1 {offsets = [64, 0], sizes = [64, 512], strides = [1, 1]} : vector<512x512xf32> to vector<64x512xf32>
    %dot_general3A_10 = arith.constant dense<0.000000e+00> : vector<400x512xf32>
    %dot_general3A_11 = tpu.matmul %get3A_8, %slice3A_9, %dot_general3A_10 {dimension_numbers = #tpu.dot_dimension_numbers<[1], [0], [0], [1], [0, 0, 1, 1], [], []>, transpose_lhs_hint = false} : vector<400x64xf32>, vector<64x512xf32>, vector<400x512xf32> -> vector<400x512xf32>
    %add3A = arith.addf %dot_general3A_5, %dot_general3A_11 : vector<400x512xf32>
    %get3A_12 = arith.constant 0 : index
    %get3A_13 = arith.constant 0 : index
    %get3A_14 = vector.load %arg3[%get3A_12, %get3A_13] : memref<400x64xf32, #tpu.memory_space<vmem>>, vector<400x64xf32>
    %slice3A_15 = vector.extract_strided_slice %get3A_1 {offsets = [128, 0], sizes = [64, 512], strides = [1, 1]} : vector<512x512xf32> to vector<64x512xf32>
    %dot_general3A_16 = arith.constant dense<0.000000e+00> : vector<400x512xf32>
    %dot_general3A_17 = tpu.matmul %get3A_14, %slice3A_15, %dot_general3A_16 {dimension_numbers = #tpu.dot_dimension_numbers<[1], [0], [0], [1], [0, 0, 1, 1], [], []>, transpose_lhs_hint = false} : vector<400x64xf32>, vector<64x512xf32>, vector<400x512xf32> -> vector<400x512xf32>
    %add3A_18 = arith.addf %add3A, %dot_general3A_17 : vector<400x512xf32>
    %get3A_19 = arith.constant 0 : index
    %get3A_20 = arith.constant 0 : index
    %get3A_21 = vector.load %arg4[%get3A_19, %get3A_20] : memref<400x64xf32, #tpu.memory_space<vmem>>, vector<400x64xf32>
    %slice3A_22 = vector.extract_strided_slice %get3A_1 {offsets = [192, 0], sizes = [64, 512], strides = [1, 1]} : vector<512x512xf32> to vector<64x512xf32>
    %dot_general3A_23 = arith.constant dense<0.000000e+00> : vector<400x512xf32>
    %dot_general3A_24 = tpu.matmul %get3A_21, %slice3A_22, %dot_general3A_23 {dimension_numbers = #tpu.dot_dimension_numbers<[1], [0], [0], [1], [0, 0, 1, 1], [], []>, transpose_lhs_hint = false} : vector<400x64xf32>, vector<64x512xf32>, vector<400x512xf32> -> vector<400x512xf32>
    %add3A_25 = arith.addf %add3A_18, %dot_general3A_24 : vector<400x512xf32>
    %get3A_26 = arith.constant 0 : index
    %get3A_27 = arith.constant 0 : index
    %get3A_28 = vector.load %arg5[%get3A_26, %get3A_27] : memref<400x64xf32, #tpu.memory_space<vmem>>, vector<400x64xf32>
    %slice3A_29 = vector.extract_strided_slice %get3A_1 {offsets = [256, 0], sizes = [64, 512], strides = [1, 1]} : vector<512x512xf32> to vector<64x512xf32>
    %dot_general3A_30 = arith.constant dense<0.000000e+00> : vector<400x512xf32>
    %dot_general3A_31 = tpu.matmul %get3A_28, %slice3A_29, %dot_general3A_30 {dimension_numbers = #tpu.dot_dimension_numbers<[1], [0], [0], [1], [0, 0, 1, 1], [], []>, transpose_lhs_hint = false} : vector<400x64xf32>, vector<64x512xf32>, vector<400x512xf32> -> vector<400x512xf32>
    %add3A_32 = arith.addf %add3A_25, %dot_general3A_31 : vector<400x512xf32>
    %get3A_33 = arith.constant 0 : index
    %get3A_34 = arith.constant 0 : index
    %get3A_35 = vector.load %arg6[%get3A_33, %get3A_34] : memref<400x64xf32, #tpu.memory_space<vmem>>, vector<400x64xf32>
    %slice3A_36 = vector.extract_strided_slice %get3A_1 {offsets = [320, 0], sizes = [64, 512], strides = [1, 1]} : vector<512x512xf32> to vector<64x512xf32>
    %dot_general3A_37 = arith.constant dense<0.000000e+00> : vector<400x512xf32>
    %dot_general3A_38 = tpu.matmul %get3A_35, %slice3A_36, %dot_general3A_37 {dimension_numbers = #tpu.dot_dimension_numbers<[1], [0], [0], [1], [0, 0, 1, 1], [], []>, transpose_lhs_hint = false} : vector<400x64xf32>, vector<64x512xf32>, vector<400x512xf32> -> vector<400x512xf32>
    %add3A_39 = arith.addf %add3A_32, %dot_general3A_38 : vector<400x512xf32>
    %get3A_40 = arith.constant 0 : index
    %get3A_41 = arith.constant 0 : index
    %get3A_42 = vector.load %arg7[%get3A_40, %get3A_41] : memref<400x64xf32, #tpu.memory_space<vmem>>, vector<400x64xf32>
    %slice3A_43 = vector.extract_strided_slice %get3A_1 {offsets = [384, 0], sizes = [64, 512], strides = [1, 1]} : vector<512x512xf32> to vector<64x512xf32>
    %dot_general3A_44 = arith.constant dense<0.000000e+00> : vector<400x512xf32>
    %dot_general3A_45 = tpu.matmul %get3A_42, %slice3A_43, %dot_general3A_44 {dimension_numbers = #tpu.dot_dimension_numbers<[1], [0], [0], [1], [0, 0, 1, 1], [], []>, transpose_lhs_hint = false} : vector<400x64xf32>, vector<64x512xf32>, vector<400x512xf32> -> vector<400x512xf32>
    %add3A_46 = arith.addf %add3A_39, %dot_general3A_45 : vector<400x512xf32>
    %get3A_47 = arith.constant 0 : index
    %get3A_48 = arith.constant 0 : index
    %get3A_49 = vector.load %arg8[%get3A_47, %get3A_48] : memref<400x64xf32, #tpu.memory_space<vmem>>, vector<400x64xf32>
    %slice3A_50 = vector.extract_strided_slice %get3A_1 {offsets = [448, 0], sizes = [64, 512], strides = [1, 1]} : vector<512x512xf32> to vector<64x512xf32>
    %dot_general3A_51 = arith.constant dense<0.000000e+00> : vector<400x512xf32>
    %dot_general3A_52 = tpu.matmul %get3A_49, %slice3A_50, %dot_general3A_51 {dimension_numbers = #tpu.dot_dimension_numbers<[1], [0], [0], [1], [0, 0, 1, 1], [], []>, transpose_lhs_hint = false} : vector<400x64xf32>, vector<64x512xf32>, vector<400x512xf32> -> vector<400x512xf32>
    %add3A_53 = arith.addf %add3A_46, %dot_general3A_52 : vector<400x512xf32>
    %get3A_54 = arith.constant 0 : index
    %get3A_55 = arith.constant 0 : index
    %get3A_56 = vector.load %arg11[%get3A_54, %get3A_55] : memref<400x16xf32, #tpu.memory_space<vmem>>, vector<400x1xf32>
    %get3A_57 = arith.constant 0 : index
    %get3A_58 = arith.constant 0 : index
    %get3A_59 = vector.load %arg10[%get3A_57, %get3A_58] : memref<1x512xf32, #tpu.memory_space<vmem>>, vector<1x512xf32>
    %mul3A = vector.broadcast %get3A_56 : vector<400x1xf32> to vector<400x512xf32>
    %mul3A_60 = vector.broadcast %get3A_59 : vector<1x512xf32> to vector<400x512xf32>
    %mul3A_61 = arith.mulf %mul3A, %mul3A_60 : vector<400x512xf32>
    %add3A_62 = arith.addf %add3A_53, %mul3A_61 : vector<400x512xf32>
    %tanh3A = math.tanh %add3A_62 : vector<400x512xf32>
    %get3A_63 = arith.constant 0 : index
    %get3A_64 = arith.constant 0 : index
    %get3A_65 = vector.load %arg13[%get3A_63, %get3A_64] : memref<512x512xf32, #tpu.memory_space<vmem>>, vector<512x512xf32>
    %reduce_sum3A = arith.constant dense<0.000000e+00> : vector<512xf32>
    %reduce_sum3A_66 = vector.multi_reduction <add>, %get3A_65, %reduce_sum3A [0] : vector<512x512xf32> to vector<512xf32>
    %broadcast_in_dim3A = vector.shape_cast %reduce_sum3A_66 : vector<512xf32> to vector<1x512xf32>
    %mul3A_67 = vector.broadcast %broadcast_in_dim3A : vector<1x512xf32> to vector<400x512xf32>
    %mul3A_68 = arith.mulf %tanh3A, %mul3A_67 : vector<400x512xf32>
    %reduce_sum3A_69 = arith.constant dense<0.000000e+00> : vector<400xf32>
    %reduce_sum3A_70 = vector.multi_reduction <add>, %mul3A_68, %reduce_sum3A_69 [1] : vector<400x512xf32> to vector<400xf32>
    %get3A_71 = arith.constant 0 : index
    %get3A_72 = arith.constant 0 : index
    %get3A_73 = vector.load %arg12[%get3A_71, %get3A_72] : memref<400x16xf32, #tpu.memory_space<vmem>>, vector<400x1xf32>
    %get3A_74 = vector.shape_cast %get3A_73 : vector<400x1xf32> to vector<400xf32>
    %mul3A_75 = arith.mulf %get3A_74, %reduce_sum3A_70 : vector<400xf32>
    %reduce_sum3A_76 = vector.shape_cast %mul3A_75 : vector<400xf32> to vector<1x400xf32>
    %reduce_sum3A_77 = arith.constant dense<0.000000e+00> : vector<1xf32>
    %reduce_sum3A_78 = vector.multi_reduction <add>, %reduce_sum3A_76, %reduce_sum3A_77 [1] : vector<1x400xf32> to vector<1xf32>
    %reduce_sum3A_79 = vector.shape_cast %reduce_sum3A_78 : vector<1xf32> to vector<1x1xf32>
    %reduce_sum3A_80 = vector.extract %reduce_sum3A_79[0, 0] : f32 from vector<1x1xf32>
    %eq3A = arith.constant 0 : i32
    %eq3A_81 = arith.cmpi eq, %arg0, %eq3A : i32
    %get3A_82 = arith.constant 0 : index
    %get3A_83 = arith.constant 0 : index
    %get3A_84 = vector.load %arg14[%get3A_82, %get3A_83] : memref<1x512xf32, #tpu.memory_space<vmem>>, vector<1x512xf32>
    %reduce_sum3A_85 = vector.shape_cast %get3A_84 : vector<1x512xf32> to vector<1x1x512xf32>
    %reduce_sum3A_86 = arith.constant dense<0.000000e+00> : vector<1xf32>
    %reduce_sum3A_87 = vector.multi_reduction <add>, %reduce_sum3A_85, %reduce_sum3A_86 [1, 2] : vector<1x1x512xf32> to vector<1xf32>
    %reduce_sum3A_88 = vector.shape_cast %reduce_sum3A_87 : vector<1xf32> to vector<1x1x1xf32>
    %reduce_sum3A_89 = vector.extract %reduce_sum3A_88[0, 0, 0] : f32 from vector<1x1x1xf32>
    %mul3A_90 = arith.constant 1.600000e+05 : f32
    %mul3A_91 = arith.mulf %mul3A_90, %reduce_sum3A_89 : f32
    %jit3A = arith.constant 0.000000e+00 : f32
    %select_n3A = arith.select %eq3A_81, %mul3A_91, %jit3A : f32
    %add3A_92 = arith.addf %reduce_sum3A_80, %select_n3A : f32
    %eq3A_93 = arith.constant 0 : i32
    %eq3A_94 = arith.cmpi eq, %arg0, %eq3A_93 : i32
    %convert_element_type3A = arith.extui %eq3A_94 : i1 to i32
    %cond3A = arith.constant 0 : i32
    %cond3A_95 = arith.cmpi ne, %convert_element_type3A, %cond3A : i32
    scf.if %cond3A_95 {
      %broadcast_in_dim3A_113 = arith.constant 0.000000e+00 : f32
      %broadcast_in_dim3A_114 = vector.broadcast %broadcast_in_dim3A_113 : f32 to vector<8x128xf32>
      %swap3A_115 = arith.constant 0 : index
      %swap3A_116 = arith.constant 0 : index
      %swap3A_117 = vector.load %arg15[%swap3A_115, %swap3A_116] : memref<8x128xf32, #tpu.memory_space<vmem>>, vector<8x128xf32>
      tpu.vector_store %arg15[%swap3A_115, %swap3A_116], %broadcast_in_dim3A_114 {strides = array<i32>} : memref<8x128xf32, #tpu.memory_space<vmem>>, vector<8x128xf32>,
    } else {
    }
    %iota3A = tpu.iota {dimensions = array<i32: 0>} : vector<8x128xi32>
    %iota3A_96 = tpu.iota {dimensions = array<i32: 1>} : vector<8x128xi32>
    %eq3A_97 = arith.constant 0 : i32
    %eq3A_98 = vector.broadcast %eq3A_97 : i32 to vector<8x128xi32>
    %eq3A_99 = arith.cmpi eq, %iota3A, %eq3A_98 : vector<8x128xi32>
    %eq3A_100 = arith.constant 0 : i32
    %eq3A_101 = vector.broadcast %eq3A_100 : i32 to vector<8x128xi32>
    %eq3A_102 = arith.cmpi eq, %iota3A_96, %eq3A_101 : vector<8x128xi32>
    %and3A = arith.andi %eq3A_99, %eq3A_102 : vector<8x128xi1>
    %convert_element_type3A_103 = arith.extui %and3A : vector<8x128xi1> to vector<8x128xi32>
    %convert_element_type3A_104 = arith.sitofp %convert_element_type3A_103 : vector<8x128xi32> to vector<8x128xf32>
    %get3A_105 = arith.constant 0 : index
    %get3A_106 = arith.constant 0 : index
    %get3A_107 = vector.load %arg15[%get3A_105, %get3A_106] : memref<8x128xf32, #tpu.memory_space<vmem>>, vector<8x128xf32>
    %mul3A_108 = vector.broadcast %add3A_92 : f32 to vector<8x128xf32>
    %mul3A_109 = arith.mulf %mul3A_108, %convert_element_type3A_104 : vector<8x128xf32>
    %add3A_110 = arith.addf %get3A_107, %mul3A_109 : vector<8x128xf32>
    %swap3A = arith.constant 0 : index
    %swap3A_111 = arith.constant 0 : index
    %swap3A_112 = vector.load %arg15[%swap3A, %swap3A_111] : memref<8x128xf32, #tpu.memory_space<vmem>>, vector<8x128xf32>
    tpu.vector_store %arg15[%swap3A, %swap3A_111], %add3A_110 {strides = array<i32>} : memref<8x128xf32, #tpu.memory_space<vmem>>, vector<8x128xf32>,
    return
  }
  func.func @transform_0(%arg0: i32) -> (i32, i32) {
    %add3A = arith.constant 0 : i32
    %add3A_0 = arith.addi %add3A, %arg0 : i32
    %c0_i32 = arith.constant 0 : i32
    %c0_i32_1 = arith.constant 0 : i32
    return %add3A_0, %c0_i32 : i32, i32
  }
  func.func @transform_1(%arg0: i32) -> (i32, i32) {
    %add3A = arith.constant 26 : i32
    %add3A_0 = arith.addi %add3A, %arg0 : i32
    %c0_i32 = arith.constant 0 : i32
    %c0_i32_1 = arith.constant 0 : i32
    return %add3A_0, %c0_i32 : i32, i32
  }
  func.func @transform_2(%arg0: i32) -> (i32, i32) {
    %add3A = arith.constant 52 : i32
    %add3A_0 = arith.addi %add3A, %arg0 : i32
    %c0_i32 = arith.constant 0 : i32
    %c0_i32_1 = arith.constant 0 : i32
    return %add3A_0, %c0_i32 : i32, i32
  }
  func.func @transform_3(%arg0: i32) -> (i32, i32) {
    %add3A = arith.constant 78 : i32
    %add3A_0 = arith.addi %add3A, %arg0 : i32
    %c0_i32 = arith.constant 0 : i32
    %c0_i32_1 = arith.constant 0 : i32
    return %add3A_0, %c0_i32 : i32, i32
  }
  func.func @transform_4(%arg0: i32) -> (i32, i32) {
    %add3A = arith.constant 104 : i32
    %add3A_0 = arith.addi %add3A, %arg0 : i32
    %c0_i32 = arith.constant 0 : i32
    %c0_i32_1 = arith.constant 0 : i32
    return %add3A_0, %c0_i32 : i32, i32
  }
  func.func @transform_5(%arg0: i32) -> (i32, i32) {
    %add3A = arith.constant 130 : i32
    %add3A_0 = arith.addi %add3A, %arg0 : i32
    %c0_i32 = arith.constant 0 : i32
    %c0_i32_1 = arith.constant 0 : i32
    return %add3A_0, %c0_i32 : i32, i32
  }
  func.func @transform_6(%arg0: i32) -> (i32, i32) {
    %add3A = arith.constant 156 : i32
    %add3A_0 = arith.addi %add3A, %arg0 : i32
    %c0_i32 = arith.constant 0 : i32
    %c0_i32_1 = arith.constant 0 : i32
    return %add3A_0, %c0_i32 : i32, i32
  }
  func.func @transform_7(%arg0: i32) -> (i32, i32) {
    %add3A = arith.constant 182 : i32
    %add3A_0 = arith.addi %add3A, %arg0 : i32
    %c0_i32 = arith.constant 0 : i32
    %c0_i32_1 = arith.constant 0 : i32
    return %add3A_0, %c0_i32 : i32, i32
  }
  func.func @transform_8(%arg0: i32) -> (i32, i32) {
    %c0_i32 = arith.constant 0 : i32
    %c0_i32_0 = arith.constant 0 : i32
    %c0_i32_1 = arith.constant 0 : i32
    return %c0_i32, %c0_i32_0 : i32, i32
  }
  func.func @transform_9(%arg0: i32) -> (i32, i32) {
    %c0_i32 = arith.constant 0 : i32
    %c0_i32_0 = arith.constant 0 : i32
    %c0_i32_1 = arith.constant 0 : i32
    return %c0_i32, %c0_i32_0 : i32, i32
  }
  func.func @transform_10(%arg0: i32) -> (i32, i32) {
    %c0_i32 = arith.constant 0 : i32
    %c0_i32_0 = arith.constant 0 : i32
    return %arg0, %c0_i32 : i32, i32
  }
  func.func @transform_11(%arg0: i32) -> (i32, i32) {
    %add3A = arith.constant 26 : i32
    %add3A_0 = arith.addi %add3A, %arg0 : i32
    %c0_i32 = arith.constant 0 : i32
    %c0_i32_1 = arith.constant 0 : i32
    return %add3A_0, %c0_i32 : i32, i32
  }
  func.func @transform_12(%arg0: i32) -> (i32, i32) {
    %c0_i32 = arith.constant 0 : i32
    %c0_i32_0 = arith.constant 0 : i32
    %c0_i32_1 = arith.constant 0 : i32
    return %c0_i32, %c0_i32_0 : i32, i32
  }
  func.func @transform_13(%arg0: i32) -> (i32, i32) {
    %c0_i32 = arith.constant 0 : i32
    %c0_i32_0 = arith.constant 0 : i32
    %c0_i32_1 = arith.constant 0 : i32
    return %c0_i32, %c0_i32_0 : i32, i32
  }
  func.func @transform_14(%arg0: i32) -> (i32, i32) {
    %c0_i32 = arith.constant 0 : i32
    %c0_i32_0 = arith.constant 0 : i32
    %c0_i32_1 = arith.constant 0 : i32
    return %c0_i32, %c0_i32_0 : i32, i32
  }
}

</mosaic_0001>

<sc_bundles>
// kernel: kernel.6.cloned.1.call-start
scs
__scs_entry_jumppad:
0x0: {  	(pc) =	sbr.rel $0x88, $3  }
0x1: {  	(tag) =	ssettag $0x0;
	lr =	simm.s32 $0x1  }
0x2: {  	[smem:$0x3F99] =	sst lr;
	_ =	strace $0xD0000000  }
0x3: {  	_ = 	snop  }
0x4: {  	_ = 	snop  }
0x5: {  	_ = 	snop  }
0x6: {  	_ = 	snop  }
0x7: {  	_ = 	snop  }
__scs_overlays_trampoline_lowered:
0x8: {  	[smem:$0x3FA8] =	sst s0  }
0x9: {  	[smem:$0x3FA9] =	sst s1  }
0xa: {  	[smem:$0x3FAA] =	sst s2  }
0xb: {  	[smem:$0x3FAB] =	sst s3  }
0xc: {  	[smem:$0x3FAC] =	sst s4  }
0xd: {  	[smem:$0x3FAD] =	sst s5  }
0xe: {  	[smem:$0x3FAE] =	sst s6  }
0xf: {  	[smem:$0x3FAF] =	sst s7  }
0x10: {  	[smem:$0x3FB0] =	sst s8  }
0x11: {  	[smem:$0x3FB1] =	sst s9;
	s0 =	simm.s32 @!p0 $0x0  }
0x12: {  	s1 =	sld [smem:$0x3F97];
	s0 =	simm.s32 @p0 $0x1  }
0x13: {  	[smem:$0x3FB2] =	sst s0;
	s0 =	simm.s32 @!p1 $0x0  }
0x14: {  	s2 =	sld [smem:$0x3F96];
	s0 =	simm.s32 @p1 $0x1  }
0x15: {  	[smem:$0x3FB3] =	sst s0;
	s0 =	simm.s32 @!p2 $0x0  }
0x16: {  	s3 =	sld [smem:$0x3FDB];
	s0 =	simm.s32 @p2 $0x1  }
0x17: {  	s4 =	simm.s32 $0x1BF5;
	[smem:$0x3FB5] =	sst s0  }
0x18: {  	s0 =	sld [smem:$0x3F98];
	_ =	swait.ge [sflag:s4], $0x0  }
0x19: {  	s7 =	sld [smem:$0x3F99]  }
0x1a: {  	s8 =	sadd.s32 $0xFFFFE003, lr  }
0x1b: {  	s9 =	sadd.s32 $0xFFFFFEF7, lr;
	s5 =	simm.s32 $0xFFFFFFFF;
	p2 =	slt.u32 s8, $0xFFFFF086  }
0x1c: {  	p1 =	slt.u32 s9, $0xF7A;
	s5 =	simm.s32 @!p2 $0x0  }
0x1d: {  	s5 =	simm.s32 @p1 $0x1;
	p0 =	seq.s32 s7, s2  }
0x1e: {  	s7 =	smul.u32 @!p0 $0xF7A, s2;
	p2 =	seq.s32 @!p0 s5, $0x0  }
0x1f: {  	s9 =	smul.u32 $0xF7A, s1;
	s8 =	simm.s32 @!p0 $0x1BF5;
	p2 =	por !p2, p0  }
0x20: {  	[sflag:s8] =	ssyncset.s32 @!p0 $0xFFFFF086;
	s6 =	sadd.s32 @!p0 s3, s7;
	s7 =	simm.s32 @!p0 $0x108  }
0x21: {  	s3 =	sadd.s32 s3, s9;
	s6 =	sadd.s32 @!p0 $0x88, s6;
	s7 =	simm.s32 @p2 $0x1082  }
0x22: {  	[simem:s7], [sflag:s8] =	dma.local @!p0 [hbm:s6], $0xF7A  }
0x23: {  	s9 =	sor.u32 $0xD0000000, s2;
	s6 =	simm.s32 $0x108;
	_ =	swait.ge @!p0 [sflag:s8], $0x0  }
0x24: {  	s3 =	sadd.s32 $0x88, s3;
	s6 =	simm.s32 @!p1 $0x1082;
	[sflag:s4] =	ssyncset.s32 $0xFFFFF086  }
0x25: {  	[simem:s6], [sflag:s4] =	dma.local [hbm:s3], $0xF7A  }
0x26: {  	[smem:$0x3F99] =	sst s1;
	(tag) =	ssettag s2;
	_ =	strace s9  }
0x27: {  	s1 =	sld [smem:$0x3FA9]  }
0x28: {  	s2 =	sld [smem:$0x3FAA]  }
0x29: {  	s4 =	sld [smem:$0x3FAC]  }
0x2a: {  	p0 =	seq.s32 s5, $0x0;
	s5 =	sld [smem:$0x3FAD]  }
0x2b: {  	s6 =	sld [smem:$0x3FAE]  }
0x2c: {  	s7 =	sld [smem:$0x3FAF]  }
0x2d: {  	s3 =	simm.s32 $0x108;
	s8 =	sld [smem:$0x3FB0]  }
0x2e: {  	s3 =	simm.s32 @!p0 $0x1082;
	s9 =	sld [smem:$0x3FB1]  }
0x2f: {  	lr =	sadd.s32 s0, s3;
	s0 =	sld [smem:$0x3FA8]  }
0x30: {  	s3 =	sld [smem:$0x3FAB]  }
0x31: {  	[smem:$0x3FB4] =	sst s10  }
0x32: {  	s10 =	sld [smem:$0x3FB2];
	_ =	sdelay $0x3  }
0x33: {  	p0 =	seq.s32 s10, $0x1;
	s10 =	sld [smem:$0x3FB4];
	_ =	sdelay $0x3  }
0x34: {  	[smem:$0x3FB4] =	sst s10  }
0x35: {  	s10 =	sld [smem:$0x3FB3];
	_ =	sdelay $0x3  }
0x36: {  	p1 =	seq.s32 s10, $0x1;
	s10 =	sld [smem:$0x3FB4];
	_ =	sdelay $0x3  }
0x37: {  	[smem:$0x3FB4] =	sst s10  }
0x38: {  	s10 =	sld [smem:$0x3FB5]  }
0x39: {  	_ = 	snop;
	(pc) =	sbr.ind lr, $3  }
0x3a: {  	_ = 	snop  }
0x3b: {  	_ = 	snop  }
0x3c: {  	p2 =	seq.s32 s10, $0x1;
	s10 =	sld [smem:$0x3FB4]  }
0x3d: {  	_ =	shalt  }
0x3e: {  	_ =	shalt  }
0x3f: {  	_ =	shalt  }
0x40: {  	_ =	shalt  }
0x41: {  	_ =	shalt  }
0x42: {  	_ =	shalt  }
0x43: {  	_ =	shalt  }
0x44: {  	_ =	shalt  }
0x45: {  	_ =	shalt  }
0x46: {  	_ =	shalt  }
0x47: {  	_ =	shalt  }
0x48: {  	_ =	shalt  }
0x49: {  	_ =	shalt  }
0x4a: {  	_ =	shalt  }
0x4b: {  	_ =	shalt  }
0x4c: {  	_ =	shalt  }
0x4d: {  	_ =	shalt  }
0x4e: {  	_ =	shalt  }
0x4f: {  	_ =	shalt  }
0x50: {  	_ =	shalt  }
0x51: {  	_ =	shalt  }
0x52: {  	_ =	shalt  }
0x53: {  	_ =	shalt  }
0x54: {  	_ =	shalt  }
0x55: {  	_ =	shalt  }
0x56: {  	_ =	shalt  }
0x57: {  	_ =	shalt  }
0x58: {  	_ =	shalt  }
0x59: {  	_ =	shalt  }
0x5a: {  	_ =	shalt  }
0x5b: {  	_ =	shalt  }
0x5c: {  	_ =	shalt  }
0x5d: {  	_ =	shalt  }
0x5e: {  	_ =	shalt  }
0x5f: {  	_ =	shalt  }
0x60: {  	_ =	shalt  }
0x61: {  	_ =	shalt  }
0x62: {  	_ =	shalt  }
0x63: {  	_ =	shalt  }
0x64: {  	_ =	shalt  }
0x65: {  	_ =	shalt  }
0x66: {  	_ =	shalt  }
0x67: {  	_ =	shalt  }
0x68: {  	_ =	shalt  }
0x69: {  	_ =	shalt  }
0x6a: {  	_ =	shalt  }
0x6b: {  	_ =	shalt  }
0x6c: {  	_ =	shalt  }
0x6d: {  	_ =	shalt  }
0x6e: {  	_ =	shalt  }
0x6f: {  	_ =	shalt  }
0x70: {  	_ =	shalt  }
0x71: {  	_ =	shalt  }
0x72: {  	_ =	shalt  }
0x73: {  	_ =	shalt  }
0x74: {  	_ =	shalt  }
0x75: {  	_ =	shalt  }
0x76: {  	_ =	shalt  }
0x77: {  	_ =	shalt  }
0x78: {  	_ =	shalt  }
0x79: {  	_ =	shalt  }
0x7a: {  	_ =	shalt  }
0x7b: {  	_ =	shalt  }
0x7c: {  	_ =	shalt  }
0x7d: {  	_ =	shalt  }
0x7e: {  	_ =	shalt  }
0x7f: {  	_ =	shalt  }
0x80: {  	_ =	shalt  }
0x81: {  	_ =	shalt  }
0x82: {  	_ =	shalt  }
0x83: {  	_ =	shalt  }
0x84: {  	_ =	shalt  }
0x85: {  	_ =	shalt  }
0x86: {  	_ =	shalt  }
0x87: {  	_ =	shalt  }
.Lfunc_end0:
.L_simem_size_0:
called_computation_lowered:
.L_overlay_start_0:
0x88: {  	s2 =	sld [smem:$0x3FD9]  }
0x89: {  	s3 =	sld [smem:$0x3FFE];
	_ =	sdelay $0x1  }
0x8a: {  	s1 =	srdreg.scid  }
0x8b: {  	s0 =	sand.u32 $0x1, s1  }
0x8c: {  	s16 =	sshll.u32 s0, $0xA;
	s2 =	sadd.s32 s3, s2  }
0x8d: {  	s2 =	sadd.s32 s2, s16  }
0x8e: {  	[smem:$0x3FC0] =	sst s2  }
0x8f: {  	_ = 	snop  }
0x90: {  	(tm) =	ssettm $0x1  }
0x91: {  	s17 =	sld [smem:$0x3FFB];
	_ =	sdelay $0x3  }
0x92: {  	_ =	strace s17  }
0x93: {  	s2 =	sld [smem:$0x3FFC];
	_ =	sdelay $0x3  }
0x94: {  	_ =	strace s2  }
0x95: {  	s2 =	sld [smem:$0x3FFD];
	_ =	sdelay $0x3  }
0x96: {  	_ =	strace s2  }
0x97: {  	_ =	strace $0x8FFFFFFF  }
0x98: {  	s18 =	sld [smem:$0x3FDB];
	_ =	sdelay $0x1  }
0x99: {  	s19 =	simm.s32 $_scs_section_size  }
0x9a: {  	s4 =	simm.s32 $_size__tile_overlayer_lowered;
	s5 =	simm.s32 $_tile_overlayer_lowered  }
0x9b: {  	s22 =	simm.s32 $0x1BFF;
	s21 =	sshll.u32 s5, $0x1;
	s2 =	sadd.s32 s19, s18  }
0x9c: {  	s6 =	simm.s32 $0x0;
	s20 =	sshll.u32 s4, $0x1;
	s4 =	sadd.s32 s21, s2  }
0x9d: {  	[timem:s6], [sflag:s22] =	dma.local [hbm:s4], s20  }
0x9e: {  	_ =	swait.ge [sflag:s22], s20  }
0x9f: {  	s3 =	ssub.s32 $0x0, s20;
	[sflag:s22] =	ssyncset.done $0x0  }
0xa0: {  	[sflag:s22] =	ssyncadd.s32 s3;
	_ =	sdelay $0x1  }
0xa1: {  	s23 =	simm.s32 $0x1B8B  }
0xa2: {  	_ =	swait.ge [sflag:s23], $0x1  }
0xa3: {  	[sflag:s23] =	ssyncset.done $0x0  }
0xa4: {  	s25 =	simm.s32 $0x1B8E;
	s24 =	sld [smem:$0x3FFE];
	[sflag:s23] =	ssyncadd.s32 $0xFFFFFFFF  }
0xa5: {  	s26 =	simm.s32 $execute0_lowered;
	[smem:$0x3FD2] =	sst s25  }
0xa6: {  	s4 =	sshll.u32 s26, $0x1;
	_ =	strace $0x80000046;
	[dreg:$0x1] =	wrdreg $0xFFFFFFFF  }
0xa7: {  	s28 =	simm.s32 $_size_execute0_lowered;
	s2 =	sadd.s32 s2, s4;
	[dreg:$0x0] =	wrdreg $0x0  }
0xa8: {  	s4 =	sshll.u32 s28, $0x1;
	[dreg:$0x2] =	wrdreg s2  }
0xa9: {  	[dreg:$0x3] =	wrdreg s4  }
0xaa: {  	[dreg:$0x4] =	wrdreg $0xC0  }
0xab: {  	_ =	task [dreg:s6], $0x5FFFF  }
0xac: {  	[dreg:$0x1] =	wrdreg $0xFFFFFFFF  }
0xad: {  	[dreg:$0x0] =	wrdreg $0x60  }
0xae: {  	[dreg:$0x2] =	wrdreg s24  }
0xaf: {  	[dreg:$0x3] =	wrdreg $0x122800  }
0xb0: {  	[dreg:$0x4] =	wrdreg $0x80000  }
0xb1: {  	[dreg:$0x5] =	wrdreg $0x9  }
0xb2: {  	_ =	task.clear_ibuf [dreg:s6], $0x6FFFF;
	_ =	strace $0x90000046  }
0xb3: {  	s29 =	simm.s32 $0x9;
	_ =	strace $0x80000048  }
0xb4: {  	_ =	swait.ge [sflag:s29], $0x1  }
0xb5: {  	[sflag:s29] =	ssyncadd.s32 $0xFFFFFFFF  }
0xb6: {  	_ =	strace $0x90000048  }
0xb7: {  	_ =	sfence  }
0xb8: {  	s30 =	sld [smem:$0x0];
	_ =	sdelay $0x2  }
0xb9: {  	s31 =	sshll.u32 s1, $0xD;
	s1 =	sshrl.u32 s1, $0x2  }
0xba: {  	s3 =	sand.u32 $0x4000, s31;
	s1 =	sadd.s32 s1, s30  }
0xbb: {  	s0 =	sor.u32 s3, s0;
	s1 =	sshll.u32 s1, $0x11  }
0xbc: {  	s0 =	sor.u32 s1, s0  }
0xbd: {  	s0 =	sadd.s32 $0x8F2B, s0  }
0xbe: {  	[sflag:s0] =	ssyncadd.remote.s32 $0x1  }
0xbf: {  	_ =	sfence.sel $0xFFFF  }
0xc0: {  	[dreg:$0x0] =	wrdreg $0xFFFFFFFF;
	(pc) =	sbr.abs _section_cstart, $3  }
0xc1: {  	[dreg:$0x1] =	wrdreg $0xFFFFFFFF  }
0xc2: {  	_ =	task.clear_ibuf [dreg:s6], $0x2FFFF;
	_ =	strace $0x9FFFFFFF  }
0xc3: {  	(tm) =	ssettm $0x7FFFFFFF  }
tec
execute0_lowered:
.L_overlay_start_1:
0x0: {  	(tag) =	ssettag $0x1  }
0x1: {  	s1 =	rddreg [dreg:$0x0];
	s0 =	srdreg.scid  }
0x2: {  	s2 =	simm.s32 $0x0;
	s15 =	stileid.u32;
	s5 =	sand.u32 $0x1, s0  }
0x3: {  	[smem:$0x7FF] =	sst s2;
	s11 =	smul.u32 $0x288, s15;
	s9 =	sadd.s32 $0x66A00, s1  }
0x4: {  	s12 =	sadd.s32 $0x5C600, s1;
	p1 =	sne.s32 s15, $0xF;
	s10 =	smul.u32 $0x28A0, s5  }
0x5: {  	s0 =	ssub.s32 $0x2, s5;
	s16 =	smul.u32 $0x28A00, s5;
	p0 =	sne.s32 s5, $0x0  }
0x6: {  	s26 =	sshrl.u32 s0, $0x1;
	s8 =	sadd.s32 $0x80, s11;
	s6 =	sadd.s32 $0x100, s11  }
0x7: {  	s2 =	sadd.s32 $0x180, s11;
	s3 =	sadd.s32 $0x200, s11;
	s4 =	sadd.s32 $0x280, s11  }
0x8: {  	s0 =	ssub.s32 s0, s26;
	s7 =	sadd.s32 s11, s10;
	s29 =	sadd.s32 s10, s8  }
0x9: {  	s13 =	sadd.s32 s10, s6;
	s14 =	sadd.s32 s10, s2;
	s7 =	sshll.u32 s7, $0x1  }
0xa: {  	s18 =	sshrl.u32 s16, $0x3;
	s13 =	sshll.u32 s13, $0x1;
	s7 =	sadd.s32 s12, s7  }
0xb: {  	s30 =	sadd.s32 s12, s13;
	s13 =	sshll.u32 s14, $0x1;
	s14 =	sadd.s32 s10, s3  }
0xc: {  	s10 =	sadd.s32 s10, s4;
	[dreg:$0x4] =	wrdreg s7;
	s7 =	sshll.u32 s29, $0x1  }
0xd: {  	[dreg:$0x6] =	wrdreg s30;
	s10 =	sshll.u32 s10, $0x1;
	s7 =	sadd.s32 s12, s7  }
0xe: {  	s0 =	smax.u32 s0, $0x1;
	s10 =	sadd.s32 s12, s10;
	[dreg:$0x5] =	wrdreg s7  }
0xf: {  	s30 =	smul.u32 $0x145000, s5;
	s7 =	sadd.s32 s12, s13;
	[dreg:$0x9] =	wrdreg s10  }
0x10: {  	s13 =	sshll.u32 s14, $0x1;
	[dreg:$0x7] =	wrdreg s7;
	s7 =	smul.u32 $0x5140, s5  }
0x11: {  	s10 =	sadd.s32 s12, s18;
	s18 =	sshrl.u32 s30, $0x3;
	s13 =	sadd.s32 s12, s13  }
0x12: {  	s30 =	smul.u32 $0x500, s15;
	[dreg:$0x8] =	wrdreg s13;
	s17 =	sadd.s32 s11, s7  }
0x13: {  	s20 =	sadd.s32 s7, s8;
	s21 =	sadd.s32 s7, s6;
	s22 =	sadd.s32 s7, s2  }
0x14: {  	s26 =	sadd.s32 s7, s3;
	s29 =	sadd.s32 s7, s4;
	s13 =	sshll.u32 s17, $0x3  }
0x15: {  	s12 =	sshll.u32 s20, $0x3;
	s23 =	sshll.u32 s21, $0x3;
	s24 =	sshll.u32 s22, $0x3  }
0x16: {  	s16 =	sshll.u32 s29, $0x3;
	s17 =	sadd.s32 $0x28A0, s7;
	s19 =	sadd.s32 s9, s13  }
0x17: {  	s12 =	sadd.s32 s9, s12;
	s25 =	sadd.s32 s9, s24;
	s11 =	sadd.s32 s11, s17  }
0x18: {  	s21 =	sadd.s32 s6, s17;
	s29 =	sadd.s32 s4, s17;
	[dreg:$0xa] =	wrdreg s19  }
0x19: {  	s13 =	smul.u32 $0xA200, s15;
	s6 =	sshll.u32 s6, $0x6;
	[dreg:$0xb] =	wrdreg s12  }
0x1a: {  	s12 =	sadd.s32 s9, s23;
	[dreg:$0xd] =	wrdreg s25;
	s11 =	sshll.u32 s11, $0x3  }
0x1b: {  	s19 =	sadd.s32 s8, s17;
	s22 =	sshll.u32 s21, $0x3;
	s23 =	sadd.s32 s2, s17  }
0x1c: {  	s25 =	sadd.s32 s3, s17;
	s21 =	rddreg [dreg:$0x2];
	s17 =	sshrl.u32 s6, $0x2  }
0x1d: {  	[dreg:$0xc] =	wrdreg s12;
	s12 =	sshll.u32 s26, $0x3;
	s11 =	sadd.s32 s9, s11  }
0x1e: {  	s20 =	sshll.u32 s19, $0x3;
	s24 =	sshll.u32 s23, $0x3;
	s26 =	sshll.u32 s25, $0x3  }
0x1f: {  	s19 =	rddreg [dreg:$0x1];
	s23 =	sadd.s32 $0xB200, s1;
	s12 =	sadd.s32 s9, s12  }
0x20: {  	[dreg:$0x10] =	wrdreg s11;
	s11 =	sadd.s32 s9, s20;
	s25 =	sadd.s32 s17, s19  }
0x21: {  	s20 =	sshll.u32 s2, $0x6;
	s17 =	sadd.s32 s6, s21;
	[dreg:$0xe] =	wrdreg s12  }
0x22: {  	s12 =	sadd.s32 s9, s16;
	[dreg:$0x11] =	wrdreg s11;
	s11 =	sadd.s32 s9, s22  }
0x23: {  	s16 =	sshll.u32 s8, $0x6;
	s22 =	sshll.u32 s3, $0x6;
	[dreg:$0xf] =	wrdreg s12  }
0x24: {  	s12 =	sadd.s32 s9, s18;
	[dreg:$0x12] =	wrdreg s11;
	s11 =	sadd.s32 s9, s24  }
0x25: {  	s8 =	sshrl.u32 s16, $0x2;
	s3 =	sshrl.u32 s22, $0x2;
	s16 =	sadd.s32 s16, s21  }
0x26: {  	s22 =	sadd.s32 s22, s21;
	[dreg:$0x13] =	wrdreg s11;
	s11 =	sadd.s32 s9, s26  }
0x27: {  	s24 =	sadd.s32 s8, s19;
	[dreg:$0x14] =	wrdreg s11;
	s11 =	sshll.u32 s29, $0x3  }
0x28: {  	s28 =	sadd.s32 s3, s19;
	s9 =	sadd.s32 s9, s11;
	s11 =	sadd.s32 s30, s1  }
0x29: {  	s29 =	sshrl.u32 s20, $0x2;
	[dreg:$0x15] =	wrdreg s9;
	s14 =	sadd.s32 $0x6200, s11  }
0x2a: {  	s5 =	sadd.s32 $0x1200, s11;
	_ =	strace $0x80000047;
	[dreg:$0x16] =	wrdreg s14  }
0x2b: {  	s20 =	sadd.s32 s20, s21;
	s1 =	sshrl.u32 s13, $0x2;
	[dreg:$0x17] =	wrdreg s5  }
0x2c: {  	s30 =	smul.u32 $0x28800, s15;
	s26 =	sadd.s32 s29, s19;
	[dreg:$0x19] =	wrdreg s16  }
0x2d: {  	s29 =	sadd.s32 $0x14400, s12;
	s15 =	simm.s32 $0x7000;
	[dreg:$0x1a] =	wrdreg s17  }
0x2e: {  	s18 =	sadd.s32 s1, s19;
	s11 =	sshll.u32 s4, $0x6;
	[dreg:$0x1b] =	wrdreg s20  }
0x2f: {  	s1 =	sadd.s32 $0x28800, s19;
	s4 =	sshrl.u32 s11, $0x2;
	[dreg:$0x1c] =	wrdreg s22  }
0x30: {  	s13 =	sshrl.u32 s30, $0x2;
	s14 =	sadd.s32 $0x5100, s10;
	[dreg:$0x1d] =	wrdreg s29  }
0x31: {  	s6 =	sadd.s32 s11, s21;
	s30 =	sadd.s32 $0x28900, s12;
	[dreg:$0x1f] =	wrdreg s0  }
0x32: {  	s11 =	sadd.s32 $0xA2000, s21;
	s12 =	simm.s32 $0x2;
	s16 =	simm.s32 $0x5000  }
0x33: {  	s17 =	simm.s32 $0x1;
	s20 =	simm.s32 $0x0;
	[smem:$0x7FD] =	sst s1  }
0x34: {  	s4 =	sadd.s32 s4, s19;
	[dreg:$0x18] =	wrdreg s14;
	s31 =	sadd.s32 s13, s21  }
0x35: {  	v1 =	vimm.f32 $0.0e+00;
	v2 =	vimm.f32 $1.000000000e+00;
	v0 =	vmov s7;
	[dreg:$0x1e] =	wrdreg s30;
	s13 =	simm.s32 $0x7800;
	s14 =	simm.s32 $0x80  }
.LBB2_1:
0x36: {  	s0 =	simm.s32 $0x0;
	s7 =	rddreg [dreg:$0x16]  }
0x37: {  	[tilespmem:s0], [sflag:$0x2] =	stream.linear.gather [hbm4b:s7+s0], $0x2800, $0x38;
	[tilespmem:$0x14B20] =	vst v63  }
0x38: {  	_ =	swait.ge [sflag:s12], $0x2800  }
0x39: {  	[sflag:s12] =	ssyncset.done $0x0  }
0x3a: {  	s2 =	simm.s32 $0x2800;
	s30 =	rddreg [dreg:$0x17];
	[sflag:s12] =	ssyncadd.s32 $0xFFFFD800  }
0x3b: {  	[tilespmem:s2], [sflag:$0x2] =	stream.linear.gather [hbm4b:s30+s0], $0x2800, $0x38;
	[tilespmem:$0x14B20] =	vst v63  }
0x3c: {  	_ =	swait.ge [sflag:s12], $0x2800  }
0x3d: {  	[sflag:s12] =	ssyncset.done $0x0  }
0x3e: {  	s0 =	simm.s32 $0x0;
	[sflag:s12] =	ssyncadd.s32 $0xFFFFD800  }
.LBB2_2:
0x3f: {  	p2 =	sne.s32 s0, $0x1FC0  }
.Ltmp0:
0x40: {  	_ = 	snop;
	(pc) =	sbr.rel @p2 .LBB2_2-.Ltmp0, $3  }
0x41: {  	_ =	sdelay $0x1  }
0x42: {  	s7 =	sshra.s32 s0, $0x2  }
0x43: {  	s0 =	sadd.s32 $0x40, s0;
	[tilespmem:s7+$0x7800] =	vst v1  }
0x44: {  	s0 =	simm.s32 $0x40;
	s7 =	simm.s32 $0x0  }
.LBB2_4:
0x45: {  	p2 =	sne.s32 s0, $0x1FC0;
	[tilespmem:s7+$0x7000] =	vst v2;
	s7 =	smov.u32 s0;
	s0 =	sadd.s32 $0x40, s0  }
.Ltmp1:
0x46: {  	(pc) =	sbr.rel @p2 .LBB2_4-.Ltmp1, $2  }
0x47: {  	_ =	sdelay $0x2  }
0x48: {  	s7 =	sshra.s32 s7, $0x2  }
0x49: {  	[tilespmem:s7+$0x7000] =	vst v2  }
0x4a: {  	[spmem:s18] =	stream.linear.scatter [tilespmem:s13], [sflag:$0x2], $0x800, $0x38;
	[tilespmem:$0x14B20] =	vst v63  }
0x4b: {  	_ =	swait.ge [sflag:s12], $0x800  }
0x4c: {  	[sflag:s12] =	ssyncset.done $0x0  }
0x4d: {  	[sflag:s12] =	ssyncadd.s32 $0xFFFFF800  }
0x4e: {  	[spmem:s24] =	stream.linear.scatter [tilespmem:s13], [sflag:$0x2], $0x800, $0x38;
	[tilespmem:$0x14B20] =	vst v63  }
0x4f: {  	_ =	swait.ge [sflag:s12], $0x800  }
0x50: {  	[sflag:s12] =	ssyncset.done $0x0  }
0x51: {  	[sflag:s12] =	ssyncadd.s32 $0xFFFFF800  }
0x52: {  	[spmem:s25] =	stream.linear.scatter [tilespmem:s13], [sflag:$0x2], $0x800, $0x38;
	[tilespmem:$0x14B20] =	vst v63  }
0x53: {  	_ =	swait.ge [sflag:s12], $0x800  }
0x54: {  	[sflag:s12] =	ssyncset.done $0x0  }
0x55: {  	[sflag:s12] =	ssyncadd.s32 $0xFFFFF800  }
0x56: {  	[spmem:s26] =	stream.linear.scatter [tilespmem:s13], [sflag:$0x2], $0x800, $0x38;
	[tilespmem:$0x14B20] =	vst v63  }
0x57: {  	_ =	swait.ge [sflag:s12], $0x800  }
0x58: {  	[sflag:s12] =	ssyncset.done $0x0  }
0x59: {  	[sflag:s12] =	ssyncadd.s32 $0xFFFFF800  }
0x5a: {  	[spmem:s28] =	stream.linear.scatter [tilespmem:s13], [sflag:$0x2], $0x800, $0x38;
	[tilespmem:$0x14B20] =	vst v63  }
0x5b: {  	_ =	swait.ge [sflag:s12], $0x800  }
0x5c: {  	[sflag:s12] =	ssyncset.done $0x0  }
0x5d: {  	[sflag:s12] =	ssyncadd.s32 $0xFFFFF800  }
0x5e: {  	[spmem:s4] =	stream.linear.scatter [tilespmem:s13], [sflag:$0x2], $0x80, $0x38;
	[tilespmem:$0x14B20] =	vst v63  }
0x5f: {  	_ =	swait.ge [sflag:s12], $0x80  }
0x60: {  	[sflag:s12] =	ssyncset.done $0x0  }
0x61: {  	s0 =	simm.s32 @!p1 $0x7800;
	[sflag:s12] =	ssyncadd.s32 $0xFFFFFF80  }
0x62: {  	[spmem:s1] =	stream.linear.scatter @!p1 [tilespmem:s0], [sflag:$0x2], $0x200, $0x38;
	[tilespmem:$0x14B20] =	vst v63  }
0x63: {  	s0 =	simm.s32 @!p1 $0x2  }
0x64: {  	_ =	swait.ge @!p1 [sflag:s0], $0x200  }
0x65: {  	s7 =	simm.s32 @!p0 $0x2800;
	[sflag:s0] =	ssyncset.done @!p1 $0x0  }
0x66: {  	s7 =	simm.s32 @p0 $0x0;
	[sflag:s0] =	ssyncadd.s32 @!p1 $0xFFFFFE00;
	s0 =	simm.s32 @!p0 $0x3  }
0x67: {  	s8 =	sadd.s32 $0x0, s7;
	[bflag:$0x0] =	sbarrier.arrive $0xFFFF;
	s0 =	simm.s32 @p0 $0x2  }
0x68: {  	[spmem:s19] =	stream.indirect.scatter.add.f32 [tilespmem:s15], [sflag:s0], $0x10, s8, s14, $0xb8;
	[tilespmem:$0x14B20] =	vst v63  }
0x69: {  	_ =	swait.ge [sflag:s0], $0x800  }
0x6a: {  	s9 =	simm.s32 $0x200;
	s8 =	simm.s32 $0x400;
	[sflag:s0] =	ssyncset.done $0x0  }
.LBB2_6:
0x6b: {  	s22 =	smov.u32 s8;
	s8 =	sadd.s32 $0x200, s8  }
0x6c: {  	[sflag:s0] =	ssyncadd.s32 $0xFFFFF800;
	p2 =	sne.s32 s8, $0xA000  }
.Ltmp2:
0x6d: {  	s9 =	sshra.s32 s9, $0x2;
	(pc) =	sbr.rel @p2 .LBB2_6-.Ltmp2, $4  }
0x6e: {  	s9 =	sadd.s32 s9, s7  }
0x6f: {  	[spmem:s19] =	stream.indirect.scatter.add.f32 [tilespmem:s15], [sflag:s0], $0x10, s9, s14, $0xb8;
	[tilespmem:$0x14B20] =	vst v63  }
0x70: {  	s9 =	smov.u32 s22;
	_ =	swait.ge [sflag:s0], $0x800  }
0x71: {  	[sflag:s0] =	ssyncset.done $0x0  }
0x72: {  	s7 =	simm.s32 @!p0 $0x2800  }
0x73: {  	s8 =	simm.s32 @!p0 $0x3;
	s9 =	sshra.s32 s9, $0x2;
	s7 =	simm.s32 @p0 $0x0  }
0x74: {  	[sflag:s0] =	ssyncadd.s32 $0xFFFFF800;
	s8 =	simm.s32 @p0 $0x2;
	s7 =	sadd.s32 s9, s7  }
0x75: {  	[spmem:s19] =	stream.indirect.scatter.add.f32 [tilespmem:s15], [sflag:s8], $0x10, s7, s14, $0xb8;
	[tilespmem:$0x14B20] =	vst v63  }
0x76: {  	_ =	swait.ge [sflag:s8], $0x800  }
0x77: {  	[sflag:s8] =	ssyncset.done $0x0  }
0x78: {  	s9 =	stileid.u32;
	[sflag:s8] =	ssyncadd.s32 $0xFFFFF800  }
0x79: {  	s0 =	sshll.u32 s9, $0x6;
	[bflag:$0x0] =	sbarrier.arrive $0xFFFF  }
0x7a: {  	s10 =	sshrl.u32 s18, $0x3;
	s22 =	sor.u32 $0x1C02, s0;
	s29 =	rddreg [dreg:$0x4]  }
0x7b: {  	[hbm:s29], [sflag:s22] =	dma.local [spmem:s10], $0x100  }
0x7c: {  	_ =	swait.ge [sflag:s12], $0x100  }
0x7d: {  	[sflag:s12] =	ssyncset.done $0x0  }
0x7e: {  	s30 =	sshrl.u32 s24, $0x3;
	s2 =	rddreg [dreg:$0x5];
	[sflag:s12] =	ssyncadd.s32 $0xFFFFFF00  }
0x7f: {  	[hbm:s2], [sflag:s22] =	dma.local [spmem:s30], $0x100  }
0x80: {  	_ =	swait.ge [sflag:s12], $0x100  }
0x81: {  	[sflag:s12] =	ssyncset.done $0x0  }
0x82: {  	s3 =	sshrl.u32 s25, $0x3;
	s5 =	rddreg [dreg:$0x6];
	[sflag:s12] =	ssyncadd.s32 $0xFFFFFF00  }
0x83: {  	[hbm:s5], [sflag:s22] =	dma.local [spmem:s3], $0x100  }
0x84: {  	_ =	swait.ge [sflag:s12], $0x100  }
0x85: {  	[sflag:s12] =	ssyncset.done $0x0  }
0x86: {  	s7 =	sshrl.u32 s26, $0x3;
	s8 =	rddreg [dreg:$0x7];
	[sflag:s12] =	ssyncadd.s32 $0xFFFFFF00  }
0x87: {  	[hbm:s8], [sflag:s22] =	dma.local [spmem:s7], $0x100  }
0x88: {  	_ =	swait.ge [sflag:s12], $0x100  }
0x89: {  	[sflag:s12] =	ssyncset.done $0x0  }
0x8a: {  	s9 =	sshrl.u32 s28, $0x3;
	s10 =	rddreg [dreg:$0x8];
	[sflag:s12] =	ssyncadd.s32 $0xFFFFFF00  }
0x8b: {  	[hbm:s10], [sflag:s22] =	dma.local [spmem:s9], $0x100  }
0x8c: {  	_ =	swait.ge [sflag:s12], $0x100  }
0x8d: {  	[sflag:s12] =	ssyncset.done $0x0  }
0x8e: {  	s29 =	sshrl.u32 s4, $0x3;
	s30 =	rddreg [dreg:$0x9];
	[sflag:s12] =	ssyncadd.s32 $0xFFFFFF00  }
0x8f: {  	[hbm:s30], [sflag:s22] =	dma.local [spmem:s29], $0x10  }
0x90: {  	_ =	swait.ge [sflag:s12], $0x10  }
0x91: {  	[sflag:s12] =	ssyncset.done $0x0  }
0x92: {  	s0 =	sshrl.u32 @!p1 s1, $0x3;
	s1 =	rddreg [dreg:$0x18];
	[sflag:s12] =	ssyncadd.s32 $0xFFFFFFF0  }
0x93: {  	[hbm:s1], [sflag:s22] =	dma.local @!p1 [spmem:s0], $0x40  }
0x94: {  	s0 =	simm.s32 @!p1 $0x2  }
0x95: {  	_ =	swait.ge @!p1 [sflag:s0], $0x40  }
0x96: {  	[sflag:s0] =	ssyncset.done @!p1 $0x0  }
0x97: {  	[sflag:s0] =	ssyncadd.s32 @!p1 $0xFFFFFFC0;
	s0 =	simm.s32 $0x0  }
0x98: {  	v5 =	vld [tilespmem:s0+$0x0]  }
0x99: {  	v7 =	vld [tilespmem:s0+$0x10]  }
0x9a: {  	v6 =	vld [tilespmem:s0+$0x20]  }
0x9b: {  	v4 =	vld [tilespmem:s0+$0x30]  }
0x9c: {  	v3 =	vld [tilespmem:s0+$0x40]  }
0x9d: {  	v8 =	vadd.s32 v0, v5;
	v5 =	vld [tilespmem:s0+$0x50]  }
0x9e: {  	s7 =	simm.s32 $0x200;
	[tilespmem:s0+$0x0] =	vst v8;
	v8 =	vadd.s32 v0, v7;
	v7 =	vld [tilespmem:s0+$0x60]  }
.LBB2_8:
0x9f: {  	s8 =	sshra.s32 s7, $0x2;
	p2 =	sne.s32 s7, $0x9E00;
	[tilespmem:s0+$0x10] =	vst v8;
	v6 =	vadd.s32 v0, v6;
	v8 =	vld [tilespmem:s0+$0x70]  }
0xa0: {  	v9 =	vld [tilespmem:s8+$0x0];
	[tilespmem:s0+$0x20] =	vst v6;
	v4 =	vadd.s32 v0, v4  }
0xa1: {  	v10 =	vld [tilespmem:s8+$0x10];
	[tilespmem:s0+$0x30] =	vst v4;
	v3 =	vadd.s32 v0, v3  }
.Ltmp3:
0xa2: {  	v6 =	vld [tilespmem:s8+$0x20];
	[tilespmem:s0+$0x40] =	vst v3;
	v3 =	vadd.s32 v0, v5;
	(pc) =	sbr.rel @p2 .LBB2_8-.Ltmp3, $4  }
0xa3: {  	v4 =	vld [tilespmem:s8+$0x30];
	[tilespmem:s0+$0x50] =	vst v3;
	v5 =	vadd.s32 v0, v7  }
0xa4: {  	v3 =	vld [tilespmem:s8+$0x40];
	[tilespmem:s0+$0x60] =	vst v5;
	v7 =	vadd.s32 v0, v8  }
0xa5: {  	v8 =	vadd.s32 v0, v9;
	v5 =	vld [tilespmem:s8+$0x50];
	[tilespmem:s0+$0x70] =	vst v7;
	s0 =	smov.u32 s8  }
0xa6: {  	s7 =	sadd.s32 $0x200, s7;
	[tilespmem:s0+$0x0] =	vst v8;
	v8 =	vadd.s32 v0, v10;
	v7 =	vld [tilespmem:s0+$0x60]  }
0xa7: {  	[tilespmem:s0+$0x10] =	vst v8;
	v6 =	vadd.s32 v0, v6;
	v63 =	vld [tilespmem:s0+$0x70]  }
0xa8: {  	[tilespmem:s0+$0x20] =	vst v6;
	v4 =	vadd.s32 v0, v4  }
0xa9: {  	[tilespmem:s0+$0x30] =	vst v4;
	v3 =	vadd.s32 v0, v3  }
0xaa: {  	[tilespmem:s0+$0x40] =	vst v3;
	v3 =	vadd.s32 v0, v5  }
0xab: {  	[tilespmem:s0+$0x50] =	vst v3;
	v3 =	vadd.s32 v0, v7  }
0xac: {  	[tilespmem:s0+$0x60] =	vst v3;
	v3 =	vadd.s32 v0, v63  }
0xad: {  	s7 =	simm.s32 $0x100;
	[tilespmem:s0+$0x70] =	vst v3;
	s0 =	simm.s32 $0x0  }
.LBB2_10:
0xae: {  	p2 =	sne.s32 s7, $0x7F00;
	[tilespmem:s0+$0x5030] =	vst v1;
	s8 =	smov.u32 s7;
	s7 =	sadd.s32 $0x100, s7  }
.Ltmp4:
0xaf: {  	[tilespmem:s0+$0x5020] =	vst v1;
	(pc) =	sbr.rel @p2 .LBB2_10-.Ltmp4, $3  }
0xb0: {  	[tilespmem:s0+$0x5000] =	vst v1  }
0xb1: {  	[tilespmem:s0+$0x5010] =	vst v1;
	_ =	sdelay $0x1  }
0xb2: {  	s0 =	sshra.s32 s8, $0x2  }
0xb3: {  	[tilespmem:s0+$0x5030] =	vst v1  }
0xb4: {  	[tilespmem:s0+$0x5020] =	vst v1  }
0xb5: {  	[tilespmem:s0+$0x5000] =	vst v1  }
0xb6: {  	[tilespmem:s0+$0x5010] =	vst v1  }
0xb7: {  	[spmem:s31] =	stream.linear.scatter [tilespmem:s16], [sflag:$0x2], $0x2000, $0x38;
	[tilespmem:$0x14B20] =	vst v63  }
0xb8: {  	_ =	swait.ge [sflag:s12], $0x2000  }
0xb9: {  	[sflag:s12] =	ssyncset.done $0x0  }
0xba: {  	s10 =	smov.u32 s24;
	s24 =	rddreg [dreg:$0x19];
	[sflag:s12] =	ssyncadd.s32 $0xFFFFE000  }
0xbb: {  	[spmem:s24] =	stream.linear.scatter [tilespmem:s16], [sflag:$0x2], $0x2000, $0x38;
	[tilespmem:$0x14B20] =	vst v63  }
0xbc: {  	_ =	swait.ge [sflag:s12], $0x2000  }
0xbd: {  	[sflag:s12] =	ssyncset.done $0x0  }
0xbe: {  	s1 =	smov.u32 s25;
	s25 =	rddreg [dreg:$0x1a];
	[sflag:s12] =	ssyncadd.s32 $0xFFFFE000  }
0xbf: {  	[spmem:s25] =	stream.linear.scatter [tilespmem:s16], [sflag:$0x2], $0x2000, $0x38;
	[tilespmem:$0x14B20] =	vst v63  }
0xc0: {  	_ =	swait.ge [sflag:s12], $0x2000  }
0xc1: {  	[sflag:s12] =	ssyncset.done $0x0  }
0xc2: {  	s2 =	smov.u32 s26;
	s26 =	rddreg [dreg:$0x1b];
	[sflag:s12] =	ssyncadd.s32 $0xFFFFE000  }
0xc3: {  	[spmem:s26] =	stream.linear.scatter [tilespmem:s16], [sflag:$0x2], $0x2000, $0x38;
	[tilespmem:$0x14B20] =	vst v63  }
0xc4: {  	_ =	swait.ge [sflag:s12], $0x2000  }
0xc5: {  	[sflag:s12] =	ssyncset.done $0x0  }
0xc6: {  	s3 =	smov.u32 s28;
	s28 =	rddreg [dreg:$0x1c];
	[sflag:s12] =	ssyncadd.s32 $0xFFFFE000  }
0xc7: {  	[spmem:s28] =	stream.linear.scatter [tilespmem:s16], [sflag:$0x2], $0x2000, $0x38;
	[tilespmem:$0x14B20] =	vst v63  }
0xc8: {  	_ =	swait.ge [sflag:s12], $0x2000  }
0xc9: {  	[sflag:s12] =	ssyncset.done $0x0  }
0xca: {  	[sflag:s12] =	ssyncadd.s32 $0xFFFFE000  }
0xcb: {  	[spmem:s6] =	stream.linear.scatter [tilespmem:s16], [sflag:$0x2], $0x200, $0x38;
	[tilespmem:$0x14B20] =	vst v63  }
0xcc: {  	_ =	swait.ge [sflag:s12], $0x200  }
0xcd: {  	[sflag:s12] =	ssyncset.done $0x0  }
0xce: {  	s0 =	simm.s32 @!p1 $0x5000;
	[sflag:s12] =	ssyncadd.s32 $0xFFFFFE00  }
0xcf: {  	[spmem:s11] =	stream.linear.scatter @!p1 [tilespmem:s0], [sflag:$0x2], $0x800, $0x38;
	[tilespmem:$0x14B20] =	vst v63  }
0xd0: {  	s0 =	simm.s32 @!p1 $0x2  }
0xd1: {  	_ =	swait.ge @!p1 [sflag:s0], $0x800  }
0xd2: {  	[sflag:s0] =	ssyncset.done @!p1 $0x0  }
0xd3: {  	[sflag:s0] =	ssyncadd.s32 @!p1 $0xFFFFF800  }
0xd4: {  	s29 =	simm.s32 $0x0;
	[bflag:$0x0] =	sbarrier.arrive $0xFFFF  }
0xd5: {  	[tilespmem:s16], [sflag:$0x1] =	stream.indirect.gather [hbm4b:s23+s14], $0x40, s29, s14, $0xb8;
	[tilespmem:$0x14B20] =	vst v63  }
0xd6: {  	_ =	swait.ge [sflag:s17], $0x2000  }
0xd7: {  	[sflag:s17] =	ssyncset.done $0x0  }
0xd8: {  	s30 =	simm.s32 $0x2800;
	[sflag:s17] =	ssyncadd.s32 $0xFFFFE000  }
0xd9: {  	[spmem:s21] =	stream.indirect.scatter.add.f32 [tilespmem:s16], [sflag:$0x2], $0x40, s30, s14, $0xb8;
	[tilespmem:$0x14B20] =	vst v63  }
0xda: {  	_ =	swait.ge [sflag:s12], $0x2000  }
0xdb: {  	s7 =	simm.s32 $0x400;
	s0 =	simm.s32 $0x200;
	[sflag:s12] =	ssyncset.done $0x0  }
.LBB2_12:
0xdc: {  	s8 =	sshra.s32 s0, $0x2  }
0xdd: {  	[sflag:s12] =	ssyncadd.s32 $0xFFFFE000;
	s0 =	smov.u32 s7;
	s9 =	sadd.s32 $0x200, s7  }
0xde: {  	[tilespmem:s16], [sflag:$0x1] =	stream.indirect.gather [hbm4b:s23+s14], $0x40, s8, s14, $0xb8;
	[tilespmem:$0x14B20] =	vst v63  }
0xdf: {  	p2 =	sne.s32 s7, $0x9E00;
	_ =	swait.ge [sflag:s17], $0x2000  }
.Ltmp5:
0xe0: {  	[sflag:s17] =	ssyncset.done $0x0;
	(pc) =	sbr.rel @p2 .LBB2_12-.Ltmp5, $4  }
0xe1: {  	s7 =	sadd.s32 $0x2800, s8;
	[sflag:s17] =	ssyncadd.s32 $0xFFFFE000  }
0xe2: {  	[spmem:s21] =	stream.indirect.scatter.add.f32 [tilespmem:s16], [sflag:$0x2], $0x40, s7, s14, $0xb8;
	[tilespmem:$0x14B20] =	vst v63  }
0xe3: {  	_ =	swait.ge [sflag:s12], $0x2000  }
0xe4: {  	s7 =	smov.u32 s9;
	[sflag:s12] =	ssyncset.done $0x0  }
0xe5: {  	s0 =	sshra.s32 s0, $0x2;
	[sflag:s12] =	ssyncadd.s32 $0xFFFFE000  }
0xe6: {  	[tilespmem:s16], [sflag:$0x1] =	stream.indirect.gather [hbm4b:s23+s14], $0x40, s0, s14, $0xb8;
	[tilespmem:$0x14B20] =	vst v63  }
0xe7: {  	_ =	swait.ge [sflag:s17], $0x2000  }
0xe8: {  	[sflag:s17] =	ssyncset.done $0x0  }
0xe9: {  	s0 =	sadd.s32 $0x2800, s0;
	[sflag:s17] =	ssyncadd.s32 $0xFFFFE000  }
0xea: {  	[spmem:s21] =	stream.indirect.scatter.add.f32 [tilespmem:s16], [sflag:$0x2], $0x40, s0, s14, $0xb8;
	[tilespmem:$0x14B20] =	vst v63  }
0xeb: {  	_ =	swait.ge [sflag:s12], $0x2000  }
0xec: {  	[sflag:s12] =	ssyncset.done $0x0  }
0xed: {  	[sflag:s12] =	ssyncadd.s32 $0xFFFFE000  }
0xee: {  	[bflag:$0x0] =	sbarrier.arrive $0xFFFF  }
0xef: {  	s24 =	sshrl.u32 s31, $0x3;
	s7 =	rddreg [dreg:$0xa]  }
0xf0: {  	[hbm:s7], [sflag:s22] =	dma.local [spmem:s24], $0x400  }
0xf1: {  	_ =	swait.ge [sflag:s12], $0x400  }
0xf2: {  	[sflag:s12] =	ssyncset.done $0x0;
	s8 =	rddreg [dreg:$0x19]  }
0xf3: {  	s9 =	rddreg [dreg:$0xb];
	[sflag:s12] =	ssyncadd.s32 $0xFFFFFC00;
	s25 =	sshrl.u32 s8, $0x3  }
0xf4: {  	[hbm:s9], [sflag:s22] =	dma.local [spmem:s25], $0x400  }
0xf5: {  	_ =	swait.ge [sflag:s12], $0x400  }
0xf6: {  	[sflag:s12] =	ssyncset.done $0x0;
	s26 =	rddreg [dreg:$0x1a]  }
0xf7: {  	s7 =	rddreg [dreg:$0xc];
	[sflag:s12] =	ssyncadd.s32 $0xFFFFFC00;
	s0 =	sshrl.u32 s26, $0x3  }
0xf8: {  	[hbm:s7], [sflag:s22] =	dma.local [spmem:s0], $0x400  }
0xf9: {  	_ =	swait.ge [sflag:s12], $0x400  }
0xfa: {  	[sflag:s12] =	ssyncset.done $0x0;
	s5 =	rddreg [dreg:$0x1b]  }
0xfb: {  	s8 =	rddreg [dreg:$0xd];
	[sflag:s12] =	ssyncadd.s32 $0xFFFFFC00;
	s7 =	sshrl.u32 s5, $0x3  }
0xfc: {  	[hbm:s8], [sflag:s22] =	dma.local [spmem:s7], $0x400  }
0xfd: {  	_ =	swait.ge [sflag:s12], $0x400  }
0xfe: {  	[sflag:s12] =	ssyncset.done $0x0;
	s30 =	rddreg [dreg:$0x1c]  }
0xff: {  	s9 =	rddreg [dreg:$0xe];
	[sflag:s12] =	ssyncadd.s32 $0xFFFFFC00;
	s8 =	sshrl.u32 s30, $0x3  }
0x100: {  	[hbm:s9], [sflag:s22] =	dma.local [spmem:s8], $0x400  }
0x101: {  	_ =	swait.ge [sflag:s12], $0x400  }
0x102: {  	[sflag:s12] =	ssyncset.done $0x0  }
0x103: {  	s9 =	sshrl.u32 s6, $0x3;
	s26 =	rddreg [dreg:$0xf];
	[sflag:s12] =	ssyncadd.s32 $0xFFFFFC00  }
0x104: {  	[hbm:s26], [sflag:s22] =	dma.local [spmem:s9], $0x40  }
0x105: {  	_ =	swait.ge [sflag:s12], $0x40  }
0x106: {  	s28 =	simm.s32 @!p1 $0x2;
	[sflag:s12] =	ssyncset.done $0x0  }
0x107: {  	s26 =	sshrl.u32 @!p1 s11, $0x3;
	s5 =	rddreg [dreg:$0x1d];
	[sflag:s12] =	ssyncadd.s32 $0xFFFFFFC0  }
0x108: {  	[hbm:s5], [sflag:s22] =	dma.local @!p1 [spmem:s26], $0x100  }
0x109: {  	_ =	swait.ge @!p1 [sflag:s28], $0x100  }
0x10a: {  	[sflag:s28] =	ssyncset.done @!p1 $0x0  }
0x10b: {  	[sflag:s28] =	ssyncadd.s32 @!p1 $0xFFFFFF00;
	s28 =	simm.s32 $0x0  }
0x10c: {  	v5 =	vld [tilespmem:s28+$0x0]  }
0x10d: {  	v7 =	vld [tilespmem:s28+$0x10]  }
0x10e: {  	v6 =	vld [tilespmem:s28+$0x20]  }
0x10f: {  	v4 =	vld [tilespmem:s28+$0x30]  }
0x110: {  	v3 =	vld [tilespmem:s28+$0x40]  }
0x111: {  	v8 =	vadd.s32 $0x28A0, v5;
	v5 =	vld [tilespmem:s28+$0x50]  }
0x112: {  	s29 =	simm.s32 $0x200;
	[tilespmem:s28+$0x0] =	vst v8;
	v8 =	vadd.s32 $0x28A0, v7;
	v7 =	vld [tilespmem:s28+$0x60]  }
.LBB2_14:
0x113: {  	s30 =	sshra.s32 s29, $0x2;
	p2 =	sne.s32 s29, $0x9E00;
	[tilespmem:s28+$0x10] =	vst v8;
	v6 =	vadd.s32 $0x28A0, v6;
	v8 =	vld [tilespmem:s28+$0x70]  }
0x114: {  	v9 =	vld [tilespmem:s30+$0x0];
	[tilespmem:s28+$0x20] =	vst v6;
	v4 =	vadd.s32 $0x28A0, v4  }
0x115: {  	v10 =	vld [tilespmem:s30+$0x10];
	[tilespmem:s28+$0x30] =	vst v4;
	v3 =	vadd.s32 $0x28A0, v3  }
.Ltmp6:
0x116: {  	v6 =	vld [tilespmem:s30+$0x20];
	[tilespmem:s28+$0x40] =	vst v3;
	v3 =	vadd.s32 $0x28A0, v5;
	(pc) =	sbr.rel @p2 .LBB2_14-.Ltmp6, $4  }
0x117: {  	v4 =	vld [tilespmem:s30+$0x30];
	[tilespmem:s28+$0x50] =	vst v3;
	v5 =	vadd.s32 $0x28A0, v7  }
0x118: {  	v3 =	vld [tilespmem:s30+$0x40];
	[tilespmem:s28+$0x60] =	vst v5;
	v7 =	vadd.s32 $0x28A0, v8  }
0x119: {  	v8 =	vadd.s32 $0x28A0, v9;
	v5 =	vld [tilespmem:s30+$0x50];
	[tilespmem:s28+$0x70] =	vst v7;
	s28 =	smov.u32 s30  }
0x11a: {  	s29 =	sadd.s32 $0x200, s29;
	[tilespmem:s28+$0x0] =	vst v8;
	v8 =	vadd.s32 $0x28A0, v10;
	v7 =	vld [tilespmem:s28+$0x60]  }
0x11b: {  	[tilespmem:s28+$0x10] =	vst v8;
	v6 =	vadd.s32 $0x28A0, v6;
	v63 =	vld [tilespmem:s28+$0x70]  }
0x11c: {  	[tilespmem:s28+$0x20] =	vst v6;
	v4 =	vadd.s32 $0x28A0, v4  }
0x11d: {  	[tilespmem:s28+$0x30] =	vst v4;
	v3 =	vadd.s32 $0x28A0, v3  }
0x11e: {  	[tilespmem:s28+$0x40] =	vst v3;
	v3 =	vadd.s32 $0x28A0, v5  }
0x11f: {  	[tilespmem:s28+$0x50] =	vst v3;
	v3 =	vadd.s32 $0x28A0, v7  }
0x120: {  	[tilespmem:s28+$0x60] =	vst v3;
	v3 =	vadd.s32 $0x28A0, v63  }
0x121: {  	s29 =	simm.s32 $0x100;
	[tilespmem:s28+$0x70] =	vst v3;
	s28 =	simm.s32 $0x0  }
.LBB2_16:
0x122: {  	p2 =	sne.s32 s29, $0x7F00;
	[tilespmem:s28+$0x5030] =	vst v1;
	s30 =	smov.u32 s29;
	s29 =	sadd.s32 $0x100, s29  }
.Ltmp7:
0x123: {  	[tilespmem:s28+$0x5020] =	vst v1;
	(pc) =	sbr.rel @p2 .LBB2_16-.Ltmp7, $3  }
0x124: {  	[tilespmem:s28+$0x5000] =	vst v1  }
0x125: {  	[tilespmem:s28+$0x5010] =	vst v1;
	_ =	sdelay $0x1  }
0x126: {  	s28 =	sshra.s32 s30, $0x2  }
0x127: {  	[tilespmem:s28+$0x5030] =	vst v1  }
0x128: {  	[tilespmem:s28+$0x5020] =	vst v1  }
0x129: {  	[tilespmem:s28+$0x5000] =	vst v1  }
0x12a: {  	[tilespmem:s28+$0x5010] =	vst v1  }
0x12b: {  	[spmem:s31] =	stream.linear.scatter [tilespmem:s16], [sflag:$0x2], $0x2000, $0x38;
	[tilespmem:$0x14B20] =	vst v63  }
0x12c: {  	_ =	swait.ge [sflag:s12], $0x2000  }
0x12d: {  	[sflag:s12] =	ssyncset.done $0x0  }
0x12e: {  	s28 =	rddreg [dreg:$0x19];
	[sflag:s12] =	ssyncadd.s32 $0xFFFFE000  }
0x12f: {  	[spmem:s28] =	stream.linear.scatter [tilespmem:s16], [sflag:$0x2], $0x2000, $0x38;
	[tilespmem:$0x14B20] =	vst v63  }
0x130: {  	_ =	swait.ge [sflag:s12], $0x2000  }
0x131: {  	[sflag:s12] =	ssyncset.done $0x0  }
0x132: {  	s28 =	rddreg [dreg:$0x1a];
	[sflag:s12] =	ssyncadd.s32 $0xFFFFE000  }
0x133: {  	[spmem:s28] =	stream.linear.scatter [tilespmem:s16], [sflag:$0x2], $0x2000, $0x38;
	[tilespmem:$0x14B20] =	vst v63  }
0x134: {  	_ =	swait.ge [sflag:s12], $0x2000  }
0x135: {  	[sflag:s12] =	ssyncset.done $0x0  }
0x136: {  	s28 =	rddreg [dreg:$0x1b];
	[sflag:s12] =	ssyncadd.s32 $0xFFFFE000  }
0x137: {  	[spmem:s28] =	stream.linear.scatter [tilespmem:s16], [sflag:$0x2], $0x2000, $0x38;
	[tilespmem:$0x14B20] =	vst v63  }
0x138: {  	_ =	swait.ge [sflag:s12], $0x2000  }
0x139: {  	[sflag:s12] =	ssyncset.done $0x0  }
0x13a: {  	s28 =	rddreg [dreg:$0x1c];
	[sflag:s12] =	ssyncadd.s32 $0xFFFFE000  }
0x13b: {  	[spmem:s28] =	stream.linear.scatter [tilespmem:s16], [sflag:$0x2], $0x2000, $0x38;
	[tilespmem:$0x14B20] =	vst v63  }
0x13c: {  	_ =	swait.ge [sflag:s12], $0x2000  }
0x13d: {  	[sflag:s12] =	ssyncset.done $0x0  }
0x13e: {  	[sflag:s12] =	ssyncadd.s32 $0xFFFFE000  }
0x13f: {  	[spmem:s6] =	stream.linear.scatter [tilespmem:s16], [sflag:$0x2], $0x200, $0x38;
	[tilespmem:$0x14B20] =	vst v63  }
0x140: {  	_ =	swait.ge [sflag:s12], $0x200  }
0x141: {  	[sflag:s12] =	ssyncset.done $0x0  }
0x142: {  	s28 =	simm.s32 @!p1 $0x5000;
	[sflag:s12] =	ssyncadd.s32 $0xFFFFFE00  }
0x143: {  	[spmem:s11] =	stream.linear.scatter @!p1 [tilespmem:s28], [sflag:$0x2], $0x800, $0x38;
	[tilespmem:$0x14B20] =	vst v63  }
0x144: {  	s28 =	simm.s32 @!p1 $0x2  }
0x145: {  	_ =	swait.ge @!p1 [sflag:s28], $0x800  }
0x146: {  	[sflag:s28] =	ssyncset.done @!p1 $0x0  }
0x147: {  	[sflag:s28] =	ssyncadd.s32 @!p1 $0xFFFFF800  }
0x148: {  	s28 =	simm.s32 $0x0;
	[bflag:$0x0] =	sbarrier.arrive $0xFFFF  }
0x149: {  	[tilespmem:s16], [sflag:$0x1] =	stream.indirect.gather [hbm4b:s23+s14], $0x40, s28, s14, $0xb8;
	[tilespmem:$0x14B20] =	vst v63  }
0x14a: {  	_ =	swait.ge [sflag:s17], $0x2000  }
0x14b: {  	[sflag:s17] =	ssyncset.done $0x0  }
0x14c: {  	s28 =	simm.s32 $0x2800;
	[sflag:s17] =	ssyncadd.s32 $0xFFFFE000  }
0x14d: {  	[spmem:s21] =	stream.indirect.scatter.add.f32 [tilespmem:s16], [sflag:$0x2], $0x40, s28, s14, $0xb8;
	[tilespmem:$0x14B20] =	vst v63  }
0x14e: {  	s5 =	smov.u32 s31;
	_ =	swait.ge [sflag:s12], $0x2000  }
0x14f: {  	s29 =	simm.s32 $0x400;
	s28 =	simm.s32 $0x200;
	[sflag:s12] =	ssyncset.done $0x0  }
.LBB2_18:
0x150: {  	s30 =	sshra.s32 s28, $0x2  }
0x151: {  	[sflag:s12] =	ssyncadd.s32 $0xFFFFE000;
	s28 =	smov.u32 s29;
	s31 =	sadd.s32 $0x200, s29  }
0x152: {  	[tilespmem:s16], [sflag:$0x1] =	stream.indirect.gather [hbm4b:s23+s14], $0x40, s30, s14, $0xb8;
	[tilespmem:$0x14B20] =	vst v63  }
0x153: {  	p2 =	sne.s32 s29, $0x9E00;
	_ =	swait.ge [sflag:s17], $0x2000  }
.Ltmp8:
0x154: {  	[sflag:s17] =	ssyncset.done $0x0;
	(pc) =	sbr.rel @p2 .LBB2_18-.Ltmp8, $4  }
0x155: {  	s29 =	sadd.s32 $0x2800, s30;
	[sflag:s17] =	ssyncadd.s32 $0xFFFFE000  }
0x156: {  	[spmem:s21] =	stream.indirect.scatter.add.f32 [tilespmem:s16], [sflag:$0x2], $0x40, s29, s14, $0xb8;
	[tilespmem:$0x14B20] =	vst v63  }
0x157: {  	_ =	swait.ge [sflag:s12], $0x2000  }
0x158: {  	s29 =	smov.u32 s31;
	[sflag:s12] =	ssyncset.done $0x0  }
0x159: {  	s28 =	sshra.s32 s28, $0x2;
	[sflag:s12] =	ssyncadd.s32 $0xFFFFE000  }
0x15a: {  	[tilespmem:s16], [sflag:$0x1] =	stream.indirect.gather [hbm4b:s23+s14], $0x40, s28, s14, $0xb8;
	[tilespmem:$0x14B20] =	vst v63  }
0x15b: {  	_ =	swait.ge [sflag:s17], $0x2000  }
0x15c: {  	[sflag:s17] =	ssyncset.done $0x0  }
0x15d: {  	s28 =	sadd.s32 $0x2800, s28;
	[sflag:s17] =	ssyncadd.s32 $0xFFFFE000  }
0x15e: {  	[spmem:s21] =	stream.indirect.scatter.add.f32 [tilespmem:s16], [sflag:$0x2], $0x40, s28, s14, $0xb8;
	[tilespmem:$0x14B20] =	vst v63  }
0x15f: {  	_ =	swait.ge [sflag:s12], $0x2000  }
0x160: {  	[sflag:s12] =	ssyncset.done $0x0  }
0x161: {  	[sflag:s12] =	ssyncadd.s32 $0xFFFFE000  }
0x162: {  	[bflag:$0x0] =	sbarrier.arrive $0xFFFF  }
0x163: {  	s28 =	rddreg [dreg:$0x10]  }
0x164: {  	[hbm:s28], [sflag:s22] =	dma.local [spmem:s24], $0x400  }
0x165: {  	_ =	swait.ge [sflag:s12], $0x400  }
0x166: {  	[sflag:s12] =	ssyncset.done $0x0  }
0x167: {  	s29 =	rddreg [dreg:$0x11];
	[sflag:s12] =	ssyncadd.s32 $0xFFFFFC00  }
0x168: {  	[hbm:s29], [sflag:s22] =	dma.local [spmem:s25], $0x400  }
0x169: {  	_ =	swait.ge [sflag:s12], $0x400  }
0x16a: {  	[sflag:s12] =	ssyncset.done $0x0  }
0x16b: {  	s30 =	rddreg [dreg:$0x12];
	[sflag:s12] =	ssyncadd.s32 $0xFFFFFC00  }
0x16c: {  	[hbm:s30], [sflag:s22] =	dma.local [spmem:s0], $0x400  }
0x16d: {  	_ =	swait.ge [sflag:s12], $0x400  }
0x16e: {  	[sflag:s12] =	ssyncset.done $0x0  }
0x16f: {  	s24 =	rddreg [dreg:$0x13];
	[sflag:s12] =	ssyncadd.s32 $0xFFFFFC00  }
0x170: {  	[hbm:s24], [sflag:s22] =	dma.local [spmem:s7], $0x400  }
0x171: {  	_ =	swait.ge [sflag:s12], $0x400  }
0x172: {  	[sflag:s12] =	ssyncset.done $0x0  }
0x173: {  	s25 =	rddreg [dreg:$0x14];
	[sflag:s12] =	ssyncadd.s32 $0xFFFFFC00  }
0x174: {  	[hbm:s25], [sflag:s22] =	dma.local [spmem:s8], $0x400  }
0x175: {  	_ =	swait.ge [sflag:s12], $0x400  }
0x176: {  	[sflag:s12] =	ssyncset.done $0x0  }
0x177: {  	s29 =	rddreg [dreg:$0x15];
	[sflag:s12] =	ssyncadd.s32 $0xFFFFFC00  }
0x178: {  	[hbm:s29], [sflag:s22] =	dma.local [spmem:s9], $0x40  }
0x179: {  	_ =	swait.ge [sflag:s12], $0x40  }
0x17a: {  	[sflag:s12] =	ssyncset.done $0x0  }
0x17b: {  	s0 =	rddreg [dreg:$0x1e];
	[sflag:s12] =	ssyncadd.s32 $0xFFFFFFC0  }
0x17c: {  	[hbm:s0], [sflag:s22] =	dma.local @!p1 [spmem:s26], $0x100  }
0x17d: {  	s0 =	simm.s32 @!p1 $0x2  }
0x17e: {  	_ =	swait.ge @!p1 [sflag:s0], $0x100  }
0x17f: {  	s20 =	sadd.s32 $0x1, s20;
	s30 =	rddreg [dreg:$0x1f]  }
0x180: {  	p2 =	sne.s32 s20, s30  }
.Ltmp9:
0x181: {  	_ = 	snop;
	(pc) =	sbr.rel @p2 .LBB2_1-.Ltmp9, $4  }
0x182: {  	_ = 	snop  }
0x183: {  	s31 =	smov.u32 s5;
	s28 =	smov.u32 s3  }
0x184: {  	s24 =	smov.u32 s10;
	s25 =	smov.u32 s1;
	[sflag:s0] =	ssyncset.done @!p1 $0x0  }
0x185: {  	s26 =	smov.u32 s2;
	s1 =	sld [smem:$0x7FD];
	[sflag:s0] =	ssyncadd.s32 @!p1 $0xFFFFFF00  }
0x186: {  	_ =	sfence.sel $0x180000  }
0x187: {  	[bflag:$0x0] =	sbarrier.arrive $0xFFFF  }
0x188: {  	_ =	strace $0x90000047  }
0x189: {  	s0 =	stileid.u32;
	[bflag:$0x2] =	sbarrier.arrive $0xFFFF  }
0x18a: {  	p0 =	sne.s32 s0, $0x0;
	s0 =	rddreg [dreg:$0x3]  }
0x18b: {  	s0 =	sadd.s32 @!p0 $0x100000, s0  }
0x18c: {  	[sflag:s0] =	ssyncadd.tile.s32 @!p0 $0x1;
	_ =	shalt  }
.Lfunc_end2:
_tile_overlayer_lowered:
.L_overlay_start_2:
0x18d: {  	(tag) =	ssettag $0x2  }
0x18e: {  	s0 =	rddreg [dreg:$0x0];
	s2 =	stileid.u32  }
0x18f: {  	s1 =	rddreg [dreg:$0x1];
	p0 =	sne.s32 s2, $0x0  }
0x190: {  	s3 =	rddreg [dreg:$0x2];
	[bflag:$0x3] =	sbarrier.arrive $0xFFFF;
	s2 =	simm.s32 @!p0 $0x1C02  }
0x191: {  	[timem:s3], [sflag:s2] =	dma.local @!p0 [hbm:s0], s1  }
0x192: {  	s0 =	simm.s32 @!p0 $0x2  }
0x193: {  	_ =	swait.ge @!p0 [sflag:s0], s1  }
0x194: {  	s1 =	ssub.s32 @!p0 $0x0, s1;
	[sflag:s0] =	ssyncset.done @!p0 $0x0  }
0x195: {  	[sflag:s0] =	ssyncadd.s32 @!p0 s1  }
0x196: {  	[bflag:$0x3] =	sbarrier.arrive $0xFFFF  }
0x197: {  	_ =	shalt  }

// kernel: kernel.9.cloned.1.call-start
scs
__scs_entry_jumppad:
0x0: {  	(pc) =	sbr.rel $0x88, $3  }
0x1: {  	(tag) =	ssettag $0x0;
	lr =	simm.s32 $0x1  }
0x2: {  	[smem:$0x3F99] =	sst lr;
	_ =	strace $0xD0000000  }
0x3: {  	_ = 	snop  }
0x4: {  	_ = 	snop  }
0x5: {  	_ = 	snop  }
0x6: {  	_ = 	snop  }
0x7: {  	_ = 	snop  }
__scs_overlays_trampoline_lowered:
0x8: {  	[smem:$0x3FA8] =	sst s0  }
0x9: {  	[smem:$0x3FA9] =	sst s1  }
0xa: {  	[smem:$0x3FAA] =	sst s2  }
0xb: {  	[smem:$0x3FAB] =	sst s3  }
0xc: {  	[smem:$0x3FAC] =	sst s4  }
0xd: {  	[smem:$0x3FAD] =	sst s5  }
0xe: {  	[smem:$0x3FAE] =	sst s6  }
0xf: {  	[smem:$0x3FAF] =	sst s7  }
0x10: {  	[smem:$0x3FB0] =	sst s8  }
0x11: {  	[smem:$0x3FB1] =	sst s9;
	s0 =	simm.s32 @!p0 $0x0  }
0x12: {  	s1 =	sld [smem:$0x3F97];
	s0 =	simm.s32 @p0 $0x1  }
0x13: {  	[smem:$0x3FB2] =	sst s0;
	s0 =	simm.s32 @!p1 $0x0  }
0x14: {  	s2 =	sld [smem:$0x3F96];
	s0 =	simm.s32 @p1 $0x1  }
0x15: {  	[smem:$0x3FB3] =	sst s0;
	s0 =	simm.s32 @!p2 $0x0  }
0x16: {  	s3 =	sld [smem:$0x3FDB];
	s0 =	simm.s32 @p2 $0x1  }
0x17: {  	s4 =	simm.s32 $0x1BF5;
	[smem:$0x3FB5] =	sst s0  }
0x18: {  	s0 =	sld [smem:$0x3F98];
	_ =	swait.ge [sflag:s4], $0x0  }
0x19: {  	s7 =	sld [smem:$0x3F99]  }
0x1a: {  	s8 =	sadd.s32 $0xFFFFE003, lr  }
0x1b: {  	s9 =	sadd.s32 $0xFFFFFEF7, lr;
	s5 =	simm.s32 $0xFFFFFFFF;
	p2 =	slt.u32 s8, $0xFFFFF086  }
0x1c: {  	p1 =	slt.u32 s9, $0xF7A;
	s5 =	simm.s32 @!p2 $0x0  }
0x1d: {  	s5 =	simm.s32 @p1 $0x1;
	p0 =	seq.s32 s7, s2  }
0x1e: {  	s7 =	smul.u32 @!p0 $0xF7A, s2;
	p2 =	seq.s32 @!p0 s5, $0x0  }
0x1f: {  	s9 =	smul.u32 $0xF7A, s1;
	s8 =	simm.s32 @!p0 $0x1BF5;
	p2 =	por !p2, p0  }
0x20: {  	[sflag:s8] =	ssyncset.s32 @!p0 $0xFFFFF086;
	s6 =	sadd.s32 @!p0 s3, s7;
	s7 =	simm.s32 @!p0 $0x108  }
0x21: {  	s3 =	sadd.s32 s3, s9;
	s6 =	sadd.s32 @!p0 $0x88, s6;
	s7 =	simm.s32 @p2 $0x1082  }
0x22: {  	[simem:s7], [sflag:s8] =	dma.local @!p0 [hbm:s6], $0xF7A  }
0x23: {  	s9 =	sor.u32 $0xD0000000, s2;
	s6 =	simm.s32 $0x108;
	_ =	swait.ge @!p0 [sflag:s8], $0x0  }
0x24: {  	s3 =	sadd.s32 $0x88, s3;
	s6 =	simm.s32 @!p1 $0x1082;
	[sflag:s4] =	ssyncset.s32 $0xFFFFF086  }
0x25: {  	[simem:s6], [sflag:s4] =	dma.local [hbm:s3], $0xF7A  }
0x26: {  	[smem:$0x3F99] =	sst s1;
	(tag) =	ssettag s2;
	_ =	strace s9  }
0x27: {  	s1 =	sld [smem:$0x3FA9]  }
0x28: {  	s2 =	sld [smem:$0x3FAA]  }
0x29: {  	s4 =	sld [smem:$0x3FAC]  }
0x2a: {  	p0 =	seq.s32 s5, $0x0;
	s5 =	sld [smem:$0x3FAD]  }
0x2b: {  	s6 =	sld [smem:$0x3FAE]  }
0x2c: {  	s7 =	sld [smem:$0x3FAF]  }
0x2d: {  	s3 =	simm.s32 $0x108;
	s8 =	sld [smem:$0x3FB0]  }
0x2e: {  	s3 =	simm.s32 @!p0 $0x1082;
	s9 =	sld [smem:$0x3FB1]  }
0x2f: {  	lr =	sadd.s32 s0, s3;
	s0 =	sld [smem:$0x3FA8]  }
0x30: {  	s3 =	sld [smem:$0x3FAB]  }
0x31: {  	[smem:$0x3FB4] =	sst s10  }
0x32: {  	s10 =	sld [smem:$0x3FB2];
	_ =	sdelay $0x3  }
0x33: {  	p0 =	seq.s32 s10, $0x1;
	s10 =	sld [smem:$0x3FB4];
	_ =	sdelay $0x3  }
0x34: {  	[smem:$0x3FB4] =	sst s10  }
0x35: {  	s10 =	sld [smem:$0x3FB3];
	_ =	sdelay $0x3  }
0x36: {  	p1 =	seq.s32 s10, $0x1;
	s10 =	sld [smem:$0x3FB4];
	_ =	sdelay $0x3  }
0x37: {  	[smem:$0x3FB4] =	sst s10  }
0x38: {  	s10 =	sld [smem:$0x3FB5]  }
0x39: {  	_ = 	snop;
	(pc) =	sbr.ind lr, $3  }
0x3a: {  	_ = 	snop  }
0x3b: {  	_ = 	snop  }
0x3c: {  	p2 =	seq.s32 s10, $0x1;
	s10 =	sld [smem:$0x3FB4]  }
0x3d: {  	_ =	shalt  }
0x3e: {  	_ =	shalt  }
0x3f: {  	_ =	shalt  }
0x40: {  	_ =	shalt  }
0x41: {  	_ =	shalt  }
0x42: {  	_ =	shalt  }
0x43: {  	_ =	shalt  }
0x44: {  	_ =	shalt  }
0x45: {  	_ =	shalt  }
0x46: {  	_ =	shalt  }
0x47: {  	_ =	shalt  }
0x48: {  	_ =	shalt  }
0x49: {  	_ =	shalt  }
0x4a: {  	_ =	shalt  }
0x4b: {  	_ =	shalt  }
0x4c: {  	_ =	shalt  }
0x4d: {  	_ =	shalt  }
0x4e: {  	_ =	shalt  }
0x4f: {  	_ =	shalt  }
0x50: {  	_ =	shalt  }
0x51: {  	_ =	shalt  }
0x52: {  	_ =	shalt  }
0x53: {  	_ =	shalt  }
0x54: {  	_ =	shalt  }
0x55: {  	_ =	shalt  }
0x56: {  	_ =	shalt  }
0x57: {  	_ =	shalt  }
0x58: {  	_ =	shalt  }
0x59: {  	_ =	shalt  }
0x5a: {  	_ =	shalt  }
0x5b: {  	_ =	shalt  }
0x5c: {  	_ =	shalt  }
0x5d: {  	_ =	shalt  }
0x5e: {  	_ =	shalt  }
0x5f: {  	_ =	shalt  }
0x60: {  	_ =	shalt  }
0x61: {  	_ =	shalt  }
0x62: {  	_ =	shalt  }
0x63: {  	_ =	shalt  }
0x64: {  	_ =	shalt  }
0x65: {  	_ =	shalt  }
0x66: {  	_ =	shalt  }
0x67: {  	_ =	shalt  }
0x68: {  	_ =	shalt  }
0x69: {  	_ =	shalt  }
0x6a: {  	_ =	shalt  }
0x6b: {  	_ =	shalt  }
0x6c: {  	_ =	shalt  }
0x6d: {  	_ =	shalt  }
0x6e: {  	_ =	shalt  }
0x6f: {  	_ =	shalt  }
0x70: {  	_ =	shalt  }
0x71: {  	_ =	shalt  }
0x72: {  	_ =	shalt  }
0x73: {  	_ =	shalt  }
0x74: {  	_ =	shalt  }
0x75: {  	_ =	shalt  }
0x76: {  	_ =	shalt  }
0x77: {  	_ =	shalt  }
0x78: {  	_ =	shalt  }
0x79: {  	_ =	shalt  }
0x7a: {  	_ =	shalt  }
0x7b: {  	_ =	shalt  }
0x7c: {  	_ =	shalt  }
0x7d: {  	_ =	shalt  }
0x7e: {  	_ =	shalt  }
0x7f: {  	_ =	shalt  }
0x80: {  	_ =	shalt  }
0x81: {  	_ =	shalt  }
0x82: {  	_ =	shalt  }
0x83: {  	_ =	shalt  }
0x84: {  	_ =	shalt  }
0x85: {  	_ =	shalt  }
0x86: {  	_ =	shalt  }
0x87: {  	_ =	shalt  }
.Lfunc_end0:
.L_simem_size_0:
called_computation.1_lowered:
.L_overlay_start_0:
0x88: {  	s2 =	sld [smem:$0x3FD9]  }
0x89: {  	s3 =	sld [smem:$0x3FFE];
	_ =	sdelay $0x1  }
0x8a: {  	s1 =	srdreg.scid  }
0x8b: {  	s0 =	sand.u32 $0x1, s1  }
0x8c: {  	s16 =	sshll.u32 s0, $0xA;
	s2 =	sadd.s32 s3, s2  }
0x8d: {  	s2 =	sadd.s32 s2, s16  }
0x8e: {  	[smem:$0x3FC0] =	sst s2  }
0x8f: {  	_ = 	snop  }
0x90: {  	(tm) =	ssettm $0x1  }
0x91: {  	s17 =	sld [smem:$0x3FFB];
	_ =	sdelay $0x3  }
0x92: {  	_ =	strace s17  }
0x93: {  	s2 =	sld [smem:$0x3FFC];
	_ =	sdelay $0x3  }
0x94: {  	_ =	strace s2  }
0x95: {  	s2 =	sld [smem:$0x3FFD];
	_ =	sdelay $0x3  }
0x96: {  	_ =	strace s2  }
0x97: {  	_ =	strace $0x8FFFFFFF  }
0x98: {  	s18 =	sld [smem:$0x3FDB];
	_ =	sdelay $0x1  }
0x99: {  	s19 =	simm.s32 $_scs_section_size  }
0x9a: {  	s4 =	simm.s32 $_size__tile_overlayer_lowered;
	s5 =	simm.s32 $_tile_overlayer_lowered  }
0x9b: {  	s22 =	simm.s32 $0x1BFF;
	s21 =	sshll.u32 s5, $0x1;
	s2 =	sadd.s32 s19, s18  }
0x9c: {  	s6 =	simm.s32 $0x0;
	s20 =	sshll.u32 s4, $0x1;
	s4 =	sadd.s32 s21, s2  }
0x9d: {  	[timem:s6], [sflag:s22] =	dma.local [hbm:s4], s20  }
0x9e: {  	_ =	swait.ge [sflag:s22], s20  }
0x9f: {  	s3 =	ssub.s32 $0x0, s20;
	[sflag:s22] =	ssyncset.done $0x0  }
0xa0: {  	[sflag:s22] =	ssyncadd.s32 s3;
	_ =	sdelay $0x1  }
0xa1: {  	s23 =	simm.s32 $0x1B8B  }
0xa2: {  	_ =	swait.ge [sflag:s23], $0x1  }
0xa3: {  	[sflag:s23] =	ssyncset.done $0x0  }
0xa4: {  	s25 =	simm.s32 $0x1B8E;
	s24 =	sld [smem:$0x3FFE];
	[sflag:s23] =	ssyncadd.s32 $0xFFFFFFFF  }
0xa5: {  	s26 =	simm.s32 $execute0_lowered;
	[smem:$0x3FD2] =	sst s25  }
0xa6: {  	s4 =	sshll.u32 s26, $0x1;
	_ =	strace $0x80000049;
	[dreg:$0x1] =	wrdreg $0xFFFFFFFF  }
0xa7: {  	s28 =	simm.s32 $_size_execute0_lowered;
	s2 =	sadd.s32 s2, s4;
	[dreg:$0x0] =	wrdreg $0x0  }
0xa8: {  	s4 =	sshll.u32 s28, $0x1;
	[dreg:$0x2] =	wrdreg s2  }
0xa9: {  	[dreg:$0x3] =	wrdreg s4  }
0xaa: {  	[dreg:$0x4] =	wrdreg $0xC0  }
0xab: {  	_ =	task [dreg:s6], $0x5FFFF  }
0xac: {  	[dreg:$0x1] =	wrdreg $0xFFFFFFFF  }
0xad: {  	[dreg:$0x0] =	wrdreg $0x60  }
0xae: {  	[dreg:$0x2] =	wrdreg s24  }
0xaf: {  	[dreg:$0x3] =	wrdreg $0x70000  }
0xb0: {  	[dreg:$0x4] =	wrdreg $0x9  }
0xb1: {  	_ =	task.clear_ibuf [dreg:s6], $0x5FFFF;
	_ =	strace $0x90000049  }
0xb2: {  	s29 =	simm.s32 $0x9;
	_ =	strace $0x8000004B  }
0xb3: {  	_ =	swait.ge [sflag:s29], $0x1  }
0xb4: {  	[sflag:s29] =	ssyncadd.s32 $0xFFFFFFFF  }
0xb5: {  	_ =	strace $0x9000004B  }
0xb6: {  	_ =	sfence  }
0xb7: {  	s30 =	sld [smem:$0x0];
	_ =	sdelay $0x2  }
0xb8: {  	s31 =	sshll.u32 s1, $0xD;
	s1 =	sshrl.u32 s1, $0x2  }
0xb9: {  	s3 =	sand.u32 $0x4000, s31;
	s1 =	sadd.s32 s1, s30  }
0xba: {  	s0 =	sor.u32 s3, s0;
	s1 =	sshll.u32 s1, $0x11  }
0xbb: {  	s0 =	sor.u32 s1, s0  }
0xbc: {  	s0 =	sadd.s32 $0x8F2B, s0  }
0xbd: {  	[sflag:s0] =	ssyncadd.remote.s32 $0x1  }
0xbe: {  	_ =	sfence.sel $0xFFFF  }
0xbf: {  	[dreg:$0x0] =	wrdreg $0xFFFFFFFF;
	(pc) =	sbr.abs _section_cstart, $3  }
0xc0: {  	[dreg:$0x1] =	wrdreg $0xFFFFFFFF  }
0xc1: {  	_ =	task.clear_ibuf [dreg:s6], $0x2FFFF;
	_ =	strace $0x9FFFFFFF  }
0xc2: {  	(tm) =	ssettm $0x7FFFFFFF  }
0xc3: {  	_ =	shalt  }
tec
execute0_lowered:
.L_overlay_start_1:
0x0: {  	(tag) =	ssettag $0x1  }
0x1: {  	s1 =	srdreg.scid  }
0x2: {  	s0 =	rddreg [dreg:$0x0];
	s15 =	stileid.u32  }
0x3: {  	s3 =	simm.s32 $0x0;
	s8 =	sand.u32 $0x1, s1;
	s7 =	smul.u32 $0x288, s15  }
0x4: {  	[smem:$0x7FF] =	sst s3;
	s6 =	sadd.s32 $0xADA00, s0;
	s29 =	sadd.s32 $0xB200, s0  }
0x5: {  	p0 =	sne.s32 s15, $0xF;
	s1 =	ssub.s32 $0x2, s8;
	s13 =	smul.u32 $0xA280, s8  }
0x6: {  	s8 =	smul.u32 $0x28A000, s8;
	s2 =	sshrl.u32 s1, $0x1;
	s5 =	sadd.s32 $0x100, s7  }
0x7: {  	s3 =	sadd.s32 $0x200, s7;
	s9 =	ssub.s32 s1, s2;
	s1 =	sadd.s32 $0x80, s7  }
0x8: {  	s4 =	sadd.s32 s7, s13;
	s2 =	sadd.s32 $0x180, s7;
	s11 =	sadd.s32 s13, s5  }
0x9: {  	s18 =	sadd.s32 s13, s3;
	s21 =	sadd.s32 $0x28A0, s13;
	s8 =	sshrl.u32 s8, $0x3  }
0xa: {  	s10 =	sshll.u32 s4, $0x3;
	s4 =	sadd.s32 $0x280, s7;
	s12 =	sadd.s32 s13, s1  }
0xb: {  	s14 =	sshll.u32 s11, $0x3;
	s22 =	sadd.s32 s7, s21;
	s8 =	sadd.s32 s6, s8  }
0xc: {  	s23 =	sadd.s32 s1, s21;
	s25 =	sadd.s32 s5, s21;
	s28 =	sadd.s32 s2, s21  }
0xd: {  	s31 =	sadd.s32 s3, s21;
	s9 =	smax.u32 s9, $0x1;
	s10 =	sadd.s32 s6, s10  }
0xe: {  	s19 =	sadd.s32 s13, s4;
	s24 =	sshll.u32 s23, $0x3;
	s26 =	sshll.u32 s25, $0x3  }
0xf: {  	s30 =	sshll.u32 s28, $0x3;
	s28 =	sadd.s32 $0x79E0, s13;
	[dreg:$0x3] =	wrdreg s10  }
0x10: {  	s10 =	sshll.u32 s12, $0x3;
	s12 =	sadd.s32 s13, s2;
	s20 =	sshll.u32 s19, $0x3  }
0x11: {  	s10 =	sadd.s32 s6, s10;
	s16 =	sshll.u32 s12, $0x3;
	s12 =	sadd.s32 s5, s28  }
0x12: {  	[dreg:$0x4] =	wrdreg s10;
	s10 =	sadd.s32 s6, s14;
	s17 =	sadd.s32 s6, s16  }
0x13: {  	s14 =	sshll.u32 s31, $0x3;
	s16 =	sadd.s32 $0x5140, s13;
	[dreg:$0x5] =	wrdreg s10  }
0x14: {  	v0 =	vmov s13;
	s13 =	simm.s32 $0x80;
	[dreg:$0x6] =	wrdreg s17;
	s10 =	sshll.u32 s18, $0x3  }
0x15: {  	s17 =	sadd.s32 s4, s21;
	s18 =	sadd.s32 s7, s16;
	s21 =	sadd.s32 s5, s16  }
0x16: {  	s23 =	sadd.s32 s3, s16;
	s7 =	sadd.s32 s7, s28;
	s10 =	sadd.s32 s6, s10  }
0x17: {  	s11 =	sshll.u32 s18, $0x3;
	[dreg:$0x7] =	wrdreg s10;
	s10 =	sadd.s32 s6, s20  }
0x18: {  	s7 =	sshll.u32 s7, $0x3;
	s19 =	sadd.s32 s6, s11;
	[dreg:$0x8] =	wrdreg s10  }
0x19: {  	s25 =	sshll.u32 s23, $0x3;
	s7 =	sadd.s32 s6, s7;
	[dreg:$0xf] =	wrdreg s19  }
0x1a: {  	s10 =	sshll.u32 s22, $0x3;
	s22 =	sadd.s32 s2, s16;
	[dreg:$0x15] =	wrdreg s7  }
0x1b: {  	s7 =	sshll.u32 s12, $0x3;
	s12 =	simm.s32 $0x5000;
	s10 =	sadd.s32 s6, s10  }
0x1c: {  	s11 =	sshll.u32 s22, $0x3;
	s7 =	sadd.s32 s6, s7;
	[dreg:$0x9] =	wrdreg s10  }
0x1d: {  	s22 =	smul.u32 $0x28800, s15;
	s10 =	sadd.s32 s6, s24;
	[dreg:$0x17] =	wrdreg s7  }
0x1e: {  	s24 =	sadd.s32 s6, s11;
	s11 =	simm.s32 $0x2;
	[dreg:$0xa] =	wrdreg s10  }
0x1f: {  	s10 =	sadd.s32 s6, s26;
	[dreg:$0x12] =	wrdreg s24;
	s26 =	sadd.s32 s4, s16  }
0x20: {  	[dreg:$0xb] =	wrdreg s10;
	s10 =	sadd.s32 s6, s30;
	s30 =	sadd.s32 s1, s28  }
0x21: {  	[dreg:$0xc] =	wrdreg s10;
	s10 =	sadd.s32 s6, s14;
	s14 =	sadd.s32 s1, s16  }
0x22: {  	s31 =	sshll.u32 s30, $0x3;
	s16 =	sadd.s32 s3, s28;
	s30 =	sshll.u32 s1, $0x6  }
0x23: {  	s3 =	sshll.u32 s3, $0x6;
	[dreg:$0xd] =	wrdreg s10;
	s10 =	sshll.u32 s17, $0x3  }
0x24: {  	s20 =	sshll.u32 s14, $0x3;
	s14 =	sadd.s32 s2, s28;
	s18 =	sshll.u32 s16, $0x3  }
0x25: {  	s2 =	sshll.u32 s2, $0x6;
	s10 =	sadd.s32 s6, s10;
	s17 =	sshll.u32 s14, $0x3  }
0x26: {  	s19 =	sadd.s32 s6, s18;
	s14 =	simm.s32 $0x1;
	[dreg:$0xe] =	wrdreg s10  }
0x27: {  	s10 =	sadd.s32 s6, s20;
	s7 =	sadd.s32 s6, s17;
	[dreg:$0x19] =	wrdreg s19  }
0x28: {  	s20 =	sadd.s32 s4, s28;
	s28 =	sshrl.u32 s22, $0x2;
	[dreg:$0x10] =	wrdreg s10  }
0x29: {  	s4 =	sshll.u32 s4, $0x6;
	s10 =	sshll.u32 s21, $0x3;
	[dreg:$0x18] =	wrdreg s7  }
0x2a: {  	s7 =	sshll.u32 s20, $0x3;
	s21 =	smul.u32 $0x500, s15;
	s10 =	sadd.s32 s6, s10  }
0x2b: {  	s15 =	simm.s32 $0x0;
	[dreg:$0x11] =	wrdreg s10;
	s10 =	sadd.s32 s6, s25  }
0x2c: {  	s23 =	sadd.s32 s21, s0;
	[dreg:$0x13] =	wrdreg s10;
	s10 =	sshll.u32 s26, $0x3  }
0x2d: {  	s26 =	rddreg [dreg:$0x1];
	s24 =	sadd.s32 $0x6200, s23;
	s25 =	sadd.s32 $0x1200, s23  }
0x2e: {  	s10 =	sadd.s32 s6, s10;
	s0 =	sadd.s32 s30, s26;
	s2 =	sadd.s32 s2, s26  }
0x2f: {  	s3 =	sadd.s32 s3, s26;
	s4 =	sadd.s32 s4, s26;
	[dreg:$0x14] =	wrdreg s10  }
0x30: {  	s10 =	sadd.s32 s6, s31;
	s6 =	sadd.s32 s6, s7;
	s31 =	sshll.u32 s5, $0x6  }
0x31: {  	s5 =	sadd.s32 $0x14400, s8;
	s7 =	sadd.s32 $0x3CE00, s8;
	[dreg:$0x16] =	wrdreg s10  }
0x32: {  	[dreg:$0x1a] =	wrdreg s6;
	s1 =	sadd.s32 s31, s26;
	s6 =	sadd.s32 $0x28900, s8  }
0x33: {  	s8 =	sadd.s32 $0x51300, s8;
	_ =	strace $0x8000004A;
	[dreg:$0x1b] =	wrdreg s24  }
0x34: {  	v1 =	vimm.f32 $0.0e+00;
	s10 =	sadd.s32 $0xA2000, s26;
	[dreg:$0x1c] =	wrdreg s25;
	s24 =	sadd.s32 s28, s26  }
.LBB2_1:
0x35: {  	s16 =	simm.s32 $0x0;
	s17 =	rddreg [dreg:$0x1b]  }
0x36: {  	[tilespmem:s16], [sflag:$0x2] =	stream.linear.gather [hbm4b:s17+s16], $0x2800, $0x38;
	[tilespmem:$0x11280] =	vst v63  }
0x37: {  	_ =	swait.ge [sflag:s11], $0x2800  }
0x38: {  	[sflag:s11] =	ssyncset.done $0x0  }
0x39: {  	s18 =	simm.s32 $0x2800;
	s31 =	rddreg [dreg:$0x1c];
	[sflag:s11] =	ssyncadd.s32 $0xFFFFD800  }
0x3a: {  	[tilespmem:s18], [sflag:$0x2] =	stream.linear.gather [hbm4b:s31+s16], $0x2800, $0x38;
	[tilespmem:$0x11280] =	vst v63  }
0x3b: {  	_ =	swait.ge [sflag:s11], $0x2800  }
0x3c: {  	[sflag:s11] =	ssyncset.done $0x0  }
0x3d: {  	s16 =	simm.s32 $0x0;
	[sflag:s11] =	ssyncadd.s32 $0xFFFFD800  }
0x3e: {  	v4 =	vld [tilespmem:s16+$0x0]  }
0x3f: {  	v6 =	vld [tilespmem:s16+$0x10]  }
0x40: {  	v5 =	vld [tilespmem:s16+$0x20]  }
0x41: {  	v3 =	vld [tilespmem:s16+$0x30]  }
0x42: {  	v2 =	vld [tilespmem:s16+$0x40]  }
0x43: {  	v7 =	vadd.s32 v0, v4;
	v4 =	vld [tilespmem:s16+$0x50]  }
0x44: {  	s17 =	simm.s32 $0x200;
	[tilespmem:s16+$0x0] =	vst v7;
	v7 =	vadd.s32 v0, v6;
	v6 =	vld [tilespmem:s16+$0x60]  }
.LBB2_2:
0x45: {  	s18 =	sshra.s32 s17, $0x2;
	p1 =	sne.s32 s17, $0x9E00;
	[tilespmem:s16+$0x10] =	vst v7;
	v5 =	vadd.s32 v0, v5;
	v7 =	vld [tilespmem:s16+$0x70]  }
0x46: {  	v8 =	vld [tilespmem:s18+$0x0];
	[tilespmem:s16+$0x20] =	vst v5;
	v3 =	vadd.s32 v0, v3  }
0x47: {  	v9 =	vld [tilespmem:s18+$0x10];
	[tilespmem:s16+$0x30] =	vst v3;
	v2 =	vadd.s32 v0, v2  }
.Ltmp0:
0x48: {  	v5 =	vld [tilespmem:s18+$0x20];
	[tilespmem:s16+$0x40] =	vst v2;
	v2 =	vadd.s32 v0, v4;
	(pc) =	sbr.rel @p1 .LBB2_2-.Ltmp0, $4  }
0x49: {  	v3 =	vld [tilespmem:s18+$0x30];
	[tilespmem:s16+$0x50] =	vst v2;
	v4 =	vadd.s32 v0, v6  }
0x4a: {  	v2 =	vld [tilespmem:s18+$0x40];
	[tilespmem:s16+$0x60] =	vst v4;
	v6 =	vadd.s32 v0, v7  }
0x4b: {  	v7 =	vadd.s32 v0, v8;
	v4 =	vld [tilespmem:s18+$0x50];
	[tilespmem:s16+$0x70] =	vst v6;
	s16 =	smov.u32 s18  }
0x4c: {  	s17 =	sadd.s32 $0x200, s17;
	[tilespmem:s16+$0x0] =	vst v7;
	v7 =	vadd.s32 v0, v9;
	v6 =	vld [tilespmem:s16+$0x60]  }
0x4d: {  	[tilespmem:s16+$0x10] =	vst v7;
	v5 =	vadd.s32 v0, v5;
	v63 =	vld [tilespmem:s16+$0x70]  }
0x4e: {  	[tilespmem:s16+$0x20] =	vst v5;
	v3 =	vadd.s32 v0, v3  }
0x4f: {  	[tilespmem:s16+$0x30] =	vst v3;
	v2 =	vadd.s32 v0, v2  }
0x50: {  	[tilespmem:s16+$0x40] =	vst v2;
	v2 =	vadd.s32 v0, v4  }
0x51: {  	[tilespmem:s16+$0x50] =	vst v2;
	v2 =	vadd.s32 v0, v6  }
0x52: {  	[tilespmem:s16+$0x60] =	vst v2;
	v2 =	vadd.s32 v0, v63  }
0x53: {  	s17 =	simm.s32 $0x100;
	[tilespmem:s16+$0x70] =	vst v2;
	s16 =	simm.s32 $0x0  }
.LBB2_4:
0x54: {  	p1 =	sne.s32 s17, $0x7F00;
	[tilespmem:s16+$0x5030] =	vst v1;
	s18 =	smov.u32 s17;
	s17 =	sadd.s32 $0x100, s17  }
.Ltmp1:
0x55: {  	[tilespmem:s16+$0x5020] =	vst v1;
	(pc) =	sbr.rel @p1 .LBB2_4-.Ltmp1, $3  }
0x56: {  	[tilespmem:s16+$0x5000] =	vst v1  }
0x57: {  	[tilespmem:s16+$0x5010] =	vst v1;
	_ =	sdelay $0x1  }
0x58: {  	s16 =	sshra.s32 s18, $0x2  }
0x59: {  	[tilespmem:s16+$0x5030] =	vst v1  }
0x5a: {  	[tilespmem:s16+$0x5020] =	vst v1  }
0x5b: {  	[tilespmem:s16+$0x5000] =	vst v1  }
0x5c: {  	[tilespmem:s16+$0x5010] =	vst v1  }
0x5d: {  	[spmem:s24] =	stream.linear.scatter [tilespmem:s12], [sflag:$0x2], $0x2000, $0x38;
	[tilespmem:$0x11280] =	vst v63  }
0x5e: {  	_ =	swait.ge [sflag:s11], $0x2000  }
0x5f: {  	[sflag:s11] =	ssyncset.done $0x0  }
0x60: {  	[sflag:s11] =	ssyncadd.s32 $0xFFFFE000  }
0x61: {  	[spmem:s0] =	stream.linear.scatter [tilespmem:s12], [sflag:$0x2], $0x2000, $0x38;
	[tilespmem:$0x11280] =	vst v63  }
0x62: {  	_ =	swait.ge [sflag:s11], $0x2000  }
0x63: {  	[sflag:s11] =	ssyncset.done $0x0  }
0x64: {  	[sflag:s11] =	ssyncadd.s32 $0xFFFFE000  }
0x65: {  	[spmem:s1] =	stream.linear.scatter [tilespmem:s12], [sflag:$0x2], $0x2000, $0x38;
	[tilespmem:$0x11280] =	vst v63  }
0x66: {  	_ =	swait.ge [sflag:s11], $0x2000  }
0x67: {  	[sflag:s11] =	ssyncset.done $0x0  }
0x68: {  	[sflag:s11] =	ssyncadd.s32 $0xFFFFE000  }
0x69: {  	[spmem:s2] =	stream.linear.scatter [tilespmem:s12], [sflag:$0x2], $0x2000, $0x38;
	[tilespmem:$0x11280] =	vst v63  }
0x6a: {  	_ =	swait.ge [sflag:s11], $0x2000  }
0x6b: {  	[sflag:s11] =	ssyncset.done $0x0  }
0x6c: {  	[sflag:s11] =	ssyncadd.s32 $0xFFFFE000  }
0x6d: {  	[spmem:s3] =	stream.linear.scatter [tilespmem:s12], [sflag:$0x2], $0x2000, $0x38;
	[tilespmem:$0x11280] =	vst v63  }
0x6e: {  	_ =	swait.ge [sflag:s11], $0x2000  }
0x6f: {  	[sflag:s11] =	ssyncset.done $0x0  }
0x70: {  	[sflag:s11] =	ssyncadd.s32 $0xFFFFE000  }
0x71: {  	[spmem:s4] =	stream.linear.scatter [tilespmem:s12], [sflag:$0x2], $0x200, $0x38;
	[tilespmem:$0x11280] =	vst v63  }
0x72: {  	_ =	swait.ge [sflag:s11], $0x200  }
0x73: {  	[sflag:s11] =	ssyncset.done $0x0  }
0x74: {  	s16 =	simm.s32 @!p0 $0x5000;
	[sflag:s11] =	ssyncadd.s32 $0xFFFFFE00  }
0x75: {  	[spmem:s10] =	stream.linear.scatter @!p0 [tilespmem:s16], [sflag:$0x2], $0x800, $0x38;
	[tilespmem:$0x11280] =	vst v63  }
0x76: {  	s16 =	simm.s32 @!p0 $0x2  }
0x77: {  	_ =	swait.ge @!p0 [sflag:s16], $0x800  }
0x78: {  	[sflag:s16] =	ssyncset.done @!p0 $0x0  }
0x79: {  	[sflag:s16] =	ssyncadd.s32 @!p0 $0xFFFFF800  }
0x7a: {  	s30 =	simm.s32 $0x0;
	[bflag:$0x0] =	sbarrier.arrive $0xFFFF  }
0x7b: {  	[tilespmem:s12], [sflag:$0x1] =	stream.indirect.gather [hbm4b:s29+s13], $0x40, s30, s13, $0xb8;
	[tilespmem:$0x11280] =	vst v63  }
0x7c: {  	_ =	swait.ge [sflag:s14], $0x2000  }
0x7d: {  	[sflag:s14] =	ssyncset.done $0x0  }
0x7e: {  	s31 =	simm.s32 $0x2800;
	[sflag:s14] =	ssyncadd.s32 $0xFFFFE000  }
0x7f: {  	[spmem:s26] =	stream.indirect.scatter.add.f32 [tilespmem:s12], [sflag:$0x2], $0x40, s31, s13, $0xb8;
	[tilespmem:$0x11280] =	vst v63  }
0x80: {  	_ =	swait.ge [sflag:s11], $0x2000  }
0x81: {  	s17 =	simm.s32 $0x400;
	s16 =	simm.s32 $0x200;
	[sflag:s11] =	ssyncset.done $0x0  }
.LBB2_6:
0x82: {  	s18 =	sshra.s32 s16, $0x2  }
0x83: {  	[sflag:s11] =	ssyncadd.s32 $0xFFFFE000;
	s16 =	smov.u32 s17;
	s19 =	sadd.s32 $0x200, s17  }
0x84: {  	[tilespmem:s12], [sflag:$0x1] =	stream.indirect.gather [hbm4b:s29+s13], $0x40, s18, s13, $0xb8;
	[tilespmem:$0x11280] =	vst v63  }
0x85: {  	p1 =	sne.s32 s17, $0x9E00;
	_ =	swait.ge [sflag:s14], $0x2000  }
.Ltmp2:
0x86: {  	[sflag:s14] =	ssyncset.done $0x0;
	(pc) =	sbr.rel @p1 .LBB2_6-.Ltmp2, $4  }
0x87: {  	s17 =	sadd.s32 $0x2800, s18;
	[sflag:s14] =	ssyncadd.s32 $0xFFFFE000  }
0x88: {  	[spmem:s26] =	stream.indirect.scatter.add.f32 [tilespmem:s12], [sflag:$0x2], $0x40, s17, s13, $0xb8;
	[tilespmem:$0x11280] =	vst v63  }
0x89: {  	_ =	swait.ge [sflag:s11], $0x2000  }
0x8a: {  	s17 =	smov.u32 s19;
	[sflag:s11] =	ssyncset.done $0x0  }
0x8b: {  	s16 =	sshra.s32 s16, $0x2;
	[sflag:s11] =	ssyncadd.s32 $0xFFFFE000  }
0x8c: {  	[tilespmem:s12], [sflag:$0x1] =	stream.indirect.gather [hbm4b:s29+s13], $0x40, s16, s13, $0xb8;
	[tilespmem:$0x11280] =	vst v63  }
0x8d: {  	_ =	swait.ge [sflag:s14], $0x2000  }
0x8e: {  	[sflag:s14] =	ssyncset.done $0x0  }
0x8f: {  	s16 =	sadd.s32 $0x2800, s16;
	[sflag:s14] =	ssyncadd.s32 $0xFFFFE000  }
0x90: {  	[spmem:s26] =	stream.indirect.scatter.add.f32 [tilespmem:s12], [sflag:$0x2], $0x40, s16, s13, $0xb8;
	[tilespmem:$0x11280] =	vst v63  }
0x91: {  	_ =	swait.ge [sflag:s11], $0x2000  }
0x92: {  	[sflag:s11] =	ssyncset.done $0x0  }
0x93: {  	s31 =	stileid.u32;
	[sflag:s11] =	ssyncadd.s32 $0xFFFFE000  }
0x94: {  	s16 =	sshll.u32 s31, $0x6;
	[bflag:$0x0] =	sbarrier.arrive $0xFFFF  }
0x95: {  	s17 =	sshrl.u32 s24, $0x3;
	s16 =	sor.u32 $0x1C02, s16;
	s18 =	rddreg [dreg:$0x3]  }
0x96: {  	[hbm:s18], [sflag:s16] =	dma.local [spmem:s17], $0x400  }
0x97: {  	_ =	swait.ge [sflag:s11], $0x400  }
0x98: {  	[sflag:s11] =	ssyncset.done $0x0  }
0x99: {  	s18 =	sshrl.u32 s0, $0x3;
	s19 =	rddreg [dreg:$0x4];
	[sflag:s11] =	ssyncadd.s32 $0xFFFFFC00  }
0x9a: {  	[hbm:s19], [sflag:s16] =	dma.local [spmem:s18], $0x400  }
0x9b: {  	_ =	swait.ge [sflag:s11], $0x400  }
0x9c: {  	[sflag:s11] =	ssyncset.done $0x0  }
0x9d: {  	s19 =	sshrl.u32 s1, $0x3;
	s20 =	rddreg [dreg:$0x5];
	[sflag:s11] =	ssyncadd.s32 $0xFFFFFC00  }
0x9e: {  	[hbm:s20], [sflag:s16] =	dma.local [spmem:s19], $0x400  }
0x9f: {  	_ =	swait.ge [sflag:s11], $0x400  }
0xa0: {  	[sflag:s11] =	ssyncset.done $0x0  }
0xa1: {  	s20 =	sshrl.u32 s2, $0x3;
	s21 =	rddreg [dreg:$0x6];
	[sflag:s11] =	ssyncadd.s32 $0xFFFFFC00  }
0xa2: {  	[hbm:s21], [sflag:s16] =	dma.local [spmem:s20], $0x400  }
0xa3: {  	_ =	swait.ge [sflag:s11], $0x400  }
0xa4: {  	[sflag:s11] =	ssyncset.done $0x0  }
0xa5: {  	s21 =	sshrl.u32 s3, $0x3;
	s22 =	rddreg [dreg:$0x7];
	[sflag:s11] =	ssyncadd.s32 $0xFFFFFC00  }
0xa6: {  	[hbm:s22], [sflag:s16] =	dma.local [spmem:s21], $0x400  }
0xa7: {  	_ =	swait.ge [sflag:s11], $0x400  }
0xa8: {  	[sflag:s11] =	ssyncset.done $0x0  }
0xa9: {  	s22 =	sshrl.u32 s4, $0x3;
	s23 =	rddreg [dreg:$0x8];
	[sflag:s11] =	ssyncadd.s32 $0xFFFFFC00  }
0xaa: {  	[hbm:s23], [sflag:s16] =	dma.local [spmem:s22], $0x40  }
0xab: {  	_ =	swait.ge [sflag:s11], $0x40  }
0xac: {  	[sflag:s11] =	ssyncset.done $0x0  }
0xad: {  	s25 =	simm.s32 @!p0 $0x2;
	s23 =	sshrl.u32 @!p0 s10, $0x3;
	[sflag:s11] =	ssyncadd.s32 $0xFFFFFFC0  }
0xae: {  	[hbm:s5], [sflag:s16] =	dma.local @!p0 [spmem:s23], $0x100  }
0xaf: {  	_ =	swait.ge @!p0 [sflag:s25], $0x100  }
0xb0: {  	[sflag:s25] =	ssyncset.done @!p0 $0x0  }
0xb1: {  	[sflag:s25] =	ssyncadd.s32 @!p0 $0xFFFFFF00;
	s25 =	simm.s32 $0x0  }
0xb2: {  	v4 =	vld [tilespmem:s25+$0x0]  }
0xb3: {  	v6 =	vld [tilespmem:s25+$0x10]  }
0xb4: {  	v5 =	vld [tilespmem:s25+$0x20]  }
0xb5: {  	v3 =	vld [tilespmem:s25+$0x30]  }
0xb6: {  	v2 =	vld [tilespmem:s25+$0x40]  }
0xb7: {  	v7 =	vadd.s32 $0x28A0, v4;
	v4 =	vld [tilespmem:s25+$0x50]  }
0xb8: {  	s28 =	simm.s32 $0x200;
	[tilespmem:s25+$0x0] =	vst v7;
	v7 =	vadd.s32 $0x28A0, v6;
	v6 =	vld [tilespmem:s25+$0x60]  }
.LBB2_8:
0xb9: {  	s30 =	sshra.s32 s28, $0x2;
	p1 =	sne.s32 s28, $0x9E00;
	[tilespmem:s25+$0x10] =	vst v7;
	v5 =	vadd.s32 $0x28A0, v5;
	v7 =	vld [tilespmem:s25+$0x70]  }
0xba: {  	v8 =	vld [tilespmem:s30+$0x0];
	[tilespmem:s25+$0x20] =	vst v5;
	v3 =	vadd.s32 $0x28A0, v3  }
0xbb: {  	v9 =	vld [tilespmem:s30+$0x10];
	[tilespmem:s25+$0x30] =	vst v3;
	v2 =	vadd.s32 $0x28A0, v2  }
.Ltmp3:
0xbc: {  	v5 =	vld [tilespmem:s30+$0x20];
	[tilespmem:s25+$0x40] =	vst v2;
	v2 =	vadd.s32 $0x28A0, v4;
	(pc) =	sbr.rel @p1 .LBB2_8-.Ltmp3, $4  }
0xbd: {  	v3 =	vld [tilespmem:s30+$0x30];
	[tilespmem:s25+$0x50] =	vst v2;
	v4 =	vadd.s32 $0x28A0, v6  }
0xbe: {  	v2 =	vld [tilespmem:s30+$0x40];
	[tilespmem:s25+$0x60] =	vst v4;
	v6 =	vadd.s32 $0x28A0, v7  }
0xbf: {  	v7 =	vadd.s32 $0x28A0, v8;
	v4 =	vld [tilespmem:s30+$0x50];
	[tilespmem:s25+$0x70] =	vst v6;
	s25 =	smov.u32 s30  }
0xc0: {  	s28 =	sadd.s32 $0x200, s28;
	[tilespmem:s25+$0x0] =	vst v7;
	v7 =	vadd.s32 $0x28A0, v9;
	v6 =	vld [tilespmem:s25+$0x60]  }
0xc1: {  	[tilespmem:s25+$0x10] =	vst v7;
	v5 =	vadd.s32 $0x28A0, v5;
	v63 =	vld [tilespmem:s25+$0x70]  }
0xc2: {  	[tilespmem:s25+$0x20] =	vst v5;
	v3 =	vadd.s32 $0x28A0, v3  }
0xc3: {  	[tilespmem:s25+$0x30] =	vst v3;
	v2 =	vadd.s32 $0x28A0, v2  }
0xc4: {  	[tilespmem:s25+$0x40] =	vst v2;
	v2 =	vadd.s32 $0x28A0, v4  }
0xc5: {  	[tilespmem:s25+$0x50] =	vst v2;
	v2 =	vadd.s32 $0x28A0, v6  }
0xc6: {  	[tilespmem:s25+$0x60] =	vst v2;
	v2 =	vadd.s32 $0x28A0, v63  }
0xc7: {  	s28 =	simm.s32 $0x100;
	[tilespmem:s25+$0x70] =	vst v2;
	s25 =	simm.s32 $0x0  }
.LBB2_10:
0xc8: {  	p1 =	sne.s32 s28, $0x7F00;
	[tilespmem:s25+$0x5030] =	vst v1;
	s30 =	smov.u32 s28;
	s28 =	sadd.s32 $0x100, s28  }
.Ltmp4:
0xc9: {  	[tilespmem:s25+$0x5020] =	vst v1;
	(pc) =	sbr.rel @p1 .LBB2_10-.Ltmp4, $3  }
0xca: {  	[tilespmem:s25+$0x5000] =	vst v1  }
0xcb: {  	[tilespmem:s25+$0x5010] =	vst v1;
	_ =	sdelay $0x1  }
0xcc: {  	s25 =	sshra.s32 s30, $0x2  }
0xcd: {  	[tilespmem:s25+$0x5030] =	vst v1  }
0xce: {  	[tilespmem:s25+$0x5020] =	vst v1  }
0xcf: {  	[tilespmem:s25+$0x5000] =	vst v1  }
0xd0: {  	[tilespmem:s25+$0x5010] =	vst v1  }
0xd1: {  	[spmem:s24] =	stream.linear.scatter [tilespmem:s12], [sflag:$0x2], $0x2000, $0x38;
	[tilespmem:$0x11280] =	vst v63  }
0xd2: {  	_ =	swait.ge [sflag:s11], $0x2000  }
0xd3: {  	[sflag:s11] =	ssyncset.done $0x0  }
0xd4: {  	[sflag:s11] =	ssyncadd.s32 $0xFFFFE000  }
0xd5: {  	[spmem:s0] =	stream.linear.scatter [tilespmem:s12], [sflag:$0x2], $0x2000, $0x38;
	[tilespmem:$0x11280] =	vst v63  }
0xd6: {  	_ =	swait.ge [sflag:s11], $0x2000  }
0xd7: {  	[sflag:s11] =	ssyncset.done $0x0  }
0xd8: {  	[sflag:s11] =	ssyncadd.s32 $0xFFFFE000  }
0xd9: {  	[spmem:s1] =	stream.linear.scatter [tilespmem:s12], [sflag:$0x2], $0x2000, $0x38;
	[tilespmem:$0x11280] =	vst v63  }
0xda: {  	_ =	swait.ge [sflag:s11], $0x2000  }
0xdb: {  	[sflag:s11] =	ssyncset.done $0x0  }
0xdc: {  	[sflag:s11] =	ssyncadd.s32 $0xFFFFE000  }
0xdd: {  	[spmem:s2] =	stream.linear.scatter [tilespmem:s12], [sflag:$0x2], $0x2000, $0x38;
	[tilespmem:$0x11280] =	vst v63  }
0xde: {  	_ =	swait.ge [sflag:s11], $0x2000  }
0xdf: {  	[sflag:s11] =	ssyncset.done $0x0  }
0xe0: {  	[sflag:s11] =	ssyncadd.s32 $0xFFFFE000  }
0xe1: {  	[spmem:s3] =	stream.linear.scatter [tilespmem:s12], [sflag:$0x2], $0x2000, $0x38;
	[tilespmem:$0x11280] =	vst v63  }
0xe2: {  	_ =	swait.ge [sflag:s11], $0x2000  }
0xe3: {  	[sflag:s11] =	ssyncset.done $0x0  }
0xe4: {  	[sflag:s11] =	ssyncadd.s32 $0xFFFFE000  }
0xe5: {  	[spmem:s4] =	stream.linear.scatter [tilespmem:s12], [sflag:$0x2], $0x200, $0x38;
	[tilespmem:$0x11280] =	vst v63  }
0xe6: {  	_ =	swait.ge [sflag:s11], $0x200  }
0xe7: {  	[sflag:s11] =	ssyncset.done $0x0  }
0xe8: {  	s25 =	simm.s32 @!p0 $0x5000;
	[sflag:s11] =	ssyncadd.s32 $0xFFFFFE00  }
0xe9: {  	[spmem:s10] =	stream.linear.scatter @!p0 [tilespmem:s25], [sflag:$0x2], $0x800, $0x38;
	[tilespmem:$0x11280] =	vst v63  }
0xea: {  	s25 =	simm.s32 @!p0 $0x2  }
0xeb: {  	_ =	swait.ge @!p0 [sflag:s25], $0x800  }
0xec: {  	[sflag:s25] =	ssyncset.done @!p0 $0x0  }
0xed: {  	[sflag:s25] =	ssyncadd.s32 @!p0 $0xFFFFF800  }
0xee: {  	s30 =	simm.s32 $0x0;
	[bflag:$0x0] =	sbarrier.arrive $0xFFFF  }
0xef: {  	[tilespmem:s12], [sflag:$0x1] =	stream.indirect.gather [hbm4b:s29+s13], $0x40, s30, s13, $0xb8;
	[tilespmem:$0x11280] =	vst v63  }
0xf0: {  	_ =	swait.ge [sflag:s14], $0x2000  }
0xf1: {  	[sflag:s14] =	ssyncset.done $0x0  }
0xf2: {  	s31 =	simm.s32 $0x2800;
	[sflag:s14] =	ssyncadd.s32 $0xFFFFE000  }
0xf3: {  	[spmem:s26] =	stream.indirect.scatter.add.f32 [tilespmem:s12], [sflag:$0x2], $0x40, s31, s13, $0xb8;
	[tilespmem:$0x11280] =	vst v63  }
0xf4: {  	_ =	swait.ge [sflag:s11], $0x2000  }
0xf5: {  	s28 =	simm.s32 $0x400;
	s25 =	simm.s32 $0x200;
	[sflag:s11] =	ssyncset.done $0x0  }
.LBB2_12:
0xf6: {  	s30 =	sshra.s32 s25, $0x2  }
0xf7: {  	[sflag:s11] =	ssyncadd.s32 $0xFFFFE000;
	s25 =	smov.u32 s28;
	s31 =	sadd.s32 $0x200, s28  }
0xf8: {  	[tilespmem:s12], [sflag:$0x1] =	stream.indirect.gather [hbm4b:s29+s13], $0x40, s30, s13, $0xb8;
	[tilespmem:$0x11280] =	vst v63  }
0xf9: {  	p1 =	sne.s32 s28, $0x9E00;
	_ =	swait.ge [sflag:s14], $0x2000  }
.Ltmp5:
0xfa: {  	[sflag:s14] =	ssyncset.done $0x0;
	(pc) =	sbr.rel @p1 .LBB2_12-.Ltmp5, $4  }
0xfb: {  	s28 =	sadd.s32 $0x2800, s30;
	[sflag:s14] =	ssyncadd.s32 $0xFFFFE000  }
0xfc: {  	[spmem:s26] =	stream.indirect.scatter.add.f32 [tilespmem:s12], [sflag:$0x2], $0x40, s28, s13, $0xb8;
	[tilespmem:$0x11280] =	vst v63  }
0xfd: {  	_ =	swait.ge [sflag:s11], $0x2000  }
0xfe: {  	s28 =	smov.u32 s31;
	[sflag:s11] =	ssyncset.done $0x0  }
0xff: {  	s25 =	sshra.s32 s25, $0x2;
	[sflag:s11] =	ssyncadd.s32 $0xFFFFE000  }
0x100: {  	[tilespmem:s12], [sflag:$0x1] =	stream.indirect.gather [hbm4b:s29+s13], $0x40, s25, s13, $0xb8;
	[tilespmem:$0x11280] =	vst v63  }
0x101: {  	_ =	swait.ge [sflag:s14], $0x2000  }
0x102: {  	[sflag:s14] =	ssyncset.done $0x0  }
0x103: {  	s25 =	sadd.s32 $0x2800, s25;
	[sflag:s14] =	ssyncadd.s32 $0xFFFFE000  }
0x104: {  	[spmem:s26] =	stream.indirect.scatter.add.f32 [tilespmem:s12], [sflag:$0x2], $0x40, s25, s13, $0xb8;
	[tilespmem:$0x11280] =	vst v63  }
0x105: {  	_ =	swait.ge [sflag:s11], $0x2000  }
0x106: {  	[sflag:s11] =	ssyncset.done $0x0  }
0x107: {  	[sflag:s11] =	ssyncadd.s32 $0xFFFFE000  }
0x108: {  	[bflag:$0x0] =	sbarrier.arrive $0xFFFF  }
0x109: {  	s30 =	rddreg [dreg:$0x9]  }
0x10a: {  	[hbm:s30], [sflag:s16] =	dma.local [spmem:s17], $0x400  }
0x10b: {  	_ =	swait.ge [sflag:s11], $0x400  }
0x10c: {  	[sflag:s11] =	ssyncset.done $0x0  }
0x10d: {  	s31 =	rddreg [dreg:$0xa];
	[sflag:s11] =	ssyncadd.s32 $0xFFFFFC00  }
0x10e: {  	[hbm:s31], [sflag:s16] =	dma.local [spmem:s18], $0x400  }
0x10f: {  	_ =	swait.ge [sflag:s11], $0x400  }
0x110: {  	[sflag:s11] =	ssyncset.done $0x0  }
0x111: {  	s30 =	rddreg [dreg:$0xb];
	[sflag:s11] =	ssyncadd.s32 $0xFFFFFC00  }
0x112: {  	[hbm:s30], [sflag:s16] =	dma.local [spmem:s19], $0x400  }
0x113: {  	_ =	swait.ge [sflag:s11], $0x400  }
0x114: {  	[sflag:s11] =	ssyncset.done $0x0  }
0x115: {  	s31 =	rddreg [dreg:$0xc];
	[sflag:s11] =	ssyncadd.s32 $0xFFFFFC00  }
0x116: {  	[hbm:s31], [sflag:s16] =	dma.local [spmem:s20], $0x400  }
0x117: {  	_ =	swait.ge [sflag:s11], $0x400  }
0x118: {  	[sflag:s11] =	ssyncset.done $0x0  }
0x119: {  	s30 =	rddreg [dreg:$0xd];
	[sflag:s11] =	ssyncadd.s32 $0xFFFFFC00  }
0x11a: {  	[hbm:s30], [sflag:s16] =	dma.local [spmem:s21], $0x400  }
0x11b: {  	_ =	swait.ge [sflag:s11], $0x400  }
0x11c: {  	[sflag:s11] =	ssyncset.done $0x0  }
0x11d: {  	s31 =	rddreg [dreg:$0xe];
	[sflag:s11] =	ssyncadd.s32 $0xFFFFFC00  }
0x11e: {  	[hbm:s31], [sflag:s16] =	dma.local [spmem:s22], $0x40  }
0x11f: {  	_ =	swait.ge [sflag:s11], $0x40  }
0x120: {  	[sflag:s11] =	ssyncset.done $0x0  }
0x121: {  	s25 =	simm.s32 @!p0 $0x2;
	[sflag:s11] =	ssyncadd.s32 $0xFFFFFFC0  }
0x122: {  	[hbm:s6], [sflag:s16] =	dma.local @!p0 [spmem:s23], $0x100  }
0x123: {  	_ =	swait.ge @!p0 [sflag:s25], $0x100  }
0x124: {  	[sflag:s25] =	ssyncset.done @!p0 $0x0  }
0x125: {  	[sflag:s25] =	ssyncadd.s32 @!p0 $0xFFFFFF00;
	s25 =	simm.s32 $0x0  }
0x126: {  	v4 =	vld [tilespmem:s25+$0x0]  }
0x127: {  	v6 =	vld [tilespmem:s25+$0x10]  }
0x128: {  	v5 =	vld [tilespmem:s25+$0x20]  }
0x129: {  	v3 =	vld [tilespmem:s25+$0x30]  }
0x12a: {  	v2 =	vld [tilespmem:s25+$0x40]  }
0x12b: {  	v7 =	vadd.s32 $0x28A0, v4;
	v4 =	vld [tilespmem:s25+$0x50]  }
0x12c: {  	s28 =	simm.s32 $0x200;
	[tilespmem:s25+$0x0] =	vst v7;
	v7 =	vadd.s32 $0x28A0, v6;
	v6 =	vld [tilespmem:s25+$0x60]  }
.LBB2_14:
0x12d: {  	s30 =	sshra.s32 s28, $0x2;
	p1 =	sne.s32 s28, $0x9E00;
	[tilespmem:s25+$0x10] =	vst v7;
	v5 =	vadd.s32 $0x28A0, v5;
	v7 =	vld [tilespmem:s25+$0x70]  }
0x12e: {  	v8 =	vld [tilespmem:s30+$0x0];
	[tilespmem:s25+$0x20] =	vst v5;
	v3 =	vadd.s32 $0x28A0, v3  }
0x12f: {  	v9 =	vld [tilespmem:s30+$0x10];
	[tilespmem:s25+$0x30] =	vst v3;
	v2 =	vadd.s32 $0x28A0, v2  }
.Ltmp6:
0x130: {  	v5 =	vld [tilespmem:s30+$0x20];
	[tilespmem:s25+$0x40] =	vst v2;
	v2 =	vadd.s32 $0x28A0, v4;
	(pc) =	sbr.rel @p1 .LBB2_14-.Ltmp6, $4  }
0x131: {  	v3 =	vld [tilespmem:s30+$0x30];
	[tilespmem:s25+$0x50] =	vst v2;
	v4 =	vadd.s32 $0x28A0, v6  }
0x132: {  	v2 =	vld [tilespmem:s30+$0x40];
	[tilespmem:s25+$0x60] =	vst v4;
	v6 =	vadd.s32 $0x28A0, v7  }
0x133: {  	v7 =	vadd.s32 $0x28A0, v8;
	v4 =	vld [tilespmem:s30+$0x50];
	[tilespmem:s25+$0x70] =	vst v6;
	s25 =	smov.u32 s30  }
0x134: {  	s28 =	sadd.s32 $0x200, s28;
	[tilespmem:s25+$0x0] =	vst v7;
	v7 =	vadd.s32 $0x28A0, v9;
	v6 =	vld [tilespmem:s25+$0x60]  }
0x135: {  	[tilespmem:s25+$0x10] =	vst v7;
	v5 =	vadd.s32 $0x28A0, v5;
	v63 =	vld [tilespmem:s25+$0x70]  }
0x136: {  	[tilespmem:s25+$0x20] =	vst v5;
	v3 =	vadd.s32 $0x28A0, v3  }
0x137: {  	[tilespmem:s25+$0x30] =	vst v3;
	v2 =	vadd.s32 $0x28A0, v2  }
0x138: {  	[tilespmem:s25+$0x40] =	vst v2;
	v2 =	vadd.s32 $0x28A0, v4  }
0x139: {  	[tilespmem:s25+$0x50] =	vst v2;
	v2 =	vadd.s32 $0x28A0, v6  }
0x13a: {  	[tilespmem:s25+$0x60] =	vst v2;
	v2 =	vadd.s32 $0x28A0, v63  }
0x13b: {  	s28 =	simm.s32 $0x100;
	[tilespmem:s25+$0x70] =	vst v2;
	s25 =	simm.s32 $0x0  }
.LBB2_16:
0x13c: {  	p1 =	sne.s32 s28, $0x7F00;
	[tilespmem:s25+$0x5030] =	vst v1;
	s30 =	smov.u32 s28;
	s28 =	sadd.s32 $0x100, s28  }
.Ltmp7:
0x13d: {  	[tilespmem:s25+$0x5020] =	vst v1;
	(pc) =	sbr.rel @p1 .LBB2_16-.Ltmp7, $3  }
0x13e: {  	[tilespmem:s25+$0x5000] =	vst v1  }
0x13f: {  	[tilespmem:s25+$0x5010] =	vst v1;
	_ =	sdelay $0x1  }
0x140: {  	s25 =	sshra.s32 s30, $0x2  }
0x141: {  	[tilespmem:s25+$0x5030] =	vst v1  }
0x142: {  	[tilespmem:s25+$0x5020] =	vst v1  }
0x143: {  	[tilespmem:s25+$0x5000] =	vst v1  }
0x144: {  	[tilespmem:s25+$0x5010] =	vst v1  }
0x145: {  	[spmem:s24] =	stream.linear.scatter [tilespmem:s12], [sflag:$0x2], $0x2000, $0x38;
	[tilespmem:$0x11280] =	vst v63  }
0x146: {  	_ =	swait.ge [sflag:s11], $0x2000  }
0x147: {  	[sflag:s11] =	ssyncset.done $0x0  }
0x148: {  	[sflag:s11] =	ssyncadd.s32 $0xFFFFE000  }
0x149: {  	[spmem:s0] =	stream.linear.scatter [tilespmem:s12], [sflag:$0x2], $0x2000, $0x38;
	[tilespmem:$0x11280] =	vst v63  }
0x14a: {  	_ =	swait.ge [sflag:s11], $0x2000  }
0x14b: {  	[sflag:s11] =	ssyncset.done $0x0  }
0x14c: {  	[sflag:s11] =	ssyncadd.s32 $0xFFFFE000  }
0x14d: {  	[spmem:s1] =	stream.linear.scatter [tilespmem:s12], [sflag:$0x2], $0x2000, $0x38;
	[tilespmem:$0x11280] =	vst v63  }
0x14e: {  	_ =	swait.ge [sflag:s11], $0x2000  }
0x14f: {  	[sflag:s11] =	ssyncset.done $0x0  }
0x150: {  	[sflag:s11] =	ssyncadd.s32 $0xFFFFE000  }
0x151: {  	[spmem:s2] =	stream.linear.scatter [tilespmem:s12], [sflag:$0x2], $0x2000, $0x38;
	[tilespmem:$0x11280] =	vst v63  }
0x152: {  	_ =	swait.ge [sflag:s11], $0x2000  }
0x153: {  	[sflag:s11] =	ssyncset.done $0x0  }
0x154: {  	[sflag:s11] =	ssyncadd.s32 $0xFFFFE000  }
0x155: {  	[spmem:s3] =	stream.linear.scatter [tilespmem:s12], [sflag:$0x2], $0x2000, $0x38;
	[tilespmem:$0x11280] =	vst v63  }
0x156: {  	_ =	swait.ge [sflag:s11], $0x2000  }
0x157: {  	[sflag:s11] =	ssyncset.done $0x0  }
0x158: {  	[sflag:s11] =	ssyncadd.s32 $0xFFFFE000  }
0x159: {  	[spmem:s4] =	stream.linear.scatter [tilespmem:s12], [sflag:$0x2], $0x200, $0x38;
	[tilespmem:$0x11280] =	vst v63  }
0x15a: {  	_ =	swait.ge [sflag:s11], $0x200  }
0x15b: {  	[sflag:s11] =	ssyncset.done $0x0  }
0x15c: {  	s25 =	simm.s32 @!p0 $0x5000;
	[sflag:s11] =	ssyncadd.s32 $0xFFFFFE00  }
0x15d: {  	[spmem:s10] =	stream.linear.scatter @!p0 [tilespmem:s25], [sflag:$0x2], $0x800, $0x38;
	[tilespmem:$0x11280] =	vst v63  }
0x15e: {  	s25 =	simm.s32 @!p0 $0x2  }
0x15f: {  	_ =	swait.ge @!p0 [sflag:s25], $0x800  }
0x160: {  	[sflag:s25] =	ssyncset.done @!p0 $0x0  }
0x161: {  	[sflag:s25] =	ssyncadd.s32 @!p0 $0xFFFFF800  }
0x162: {  	s30 =	simm.s32 $0x0;
	[bflag:$0x0] =	sbarrier.arrive $0xFFFF  }
0x163: {  	[tilespmem:s12], [sflag:$0x1] =	stream.indirect.gather [hbm4b:s29+s13], $0x40, s30, s13, $0xb8;
	[tilespmem:$0x11280] =	vst v63  }
0x164: {  	_ =	swait.ge [sflag:s14], $0x2000  }
0x165: {  	[sflag:s14] =	ssyncset.done $0x0  }
0x166: {  	s31 =	simm.s32 $0x2800;
	[sflag:s14] =	ssyncadd.s32 $0xFFFFE000  }
0x167: {  	[spmem:s26] =	stream.indirect.scatter.add.f32 [tilespmem:s12], [sflag:$0x2], $0x40, s31, s13, $0xb8;
	[tilespmem:$0x11280] =	vst v63  }
0x168: {  	_ =	swait.ge [sflag:s11], $0x2000  }
0x169: {  	s28 =	simm.s32 $0x400;
	s25 =	simm.s32 $0x200;
	[sflag:s11] =	ssyncset.done $0x0  }
.LBB2_18:
0x16a: {  	s30 =	sshra.s32 s25, $0x2  }
0x16b: {  	[sflag:s11] =	ssyncadd.s32 $0xFFFFE000;
	s25 =	smov.u32 s28;
	s31 =	sadd.s32 $0x200, s28  }
0x16c: {  	[tilespmem:s12], [sflag:$0x1] =	stream.indirect.gather [hbm4b:s29+s13], $0x40, s30, s13, $0xb8;
	[tilespmem:$0x11280] =	vst v63  }
0x16d: {  	p1 =	sne.s32 s28, $0x9E00;
	_ =	swait.ge [sflag:s14], $0x2000  }
.Ltmp8:
0x16e: {  	[sflag:s14] =	ssyncset.done $0x0;
	(pc) =	sbr.rel @p1 .LBB2_18-.Ltmp8, $4  }
0x16f: {  	s28 =	sadd.s32 $0x2800, s30;
	[sflag:s14] =	ssyncadd.s32 $0xFFFFE000  }
0x170: {  	[spmem:s26] =	stream.indirect.scatter.add.f32 [tilespmem:s12], [sflag:$0x2], $0x40, s28, s13, $0xb8;
	[tilespmem:$0x11280] =	vst v63  }
0x171: {  	_ =	swait.ge [sflag:s11], $0x2000  }
0x172: {  	s28 =	smov.u32 s31;
	[sflag:s11] =	ssyncset.done $0x0  }
0x173: {  	s25 =	sshra.s32 s25, $0x2;
	[sflag:s11] =	ssyncadd.s32 $0xFFFFE000  }
0x174: {  	[tilespmem:s12], [sflag:$0x1] =	stream.indirect.gather [hbm4b:s29+s13], $0x40, s25, s13, $0xb8;
	[tilespmem:$0x11280] =	vst v63  }
0x175: {  	_ =	swait.ge [sflag:s14], $0x2000  }
0x176: {  	[sflag:s14] =	ssyncset.done $0x0  }
0x177: {  	s25 =	sadd.s32 $0x2800, s25;
	[sflag:s14] =	ssyncadd.s32 $0xFFFFE000  }
0x178: {  	[spmem:s26] =	stream.indirect.scatter.add.f32 [tilespmem:s12], [sflag:$0x2], $0x40, s25, s13, $0xb8;
	[tilespmem:$0x11280] =	vst v63  }
0x179: {  	_ =	swait.ge [sflag:s11], $0x2000  }
0x17a: {  	[sflag:s11] =	ssyncset.done $0x0  }
0x17b: {  	[sflag:s11] =	ssyncadd.s32 $0xFFFFE000  }
0x17c: {  	[bflag:$0x0] =	sbarrier.arrive $0xFFFF  }
0x17d: {  	s30 =	rddreg [dreg:$0xf]  }
0x17e: {  	[hbm:s30], [sflag:s16] =	dma.local [spmem:s17], $0x400  }
0x17f: {  	_ =	swait.ge [sflag:s11], $0x400  }
0x180: {  	[sflag:s11] =	ssyncset.done $0x0  }
0x181: {  	s31 =	rddreg [dreg:$0x10];
	[sflag:s11] =	ssyncadd.s32 $0xFFFFFC00  }
0x182: {  	[hbm:s31], [sflag:s16] =	dma.local [spmem:s18], $0x400  }
0x183: {  	_ =	swait.ge [sflag:s11], $0x400  }
0x184: {  	[sflag:s11] =	ssyncset.done $0x0  }
0x185: {  	s30 =	rddreg [dreg:$0x11];
	[sflag:s11] =	ssyncadd.s32 $0xFFFFFC00  }
0x186: {  	[hbm:s30], [sflag:s16] =	dma.local [spmem:s19], $0x400  }
0x187: {  	_ =	swait.ge [sflag:s11], $0x400  }
0x188: {  	[sflag:s11] =	ssyncset.done $0x0  }
0x189: {  	s31 =	rddreg [dreg:$0x12];
	[sflag:s11] =	ssyncadd.s32 $0xFFFFFC00  }
0x18a: {  	[hbm:s31], [sflag:s16] =	dma.local [spmem:s20], $0x400  }
0x18b: {  	_ =	swait.ge [sflag:s11], $0x400  }
0x18c: {  	[sflag:s11] =	ssyncset.done $0x0  }
0x18d: {  	s30 =	rddreg [dreg:$0x13];
	[sflag:s11] =	ssyncadd.s32 $0xFFFFFC00  }
0x18e: {  	[hbm:s30], [sflag:s16] =	dma.local [spmem:s21], $0x400  }
0x18f: {  	_ =	swait.ge [sflag:s11], $0x400  }
0x190: {  	[sflag:s11] =	ssyncset.done $0x0  }
0x191: {  	s31 =	rddreg [dreg:$0x14];
	[sflag:s11] =	ssyncadd.s32 $0xFFFFFC00  }
0x192: {  	[hbm:s31], [sflag:s16] =	dma.local [spmem:s22], $0x40  }
0x193: {  	_ =	swait.ge [sflag:s11], $0x40  }
0x194: {  	[sflag:s11] =	ssyncset.done $0x0  }
0x195: {  	s25 =	simm.s32 @!p0 $0x2;
	[sflag:s11] =	ssyncadd.s32 $0xFFFFFFC0  }
0x196: {  	[hbm:s7], [sflag:s16] =	dma.local @!p0 [spmem:s23], $0x100  }
0x197: {  	_ =	swait.ge @!p0 [sflag:s25], $0x100  }
0x198: {  	[sflag:s25] =	ssyncset.done @!p0 $0x0  }
0x199: {  	[sflag:s25] =	ssyncadd.s32 @!p0 $0xFFFFFF00;
	s25 =	simm.s32 $0x0  }
0x19a: {  	v4 =	vld [tilespmem:s25+$0x0]  }
0x19b: {  	v6 =	vld [tilespmem:s25+$0x10]  }
0x19c: {  	v5 =	vld [tilespmem:s25+$0x20]  }
0x19d: {  	v3 =	vld [tilespmem:s25+$0x30]  }
0x19e: {  	v2 =	vld [tilespmem:s25+$0x40]  }
0x19f: {  	v7 =	vadd.s32 $0x28A0, v4;
	v4 =	vld [tilespmem:s25+$0x50]  }
0x1a0: {  	s28 =	simm.s32 $0x200;
	[tilespmem:s25+$0x0] =	vst v7;
	v7 =	vadd.s32 $0x28A0, v6;
	v6 =	vld [tilespmem:s25+$0x60]  }
.LBB2_20:
0x1a1: {  	s30 =	sshra.s32 s28, $0x2;
	p1 =	sne.s32 s28, $0x9E00;
	[tilespmem:s25+$0x10] =	vst v7;
	v5 =	vadd.s32 $0x28A0, v5;
	v7 =	vld [tilespmem:s25+$0x70]  }
0x1a2: {  	v8 =	vld [tilespmem:s30+$0x0];
	[tilespmem:s25+$0x20] =	vst v5;
	v3 =	vadd.s32 $0x28A0, v3  }
0x1a3: {  	v9 =	vld [tilespmem:s30+$0x10];
	[tilespmem:s25+$0x30] =	vst v3;
	v2 =	vadd.s32 $0x28A0, v2  }
.Ltmp9:
0x1a4: {  	v5 =	vld [tilespmem:s30+$0x20];
	[tilespmem:s25+$0x40] =	vst v2;
	v2 =	vadd.s32 $0x28A0, v4;
	(pc) =	sbr.rel @p1 .LBB2_20-.Ltmp9, $4  }
0x1a5: {  	v3 =	vld [tilespmem:s30+$0x30];
	[tilespmem:s25+$0x50] =	vst v2;
	v4 =	vadd.s32 $0x28A0, v6  }
0x1a6: {  	v2 =	vld [tilespmem:s30+$0x40];
	[tilespmem:s25+$0x60] =	vst v4;
	v6 =	vadd.s32 $0x28A0, v7  }
0x1a7: {  	v7 =	vadd.s32 $0x28A0, v8;
	v4 =	vld [tilespmem:s30+$0x50];
	[tilespmem:s25+$0x70] =	vst v6;
	s25 =	smov.u32 s30  }
0x1a8: {  	s28 =	sadd.s32 $0x200, s28;
	[tilespmem:s25+$0x0] =	vst v7;
	v7 =	vadd.s32 $0x28A0, v9;
	v6 =	vld [tilespmem:s25+$0x60]  }
0x1a9: {  	[tilespmem:s25+$0x10] =	vst v7;
	v5 =	vadd.s32 $0x28A0, v5;
	v63 =	vld [tilespmem:s25+$0x70]  }
0x1aa: {  	[tilespmem:s25+$0x20] =	vst v5;
	v3 =	vadd.s32 $0x28A0, v3  }
0x1ab: {  	[tilespmem:s25+$0x30] =	vst v3;
	v2 =	vadd.s32 $0x28A0, v2  }
0x1ac: {  	[tilespmem:s25+$0x40] =	vst v2;
	v2 =	vadd.s32 $0x28A0, v4  }
0x1ad: {  	[tilespmem:s25+$0x50] =	vst v2;
	v2 =	vadd.s32 $0x28A0, v6  }
0x1ae: {  	[tilespmem:s25+$0x60] =	vst v2;
	v2 =	vadd.s32 $0x28A0, v63  }
0x1af: {  	s28 =	simm.s32 $0x100;
	[tilespmem:s25+$0x70] =	vst v2;
	s25 =	simm.s32 $0x0  }
.LBB2_22:
0x1b0: {  	p1 =	sne.s32 s28, $0x7F00;
	[tilespmem:s25+$0x5030] =	vst v1;
	s30 =	smov.u32 s28;
	s28 =	sadd.s32 $0x100, s28  }
.Ltmp10:
0x1b1: {  	[tilespmem:s25+$0x5020] =	vst v1;
	(pc) =	sbr.rel @p1 .LBB2_22-.Ltmp10, $3  }
0x1b2: {  	[tilespmem:s25+$0x5000] =	vst v1  }
0x1b3: {  	[tilespmem:s25+$0x5010] =	vst v1;
	_ =	sdelay $0x1  }
0x1b4: {  	s25 =	sshra.s32 s30, $0x2  }
0x1b5: {  	[tilespmem:s25+$0x5030] =	vst v1  }
0x1b6: {  	[tilespmem:s25+$0x5020] =	vst v1  }
0x1b7: {  	[tilespmem:s25+$0x5000] =	vst v1  }
0x1b8: {  	[tilespmem:s25+$0x5010] =	vst v1  }
0x1b9: {  	[spmem:s24] =	stream.linear.scatter [tilespmem:s12], [sflag:$0x2], $0x2000, $0x38;
	[tilespmem:$0x11280] =	vst v63  }
0x1ba: {  	_ =	swait.ge [sflag:s11], $0x2000  }
0x1bb: {  	[sflag:s11] =	ssyncset.done $0x0  }
0x1bc: {  	[sflag:s11] =	ssyncadd.s32 $0xFFFFE000  }
0x1bd: {  	[spmem:s0] =	stream.linear.scatter [tilespmem:s12], [sflag:$0x2], $0x2000, $0x38;
	[tilespmem:$0x11280] =	vst v63  }
0x1be: {  	_ =	swait.ge [sflag:s11], $0x2000  }
0x1bf: {  	[sflag:s11] =	ssyncset.done $0x0  }
0x1c0: {  	[sflag:s11] =	ssyncadd.s32 $0xFFFFE000  }
0x1c1: {  	[spmem:s1] =	stream.linear.scatter [tilespmem:s12], [sflag:$0x2], $0x2000, $0x38;
	[tilespmem:$0x11280] =	vst v63  }
0x1c2: {  	_ =	swait.ge [sflag:s11], $0x2000  }
0x1c3: {  	[sflag:s11] =	ssyncset.done $0x0  }
0x1c4: {  	[sflag:s11] =	ssyncadd.s32 $0xFFFFE000  }
0x1c5: {  	[spmem:s2] =	stream.linear.scatter [tilespmem:s12], [sflag:$0x2], $0x2000, $0x38;
	[tilespmem:$0x11280] =	vst v63  }
0x1c6: {  	_ =	swait.ge [sflag:s11], $0x2000  }
0x1c7: {  	[sflag:s11] =	ssyncset.done $0x0  }
0x1c8: {  	[sflag:s11] =	ssyncadd.s32 $0xFFFFE000  }
0x1c9: {  	[spmem:s3] =	stream.linear.scatter [tilespmem:s12], [sflag:$0x2], $0x2000, $0x38;
	[tilespmem:$0x11280] =	vst v63  }
0x1ca: {  	_ =	swait.ge [sflag:s11], $0x2000  }
0x1cb: {  	[sflag:s11] =	ssyncset.done $0x0  }
0x1cc: {  	[sflag:s11] =	ssyncadd.s32 $0xFFFFE000  }
0x1cd: {  	[spmem:s4] =	stream.linear.scatter [tilespmem:s12], [sflag:$0x2], $0x200, $0x38;
	[tilespmem:$0x11280] =	vst v63  }
0x1ce: {  	_ =	swait.ge [sflag:s11], $0x200  }
0x1cf: {  	[sflag:s11] =	ssyncset.done $0x0  }
0x1d0: {  	s25 =	simm.s32 @!p0 $0x5000;
	[sflag:s11] =	ssyncadd.s32 $0xFFFFFE00  }
0x1d1: {  	[spmem:s10] =	stream.linear.scatter @!p0 [tilespmem:s25], [sflag:$0x2], $0x800, $0x38;
	[tilespmem:$0x11280] =	vst v63  }
0x1d2: {  	s25 =	simm.s32 @!p0 $0x2  }
0x1d3: {  	_ =	swait.ge @!p0 [sflag:s25], $0x800  }
0x1d4: {  	[sflag:s25] =	ssyncset.done @!p0 $0x0  }
0x1d5: {  	[sflag:s25] =	ssyncadd.s32 @!p0 $0xFFFFF800  }
0x1d6: {  	s30 =	simm.s32 $0x0;
	[bflag:$0x0] =	sbarrier.arrive $0xFFFF  }
0x1d7: {  	[tilespmem:s12], [sflag:$0x1] =	stream.indirect.gather [hbm4b:s29+s13], $0x40, s30, s13, $0xb8;
	[tilespmem:$0x11280] =	vst v63  }
0x1d8: {  	_ =	swait.ge [sflag:s14], $0x2000  }
0x1d9: {  	[sflag:s14] =	ssyncset.done $0x0  }
0x1da: {  	s31 =	simm.s32 $0x2800;
	[sflag:s14] =	ssyncadd.s32 $0xFFFFE000  }
0x1db: {  	[spmem:s26] =	stream.indirect.scatter.add.f32 [tilespmem:s12], [sflag:$0x2], $0x40, s31, s13, $0xb8;
	[tilespmem:$0x11280] =	vst v63  }
0x1dc: {  	_ =	swait.ge [sflag:s11], $0x2000  }
0x1dd: {  	s28 =	simm.s32 $0x400;
	s25 =	simm.s32 $0x200;
	[sflag:s11] =	ssyncset.done $0x0  }
.LBB2_24:
0x1de: {  	s30 =	sshra.s32 s25, $0x2  }
0x1df: {  	[sflag:s11] =	ssyncadd.s32 $0xFFFFE000;
	s25 =	smov.u32 s28;
	s31 =	sadd.s32 $0x200, s28  }
0x1e0: {  	[tilespmem:s12], [sflag:$0x1] =	stream.indirect.gather [hbm4b:s29+s13], $0x40, s30, s13, $0xb8;
	[tilespmem:$0x11280] =	vst v63  }
0x1e1: {  	p1 =	sne.s32 s28, $0x9E00;
	_ =	swait.ge [sflag:s14], $0x2000  }
.Ltmp11:
0x1e2: {  	[sflag:s14] =	ssyncset.done $0x0;
	(pc) =	sbr.rel @p1 .LBB2_24-.Ltmp11, $4  }
0x1e3: {  	s28 =	sadd.s32 $0x2800, s30;
	[sflag:s14] =	ssyncadd.s32 $0xFFFFE000  }
0x1e4: {  	[spmem:s26] =	stream.indirect.scatter.add.f32 [tilespmem:s12], [sflag:$0x2], $0x40, s28, s13, $0xb8;
	[tilespmem:$0x11280] =	vst v63  }
0x1e5: {  	_ =	swait.ge [sflag:s11], $0x2000  }
0x1e6: {  	s28 =	smov.u32 s31;
	[sflag:s11] =	ssyncset.done $0x0  }
0x1e7: {  	s25 =	sshra.s32 s25, $0x2;
	[sflag:s11] =	ssyncadd.s32 $0xFFFFE000  }
0x1e8: {  	[tilespmem:s12], [sflag:$0x1] =	stream.indirect.gather [hbm4b:s29+s13], $0x40, s25, s13, $0xb8;
	[tilespmem:$0x11280] =	vst v63  }
0x1e9: {  	_ =	swait.ge [sflag:s14], $0x2000  }
0x1ea: {  	[sflag:s14] =	ssyncset.done $0x0  }
0x1eb: {  	s25 =	sadd.s32 $0x2800, s25;
	[sflag:s14] =	ssyncadd.s32 $0xFFFFE000  }
0x1ec: {  	[spmem:s26] =	stream.indirect.scatter.add.f32 [tilespmem:s12], [sflag:$0x2], $0x40, s25, s13, $0xb8;
	[tilespmem:$0x11280] =	vst v63  }
0x1ed: {  	_ =	swait.ge [sflag:s11], $0x2000  }
0x1ee: {  	[sflag:s11] =	ssyncset.done $0x0  }
0x1ef: {  	[sflag:s11] =	ssyncadd.s32 $0xFFFFE000  }
0x1f0: {  	[bflag:$0x0] =	sbarrier.arrive $0xFFFF  }
0x1f1: {  	s30 =	rddreg [dreg:$0x15]  }
0x1f2: {  	[hbm:s30], [sflag:s16] =	dma.local [spmem:s17], $0x400  }
0x1f3: {  	_ =	swait.ge [sflag:s11], $0x400  }
0x1f4: {  	[sflag:s11] =	ssyncset.done $0x0  }
0x1f5: {  	s31 =	rddreg [dreg:$0x16];
	[sflag:s11] =	ssyncadd.s32 $0xFFFFFC00  }
0x1f6: {  	[hbm:s31], [sflag:s16] =	dma.local [spmem:s18], $0x400  }
0x1f7: {  	_ =	swait.ge [sflag:s11], $0x400  }
0x1f8: {  	[sflag:s11] =	ssyncset.done $0x0  }
0x1f9: {  	s25 =	rddreg [dreg:$0x17];
	[sflag:s11] =	ssyncadd.s32 $0xFFFFFC00  }
0x1fa: {  	[hbm:s25], [sflag:s16] =	dma.local [spmem:s19], $0x400  }
0x1fb: {  	_ =	swait.ge [sflag:s11], $0x400  }
0x1fc: {  	[sflag:s11] =	ssyncset.done $0x0  }
0x1fd: {  	s28 =	rddreg [dreg:$0x18];
	[sflag:s11] =	ssyncadd.s32 $0xFFFFFC00  }
0x1fe: {  	[hbm:s28], [sflag:s16] =	dma.local [spmem:s20], $0x400  }
0x1ff: {  	_ =	swait.ge [sflag:s11], $0x400  }
0x200: {  	[sflag:s11] =	ssyncset.done $0x0  }
0x201: {  	s30 =	rddreg [dreg:$0x19];
	[sflag:s11] =	ssyncadd.s32 $0xFFFFFC00  }
0x202: {  	[hbm:s30], [sflag:s16] =	dma.local [spmem:s21], $0x400  }
0x203: {  	_ =	swait.ge [sflag:s11], $0x400  }
0x204: {  	[sflag:s11] =	ssyncset.done $0x0  }
0x205: {  	s31 =	rddreg [dreg:$0x1a];
	[sflag:s11] =	ssyncadd.s32 $0xFFFFFC00  }
0x206: {  	[hbm:s31], [sflag:s16] =	dma.local [spmem:s22], $0x40  }
0x207: {  	_ =	swait.ge [sflag:s11], $0x40  }
0x208: {  	s15 =	sadd.s32 $0x1, s15;
	[sflag:s11] =	ssyncset.done $0x0  }
0x209: {  	p1 =	sne.s32 s15, s9;
	[sflag:s11] =	ssyncadd.s32 $0xFFFFFFC0  }
0x20a: {  	[hbm:s8], [sflag:s16] =	dma.local @!p0 [spmem:s23], $0x100  }
.Ltmp12:
0x20b: {  	_ = 	snop;
	(pc) =	sbr.rel @p1 .LBB2_1-.Ltmp12, $4  }
0x20c: {  	s16 =	simm.s32 @!p0 $0x2  }
0x20d: {  	_ =	swait.ge @!p0 [sflag:s16], $0x100  }
0x20e: {  	[sflag:s16] =	ssyncset.done @!p0 $0x0  }
0x20f: {  	[sflag:s16] =	ssyncadd.s32 @!p0 $0xFFFFFF00  }
0x210: {  	_ =	sfence.sel $0x180000  }
0x211: {  	[bflag:$0x0] =	sbarrier.arrive $0xFFFF  }
0x212: {  	_ =	strace $0x9000004A  }
0x213: {  	s0 =	stileid.u32;
	[bflag:$0x2] =	sbarrier.arrive $0xFFFF  }
0x214: {  	p0 =	sne.s32 s0, $0x0;
	s0 =	rddreg [dreg:$0x2]  }
0x215: {  	s0 =	sadd.s32 @!p0 $0x100000, s0  }
0x216: {  	[sflag:s0] =	ssyncadd.tile.s32 @!p0 $0x1;
	_ =	shalt  }
.Lfunc_end2:
_tile_overlayer_lowered:
.L_overlay_start_2:
0x217: {  	(tag) =	ssettag $0x2  }
0x218: {  	s0 =	rddreg [dreg:$0x0];
	s2 =	stileid.u32  }
0x219: {  	s1 =	rddreg [dreg:$0x1];
	p0 =	sne.s32 s2, $0x0  }
0x21a: {  	s3 =	rddreg [dreg:$0x2];
	[bflag:$0x3] =	sbarrier.arrive $0xFFFF;
	s2 =	simm.s32 @!p0 $0x1C02  }
0x21b: {  	[timem:s3], [sflag:s2] =	dma.local @!p0 [hbm:s0], s1  }
0x21c: {  	s0 =	simm.s32 @!p0 $0x2  }
0x21d: {  	_ =	swait.ge @!p0 [sflag:s0], s1  }
0x21e: {  	s1 =	ssub.s32 @!p0 $0x0, s1;
	[sflag:s0] =	ssyncset.done @!p0 $0x0  }
0x21f: {  	[sflag:s0] =	ssyncadd.s32 @!p0 s1  }
0x220: {  	[bflag:$0x3] =	sbarrier.arrive $0xFFFF  }
0x221: {  	_ =	shalt  }

</sc_bundles>
